<compile_context>
chip_gen: v7x
topology: tpu7x:2x2x1
jax: 0.10.2.dev20260603
libtpu: 0.0.44.dev20260713+nightly
codegen_flags: <defaults>
</compile_context>

<pallas_src>
import functools

import jax
import jax.numpy as jnp
from jax import lax
from jax.experimental import pallas as pl
from jax.experimental.pallas import tpu as pltpu
from jax.experimental.pallas import tpu_sc as plsc

N_NODES = 100000
D = 128
N_GRAPHS = 512
N_CLASSES = 10

NC = 2
NS = 16
NW = NC * NS

BLK = 128
NBLK = N_NODES // BLK
REM = N_NODES - NBLK * BLK
MAXB = (NBLK + NW - 1) // NW
NBUF = 3
ROWS_PER_TILE = N_GRAPHS // NS


def _sc_segment_sum(node_emb, batch1d):
    mesh = plsc.VectorSubcoreMesh(core_axis_name="c", subcore_axis_name="s")

    @functools.partial(
        pl.kernel,
        out_type=jax.ShapeDtypeStruct((NC, N_GRAPHS, D), jnp.float32),
        mesh=mesh,
        scratch_types=[
            pltpu.VMEM_SHARED((N_GRAPHS, D), jnp.float32),
            pltpu.VMEM((MAXB, BLK), jnp.int32),
            pltpu.VMEM((BLK, D), jnp.float32),
            pltpu.VMEM((BLK, D), jnp.float32),
            pltpu.VMEM((BLK, D), jnp.float32),
            pltpu.VMEM((REM,), jnp.int32),
            pltpu.VMEM((REM, D), jnp.float32),
            pltpu.VMEM((ROWS_PER_TILE, D), jnp.float32),
            pltpu.SemaphoreType.DMA,
            pltpu.SemaphoreType.DMA,
            pltpu.SemaphoreType.DMA,
            pltpu.SemaphoreType.DMA,
            pltpu.SemaphoreType.DMA,
        ],
    )
    def seg_sum(node_hbm, batch_hbm, out_hbm, acc, idx2d, rows0, rows1, rows2,
                idx_r, rows_r, zbuf, semg0, semg1, semg2, semsc, semi):
        c = lax.axis_index("c")
        s = lax.axis_index("s")
        wid = s * NC + c
        base_blk = wid * MAXB
        nbw = jnp.minimum(MAXB, NBLK - base_blk)

        rows = (rows0, rows1, rows2)
        semg = (semg0, semg1, semg2)

        def gather_issue(j, b):
            blk = base_blk + j
            pltpu.async_copy(node_hbm.at[pl.ds(blk * BLK, BLK)], rows[b], semg[b])

        def gather_wait(b):
            pltpu.make_async_copy(node_hbm.at[pl.ds(0, BLK)], rows[b], semg[b]).wait()

        def scatter_issue(j, b):
            pltpu.async_copy(rows[b], acc.at[idx2d.at[j]], semsc, add=True)

        def scatter_wait():
            pltpu.make_async_copy(rows[0], acc.at[idx2d.at[0]], semsc).wait()

        gather_issue(0, 0)
        gather_issue(1, 1)

        for j in range(MAXB):
            @pl.when(base_blk + j < NBLK)
            def _(j=j):
                pltpu.async_copy(
                    batch_hbm.at[pl.ds((base_blk + j) * BLK, BLK)], idx2d.at[j], semi)

        zero = jnp.zeros((16,), jnp.float32)
        for i in range(ROWS_PER_TILE):
            for jj in range(D // 16):
                zbuf[i, pl.ds(jj * 16, 16)] = zero
        pltpu.sync_copy(zbuf, acc.at[pl.ds(s * ROWS_PER_TILE, ROWS_PER_TILE)])

        for j in range(MAXB):
            @pl.when(base_blk + j < NBLK)
            def _(j=j):
                pltpu.make_async_copy(
                    batch_hbm.at[pl.ds((base_blk + j) * BLK, BLK)], idx2d.at[j],
                    semi).wait()

        plsc.subcore_barrier()

        @pl.when(wid == NW - 1)
        def _():
            pltpu.sync_copy(batch_hbm.at[pl.ds(NBLK * BLK, REM)], idx_r)
            pltpu.sync_copy(node_hbm.at[pl.ds(NBLK * BLK, REM)], rows_r)
            pltpu.sync_copy(rows_r, acc.at[idx_r], add=True)

        def outer(t, carry):
            for u in range(NBUF):
                j = NBUF * t + u

                @pl.when(j + 2 < nbw)
                def _(j=j):
                    @pl.when(j >= 1)
                    def _(j=j):
                        scatter_wait()

                    gather_issue(j + 2, (u + 2) % NBUF)

                @pl.when(j < nbw)
                def _(j=j, u=u):
                    gather_wait(u)
                    scatter_issue(j, u)

            return carry

        lax.fori_loop(0, (MAXB + NBUF - 1) // NBUF, outer, 0)

        scatter_wait()
        scatter_wait()
        scatter_wait()

        plsc.subcore_barrier()

        pltpu.sync_copy(
            acc.at[pl.ds(s * ROWS_PER_TILE, ROWS_PER_TILE)],
            out_hbm.at[c, pl.ds(s * ROWS_PER_TILE, ROWS_PER_TILE)],
        )

    return seg_sum(node_emb, batch1d)


_BN_INV = 1.0 / (1.0 + 1e-5) ** 0.5


def _mlp_body(p_ref, w1_ref, b1_ref, bnw_ref, bnb_ref, w2_ref, b2_ref, o_ref):
    g = p_ref[0] + p_ref[1]
    h = jnp.dot(g, w1_ref[...], preferred_element_type=jnp.float32) + b1_ref[...]
    h = h * (bnw_ref[...] * _BN_INV) + bnb_ref[...]
    o_ref[...] = jnp.dot(h, w2_ref[...], preferred_element_type=jnp.float32) + b2_ref[...]


def _tc_mlp(partials, W1, b1, bn_w, bn_b, W2, b2):
    return pl.pallas_call(
        _mlp_body,
        out_shape=jax.ShapeDtypeStruct((N_GRAPHS, N_CLASSES), jnp.float32),
    )(partials, W1, b1.reshape(1, D), bn_w.reshape(1, D), bn_b.reshape(1, D),
      W2, b2.reshape(1, N_CLASSES))


def kernel(node_emb, batch, W1, b1, bn_w, bn_b, W2, b2):
    batch_i32 = batch.astype(jnp.int32)
    partials = _sc_segment_sum(node_emb, batch_i32)
    return _tc_mlp(partials, W1, b1, bn_w, bn_b, W2, b2)

# --- scband reference (transcript-rebuilt; emitter-appended) ---
"""Pipeline reference for scband-graph-classify-task-73512660238662 (READ-ONLY COPY).

The authoritative reference and input builder live on the scoring server;
editing this copy changes nothing except your own understanding.
"""

import jax, jax.numpy as jnp
import numpy as np

N_NODES = 100000
D = 128
N_GRAPHS = 512
N_CLASSES = 10

def setup_inputs(seed: int = 0) -> dict:
    key = jax.random.key(seed)
    ks = jax.random.split(key, 8)
    node_emb = jax.random.normal(ks[0], (N_NODES, D), dtype=jnp.float32)
    batch = jnp.sort(jax.random.randint(ks[1], (N_NODES,), 0, N_GRAPHS, dtype=jnp.int64))
    W1 = jax.random.normal(ks[2], (D, D), dtype=jnp.float32) * (1.0 / np.sqrt(D))
    b1 = jnp.zeros((D,), dtype=jnp.float32)
    bn_w = jnp.ones((D,), dtype=jnp.float32)
    bn_b = jnp.zeros((D,), dtype=jnp.float32)
    W2 = jax.random.normal(ks[3], (D, N_CLASSES), dtype=jnp.float32) * (1.0 / np.sqrt(D))
    b2 = jnp.zeros((N_CLASSES,), dtype=jnp.float32)
    return {"node_emb": node_emb, "batch": batch, "W1": W1, "b1": b1, "bn_w": bn_w, "bn_b": bn_b, "W2": W2, "b2": b2}

def reference(node_emb, batch, W1, b1, bn_w, bn_b, W2, b2):
    # global_add_pool: sum node embeddings per graph id
    graph_emb = jax.ops.segment_sum(node_emb, batch, num_segments=N_GRAPHS)
    # MLP([D, D, C], norm='batch_norm', act=None, dropout=0.5), eval mode:
    # Linear -> BatchNorm(eval: running_mean=0, running_var=1) -> (act=None) -> (dropout=identity) -> Linear
    h = graph_emb @ W1 + b1
    h = (h / jnp.sqrt(1.0 + 1e-5)) * bn_w + bn_b
    out = h @ W2 + b2
    return out

if __name__ == "__main__":
    import jax
    _d = setup_inputs()
    print(jax.jit(kernel)(*tuple(_d.values())))

</pallas_src>

<mosaic_0001>
#map = affine_map<(d0, d1) -> (0, 0)>
#map1 = affine_map<(d0, d1) -> (0)>
#map2 = affine_map<(d0, d1) -> (0, 0, 0)>
module attributes {stable_mosaic.version = 14 : i64} {
  func.func @seg_sum(%arg0: i32, %arg1: i32, %arg2: memref<100000x128xf32, #tpu.memory_space<hbm>>, %arg3: memref<100000xi32, #tpu.memory_space<hbm>>, %arg4: memref<2x512x128xf32, #tpu.memory_space<hbm>>, %arg5: memref<512x128xf32, #tpu.memory_space<vmem_shared>>, %arg6: memref<25x128xi32, #tpu.memory_space<vmem>>, %arg7: memref<128x128xf32, #tpu.memory_space<vmem>>, %arg8: memref<128x128xf32, #tpu.memory_space<vmem>>, %arg9: memref<128x128xf32, #tpu.memory_space<vmem>>, %arg10: memref<32xi32, #tpu.memory_space<vmem>>, %arg11: memref<32x128xf32, #tpu.memory_space<vmem>>, %arg12: memref<32x128xf32, #tpu.memory_space<vmem>>, %arg13: memref<!tpu.dma_semaphore, #tpu.memory_space<semaphore_mem>>, %arg14: memref<!tpu.dma_semaphore, #tpu.memory_space<semaphore_mem>>, %arg15: memref<!tpu.dma_semaphore, #tpu.memory_space<semaphore_mem>>, %arg16: memref<!tpu.dma_semaphore, #tpu.memory_space<semaphore_mem>>, %arg17: memref<!tpu.dma_semaphore, #tpu.memory_space<semaphore_mem>>) attributes {dimension_semantics = [#tpu.dimension_semantics<core_parallel>, #tpu.dimension_semantics<subcore_parallel>], iteration_bounds = array<i64: 2, 16>, scalar_prefetch = 0 : i64, scratch_operands = 13 : i64, tpu.core_type = #tpu.core_type<sc_vector_subcore>, window_params = [{transform_indices = #map}, {transform_indices = #map1}, {transform_indices = #map2}]} {
    %mul3A = arith.constant 2 : i32
    %mul3A_0 = arith.muli %arg1, %mul3A : i32
    %add3A = arith.addi %mul3A_0, %arg0 : i32
    %mul3A_1 = arith.constant 25 : i32
    %mul3A_2 = arith.muli %add3A, %mul3A_1 : i32
    %sub3A = arith.constant 781 : i32
    %sub3A_3 = arith.subi %sub3A, %mul3A_2 : i32
    %min3A = arith.constant 25 : i32
    %min3A_4 = arith.minsi %min3A, %sub3A_3 : i32
    %add3A_5 = arith.constant 0 : i32
    %add3A_6 = arith.addi %mul3A_2, %add3A_5 : i32
    %mul3A_7 = arith.constant 128 : i32
    %mul3A_8 = arith.muli %add3A_6, %mul3A_7 : i32
    %dma_start3A = arith.constant 0 : i32
    %dma_start3A_9 = tpu.memref_slice %arg2[%mul3A_8, %dma_start3A] : memref<100000x128xf32, #tpu.memory_space<hbm>> -> memref<128x128xf32, #tpu.memory_space<hbm>>
    %dma_start3A_10 = arith.constant 0 : i32
    %dma_start3A_11 = tpu.memref_slice %arg2[%mul3A_8, %dma_start3A_10] : memref<100000x128xf32, #tpu.memory_space<hbm>> -> memref<128x128xf32, #tpu.memory_space<hbm>>
    tpu.enqueue_dma source(%dma_start3A_11 : memref<128x128xf32, #tpu.memory_space<hbm>>) target(%arg7 : memref<128x128xf32, #tpu.memory_space<vmem>>) target_semaphore(%arg13 : memref<!tpu.dma_semaphore, #tpu.memory_space<semaphore_mem>>)
    %add3A_12 = arith.constant 1 : i32
    %add3A_13 = arith.addi %mul3A_2, %add3A_12 : i32
    %mul3A_14 = arith.constant 128 : i32
    %mul3A_15 = arith.muli %add3A_13, %mul3A_14 : i32
    %dma_start3A_16 = arith.constant 0 : i32
    %dma_start3A_17 = tpu.memref_slice %arg2[%mul3A_15, %dma_start3A_16] : memref<100000x128xf32, #tpu.memory_space<hbm>> -> memref<128x128xf32, #tpu.memory_space<hbm>>
    %dma_start3A_18 = arith.constant 0 : i32
    %dma_start3A_19 = tpu.memref_slice %arg2[%mul3A_15, %dma_start3A_18] : memref<100000x128xf32, #tpu.memory_space<hbm>> -> memref<128x128xf32, #tpu.memory_space<hbm>>
    tpu.enqueue_dma source(%dma_start3A_19 : memref<128x128xf32, #tpu.memory_space<hbm>>) target(%arg8 : memref<128x128xf32, #tpu.memory_space<vmem>>) target_semaphore(%arg14 : memref<!tpu.dma_semaphore, #tpu.memory_space<semaphore_mem>>)
    %add3A_20 = arith.constant 0 : i32
    %add3A_21 = arith.addi %mul3A_2, %add3A_20 : i32
    %lt3A = arith.constant 781 : i32
    %lt3A_22 = arith.cmpi slt, %add3A_21, %lt3A : i32
    %convert_element_type3A = arith.extui %lt3A_22 : i1 to i32
    %cond3A = arith.constant 0 : i32
    %cond3A_23 = arith.cmpi ne, %convert_element_type3A, %cond3A : i32
    scf.if %cond3A_23 {
      %add3A_1939 = arith.constant 0 : i32
      %add3A_1940 = arith.addi %mul3A_2, %add3A_1939 : i32
      %mul3A_1941 = arith.constant 128 : i32
      %mul3A_1942 = arith.muli %add3A_1940, %mul3A_1941 : i32
      %dma_start3A_1943 = arith.constant 0 : i32
      %dma_start3A_1944 = arith.constant 0 : i32
      %dma_start3A_1945 = tpu.memref_slice %arg6[%dma_start3A_1943, %dma_start3A_1944] : memref<25x128xi32, #tpu.memory_space<vmem>> -> memref<1x128xi32, #tpu.memory_space<vmem>>
      %dma_start3A_1946 = tpu.memref_squeeze %dma_start3A_1945 : memref<1x128xi32, #tpu.memory_space<vmem>> -> memref<128xi32, #tpu.memory_space<vmem>>
      %dma_start3A_1947 = tpu.memref_slice %arg3[%mul3A_1942] : memref<100000xi32, #tpu.memory_space<hbm>> -> memref<128xi32, #tpu.memory_space<hbm>>
      %dma_start3A_1948 = arith.constant 0 : i32
      %dma_start3A_1949 = tpu.memref_slice %arg6[%dma_start3A_1943, %dma_start3A_1948] : memref<25x128xi32, #tpu.memory_space<vmem>> -> memref<1x128xi32, #tpu.memory_space<vmem>>
      %dma_start3A_1950 = tpu.memref_squeeze %dma_start3A_1949 : memref<1x128xi32, #tpu.memory_space<vmem>> -> memref<128xi32, #tpu.memory_space<vmem>>
      %dma_start3A_1951 = tpu.memref_slice %arg3[%mul3A_1942] : memref<100000xi32, #tpu.memory_space<hbm>> -> memref<128xi32, #tpu.memory_space<hbm>>
      tpu.enqueue_dma source(%dma_start3A_1951 : memref<128xi32, #tpu.memory_space<hbm>>) target(%dma_start3A_1950 : memref<128xi32, #tpu.memory_space<vmem>>) target_semaphore(%arg17 : memref<!tpu.dma_semaphore, #tpu.memory_space<semaphore_mem>>)
    } else {
    }
    %add3A_24 = arith.constant 1 : i32
    %add3A_25 = arith.addi %mul3A_2, %add3A_24 : i32
    %lt3A_26 = arith.constant 781 : i32
    %lt3A_27 = arith.cmpi slt, %add3A_25, %lt3A_26 : i32
    %convert_element_type3A_28 = arith.extui %lt3A_27 : i1 to i32
    %cond3A_29 = arith.constant 0 : i32
    %cond3A_30 = arith.cmpi ne, %convert_element_type3A_28, %cond3A_29 : i32
    scf.if %cond3A_30 {
      %add3A_1939 = arith.constant 1 : i32
      %add3A_1940 = arith.addi %mul3A_2, %add3A_1939 : i32
      %mul3A_1941 = arith.constant 128 : i32
      %mul3A_1942 = arith.muli %add3A_1940, %mul3A_1941 : i32
      %dma_start3A_1943 = arith.constant 1 : i32
      %dma_start3A_1944 = arith.constant 0 : i32
      %dma_start3A_1945 = tpu.memref_slice %arg6[%dma_start3A_1943, %dma_start3A_1944] : memref<25x128xi32, #tpu.memory_space<vmem>> -> memref<1x128xi32, #tpu.memory_space<vmem>>
      %dma_start3A_1946 = tpu.memref_squeeze %dma_start3A_1945 : memref<1x128xi32, #tpu.memory_space<vmem>> -> memref<128xi32, #tpu.memory_space<vmem>>
      %dma_start3A_1947 = tpu.memref_slice %arg3[%mul3A_1942] : memref<100000xi32, #tpu.memory_space<hbm>> -> memref<128xi32, #tpu.memory_space<hbm>>
      %dma_start3A_1948 = arith.constant 0 : i32
      %dma_start3A_1949 = tpu.memref_slice %arg6[%dma_start3A_1943, %dma_start3A_1948] : memref<25x128xi32, #tpu.memory_space<vmem>> -> memref<1x128xi32, #tpu.memory_space<vmem>>
      %dma_start3A_1950 = tpu.memref_squeeze %dma_start3A_1949 : memref<1x128xi32, #tpu.memory_space<vmem>> -> memref<128xi32, #tpu.memory_space<vmem>>
      %dma_start3A_1951 = tpu.memref_slice %arg3[%mul3A_1942] : memref<100000xi32, #tpu.memory_space<hbm>> -> memref<128xi32, #tpu.memory_space<hbm>>
      tpu.enqueue_dma source(%dma_start3A_1951 : memref<128xi32, #tpu.memory_space<hbm>>) target(%dma_start3A_1950 : memref<128xi32, #tpu.memory_space<vmem>>) target_semaphore(%arg17 : memref<!tpu.dma_semaphore, #tpu.memory_space<semaphore_mem>>)
    } else {
    }
    %add3A_31 = arith.constant 2 : i32
    %add3A_32 = arith.addi %mul3A_2, %add3A_31 : i32
    %lt3A_33 = arith.constant 781 : i32
    %lt3A_34 = arith.cmpi slt, %add3A_32, %lt3A_33 : i32
    %convert_element_type3A_35 = arith.extui %lt3A_34 : i1 to i32
    %cond3A_36 = arith.constant 0 : i32
    %cond3A_37 = arith.cmpi ne, %convert_element_type3A_35, %cond3A_36 : i32
    scf.if %cond3A_37 {
      %add3A_1939 = arith.constant 2 : i32
      %add3A_1940 = arith.addi %mul3A_2, %add3A_1939 : i32
      %mul3A_1941 = arith.constant 128 : i32
      %mul3A_1942 = arith.muli %add3A_1940, %mul3A_1941 : i32
      %dma_start3A_1943 = arith.constant 2 : i32
      %dma_start3A_1944 = arith.constant 0 : i32
      %dma_start3A_1945 = tpu.memref_slice %arg6[%dma_start3A_1943, %dma_start3A_1944] : memref<25x128xi32, #tpu.memory_space<vmem>> -> memref<1x128xi32, #tpu.memory_space<vmem>>
      %dma_start3A_1946 = tpu.memref_squeeze %dma_start3A_1945 : memref<1x128xi32, #tpu.memory_space<vmem>> -> memref<128xi32, #tpu.memory_space<vmem>>
      %dma_start3A_1947 = tpu.memref_slice %arg3[%mul3A_1942] : memref<100000xi32, #tpu.memory_space<hbm>> -> memref<128xi32, #tpu.memory_space<hbm>>
      %dma_start3A_1948 = arith.constant 0 : i32
      %dma_start3A_1949 = tpu.memref_slice %arg6[%dma_start3A_1943, %dma_start3A_1948] : memref<25x128xi32, #tpu.memory_space<vmem>> -> memref<1x128xi32, #tpu.memory_space<vmem>>
      %dma_start3A_1950 = tpu.memref_squeeze %dma_start3A_1949 : memref<1x128xi32, #tpu.memory_space<vmem>> -> memref<128xi32, #tpu.memory_space<vmem>>
      %dma_start3A_1951 = tpu.memref_slice %arg3[%mul3A_1942] : memref<100000xi32, #tpu.memory_space<hbm>> -> memref<128xi32, #tpu.memory_space<hbm>>
      tpu.enqueue_dma source(%dma_start3A_1951 : memref<128xi32, #tpu.memory_space<hbm>>) target(%dma_start3A_1950 : memref<128xi32, #tpu.memory_space<vmem>>) target_semaphore(%arg17 : memref<!tpu.dma_semaphore, #tpu.memory_space<semaphore_mem>>)
    } else {
    }
    %add3A_38 = arith.constant 3 : i32
    %add3A_39 = arith.addi %mul3A_2, %add3A_38 : i32
    %lt3A_40 = arith.constant 781 : i32
    %lt3A_41 = arith.cmpi slt, %add3A_39, %lt3A_40 : i32
    %convert_element_type3A_42 = arith.extui %lt3A_41 : i1 to i32
    %cond3A_43 = arith.constant 0 : i32
    %cond3A_44 = arith.cmpi ne, %convert_element_type3A_42, %cond3A_43 : i32
    scf.if %cond3A_44 {
      %add3A_1939 = arith.constant 3 : i32
      %add3A_1940 = arith.addi %mul3A_2, %add3A_1939 : i32
      %mul3A_1941 = arith.constant 128 : i32
      %mul3A_1942 = arith.muli %add3A_1940, %mul3A_1941 : i32
      %dma_start3A_1943 = arith.constant 3 : i32
      %dma_start3A_1944 = arith.constant 0 : i32
      %dma_start3A_1945 = tpu.memref_slice %arg6[%dma_start3A_1943, %dma_start3A_1944] : memref<25x128xi32, #tpu.memory_space<vmem>> -> memref<1x128xi32, #tpu.memory_space<vmem>>
      %dma_start3A_1946 = tpu.memref_squeeze %dma_start3A_1945 : memref<1x128xi32, #tpu.memory_space<vmem>> -> memref<128xi32, #tpu.memory_space<vmem>>
      %dma_start3A_1947 = tpu.memref_slice %arg3[%mul3A_1942] : memref<100000xi32, #tpu.memory_space<hbm>> -> memref<128xi32, #tpu.memory_space<hbm>>
      %dma_start3A_1948 = arith.constant 0 : i32
      %dma_start3A_1949 = tpu.memref_slice %arg6[%dma_start3A_1943, %dma_start3A_1948] : memref<25x128xi32, #tpu.memory_space<vmem>> -> memref<1x128xi32, #tpu.memory_space<vmem>>
      %dma_start3A_1950 = tpu.memref_squeeze %dma_start3A_1949 : memref<1x128xi32, #tpu.memory_space<vmem>> -> memref<128xi32, #tpu.memory_space<vmem>>
      %dma_start3A_1951 = tpu.memref_slice %arg3[%mul3A_1942] : memref<100000xi32, #tpu.memory_space<hbm>> -> memref<128xi32, #tpu.memory_space<hbm>>
      tpu.enqueue_dma source(%dma_start3A_1951 : memref<128xi32, #tpu.memory_space<hbm>>) target(%dma_start3A_1950 : memref<128xi32, #tpu.memory_space<vmem>>) target_semaphore(%arg17 : memref<!tpu.dma_semaphore, #tpu.memory_space<semaphore_mem>>)
    } else {
    }
    %add3A_45 = arith.constant 4 : i32
    %add3A_46 = arith.addi %mul3A_2, %add3A_45 : i32
    %lt3A_47 = arith.constant 781 : i32
    %lt3A_48 = arith.cmpi slt, %add3A_46, %lt3A_47 : i32
    %convert_element_type3A_49 = arith.extui %lt3A_48 : i1 to i32
    %cond3A_50 = arith.constant 0 : i32
    %cond3A_51 = arith.cmpi ne, %convert_element_type3A_49, %cond3A_50 : i32
    scf.if %cond3A_51 {
      %add3A_1939 = arith.constant 4 : i32
      %add3A_1940 = arith.addi %mul3A_2, %add3A_1939 : i32
      %mul3A_1941 = arith.constant 128 : i32
      %mul3A_1942 = arith.muli %add3A_1940, %mul3A_1941 : i32
      %dma_start3A_1943 = arith.constant 4 : i32
      %dma_start3A_1944 = arith.constant 0 : i32
      %dma_start3A_1945 = tpu.memref_slice %arg6[%dma_start3A_1943, %dma_start3A_1944] : memref<25x128xi32, #tpu.memory_space<vmem>> -> memref<1x128xi32, #tpu.memory_space<vmem>>
      %dma_start3A_1946 = tpu.memref_squeeze %dma_start3A_1945 : memref<1x128xi32, #tpu.memory_space<vmem>> -> memref<128xi32, #tpu.memory_space<vmem>>
      %dma_start3A_1947 = tpu.memref_slice %arg3[%mul3A_1942] : memref<100000xi32, #tpu.memory_space<hbm>> -> memref<128xi32, #tpu.memory_space<hbm>>
      %dma_start3A_1948 = arith.constant 0 : i32
      %dma_start3A_1949 = tpu.memref_slice %arg6[%dma_start3A_1943, %dma_start3A_1948] : memref<25x128xi32, #tpu.memory_space<vmem>> -> memref<1x128xi32, #tpu.memory_space<vmem>>
      %dma_start3A_1950 = tpu.memref_squeeze %dma_start3A_1949 : memref<1x128xi32, #tpu.memory_space<vmem>> -> memref<128xi32, #tpu.memory_space<vmem>>
      %dma_start3A_1951 = tpu.memref_slice %arg3[%mul3A_1942] : memref<100000xi32, #tpu.memory_space<hbm>> -> memref<128xi32, #tpu.memory_space<hbm>>
      tpu.enqueue_dma source(%dma_start3A_1951 : memref<128xi32, #tpu.memory_space<hbm>>) target(%dma_start3A_1950 : memref<128xi32, #tpu.memory_space<vmem>>) target_semaphore(%arg17 : memref<!tpu.dma_semaphore, #tpu.memory_space<semaphore_mem>>)
    } else {
    }
    %add3A_52 = arith.constant 5 : i32
    %add3A_53 = arith.addi %mul3A_2, %add3A_52 : i32
    %lt3A_54 = arith.constant 781 : i32
    %lt3A_55 = arith.cmpi slt, %add3A_53, %lt3A_54 : i32
    %convert_element_type3A_56 = arith.extui %lt3A_55 : i1 to i32
    %cond3A_57 = arith.constant 0 : i32
    %cond3A_58 = arith.cmpi ne, %convert_element_type3A_56, %cond3A_57 : i32
    scf.if %cond3A_58 {
      %add3A_1939 = arith.constant 5 : i32
      %add3A_1940 = arith.addi %mul3A_2, %add3A_1939 : i32
      %mul3A_1941 = arith.constant 128 : i32
      %mul3A_1942 = arith.muli %add3A_1940, %mul3A_1941 : i32
      %dma_start3A_1943 = arith.constant 5 : i32
      %dma_start3A_1944 = arith.constant 0 : i32
      %dma_start3A_1945 = tpu.memref_slice %arg6[%dma_start3A_1943, %dma_start3A_1944] : memref<25x128xi32, #tpu.memory_space<vmem>> -> memref<1x128xi32, #tpu.memory_space<vmem>>
      %dma_start3A_1946 = tpu.memref_squeeze %dma_start3A_1945 : memref<1x128xi32, #tpu.memory_space<vmem>> -> memref<128xi32, #tpu.memory_space<vmem>>
      %dma_start3A_1947 = tpu.memref_slice %arg3[%mul3A_1942] : memref<100000xi32, #tpu.memory_space<hbm>> -> memref<128xi32, #tpu.memory_space<hbm>>
      %dma_start3A_1948 = arith.constant 0 : i32
      %dma_start3A_1949 = tpu.memref_slice %arg6[%dma_start3A_1943, %dma_start3A_1948] : memref<25x128xi32, #tpu.memory_space<vmem>> -> memref<1x128xi32, #tpu.memory_space<vmem>>
      %dma_start3A_1950 = tpu.memref_squeeze %dma_start3A_1949 : memref<1x128xi32, #tpu.memory_space<vmem>> -> memref<128xi32, #tpu.memory_space<vmem>>
      %dma_start3A_1951 = tpu.memref_slice %arg3[%mul3A_1942] : memref<100000xi32, #tpu.memory_space<hbm>> -> memref<128xi32, #tpu.memory_space<hbm>>
      tpu.enqueue_dma source(%dma_start3A_1951 : memref<128xi32, #tpu.memory_space<hbm>>) target(%dma_start3A_1950 : memref<128xi32, #tpu.memory_space<vmem>>) target_semaphore(%arg17 : memref<!tpu.dma_semaphore, #tpu.memory_space<semaphore_mem>>)
    } else {
    }
    %add3A_59 = arith.constant 6 : i32
    %add3A_60 = arith.addi %mul3A_2, %add3A_59 : i32
    %lt3A_61 = arith.constant 781 : i32
    %lt3A_62 = arith.cmpi slt, %add3A_60, %lt3A_61 : i32
    %convert_element_type3A_63 = arith.extui %lt3A_62 : i1 to i32
    %cond3A_64 = arith.constant 0 : i32
    %cond3A_65 = arith.cmpi ne, %convert_element_type3A_63, %cond3A_64 : i32
    scf.if %cond3A_65 {
      %add3A_1939 = arith.constant 6 : i32
      %add3A_1940 = arith.addi %mul3A_2, %add3A_1939 : i32
      %mul3A_1941 = arith.constant 128 : i32
      %mul3A_1942 = arith.muli %add3A_1940, %mul3A_1941 : i32
      %dma_start3A_1943 = arith.constant 6 : i32
      %dma_start3A_1944 = arith.constant 0 : i32
      %dma_start3A_1945 = tpu.memref_slice %arg6[%dma_start3A_1943, %dma_start3A_1944] : memref<25x128xi32, #tpu.memory_space<vmem>> -> memref<1x128xi32, #tpu.memory_space<vmem>>
      %dma_start3A_1946 = tpu.memref_squeeze %dma_start3A_1945 : memref<1x128xi32, #tpu.memory_space<vmem>> -> memref<128xi32, #tpu.memory_space<vmem>>
      %dma_start3A_1947 = tpu.memref_slice %arg3[%mul3A_1942] : memref<100000xi32, #tpu.memory_space<hbm>> -> memref<128xi32, #tpu.memory_space<hbm>>
      %dma_start3A_1948 = arith.constant 0 : i32
      %dma_start3A_1949 = tpu.memref_slice %arg6[%dma_start3A_1943, %dma_start3A_1948] : memref<25x128xi32, #tpu.memory_space<vmem>> -> memref<1x128xi32, #tpu.memory_space<vmem>>
      %dma_start3A_1950 = tpu.memref_squeeze %dma_start3A_1949 : memref<1x128xi32, #tpu.memory_space<vmem>> -> memref<128xi32, #tpu.memory_space<vmem>>
      %dma_start3A_1951 = tpu.memref_slice %arg3[%mul3A_1942] : memref<100000xi32, #tpu.memory_space<hbm>> -> memref<128xi32, #tpu.memory_space<hbm>>
      tpu.enqueue_dma source(%dma_start3A_1951 : memref<128xi32, #tpu.memory_space<hbm>>) target(%dma_start3A_1950 : memref<128xi32, #tpu.memory_space<vmem>>) target_semaphore(%arg17 : memref<!tpu.dma_semaphore, #tpu.memory_space<semaphore_mem>>)
    } else {
    }
    %add3A_66 = arith.constant 7 : i32
    %add3A_67 = arith.addi %mul3A_2, %add3A_66 : i32
    %lt3A_68 = arith.constant 781 : i32
    %lt3A_69 = arith.cmpi slt, %add3A_67, %lt3A_68 : i32
    %convert_element_type3A_70 = arith.extui %lt3A_69 : i1 to i32
    %cond3A_71 = arith.constant 0 : i32
    %cond3A_72 = arith.cmpi ne, %convert_element_type3A_70, %cond3A_71 : i32
    scf.if %cond3A_72 {
      %add3A_1939 = arith.constant 7 : i32
      %add3A_1940 = arith.addi %mul3A_2, %add3A_1939 : i32
      %mul3A_1941 = arith.constant 128 : i32
      %mul3A_1942 = arith.muli %add3A_1940, %mul3A_1941 : i32
      %dma_start3A_1943 = arith.constant 7 : i32
      %dma_start3A_1944 = arith.constant 0 : i32
      %dma_start3A_1945 = tpu.memref_slice %arg6[%dma_start3A_1943, %dma_start3A_1944] : memref<25x128xi32, #tpu.memory_space<vmem>> -> memref<1x128xi32, #tpu.memory_space<vmem>>
      %dma_start3A_1946 = tpu.memref_squeeze %dma_start3A_1945 : memref<1x128xi32, #tpu.memory_space<vmem>> -> memref<128xi32, #tpu.memory_space<vmem>>
      %dma_start3A_1947 = tpu.memref_slice %arg3[%mul3A_1942] : memref<100000xi32, #tpu.memory_space<hbm>> -> memref<128xi32, #tpu.memory_space<hbm>>
      %dma_start3A_1948 = arith.constant 0 : i32
      %dma_start3A_1949 = tpu.memref_slice %arg6[%dma_start3A_1943, %dma_start3A_1948] : memref<25x128xi32, #tpu.memory_space<vmem>> -> memref<1x128xi32, #tpu.memory_space<vmem>>
      %dma_start3A_1950 = tpu.memref_squeeze %dma_start3A_1949 : memref<1x128xi32, #tpu.memory_space<vmem>> -> memref<128xi32, #tpu.memory_space<vmem>>
      %dma_start3A_1951 = tpu.memref_slice %arg3[%mul3A_1942] : memref<100000xi32, #tpu.memory_space<hbm>> -> memref<128xi32, #tpu.memory_space<hbm>>
      tpu.enqueue_dma source(%dma_start3A_1951 : memref<128xi32, #tpu.memory_space<hbm>>) target(%dma_start3A_1950 : memref<128xi32, #tpu.memory_space<vmem>>) target_semaphore(%arg17 : memref<!tpu.dma_semaphore, #tpu.memory_space<semaphore_mem>>)
    } else {
    }
    %add3A_73 = arith.constant 8 : i32
    %add3A_74 = arith.addi %mul3A_2, %add3A_73 : i32
    %lt3A_75 = arith.constant 781 : i32
    %lt3A_76 = arith.cmpi slt, %add3A_74, %lt3A_75 : i32
    %convert_element_type3A_77 = arith.extui %lt3A_76 : i1 to i32
    %cond3A_78 = arith.constant 0 : i32
    %cond3A_79 = arith.cmpi ne, %convert_element_type3A_77, %cond3A_78 : i32
    scf.if %cond3A_79 {
      %add3A_1939 = arith.constant 8 : i32
      %add3A_1940 = arith.addi %mul3A_2, %add3A_1939 : i32
      %mul3A_1941 = arith.constant 128 : i32
      %mul3A_1942 = arith.muli %add3A_1940, %mul3A_1941 : i32
      %dma_start3A_1943 = arith.constant 8 : i32
      %dma_start3A_1944 = arith.constant 0 : i32
      %dma_start3A_1945 = tpu.memref_slice %arg6[%dma_start3A_1943, %dma_start3A_1944] : memref<25x128xi32, #tpu.memory_space<vmem>> -> memref<1x128xi32, #tpu.memory_space<vmem>>
      %dma_start3A_1946 = tpu.memref_squeeze %dma_start3A_1945 : memref<1x128xi32, #tpu.memory_space<vmem>> -> memref<128xi32, #tpu.memory_space<vmem>>
      %dma_start3A_1947 = tpu.memref_slice %arg3[%mul3A_1942] : memref<100000xi32, #tpu.memory_space<hbm>> -> memref<128xi32, #tpu.memory_space<hbm>>
      %dma_start3A_1948 = arith.constant 0 : i32
      %dma_start3A_1949 = tpu.memref_slice %arg6[%dma_start3A_1943, %dma_start3A_1948] : memref<25x128xi32, #tpu.memory_space<vmem>> -> memref<1x128xi32, #tpu.memory_space<vmem>>
      %dma_start3A_1950 = tpu.memref_squeeze %dma_start3A_1949 : memref<1x128xi32, #tpu.memory_space<vmem>> -> memref<128xi32, #tpu.memory_space<vmem>>
      %dma_start3A_1951 = tpu.memref_slice %arg3[%mul3A_1942] : memref<100000xi32, #tpu.memory_space<hbm>> -> memref<128xi32, #tpu.memory_space<hbm>>
      tpu.enqueue_dma source(%dma_start3A_1951 : memref<128xi32, #tpu.memory_space<hbm>>) target(%dma_start3A_1950 : memref<128xi32, #tpu.memory_space<vmem>>) target_semaphore(%arg17 : memref<!tpu.dma_semaphore, #tpu.memory_space<semaphore_mem>>)
    } else {
    }
    %add3A_80 = arith.constant 9 : i32
    %add3A_81 = arith.addi %mul3A_2, %add3A_80 : i32
    %lt3A_82 = arith.constant 781 : i32
    %lt3A_83 = arith.cmpi slt, %add3A_81, %lt3A_82 : i32
    %convert_element_type3A_84 = arith.extui %lt3A_83 : i1 to i32
    %cond3A_85 = arith.constant 0 : i32
    %cond3A_86 = arith.cmpi ne, %convert_element_type3A_84, %cond3A_85 : i32
    scf.if %cond3A_86 {
      %add3A_1939 = arith.constant 9 : i32
      %add3A_1940 = arith.addi %mul3A_2, %add3A_1939 : i32
      %mul3A_1941 = arith.constant 128 : i32
      %mul3A_1942 = arith.muli %add3A_1940, %mul3A_1941 : i32
      %dma_start3A_1943 = arith.constant 9 : i32
      %dma_start3A_1944 = arith.constant 0 : i32
      %dma_start3A_1945 = tpu.memref_slice %arg6[%dma_start3A_1943, %dma_start3A_1944] : memref<25x128xi32, #tpu.memory_space<vmem>> -> memref<1x128xi32, #tpu.memory_space<vmem>>
      %dma_start3A_1946 = tpu.memref_squeeze %dma_start3A_1945 : memref<1x128xi32, #tpu.memory_space<vmem>> -> memref<128xi32, #tpu.memory_space<vmem>>
      %dma_start3A_1947 = tpu.memref_slice %arg3[%mul3A_1942] : memref<100000xi32, #tpu.memory_space<hbm>> -> memref<128xi32, #tpu.memory_space<hbm>>
      %dma_start3A_1948 = arith.constant 0 : i32
      %dma_start3A_1949 = tpu.memref_slice %arg6[%dma_start3A_1943, %dma_start3A_1948] : memref<25x128xi32, #tpu.memory_space<vmem>> -> memref<1x128xi32, #tpu.memory_space<vmem>>
      %dma_start3A_1950 = tpu.memref_squeeze %dma_start3A_1949 : memref<1x128xi32, #tpu.memory_space<vmem>> -> memref<128xi32, #tpu.memory_space<vmem>>
      %dma_start3A_1951 = tpu.memref_slice %arg3[%mul3A_1942] : memref<100000xi32, #tpu.memory_space<hbm>> -> memref<128xi32, #tpu.memory_space<hbm>>
      tpu.enqueue_dma source(%dma_start3A_1951 : memref<128xi32, #tpu.memory_space<hbm>>) target(%dma_start3A_1950 : memref<128xi32, #tpu.memory_space<vmem>>) target_semaphore(%arg17 : memref<!tpu.dma_semaphore, #tpu.memory_space<semaphore_mem>>)
    } else {
    }
    %add3A_87 = arith.constant 10 : i32
    %add3A_88 = arith.addi %mul3A_2, %add3A_87 : i32
    %lt3A_89 = arith.constant 781 : i32
    %lt3A_90 = arith.cmpi slt, %add3A_88, %lt3A_89 : i32
    %convert_element_type3A_91 = arith.extui %lt3A_90 : i1 to i32
    %cond3A_92 = arith.constant 0 : i32
    %cond3A_93 = arith.cmpi ne, %convert_element_type3A_91, %cond3A_92 : i32
    scf.if %cond3A_93 {
      %add3A_1939 = arith.constant 10 : i32
      %add3A_1940 = arith.addi %mul3A_2, %add3A_1939 : i32
      %mul3A_1941 = arith.constant 128 : i32
      %mul3A_1942 = arith.muli %add3A_1940, %mul3A_1941 : i32
      %dma_start3A_1943 = arith.constant 10 : i32
      %dma_start3A_1944 = arith.constant 0 : i32
      %dma_start3A_1945 = tpu.memref_slice %arg6[%dma_start3A_1943, %dma_start3A_1944] : memref<25x128xi32, #tpu.memory_space<vmem>> -> memref<1x128xi32, #tpu.memory_space<vmem>>
      %dma_start3A_1946 = tpu.memref_squeeze %dma_start3A_1945 : memref<1x128xi32, #tpu.memory_space<vmem>> -> memref<128xi32, #tpu.memory_space<vmem>>
      %dma_start3A_1947 = tpu.memref_slice %arg3[%mul3A_1942] : memref<100000xi32, #tpu.memory_space<hbm>> -> memref<128xi32, #tpu.memory_space<hbm>>
      %dma_start3A_1948 = arith.constant 0 : i32
      %dma_start3A_1949 = tpu.memref_slice %arg6[%dma_start3A_1943, %dma_start3A_1948] : memref<25x128xi32, #tpu.memory_space<vmem>> -> memref<1x128xi32, #tpu.memory_space<vmem>>
      %dma_start3A_1950 = tpu.memref_squeeze %dma_start3A_1949 : memref<1x128xi32, #tpu.memory_space<vmem>> -> memref<128xi32, #tpu.memory_space<vmem>>
      %dma_start3A_1951 = tpu.memref_slice %arg3[%mul3A_1942] : memref<100000xi32, #tpu.memory_space<hbm>> -> memref<128xi32, #tpu.memory_space<hbm>>
      tpu.enqueue_dma source(%dma_start3A_1951 : memref<128xi32, #tpu.memory_space<hbm>>) target(%dma_start3A_1950 : memref<128xi32, #tpu.memory_space<vmem>>) target_semaphore(%arg17 : memref<!tpu.dma_semaphore, #tpu.memory_space<semaphore_mem>>)
    } else {
    }
    %add3A_94 = arith.constant 11 : i32
    %add3A_95 = arith.addi %mul3A_2, %add3A_94 : i32
    %lt3A_96 = arith.constant 781 : i32
    %lt3A_97 = arith.cmpi slt, %add3A_95, %lt3A_96 : i32
    %convert_element_type3A_98 = arith.extui %lt3A_97 : i1 to i32
    %cond3A_99 = arith.constant 0 : i32
    %cond3A_100 = arith.cmpi ne, %convert_element_type3A_98, %cond3A_99 : i32
    scf.if %cond3A_100 {
      %add3A_1939 = arith.constant 11 : i32
      %add3A_1940 = arith.addi %mul3A_2, %add3A_1939 : i32
      %mul3A_1941 = arith.constant 128 : i32
      %mul3A_1942 = arith.muli %add3A_1940, %mul3A_1941 : i32
      %dma_start3A_1943 = arith.constant 11 : i32
      %dma_start3A_1944 = arith.constant 0 : i32
      %dma_start3A_1945 = tpu.memref_slice %arg6[%dma_start3A_1943, %dma_start3A_1944] : memref<25x128xi32, #tpu.memory_space<vmem>> -> memref<1x128xi32, #tpu.memory_space<vmem>>
      %dma_start3A_1946 = tpu.memref_squeeze %dma_start3A_1945 : memref<1x128xi32, #tpu.memory_space<vmem>> -> memref<128xi32, #tpu.memory_space<vmem>>
      %dma_start3A_1947 = tpu.memref_slice %arg3[%mul3A_1942] : memref<100000xi32, #tpu.memory_space<hbm>> -> memref<128xi32, #tpu.memory_space<hbm>>
      %dma_start3A_1948 = arith.constant 0 : i32
      %dma_start3A_1949 = tpu.memref_slice %arg6[%dma_start3A_1943, %dma_start3A_1948] : memref<25x128xi32, #tpu.memory_space<vmem>> -> memref<1x128xi32, #tpu.memory_space<vmem>>
      %dma_start3A_1950 = tpu.memref_squeeze %dma_start3A_1949 : memref<1x128xi32, #tpu.memory_space<vmem>> -> memref<128xi32, #tpu.memory_space<vmem>>
      %dma_start3A_1951 = tpu.memref_slice %arg3[%mul3A_1942] : memref<100000xi32, #tpu.memory_space<hbm>> -> memref<128xi32, #tpu.memory_space<hbm>>
      tpu.enqueue_dma source(%dma_start3A_1951 : memref<128xi32, #tpu.memory_space<hbm>>) target(%dma_start3A_1950 : memref<128xi32, #tpu.memory_space<vmem>>) target_semaphore(%arg17 : memref<!tpu.dma_semaphore, #tpu.memory_space<semaphore_mem>>)
    } else {
    }
    %add3A_101 = arith.constant 12 : i32
    %add3A_102 = arith.addi %mul3A_2, %add3A_101 : i32
    %lt3A_103 = arith.constant 781 : i32
    %lt3A_104 = arith.cmpi slt, %add3A_102, %lt3A_103 : i32
    %convert_element_type3A_105 = arith.extui %lt3A_104 : i1 to i32
    %cond3A_106 = arith.constant 0 : i32
    %cond3A_107 = arith.cmpi ne, %convert_element_type3A_105, %cond3A_106 : i32
    scf.if %cond3A_107 {
      %add3A_1939 = arith.constant 12 : i32
      %add3A_1940 = arith.addi %mul3A_2, %add3A_1939 : i32
      %mul3A_1941 = arith.constant 128 : i32
      %mul3A_1942 = arith.muli %add3A_1940, %mul3A_1941 : i32
      %dma_start3A_1943 = arith.constant 12 : i32
      %dma_start3A_1944 = arith.constant 0 : i32
      %dma_start3A_1945 = tpu.memref_slice %arg6[%dma_start3A_1943, %dma_start3A_1944] : memref<25x128xi32, #tpu.memory_space<vmem>> -> memref<1x128xi32, #tpu.memory_space<vmem>>
      %dma_start3A_1946 = tpu.memref_squeeze %dma_start3A_1945 : memref<1x128xi32, #tpu.memory_space<vmem>> -> memref<128xi32, #tpu.memory_space<vmem>>
      %dma_start3A_1947 = tpu.memref_slice %arg3[%mul3A_1942] : memref<100000xi32, #tpu.memory_space<hbm>> -> memref<128xi32, #tpu.memory_space<hbm>>
      %dma_start3A_1948 = arith.constant 0 : i32
      %dma_start3A_1949 = tpu.memref_slice %arg6[%dma_start3A_1943, %dma_start3A_1948] : memref<25x128xi32, #tpu.memory_space<vmem>> -> memref<1x128xi32, #tpu.memory_space<vmem>>
      %dma_start3A_1950 = tpu.memref_squeeze %dma_start3A_1949 : memref<1x128xi32, #tpu.memory_space<vmem>> -> memref<128xi32, #tpu.memory_space<vmem>>
      %dma_start3A_1951 = tpu.memref_slice %arg3[%mul3A_1942] : memref<100000xi32, #tpu.memory_space<hbm>> -> memref<128xi32, #tpu.memory_space<hbm>>
      tpu.enqueue_dma source(%dma_start3A_1951 : memref<128xi32, #tpu.memory_space<hbm>>) target(%dma_start3A_1950 : memref<128xi32, #tpu.memory_space<vmem>>) target_semaphore(%arg17 : memref<!tpu.dma_semaphore, #tpu.memory_space<semaphore_mem>>)
    } else {
    }
    %add3A_108 = arith.constant 13 : i32
    %add3A_109 = arith.addi %mul3A_2, %add3A_108 : i32
    %lt3A_110 = arith.constant 781 : i32
    %lt3A_111 = arith.cmpi slt, %add3A_109, %lt3A_110 : i32
    %convert_element_type3A_112 = arith.extui %lt3A_111 : i1 to i32
    %cond3A_113 = arith.constant 0 : i32
    %cond3A_114 = arith.cmpi ne, %convert_element_type3A_112, %cond3A_113 : i32
    scf.if %cond3A_114 {
      %add3A_1939 = arith.constant 13 : i32
      %add3A_1940 = arith.addi %mul3A_2, %add3A_1939 : i32
      %mul3A_1941 = arith.constant 128 : i32
      %mul3A_1942 = arith.muli %add3A_1940, %mul3A_1941 : i32
      %dma_start3A_1943 = arith.constant 13 : i32
      %dma_start3A_1944 = arith.constant 0 : i32
      %dma_start3A_1945 = tpu.memref_slice %arg6[%dma_start3A_1943, %dma_start3A_1944] : memref<25x128xi32, #tpu.memory_space<vmem>> -> memref<1x128xi32, #tpu.memory_space<vmem>>
      %dma_start3A_1946 = tpu.memref_squeeze %dma_start3A_1945 : memref<1x128xi32, #tpu.memory_space<vmem>> -> memref<128xi32, #tpu.memory_space<vmem>>
      %dma_start3A_1947 = tpu.memref_slice %arg3[%mul3A_1942] : memref<100000xi32, #tpu.memory_space<hbm>> -> memref<128xi32, #tpu.memory_space<hbm>>
      %dma_start3A_1948 = arith.constant 0 : i32
      %dma_start3A_1949 = tpu.memref_slice %arg6[%dma_start3A_1943, %dma_start3A_1948] : memref<25x128xi32, #tpu.memory_space<vmem>> -> memref<1x128xi32, #tpu.memory_space<vmem>>
      %dma_start3A_1950 = tpu.memref_squeeze %dma_start3A_1949 : memref<1x128xi32, #tpu.memory_space<vmem>> -> memref<128xi32, #tpu.memory_space<vmem>>
      %dma_start3A_1951 = tpu.memref_slice %arg3[%mul3A_1942] : memref<100000xi32, #tpu.memory_space<hbm>> -> memref<128xi32, #tpu.memory_space<hbm>>
      tpu.enqueue_dma source(%dma_start3A_1951 : memref<128xi32, #tpu.memory_space<hbm>>) target(%dma_start3A_1950 : memref<128xi32, #tpu.memory_space<vmem>>) target_semaphore(%arg17 : memref<!tpu.dma_semaphore, #tpu.memory_space<semaphore_mem>>)
    } else {
    }
    %add3A_115 = arith.constant 14 : i32
    %add3A_116 = arith.addi %mul3A_2, %add3A_115 : i32
    %lt3A_117 = arith.constant 781 : i32
    %lt3A_118 = arith.cmpi slt, %add3A_116, %lt3A_117 : i32
    %convert_element_type3A_119 = arith.extui %lt3A_118 : i1 to i32
    %cond3A_120 = arith.constant 0 : i32
    %cond3A_121 = arith.cmpi ne, %convert_element_type3A_119, %cond3A_120 : i32
    scf.if %cond3A_121 {
      %add3A_1939 = arith.constant 14 : i32
      %add3A_1940 = arith.addi %mul3A_2, %add3A_1939 : i32
      %mul3A_1941 = arith.constant 128 : i32
      %mul3A_1942 = arith.muli %add3A_1940, %mul3A_1941 : i32
      %dma_start3A_1943 = arith.constant 14 : i32
      %dma_start3A_1944 = arith.constant 0 : i32
      %dma_start3A_1945 = tpu.memref_slice %arg6[%dma_start3A_1943, %dma_start3A_1944] : memref<25x128xi32, #tpu.memory_space<vmem>> -> memref<1x128xi32, #tpu.memory_space<vmem>>
      %dma_start3A_1946 = tpu.memref_squeeze %dma_start3A_1945 : memref<1x128xi32, #tpu.memory_space<vmem>> -> memref<128xi32, #tpu.memory_space<vmem>>
      %dma_start3A_1947 = tpu.memref_slice %arg3[%mul3A_1942] : memref<100000xi32, #tpu.memory_space<hbm>> -> memref<128xi32, #tpu.memory_space<hbm>>
      %dma_start3A_1948 = arith.constant 0 : i32
      %dma_start3A_1949 = tpu.memref_slice %arg6[%dma_start3A_1943, %dma_start3A_1948] : memref<25x128xi32, #tpu.memory_space<vmem>> -> memref<1x128xi32, #tpu.memory_space<vmem>>
      %dma_start3A_1950 = tpu.memref_squeeze %dma_start3A_1949 : memref<1x128xi32, #tpu.memory_space<vmem>> -> memref<128xi32, #tpu.memory_space<vmem>>
      %dma_start3A_1951 = tpu.memref_slice %arg3[%mul3A_1942] : memref<100000xi32, #tpu.memory_space<hbm>> -> memref<128xi32, #tpu.memory_space<hbm>>
      tpu.enqueue_dma source(%dma_start3A_1951 : memref<128xi32, #tpu.memory_space<hbm>>) target(%dma_start3A_1950 : memref<128xi32, #tpu.memory_space<vmem>>) target_semaphore(%arg17 : memref<!tpu.dma_semaphore, #tpu.memory_space<semaphore_mem>>)
    } else {
    }
    %add3A_122 = arith.constant 15 : i32
    %add3A_123 = arith.addi %mul3A_2, %add3A_122 : i32
    %lt3A_124 = arith.constant 781 : i32
    %lt3A_125 = arith.cmpi slt, %add3A_123, %lt3A_124 : i32
    %convert_element_type3A_126 = arith.extui %lt3A_125 : i1 to i32
    %cond3A_127 = arith.constant 0 : i32
    %cond3A_128 = arith.cmpi ne, %convert_element_type3A_126, %cond3A_127 : i32
    scf.if %cond3A_128 {
      %add3A_1939 = arith.constant 15 : i32
      %add3A_1940 = arith.addi %mul3A_2, %add3A_1939 : i32
      %mul3A_1941 = arith.constant 128 : i32
      %mul3A_1942 = arith.muli %add3A_1940, %mul3A_1941 : i32
      %dma_start3A_1943 = arith.constant 15 : i32
      %dma_start3A_1944 = arith.constant 0 : i32
      %dma_start3A_1945 = tpu.memref_slice %arg6[%dma_start3A_1943, %dma_start3A_1944] : memref<25x128xi32, #tpu.memory_space<vmem>> -> memref<1x128xi32, #tpu.memory_space<vmem>>
      %dma_start3A_1946 = tpu.memref_squeeze %dma_start3A_1945 : memref<1x128xi32, #tpu.memory_space<vmem>> -> memref<128xi32, #tpu.memory_space<vmem>>
      %dma_start3A_1947 = tpu.memref_slice %arg3[%mul3A_1942] : memref<100000xi32, #tpu.memory_space<hbm>> -> memref<128xi32, #tpu.memory_space<hbm>>
      %dma_start3A_1948 = arith.constant 0 : i32
      %dma_start3A_1949 = tpu.memref_slice %arg6[%dma_start3A_1943, %dma_start3A_1948] : memref<25x128xi32, #tpu.memory_space<vmem>> -> memref<1x128xi32, #tpu.memory_space<vmem>>
      %dma_start3A_1950 = tpu.memref_squeeze %dma_start3A_1949 : memref<1x128xi32, #tpu.memory_space<vmem>> -> memref<128xi32, #tpu.memory_space<vmem>>
      %dma_start3A_1951 = tpu.memref_slice %arg3[%mul3A_1942] : memref<100000xi32, #tpu.memory_space<hbm>> -> memref<128xi32, #tpu.memory_space<hbm>>
      tpu.enqueue_dma source(%dma_start3A_1951 : memref<128xi32, #tpu.memory_space<hbm>>) target(%dma_start3A_1950 : memref<128xi32, #tpu.memory_space<vmem>>) target_semaphore(%arg17 : memref<!tpu.dma_semaphore, #tpu.memory_space<semaphore_mem>>)
    } else {
    }
    %add3A_129 = arith.constant 16 : i32
    %add3A_130 = arith.addi %mul3A_2, %add3A_129 : i32
    %lt3A_131 = arith.constant 781 : i32
    %lt3A_132 = arith.cmpi slt, %add3A_130, %lt3A_131 : i32
    %convert_element_type3A_133 = arith.extui %lt3A_132 : i1 to i32
    %cond3A_134 = arith.constant 0 : i32
    %cond3A_135 = arith.cmpi ne, %convert_element_type3A_133, %cond3A_134 : i32
    scf.if %cond3A_135 {
      %add3A_1939 = arith.constant 16 : i32
      %add3A_1940 = arith.addi %mul3A_2, %add3A_1939 : i32
      %mul3A_1941 = arith.constant 128 : i32
      %mul3A_1942 = arith.muli %add3A_1940, %mul3A_1941 : i32
      %dma_start3A_1943 = arith.constant 16 : i32
      %dma_start3A_1944 = arith.constant 0 : i32
      %dma_start3A_1945 = tpu.memref_slice %arg6[%dma_start3A_1943, %dma_start3A_1944] : memref<25x128xi32, #tpu.memory_space<vmem>> -> memref<1x128xi32, #tpu.memory_space<vmem>>
      %dma_start3A_1946 = tpu.memref_squeeze %dma_start3A_1945 : memref<1x128xi32, #tpu.memory_space<vmem>> -> memref<128xi32, #tpu.memory_space<vmem>>
      %dma_start3A_1947 = tpu.memref_slice %arg3[%mul3A_1942] : memref<100000xi32, #tpu.memory_space<hbm>> -> memref<128xi32, #tpu.memory_space<hbm>>
      %dma_start3A_1948 = arith.constant 0 : i32
      %dma_start3A_1949 = tpu.memref_slice %arg6[%dma_start3A_1943, %dma_start3A_1948] : memref<25x128xi32, #tpu.memory_space<vmem>> -> memref<1x128xi32, #tpu.memory_space<vmem>>
      %dma_start3A_1950 = tpu.memref_squeeze %dma_start3A_1949 : memref<1x128xi32, #tpu.memory_space<vmem>> -> memref<128xi32, #tpu.memory_space<vmem>>
      %dma_start3A_1951 = tpu.memref_slice %arg3[%mul3A_1942] : memref<100000xi32, #tpu.memory_space<hbm>> -> memref<128xi32, #tpu.memory_space<hbm>>
      tpu.enqueue_dma source(%dma_start3A_1951 : memref<128xi32, #tpu.memory_space<hbm>>) target(%dma_start3A_1950 : memref<128xi32, #tpu.memory_space<vmem>>) target_semaphore(%arg17 : memref<!tpu.dma_semaphore, #tpu.memory_space<semaphore_mem>>)
    } else {
    }
    %add3A_136 = arith.constant 17 : i32
    %add3A_137 = arith.addi %mul3A_2, %add3A_136 : i32
    %lt3A_138 = arith.constant 781 : i32
    %lt3A_139 = arith.cmpi slt, %add3A_137, %lt3A_138 : i32
    %convert_element_type3A_140 = arith.extui %lt3A_139 : i1 to i32
    %cond3A_141 = arith.constant 0 : i32
    %cond3A_142 = arith.cmpi ne, %convert_element_type3A_140, %cond3A_141 : i32
    scf.if %cond3A_142 {
      %add3A_1939 = arith.constant 17 : i32
      %add3A_1940 = arith.addi %mul3A_2, %add3A_1939 : i32
      %mul3A_1941 = arith.constant 128 : i32
      %mul3A_1942 = arith.muli %add3A_1940, %mul3A_1941 : i32
      %dma_start3A_1943 = arith.constant 17 : i32
      %dma_start3A_1944 = arith.constant 0 : i32
      %dma_start3A_1945 = tpu.memref_slice %arg6[%dma_start3A_1943, %dma_start3A_1944] : memref<25x128xi32, #tpu.memory_space<vmem>> -> memref<1x128xi32, #tpu.memory_space<vmem>>
      %dma_start3A_1946 = tpu.memref_squeeze %dma_start3A_1945 : memref<1x128xi32, #tpu.memory_space<vmem>> -> memref<128xi32, #tpu.memory_space<vmem>>
      %dma_start3A_1947 = tpu.memref_slice %arg3[%mul3A_1942] : memref<100000xi32, #tpu.memory_space<hbm>> -> memref<128xi32, #tpu.memory_space<hbm>>
      %dma_start3A_1948 = arith.constant 0 : i32
      %dma_start3A_1949 = tpu.memref_slice %arg6[%dma_start3A_1943, %dma_start3A_1948] : memref<25x128xi32, #tpu.memory_space<vmem>> -> memref<1x128xi32, #tpu.memory_space<vmem>>
      %dma_start3A_1950 = tpu.memref_squeeze %dma_start3A_1949 : memref<1x128xi32, #tpu.memory_space<vmem>> -> memref<128xi32, #tpu.memory_space<vmem>>
      %dma_start3A_1951 = tpu.memref_slice %arg3[%mul3A_1942] : memref<100000xi32, #tpu.memory_space<hbm>> -> memref<128xi32, #tpu.memory_space<hbm>>
      tpu.enqueue_dma source(%dma_start3A_1951 : memref<128xi32, #tpu.memory_space<hbm>>) target(%dma_start3A_1950 : memref<128xi32, #tpu.memory_space<vmem>>) target_semaphore(%arg17 : memref<!tpu.dma_semaphore, #tpu.memory_space<semaphore_mem>>)
    } else {
    }
    %add3A_143 = arith.constant 18 : i32
    %add3A_144 = arith.addi %mul3A_2, %add3A_143 : i32
    %lt3A_145 = arith.constant 781 : i32
    %lt3A_146 = arith.cmpi slt, %add3A_144, %lt3A_145 : i32
    %convert_element_type3A_147 = arith.extui %lt3A_146 : i1 to i32
    %cond3A_148 = arith.constant 0 : i32
    %cond3A_149 = arith.cmpi ne, %convert_element_type3A_147, %cond3A_148 : i32
    scf.if %cond3A_149 {
      %add3A_1939 = arith.constant 18 : i32
      %add3A_1940 = arith.addi %mul3A_2, %add3A_1939 : i32
      %mul3A_1941 = arith.constant 128 : i32
      %mul3A_1942 = arith.muli %add3A_1940, %mul3A_1941 : i32
      %dma_start3A_1943 = arith.constant 18 : i32
      %dma_start3A_1944 = arith.constant 0 : i32
      %dma_start3A_1945 = tpu.memref_slice %arg6[%dma_start3A_1943, %dma_start3A_1944] : memref<25x128xi32, #tpu.memory_space<vmem>> -> memref<1x128xi32, #tpu.memory_space<vmem>>
      %dma_start3A_1946 = tpu.memref_squeeze %dma_start3A_1945 : memref<1x128xi32, #tpu.memory_space<vmem>> -> memref<128xi32, #tpu.memory_space<vmem>>
      %dma_start3A_1947 = tpu.memref_slice %arg3[%mul3A_1942] : memref<100000xi32, #tpu.memory_space<hbm>> -> memref<128xi32, #tpu.memory_space<hbm>>
      %dma_start3A_1948 = arith.constant 0 : i32
      %dma_start3A_1949 = tpu.memref_slice %arg6[%dma_start3A_1943, %dma_start3A_1948] : memref<25x128xi32, #tpu.memory_space<vmem>> -> memref<1x128xi32, #tpu.memory_space<vmem>>
      %dma_start3A_1950 = tpu.memref_squeeze %dma_start3A_1949 : memref<1x128xi32, #tpu.memory_space<vmem>> -> memref<128xi32, #tpu.memory_space<vmem>>
      %dma_start3A_1951 = tpu.memref_slice %arg3[%mul3A_1942] : memref<100000xi32, #tpu.memory_space<hbm>> -> memref<128xi32, #tpu.memory_space<hbm>>
      tpu.enqueue_dma source(%dma_start3A_1951 : memref<128xi32, #tpu.memory_space<hbm>>) target(%dma_start3A_1950 : memref<128xi32, #tpu.memory_space<vmem>>) target_semaphore(%arg17 : memref<!tpu.dma_semaphore, #tpu.memory_space<semaphore_mem>>)
    } else {
    }
    %add3A_150 = arith.constant 19 : i32
    %add3A_151 = arith.addi %mul3A_2, %add3A_150 : i32
    %lt3A_152 = arith.constant 781 : i32
    %lt3A_153 = arith.cmpi slt, %add3A_151, %lt3A_152 : i32
    %convert_element_type3A_154 = arith.extui %lt3A_153 : i1 to i32
    %cond3A_155 = arith.constant 0 : i32
    %cond3A_156 = arith.cmpi ne, %convert_element_type3A_154, %cond3A_155 : i32
    scf.if %cond3A_156 {
      %add3A_1939 = arith.constant 19 : i32
      %add3A_1940 = arith.addi %mul3A_2, %add3A_1939 : i32
      %mul3A_1941 = arith.constant 128 : i32
      %mul3A_1942 = arith.muli %add3A_1940, %mul3A_1941 : i32
      %dma_start3A_1943 = arith.constant 19 : i32
      %dma_start3A_1944 = arith.constant 0 : i32
      %dma_start3A_1945 = tpu.memref_slice %arg6[%dma_start3A_1943, %dma_start3A_1944] : memref<25x128xi32, #tpu.memory_space<vmem>> -> memref<1x128xi32, #tpu.memory_space<vmem>>
      %dma_start3A_1946 = tpu.memref_squeeze %dma_start3A_1945 : memref<1x128xi32, #tpu.memory_space<vmem>> -> memref<128xi32, #tpu.memory_space<vmem>>
      %dma_start3A_1947 = tpu.memref_slice %arg3[%mul3A_1942] : memref<100000xi32, #tpu.memory_space<hbm>> -> memref<128xi32, #tpu.memory_space<hbm>>
      %dma_start3A_1948 = arith.constant 0 : i32
      %dma_start3A_1949 = tpu.memref_slice %arg6[%dma_start3A_1943, %dma_start3A_1948] : memref<25x128xi32, #tpu.memory_space<vmem>> -> memref<1x128xi32, #tpu.memory_space<vmem>>
      %dma_start3A_1950 = tpu.memref_squeeze %dma_start3A_1949 : memref<1x128xi32, #tpu.memory_space<vmem>> -> memref<128xi32, #tpu.memory_space<vmem>>
      %dma_start3A_1951 = tpu.memref_slice %arg3[%mul3A_1942] : memref<100000xi32, #tpu.memory_space<hbm>> -> memref<128xi32, #tpu.memory_space<hbm>>
      tpu.enqueue_dma source(%dma_start3A_1951 : memref<128xi32, #tpu.memory_space<hbm>>) target(%dma_start3A_1950 : memref<128xi32, #tpu.memory_space<vmem>>) target_semaphore(%arg17 : memref<!tpu.dma_semaphore, #tpu.memory_space<semaphore_mem>>)
    } else {
    }
    %add3A_157 = arith.constant 20 : i32
    %add3A_158 = arith.addi %mul3A_2, %add3A_157 : i32
    %lt3A_159 = arith.constant 781 : i32
    %lt3A_160 = arith.cmpi slt, %add3A_158, %lt3A_159 : i32
    %convert_element_type3A_161 = arith.extui %lt3A_160 : i1 to i32
    %cond3A_162 = arith.constant 0 : i32
    %cond3A_163 = arith.cmpi ne, %convert_element_type3A_161, %cond3A_162 : i32
    scf.if %cond3A_163 {
      %add3A_1939 = arith.constant 20 : i32
      %add3A_1940 = arith.addi %mul3A_2, %add3A_1939 : i32
      %mul3A_1941 = arith.constant 128 : i32
      %mul3A_1942 = arith.muli %add3A_1940, %mul3A_1941 : i32
      %dma_start3A_1943 = arith.constant 20 : i32
      %dma_start3A_1944 = arith.constant 0 : i32
      %dma_start3A_1945 = tpu.memref_slice %arg6[%dma_start3A_1943, %dma_start3A_1944] : memref<25x128xi32, #tpu.memory_space<vmem>> -> memref<1x128xi32, #tpu.memory_space<vmem>>
      %dma_start3A_1946 = tpu.memref_squeeze %dma_start3A_1945 : memref<1x128xi32, #tpu.memory_space<vmem>> -> memref<128xi32, #tpu.memory_space<vmem>>
      %dma_start3A_1947 = tpu.memref_slice %arg3[%mul3A_1942] : memref<100000xi32, #tpu.memory_space<hbm>> -> memref<128xi32, #tpu.memory_space<hbm>>
      %dma_start3A_1948 = arith.constant 0 : i32
      %dma_start3A_1949 = tpu.memref_slice %arg6[%dma_start3A_1943, %dma_start3A_1948] : memref<25x128xi32, #tpu.memory_space<vmem>> -> memref<1x128xi32, #tpu.memory_space<vmem>>
      %dma_start3A_1950 = tpu.memref_squeeze %dma_start3A_1949 : memref<1x128xi32, #tpu.memory_space<vmem>> -> memref<128xi32, #tpu.memory_space<vmem>>
      %dma_start3A_1951 = tpu.memref_slice %arg3[%mul3A_1942] : memref<100000xi32, #tpu.memory_space<hbm>> -> memref<128xi32, #tpu.memory_space<hbm>>
      tpu.enqueue_dma source(%dma_start3A_1951 : memref<128xi32, #tpu.memory_space<hbm>>) target(%dma_start3A_1950 : memref<128xi32, #tpu.memory_space<vmem>>) target_semaphore(%arg17 : memref<!tpu.dma_semaphore, #tpu.memory_space<semaphore_mem>>)
    } else {
    }
    %add3A_164 = arith.constant 21 : i32
    %add3A_165 = arith.addi %mul3A_2, %add3A_164 : i32
    %lt3A_166 = arith.constant 781 : i32
    %lt3A_167 = arith.cmpi slt, %add3A_165, %lt3A_166 : i32
    %convert_element_type3A_168 = arith.extui %lt3A_167 : i1 to i32
    %cond3A_169 = arith.constant 0 : i32
    %cond3A_170 = arith.cmpi ne, %convert_element_type3A_168, %cond3A_169 : i32
    scf.if %cond3A_170 {
      %add3A_1939 = arith.constant 21 : i32
      %add3A_1940 = arith.addi %mul3A_2, %add3A_1939 : i32
      %mul3A_1941 = arith.constant 128 : i32
      %mul3A_1942 = arith.muli %add3A_1940, %mul3A_1941 : i32
      %dma_start3A_1943 = arith.constant 21 : i32
      %dma_start3A_1944 = arith.constant 0 : i32
      %dma_start3A_1945 = tpu.memref_slice %arg6[%dma_start3A_1943, %dma_start3A_1944] : memref<25x128xi32, #tpu.memory_space<vmem>> -> memref<1x128xi32, #tpu.memory_space<vmem>>
      %dma_start3A_1946 = tpu.memref_squeeze %dma_start3A_1945 : memref<1x128xi32, #tpu.memory_space<vmem>> -> memref<128xi32, #tpu.memory_space<vmem>>
      %dma_start3A_1947 = tpu.memref_slice %arg3[%mul3A_1942] : memref<100000xi32, #tpu.memory_space<hbm>> -> memref<128xi32, #tpu.memory_space<hbm>>
      %dma_start3A_1948 = arith.constant 0 : i32
      %dma_start3A_1949 = tpu.memref_slice %arg6[%dma_start3A_1943, %dma_start3A_1948] : memref<25x128xi32, #tpu.memory_space<vmem>> -> memref<1x128xi32, #tpu.memory_space<vmem>>
      %dma_start3A_1950 = tpu.memref_squeeze %dma_start3A_1949 : memref<1x128xi32, #tpu.memory_space<vmem>> -> memref<128xi32, #tpu.memory_space<vmem>>
      %dma_start3A_1951 = tpu.memref_slice %arg3[%mul3A_1942] : memref<100000xi32, #tpu.memory_space<hbm>> -> memref<128xi32, #tpu.memory_space<hbm>>
      tpu.enqueue_dma source(%dma_start3A_1951 : memref<128xi32, #tpu.memory_space<hbm>>) target(%dma_start3A_1950 : memref<128xi32, #tpu.memory_space<vmem>>) target_semaphore(%arg17 : memref<!tpu.dma_semaphore, #tpu.memory_space<semaphore_mem>>)
    } else {
    }
    %add3A_171 = arith.constant 22 : i32
    %add3A_172 = arith.addi %mul3A_2, %add3A_171 : i32
    %lt3A_173 = arith.constant 781 : i32
    %lt3A_174 = arith.cmpi slt, %add3A_172, %lt3A_173 : i32
    %convert_element_type3A_175 = arith.extui %lt3A_174 : i1 to i32
    %cond3A_176 = arith.constant 0 : i32
    %cond3A_177 = arith.cmpi ne, %convert_element_type3A_175, %cond3A_176 : i32
    scf.if %cond3A_177 {
      %add3A_1939 = arith.constant 22 : i32
      %add3A_1940 = arith.addi %mul3A_2, %add3A_1939 : i32
      %mul3A_1941 = arith.constant 128 : i32
      %mul3A_1942 = arith.muli %add3A_1940, %mul3A_1941 : i32
      %dma_start3A_1943 = arith.constant 22 : i32
      %dma_start3A_1944 = arith.constant 0 : i32
      %dma_start3A_1945 = tpu.memref_slice %arg6[%dma_start3A_1943, %dma_start3A_1944] : memref<25x128xi32, #tpu.memory_space<vmem>> -> memref<1x128xi32, #tpu.memory_space<vmem>>
      %dma_start3A_1946 = tpu.memref_squeeze %dma_start3A_1945 : memref<1x128xi32, #tpu.memory_space<vmem>> -> memref<128xi32, #tpu.memory_space<vmem>>
      %dma_start3A_1947 = tpu.memref_slice %arg3[%mul3A_1942] : memref<100000xi32, #tpu.memory_space<hbm>> -> memref<128xi32, #tpu.memory_space<hbm>>
      %dma_start3A_1948 = arith.constant 0 : i32
      %dma_start3A_1949 = tpu.memref_slice %arg6[%dma_start3A_1943, %dma_start3A_1948] : memref<25x128xi32, #tpu.memory_space<vmem>> -> memref<1x128xi32, #tpu.memory_space<vmem>>
      %dma_start3A_1950 = tpu.memref_squeeze %dma_start3A_1949 : memref<1x128xi32, #tpu.memory_space<vmem>> -> memref<128xi32, #tpu.memory_space<vmem>>
      %dma_start3A_1951 = tpu.memref_slice %arg3[%mul3A_1942] : memref<100000xi32, #tpu.memory_space<hbm>> -> memref<128xi32, #tpu.memory_space<hbm>>
      tpu.enqueue_dma source(%dma_start3A_1951 : memref<128xi32, #tpu.memory_space<hbm>>) target(%dma_start3A_1950 : memref<128xi32, #tpu.memory_space<vmem>>) target_semaphore(%arg17 : memref<!tpu.dma_semaphore, #tpu.memory_space<semaphore_mem>>)
    } else {
    }
    %add3A_178 = arith.constant 23 : i32
    %add3A_179 = arith.addi %mul3A_2, %add3A_178 : i32
    %lt3A_180 = arith.constant 781 : i32
    %lt3A_181 = arith.cmpi slt, %add3A_179, %lt3A_180 : i32
    %convert_element_type3A_182 = arith.extui %lt3A_181 : i1 to i32
    %cond3A_183 = arith.constant 0 : i32
    %cond3A_184 = arith.cmpi ne, %convert_element_type3A_182, %cond3A_183 : i32
    scf.if %cond3A_184 {
      %add3A_1939 = arith.constant 23 : i32
      %add3A_1940 = arith.addi %mul3A_2, %add3A_1939 : i32
      %mul3A_1941 = arith.constant 128 : i32
      %mul3A_1942 = arith.muli %add3A_1940, %mul3A_1941 : i32
      %dma_start3A_1943 = arith.constant 23 : i32
      %dma_start3A_1944 = arith.constant 0 : i32
      %dma_start3A_1945 = tpu.memref_slice %arg6[%dma_start3A_1943, %dma_start3A_1944] : memref<25x128xi32, #tpu.memory_space<vmem>> -> memref<1x128xi32, #tpu.memory_space<vmem>>
      %dma_start3A_1946 = tpu.memref_squeeze %dma_start3A_1945 : memref<1x128xi32, #tpu.memory_space<vmem>> -> memref<128xi32, #tpu.memory_space<vmem>>
      %dma_start3A_1947 = tpu.memref_slice %arg3[%mul3A_1942] : memref<100000xi32, #tpu.memory_space<hbm>> -> memref<128xi32, #tpu.memory_space<hbm>>
      %dma_start3A_1948 = arith.constant 0 : i32
      %dma_start3A_1949 = tpu.memref_slice %arg6[%dma_start3A_1943, %dma_start3A_1948] : memref<25x128xi32, #tpu.memory_space<vmem>> -> memref<1x128xi32, #tpu.memory_space<vmem>>
      %dma_start3A_1950 = tpu.memref_squeeze %dma_start3A_1949 : memref<1x128xi32, #tpu.memory_space<vmem>> -> memref<128xi32, #tpu.memory_space<vmem>>
      %dma_start3A_1951 = tpu.memref_slice %arg3[%mul3A_1942] : memref<100000xi32, #tpu.memory_space<hbm>> -> memref<128xi32, #tpu.memory_space<hbm>>
      tpu.enqueue_dma source(%dma_start3A_1951 : memref<128xi32, #tpu.memory_space<hbm>>) target(%dma_start3A_1950 : memref<128xi32, #tpu.memory_space<vmem>>) target_semaphore(%arg17 : memref<!tpu.dma_semaphore, #tpu.memory_space<semaphore_mem>>)
    } else {
    }
    %add3A_185 = arith.constant 24 : i32
    %add3A_186 = arith.addi %mul3A_2, %add3A_185 : i32
    %lt3A_187 = arith.constant 781 : i32
    %lt3A_188 = arith.cmpi slt, %add3A_186, %lt3A_187 : i32
    %convert_element_type3A_189 = arith.extui %lt3A_188 : i1 to i32
    %cond3A_190 = arith.constant 0 : i32
    %cond3A_191 = arith.cmpi ne, %convert_element_type3A_189, %cond3A_190 : i32
    scf.if %cond3A_191 {
      %add3A_1939 = arith.constant 24 : i32
      %add3A_1940 = arith.addi %mul3A_2, %add3A_1939 : i32
      %mul3A_1941 = arith.constant 128 : i32
      %mul3A_1942 = arith.muli %add3A_1940, %mul3A_1941 : i32
      %dma_start3A_1943 = arith.constant 24 : i32
      %dma_start3A_1944 = arith.constant 0 : i32
      %dma_start3A_1945 = tpu.memref_slice %arg6[%dma_start3A_1943, %dma_start3A_1944] : memref<25x128xi32, #tpu.memory_space<vmem>> -> memref<1x128xi32, #tpu.memory_space<vmem>>
      %dma_start3A_1946 = tpu.memref_squeeze %dma_start3A_1945 : memref<1x128xi32, #tpu.memory_space<vmem>> -> memref<128xi32, #tpu.memory_space<vmem>>
      %dma_start3A_1947 = tpu.memref_slice %arg3[%mul3A_1942] : memref<100000xi32, #tpu.memory_space<hbm>> -> memref<128xi32, #tpu.memory_space<hbm>>
      %dma_start3A_1948 = arith.constant 0 : i32
      %dma_start3A_1949 = tpu.memref_slice %arg6[%dma_start3A_1943, %dma_start3A_1948] : memref<25x128xi32, #tpu.memory_space<vmem>> -> memref<1x128xi32, #tpu.memory_space<vmem>>
      %dma_start3A_1950 = tpu.memref_squeeze %dma_start3A_1949 : memref<1x128xi32, #tpu.memory_space<vmem>> -> memref<128xi32, #tpu.memory_space<vmem>>
      %dma_start3A_1951 = tpu.memref_slice %arg3[%mul3A_1942] : memref<100000xi32, #tpu.memory_space<hbm>> -> memref<128xi32, #tpu.memory_space<hbm>>
      tpu.enqueue_dma source(%dma_start3A_1951 : memref<128xi32, #tpu.memory_space<hbm>>) target(%dma_start3A_1950 : memref<128xi32, #tpu.memory_space<vmem>>) target_semaphore(%arg17 : memref<!tpu.dma_semaphore, #tpu.memory_space<semaphore_mem>>)
    } else {
    }
    %broadcast_in_dim3A = arith.constant 0.000000e+00 : f32
    %broadcast_in_dim3A_192 = vector.broadcast %broadcast_in_dim3A : f32 to vector<16xf32>
    %swap3A = arith.constant 0 : i32
    %swap3A_193 = arith.index_cast %swap3A : i32 to index
    %swap3A_194 = arith.constant 0 : index
    %swap3A_195 = tpu.vector_load %arg12[%swap3A_193, %swap3A_194] {strides = array<i32>} : memref<32x128xf32, #tpu.memory_space<vmem>>, vector<1x16xf32>,
    %swap3A_196 = vector.shape_cast %swap3A_195 : vector<1x16xf32> to vector<16xf32>
    %swap3A_197 = vector.shape_cast %broadcast_in_dim3A_192 : vector<16xf32> to vector<1x16xf32>
    tpu.vector_store %arg12[%swap3A_193, %swap3A_194], %swap3A_197 {strides = array<i32>} : memref<32x128xf32, #tpu.memory_space<vmem>>, vector<1x16xf32>,
    %swap3A_198 = arith.constant 0 : i32
    %swap3A_199 = arith.index_cast %swap3A_198 : i32 to index
    %swap3A_200 = arith.constant 16 : index
    %swap3A_201 = tpu.vector_load %arg12[%swap3A_199, %swap3A_200] {strides = array<i32>} : memref<32x128xf32, #tpu.memory_space<vmem>>, vector<1x16xf32>,
    %swap3A_202 = vector.shape_cast %swap3A_201 : vector<1x16xf32> to vector<16xf32>
    %swap3A_203 = vector.shape_cast %broadcast_in_dim3A_192 : vector<16xf32> to vector<1x16xf32>
    tpu.vector_store %arg12[%swap3A_199, %swap3A_200], %swap3A_203 {strides = array<i32>} : memref<32x128xf32, #tpu.memory_space<vmem>>, vector<1x16xf32>,
    %swap3A_204 = arith.constant 0 : i32
    %swap3A_205 = arith.index_cast %swap3A_204 : i32 to index
    %swap3A_206 = arith.constant 32 : index
    %swap3A_207 = tpu.vector_load %arg12[%swap3A_205, %swap3A_206] {strides = array<i32>} : memref<32x128xf32, #tpu.memory_space<vmem>>, vector<1x16xf32>,
    %swap3A_208 = vector.shape_cast %swap3A_207 : vector<1x16xf32> to vector<16xf32>
    %swap3A_209 = vector.shape_cast %broadcast_in_dim3A_192 : vector<16xf32> to vector<1x16xf32>
    tpu.vector_store %arg12[%swap3A_205, %swap3A_206], %swap3A_209 {strides = array<i32>} : memref<32x128xf32, #tpu.memory_space<vmem>>, vector<1x16xf32>,
    %swap3A_210 = arith.constant 0 : i32
    %swap3A_211 = arith.index_cast %swap3A_210 : i32 to index
    %swap3A_212 = arith.constant 48 : index
    %swap3A_213 = tpu.vector_load %arg12[%swap3A_211, %swap3A_212] {strides = array<i32>} : memref<32x128xf32, #tpu.memory_space<vmem>>, vector<1x16xf32>,
    %swap3A_214 = vector.shape_cast %swap3A_213 : vector<1x16xf32> to vector<16xf32>
    %swap3A_215 = vector.shape_cast %broadcast_in_dim3A_192 : vector<16xf32> to vector<1x16xf32>
    tpu.vector_store %arg12[%swap3A_211, %swap3A_212], %swap3A_215 {strides = array<i32>} : memref<32x128xf32, #tpu.memory_space<vmem>>, vector<1x16xf32>,
    %swap3A_216 = arith.constant 0 : i32
    %swap3A_217 = arith.index_cast %swap3A_216 : i32 to index
    %swap3A_218 = arith.constant 64 : index
    %swap3A_219 = tpu.vector_load %arg12[%swap3A_217, %swap3A_218] {strides = array<i32>} : memref<32x128xf32, #tpu.memory_space<vmem>>, vector<1x16xf32>,
    %swap3A_220 = vector.shape_cast %swap3A_219 : vector<1x16xf32> to vector<16xf32>
    %swap3A_221 = vector.shape_cast %broadcast_in_dim3A_192 : vector<16xf32> to vector<1x16xf32>
    tpu.vector_store %arg12[%swap3A_217, %swap3A_218], %swap3A_221 {strides = array<i32>} : memref<32x128xf32, #tpu.memory_space<vmem>>, vector<1x16xf32>,
    %swap3A_222 = arith.constant 0 : i32
    %swap3A_223 = arith.index_cast %swap3A_222 : i32 to index
    %swap3A_224 = arith.constant 80 : index
    %swap3A_225 = tpu.vector_load %arg12[%swap3A_223, %swap3A_224] {strides = array<i32>} : memref<32x128xf32, #tpu.memory_space<vmem>>, vector<1x16xf32>,
    %swap3A_226 = vector.shape_cast %swap3A_225 : vector<1x16xf32> to vector<16xf32>
    %swap3A_227 = vector.shape_cast %broadcast_in_dim3A_192 : vector<16xf32> to vector<1x16xf32>
    tpu.vector_store %arg12[%swap3A_223, %swap3A_224], %swap3A_227 {strides = array<i32>} : memref<32x128xf32, #tpu.memory_space<vmem>>, vector<1x16xf32>,
    %swap3A_228 = arith.constant 0 : i32
    %swap3A_229 = arith.index_cast %swap3A_228 : i32 to index
    %swap3A_230 = arith.constant 96 : index
    %swap3A_231 = tpu.vector_load %arg12[%swap3A_229, %swap3A_230] {strides = array<i32>} : memref<32x128xf32, #tpu.memory_space<vmem>>, vector<1x16xf32>,
    %swap3A_232 = vector.shape_cast %swap3A_231 : vector<1x16xf32> to vector<16xf32>
    %swap3A_233 = vector.shape_cast %broadcast_in_dim3A_192 : vector<16xf32> to vector<1x16xf32>
    tpu.vector_store %arg12[%swap3A_229, %swap3A_230], %swap3A_233 {strides = array<i32>} : memref<32x128xf32, #tpu.memory_space<vmem>>, vector<1x16xf32>,
    %swap3A_234 = arith.constant 0 : i32
    %swap3A_235 = arith.index_cast %swap3A_234 : i32 to index
    %swap3A_236 = arith.constant 112 : index
    %swap3A_237 = tpu.vector_load %arg12[%swap3A_235, %swap3A_236] {strides = array<i32>} : memref<32x128xf32, #tpu.memory_space<vmem>>, vector<1x16xf32>,
    %swap3A_238 = vector.shape_cast %swap3A_237 : vector<1x16xf32> to vector<16xf32>
    %swap3A_239 = vector.shape_cast %broadcast_in_dim3A_192 : vector<16xf32> to vector<1x16xf32>
    tpu.vector_store %arg12[%swap3A_235, %swap3A_236], %swap3A_239 {strides = array<i32>} : memref<32x128xf32, #tpu.memory_space<vmem>>, vector<1x16xf32>,
    %swap3A_240 = arith.constant 1 : i32
    %swap3A_241 = arith.index_cast %swap3A_240 : i32 to index
    %swap3A_242 = arith.constant 0 : index
    %swap3A_243 = tpu.vector_load %arg12[%swap3A_241, %swap3A_242] {strides = array<i32>} : memref<32x128xf32, #tpu.memory_space<vmem>>, vector<1x16xf32>,
    %swap3A_244 = vector.shape_cast %swap3A_243 : vector<1x16xf32> to vector<16xf32>
    %swap3A_245 = vector.shape_cast %broadcast_in_dim3A_192 : vector<16xf32> to vector<1x16xf32>
    tpu.vector_store %arg12[%swap3A_241, %swap3A_242], %swap3A_245 {strides = array<i32>} : memref<32x128xf32, #tpu.memory_space<vmem>>, vector<1x16xf32>,
    %swap3A_246 = arith.constant 1 : i32
    %swap3A_247 = arith.index_cast %swap3A_246 : i32 to index
    %swap3A_248 = arith.constant 16 : index
    %swap3A_249 = tpu.vector_load %arg12[%swap3A_247, %swap3A_248] {strides = array<i32>} : memref<32x128xf32, #tpu.memory_space<vmem>>, vector<1x16xf32>,
    %swap3A_250 = vector.shape_cast %swap3A_249 : vector<1x16xf32> to vector<16xf32>
    %swap3A_251 = vector.shape_cast %broadcast_in_dim3A_192 : vector<16xf32> to vector<1x16xf32>
    tpu.vector_store %arg12[%swap3A_247, %swap3A_248], %swap3A_251 {strides = array<i32>} : memref<32x128xf32, #tpu.memory_space<vmem>>, vector<1x16xf32>,
    %swap3A_252 = arith.constant 1 : i32
    %swap3A_253 = arith.index_cast %swap3A_252 : i32 to index
    %swap3A_254 = arith.constant 32 : index
    %swap3A_255 = tpu.vector_load %arg12[%swap3A_253, %swap3A_254] {strides = array<i32>} : memref<32x128xf32, #tpu.memory_space<vmem>>, vector<1x16xf32>,
    %swap3A_256 = vector.shape_cast %swap3A_255 : vector<1x16xf32> to vector<16xf32>
    %swap3A_257 = vector.shape_cast %broadcast_in_dim3A_192 : vector<16xf32> to vector<1x16xf32>
    tpu.vector_store %arg12[%swap3A_253, %swap3A_254], %swap3A_257 {strides = array<i32>} : memref<32x128xf32, #tpu.memory_space<vmem>>, vector<1x16xf32>,
    %swap3A_258 = arith.constant 1 : i32
    %swap3A_259 = arith.index_cast %swap3A_258 : i32 to index
    %swap3A_260 = arith.constant 48 : index
    %swap3A_261 = tpu.vector_load %arg12[%swap3A_259, %swap3A_260] {strides = array<i32>} : memref<32x128xf32, #tpu.memory_space<vmem>>, vector<1x16xf32>,
    %swap3A_262 = vector.shape_cast %swap3A_261 : vector<1x16xf32> to vector<16xf32>
    %swap3A_263 = vector.shape_cast %broadcast_in_dim3A_192 : vector<16xf32> to vector<1x16xf32>
    tpu.vector_store %arg12[%swap3A_259, %swap3A_260], %swap3A_263 {strides = array<i32>} : memref<32x128xf32, #tpu.memory_space<vmem>>, vector<1x16xf32>,
    %swap3A_264 = arith.constant 1 : i32
    %swap3A_265 = arith.index_cast %swap3A_264 : i32 to index
    %swap3A_266 = arith.constant 64 : index
    %swap3A_267 = tpu.vector_load %arg12[%swap3A_265, %swap3A_266] {strides = array<i32>} : memref<32x128xf32, #tpu.memory_space<vmem>>, vector<1x16xf32>,
    %swap3A_268 = vector.shape_cast %swap3A_267 : vector<1x16xf32> to vector<16xf32>
    %swap3A_269 = vector.shape_cast %broadcast_in_dim3A_192 : vector<16xf32> to vector<1x16xf32>
    tpu.vector_store %arg12[%swap3A_265, %swap3A_266], %swap3A_269 {strides = array<i32>} : memref<32x128xf32, #tpu.memory_space<vmem>>, vector<1x16xf32>,
    %swap3A_270 = arith.constant 1 : i32
    %swap3A_271 = arith.index_cast %swap3A_270 : i32 to index
    %swap3A_272 = arith.constant 80 : index
    %swap3A_273 = tpu.vector_load %arg12[%swap3A_271, %swap3A_272] {strides = array<i32>} : memref<32x128xf32, #tpu.memory_space<vmem>>, vector<1x16xf32>,
    %swap3A_274 = vector.shape_cast %swap3A_273 : vector<1x16xf32> to vector<16xf32>
    %swap3A_275 = vector.shape_cast %broadcast_in_dim3A_192 : vector<16xf32> to vector<1x16xf32>
    tpu.vector_store %arg12[%swap3A_271, %swap3A_272], %swap3A_275 {strides = array<i32>} : memref<32x128xf32, #tpu.memory_space<vmem>>, vector<1x16xf32>,
    %swap3A_276 = arith.constant 1 : i32
    %swap3A_277 = arith.index_cast %swap3A_276 : i32 to index
    %swap3A_278 = arith.constant 96 : index
    %swap3A_279 = tpu.vector_load %arg12[%swap3A_277, %swap3A_278] {strides = array<i32>} : memref<32x128xf32, #tpu.memory_space<vmem>>, vector<1x16xf32>,
    %swap3A_280 = vector.shape_cast %swap3A_279 : vector<1x16xf32> to vector<16xf32>
    %swap3A_281 = vector.shape_cast %broadcast_in_dim3A_192 : vector<16xf32> to vector<1x16xf32>
    tpu.vector_store %arg12[%swap3A_277, %swap3A_278], %swap3A_281 {strides = array<i32>} : memref<32x128xf32, #tpu.memory_space<vmem>>, vector<1x16xf32>,
    %swap3A_282 = arith.constant 1 : i32
    %swap3A_283 = arith.index_cast %swap3A_282 : i32 to index
    %swap3A_284 = arith.constant 112 : index
    %swap3A_285 = tpu.vector_load %arg12[%swap3A_283, %swap3A_284] {strides = array<i32>} : memref<32x128xf32, #tpu.memory_space<vmem>>, vector<1x16xf32>,
    %swap3A_286 = vector.shape_cast %swap3A_285 : vector<1x16xf32> to vector<16xf32>
    %swap3A_287 = vector.shape_cast %broadcast_in_dim3A_192 : vector<16xf32> to vector<1x16xf32>
    tpu.vector_store %arg12[%swap3A_283, %swap3A_284], %swap3A_287 {strides = array<i32>} : memref<32x128xf32, #tpu.memory_space<vmem>>, vector<1x16xf32>,
    %swap3A_288 = arith.constant 2 : i32
    %swap3A_289 = arith.index_cast %swap3A_288 : i32 to index
    %swap3A_290 = arith.constant 0 : index
    %swap3A_291 = tpu.vector_load %arg12[%swap3A_289, %swap3A_290] {strides = array<i32>} : memref<32x128xf32, #tpu.memory_space<vmem>>, vector<1x16xf32>,
    %swap3A_292 = vector.shape_cast %swap3A_291 : vector<1x16xf32> to vector<16xf32>
    %swap3A_293 = vector.shape_cast %broadcast_in_dim3A_192 : vector<16xf32> to vector<1x16xf32>
    tpu.vector_store %arg12[%swap3A_289, %swap3A_290], %swap3A_293 {strides = array<i32>} : memref<32x128xf32, #tpu.memory_space<vmem>>, vector<1x16xf32>,
    %swap3A_294 = arith.constant 2 : i32
    %swap3A_295 = arith.index_cast %swap3A_294 : i32 to index
    %swap3A_296 = arith.constant 16 : index
    %swap3A_297 = tpu.vector_load %arg12[%swap3A_295, %swap3A_296] {strides = array<i32>} : memref<32x128xf32, #tpu.memory_space<vmem>>, vector<1x16xf32>,
    %swap3A_298 = vector.shape_cast %swap3A_297 : vector<1x16xf32> to vector<16xf32>
    %swap3A_299 = vector.shape_cast %broadcast_in_dim3A_192 : vector<16xf32> to vector<1x16xf32>
    tpu.vector_store %arg12[%swap3A_295, %swap3A_296], %swap3A_299 {strides = array<i32>} : memref<32x128xf32, #tpu.memory_space<vmem>>, vector<1x16xf32>,
    %swap3A_300 = arith.constant 2 : i32
    %swap3A_301 = arith.index_cast %swap3A_300 : i32 to index
    %swap3A_302 = arith.constant 32 : index
    %swap3A_303 = tpu.vector_load %arg12[%swap3A_301, %swap3A_302] {strides = array<i32>} : memref<32x128xf32, #tpu.memory_space<vmem>>, vector<1x16xf32>,
    %swap3A_304 = vector.shape_cast %swap3A_303 : vector<1x16xf32> to vector<16xf32>
    %swap3A_305 = vector.shape_cast %broadcast_in_dim3A_192 : vector<16xf32> to vector<1x16xf32>
    tpu.vector_store %arg12[%swap3A_301, %swap3A_302], %swap3A_305 {strides = array<i32>} : memref<32x128xf32, #tpu.memory_space<vmem>>, vector<1x16xf32>,
    %swap3A_306 = arith.constant 2 : i32
    %swap3A_307 = arith.index_cast %swap3A_306 : i32 to index
    %swap3A_308 = arith.constant 48 : index
    %swap3A_309 = tpu.vector_load %arg12[%swap3A_307, %swap3A_308] {strides = array<i32>} : memref<32x128xf32, #tpu.memory_space<vmem>>, vector<1x16xf32>,
    %swap3A_310 = vector.shape_cast %swap3A_309 : vector<1x16xf32> to vector<16xf32>
    %swap3A_311 = vector.shape_cast %broadcast_in_dim3A_192 : vector<16xf32> to vector<1x16xf32>
    tpu.vector_store %arg12[%swap3A_307, %swap3A_308], %swap3A_311 {strides = array<i32>} : memref<32x128xf32, #tpu.memory_space<vmem>>, vector<1x16xf32>,
    %swap3A_312 = arith.constant 2 : i32
    %swap3A_313 = arith.index_cast %swap3A_312 : i32 to index
    %swap3A_314 = arith.constant 64 : index
    %swap3A_315 = tpu.vector_load %arg12[%swap3A_313, %swap3A_314] {strides = array<i32>} : memref<32x128xf32, #tpu.memory_space<vmem>>, vector<1x16xf32>,
    %swap3A_316 = vector.shape_cast %swap3A_315 : vector<1x16xf32> to vector<16xf32>
    %swap3A_317 = vector.shape_cast %broadcast_in_dim3A_192 : vector<16xf32> to vector<1x16xf32>
    tpu.vector_store %arg12[%swap3A_313, %swap3A_314], %swap3A_317 {strides = array<i32>} : memref<32x128xf32, #tpu.memory_space<vmem>>, vector<1x16xf32>,
    %swap3A_318 = arith.constant 2 : i32
    %swap3A_319 = arith.index_cast %swap3A_318 : i32 to index
    %swap3A_320 = arith.constant 80 : index
    %swap3A_321 = tpu.vector_load %arg12[%swap3A_319, %swap3A_320] {strides = array<i32>} : memref<32x128xf32, #tpu.memory_space<vmem>>, vector<1x16xf32>,
    %swap3A_322 = vector.shape_cast %swap3A_321 : vector<1x16xf32> to vector<16xf32>
    %swap3A_323 = vector.shape_cast %broadcast_in_dim3A_192 : vector<16xf32> to vector<1x16xf32>
    tpu.vector_store %arg12[%swap3A_319, %swap3A_320], %swap3A_323 {strides = array<i32>} : memref<32x128xf32, #tpu.memory_space<vmem>>, vector<1x16xf32>,
    %swap3A_324 = arith.constant 2 : i32
    %swap3A_325 = arith.index_cast %swap3A_324 : i32 to index
    %swap3A_326 = arith.constant 96 : index
    %swap3A_327 = tpu.vector_load %arg12[%swap3A_325, %swap3A_326] {strides = array<i32>} : memref<32x128xf32, #tpu.memory_space<vmem>>, vector<1x16xf32>,
    %swap3A_328 = vector.shape_cast %swap3A_327 : vector<1x16xf32> to vector<16xf32>
    %swap3A_329 = vector.shape_cast %broadcast_in_dim3A_192 : vector<16xf32> to vector<1x16xf32>
    tpu.vector_store %arg12[%swap3A_325, %swap3A_326], %swap3A_329 {strides = array<i32>} : memref<32x128xf32, #tpu.memory_space<vmem>>, vector<1x16xf32>,
    %swap3A_330 = arith.constant 2 : i32
    %swap3A_331 = arith.index_cast %swap3A_330 : i32 to index
    %swap3A_332 = arith.constant 112 : index
    %swap3A_333 = tpu.vector_load %arg12[%swap3A_331, %swap3A_332] {strides = array<i32>} : memref<32x128xf32, #tpu.memory_space<vmem>>, vector<1x16xf32>,
    %swap3A_334 = vector.shape_cast %swap3A_333 : vector<1x16xf32> to vector<16xf32>
    %swap3A_335 = vector.shape_cast %broadcast_in_dim3A_192 : vector<16xf32> to vector<1x16xf32>
    tpu.vector_store %arg12[%swap3A_331, %swap3A_332], %swap3A_335 {strides = array<i32>} : memref<32x128xf32, #tpu.memory_space<vmem>>, vector<1x16xf32>,
    %swap3A_336 = arith.constant 3 : i32
    %swap3A_337 = arith.index_cast %swap3A_336 : i32 to index
    %swap3A_338 = arith.constant 0 : index
    %swap3A_339 = tpu.vector_load %arg12[%swap3A_337, %swap3A_338] {strides = array<i32>} : memref<32x128xf32, #tpu.memory_space<vmem>>, vector<1x16xf32>,
    %swap3A_340 = vector.shape_cast %swap3A_339 : vector<1x16xf32> to vector<16xf32>
    %swap3A_341 = vector.shape_cast %broadcast_in_dim3A_192 : vector<16xf32> to vector<1x16xf32>
    tpu.vector_store %arg12[%swap3A_337, %swap3A_338], %swap3A_341 {strides = array<i32>} : memref<32x128xf32, #tpu.memory_space<vmem>>, vector<1x16xf32>,
    %swap3A_342 = arith.constant 3 : i32
    %swap3A_343 = arith.index_cast %swap3A_342 : i32 to index
    %swap3A_344 = arith.constant 16 : index
    %swap3A_345 = tpu.vector_load %arg12[%swap3A_343, %swap3A_344] {strides = array<i32>} : memref<32x128xf32, #tpu.memory_space<vmem>>, vector<1x16xf32>,
    %swap3A_346 = vector.shape_cast %swap3A_345 : vector<1x16xf32> to vector<16xf32>
    %swap3A_347 = vector.shape_cast %broadcast_in_dim3A_192 : vector<16xf32> to vector<1x16xf32>
    tpu.vector_store %arg12[%swap3A_343, %swap3A_344], %swap3A_347 {strides = array<i32>} : memref<32x128xf32, #tpu.memory_space<vmem>>, vector<1x16xf32>,
    %swap3A_348 = arith.constant 3 : i32
    %swap3A_349 = arith.index_cast %swap3A_348 : i32 to index
    %swap3A_350 = arith.constant 32 : index
    %swap3A_351 = tpu.vector_load %arg12[%swap3A_349, %swap3A_350] {strides = array<i32>} : memref<32x128xf32, #tpu.memory_space<vmem>>, vector<1x16xf32>,
    %swap3A_352 = vector.shape_cast %swap3A_351 : vector<1x16xf32> to vector<16xf32>
    %swap3A_353 = vector.shape_cast %broadcast_in_dim3A_192 : vector<16xf32> to vector<1x16xf32>
    tpu.vector_store %arg12[%swap3A_349, %swap3A_350], %swap3A_353 {strides = array<i32>} : memref<32x128xf32, #tpu.memory_space<vmem>>, vector<1x16xf32>,
    %swap3A_354 = arith.constant 3 : i32
    %swap3A_355 = arith.index_cast %swap3A_354 : i32 to index
    %swap3A_356 = arith.constant 48 : index
    %swap3A_357 = tpu.vector_load %arg12[%swap3A_355, %swap3A_356] {strides = array<i32>} : memref<32x128xf32, #tpu.memory_space<vmem>>, vector<1x16xf32>,
    %swap3A_358 = vector.shape_cast %swap3A_357 : vector<1x16xf32> to vector<16xf32>
    %swap3A_359 = vector.shape_cast %broadcast_in_dim3A_192 : vector<16xf32> to vector<1x16xf32>
    tpu.vector_store %arg12[%swap3A_355, %swap3A_356], %swap3A_359 {strides = array<i32>} : memref<32x128xf32, #tpu.memory_space<vmem>>, vector<1x16xf32>,
    %swap3A_360 = arith.constant 3 : i32
    %swap3A_361 = arith.index_cast %swap3A_360 : i32 to index
    %swap3A_362 = arith.constant 64 : index
    %swap3A_363 = tpu.vector_load %arg12[%swap3A_361, %swap3A_362] {strides = array<i32>} : memref<32x128xf32, #tpu.memory_space<vmem>>, vector<1x16xf32>,
    %swap3A_364 = vector.shape_cast %swap3A_363 : vector<1x16xf32> to vector<16xf32>
    %swap3A_365 = vector.shape_cast %broadcast_in_dim3A_192 : vector<16xf32> to vector<1x16xf32>
    tpu.vector_store %arg12[%swap3A_361, %swap3A_362], %swap3A_365 {strides = array<i32>} : memref<32x128xf32, #tpu.memory_space<vmem>>, vector<1x16xf32>,
    %swap3A_366 = arith.constant 3 : i32
    %swap3A_367 = arith.index_cast %swap3A_366 : i32 to index
    %swap3A_368 = arith.constant 80 : index
    %swap3A_369 = tpu.vector_load %arg12[%swap3A_367, %swap3A_368] {strides = array<i32>} : memref<32x128xf32, #tpu.memory_space<vmem>>, vector<1x16xf32>,
    %swap3A_370 = vector.shape_cast %swap3A_369 : vector<1x16xf32> to vector<16xf32>
    %swap3A_371 = vector.shape_cast %broadcast_in_dim3A_192 : vector<16xf32> to vector<1x16xf32>
    tpu.vector_store %arg12[%swap3A_367, %swap3A_368], %swap3A_371 {strides = array<i32>} : memref<32x128xf32, #tpu.memory_space<vmem>>, vector<1x16xf32>,
    %swap3A_372 = arith.constant 3 : i32
    %swap3A_373 = arith.index_cast %swap3A_372 : i32 to index
    %swap3A_374 = arith.constant 96 : index
    %swap3A_375 = tpu.vector_load %arg12[%swap3A_373, %swap3A_374] {strides = array<i32>} : memref<32x128xf32, #tpu.memory_space<vmem>>, vector<1x16xf32>,
    %swap3A_376 = vector.shape_cast %swap3A_375 : vector<1x16xf32> to vector<16xf32>
    %swap3A_377 = vector.shape_cast %broadcast_in_dim3A_192 : vector<16xf32> to vector<1x16xf32>
    tpu.vector_store %arg12[%swap3A_373, %swap3A_374], %swap3A_377 {strides = array<i32>} : memref<32x128xf32, #tpu.memory_space<vmem>>, vector<1x16xf32>,
    %swap3A_378 = arith.constant 3 : i32
    %swap3A_379 = arith.index_cast %swap3A_378 : i32 to index
    %swap3A_380 = arith.constant 112 : index
    %swap3A_381 = tpu.vector_load %arg12[%swap3A_379, %swap3A_380] {strides = array<i32>} : memref<32x128xf32, #tpu.memory_space<vmem>>, vector<1x16xf32>,
    %swap3A_382 = vector.shape_cast %swap3A_381 : vector<1x16xf32> to vector<16xf32>
    %swap3A_383 = vector.shape_cast %broadcast_in_dim3A_192 : vector<16xf32> to vector<1x16xf32>
    tpu.vector_store %arg12[%swap3A_379, %swap3A_380], %swap3A_383 {strides = array<i32>} : memref<32x128xf32, #tpu.memory_space<vmem>>, vector<1x16xf32>,
    %swap3A_384 = arith.constant 4 : i32
    %swap3A_385 = arith.index_cast %swap3A_384 : i32 to index
    %swap3A_386 = arith.constant 0 : index
    %swap3A_387 = tpu.vector_load %arg12[%swap3A_385, %swap3A_386] {strides = array<i32>} : memref<32x128xf32, #tpu.memory_space<vmem>>, vector<1x16xf32>,
    %swap3A_388 = vector.shape_cast %swap3A_387 : vector<1x16xf32> to vector<16xf32>
    %swap3A_389 = vector.shape_cast %broadcast_in_dim3A_192 : vector<16xf32> to vector<1x16xf32>
    tpu.vector_store %arg12[%swap3A_385, %swap3A_386], %swap3A_389 {strides = array<i32>} : memref<32x128xf32, #tpu.memory_space<vmem>>, vector<1x16xf32>,
    %swap3A_390 = arith.constant 4 : i32
    %swap3A_391 = arith.index_cast %swap3A_390 : i32 to index
    %swap3A_392 = arith.constant 16 : index
    %swap3A_393 = tpu.vector_load %arg12[%swap3A_391, %swap3A_392] {strides = array<i32>} : memref<32x128xf32, #tpu.memory_space<vmem>>, vector<1x16xf32>,
    %swap3A_394 = vector.shape_cast %swap3A_393 : vector<1x16xf32> to vector<16xf32>
    %swap3A_395 = vector.shape_cast %broadcast_in_dim3A_192 : vector<16xf32> to vector<1x16xf32>
    tpu.vector_store %arg12[%swap3A_391, %swap3A_392], %swap3A_395 {strides = array<i32>} : memref<32x128xf32, #tpu.memory_space<vmem>>, vector<1x16xf32>,
    %swap3A_396 = arith.constant 4 : i32
    %swap3A_397 = arith.index_cast %swap3A_396 : i32 to index
    %swap3A_398 = arith.constant 32 : index
    %swap3A_399 = tpu.vector_load %arg12[%swap3A_397, %swap3A_398] {strides = array<i32>} : memref<32x128xf32, #tpu.memory_space<vmem>>, vector<1x16xf32>,
    %swap3A_400 = vector.shape_cast %swap3A_399 : vector<1x16xf32> to vector<16xf32>
    %swap3A_401 = vector.shape_cast %broadcast_in_dim3A_192 : vector<16xf32> to vector<1x16xf32>
    tpu.vector_store %arg12[%swap3A_397, %swap3A_398], %swap3A_401 {strides = array<i32>} : memref<32x128xf32, #tpu.memory_space<vmem>>, vector<1x16xf32>,
    %swap3A_402 = arith.constant 4 : i32
    %swap3A_403 = arith.index_cast %swap3A_402 : i32 to index
    %swap3A_404 = arith.constant 48 : index
    %swap3A_405 = tpu.vector_load %arg12[%swap3A_403, %swap3A_404] {strides = array<i32>} : memref<32x128xf32, #tpu.memory_space<vmem>>, vector<1x16xf32>,
    %swap3A_406 = vector.shape_cast %swap3A_405 : vector<1x16xf32> to vector<16xf32>
    %swap3A_407 = vector.shape_cast %broadcast_in_dim3A_192 : vector<16xf32> to vector<1x16xf32>
    tpu.vector_store %arg12[%swap3A_403, %swap3A_404], %swap3A_407 {strides = array<i32>} : memref<32x128xf32, #tpu.memory_space<vmem>>, vector<1x16xf32>,
    %swap3A_408 = arith.constant 4 : i32
    %swap3A_409 = arith.index_cast %swap3A_408 : i32 to index
    %swap3A_410 = arith.constant 64 : index
    %swap3A_411 = tpu.vector_load %arg12[%swap3A_409, %swap3A_410] {strides = array<i32>} : memref<32x128xf32, #tpu.memory_space<vmem>>, vector<1x16xf32>,
    %swap3A_412 = vector.shape_cast %swap3A_411 : vector<1x16xf32> to vector<16xf32>
    %swap3A_413 = vector.shape_cast %broadcast_in_dim3A_192 : vector<16xf32> to vector<1x16xf32>
    tpu.vector_store %arg12[%swap3A_409, %swap3A_410], %swap3A_413 {strides = array<i32>} : memref<32x128xf32, #tpu.memory_space<vmem>>, vector<1x16xf32>,
    %swap3A_414 = arith.constant 4 : i32
    %swap3A_415 = arith.index_cast %swap3A_414 : i32 to index
    %swap3A_416 = arith.constant 80 : index
    %swap3A_417 = tpu.vector_load %arg12[%swap3A_415, %swap3A_416] {strides = array<i32>} : memref<32x128xf32, #tpu.memory_space<vmem>>, vector<1x16xf32>,
    %swap3A_418 = vector.shape_cast %swap3A_417 : vector<1x16xf32> to vector<16xf32>
    %swap3A_419 = vector.shape_cast %broadcast_in_dim3A_192 : vector<16xf32> to vector<1x16xf32>
    tpu.vector_store %arg12[%swap3A_415, %swap3A_416], %swap3A_419 {strides = array<i32>} : memref<32x128xf32, #tpu.memory_space<vmem>>, vector<1x16xf32>,
    %swap3A_420 = arith.constant 4 : i32
    %swap3A_421 = arith.index_cast %swap3A_420 : i32 to index
    %swap3A_422 = arith.constant 96 : index
    %swap3A_423 = tpu.vector_load %arg12[%swap3A_421, %swap3A_422] {strides = array<i32>} : memref<32x128xf32, #tpu.memory_space<vmem>>, vector<1x16xf32>,
    %swap3A_424 = vector.shape_cast %swap3A_423 : vector<1x16xf32> to vector<16xf32>
    %swap3A_425 = vector.shape_cast %broadcast_in_dim3A_192 : vector<16xf32> to vector<1x16xf32>
    tpu.vector_store %arg12[%swap3A_421, %swap3A_422], %swap3A_425 {strides = array<i32>} : memref<32x128xf32, #tpu.memory_space<vmem>>, vector<1x16xf32>,
    %swap3A_426 = arith.constant 4 : i32
    %swap3A_427 = arith.index_cast %swap3A_426 : i32 to index
    %swap3A_428 = arith.constant 112 : index
    %swap3A_429 = tpu.vector_load %arg12[%swap3A_427, %swap3A_428] {strides = array<i32>} : memref<32x128xf32, #tpu.memory_space<vmem>>, vector<1x16xf32>,
    %swap3A_430 = vector.shape_cast %swap3A_429 : vector<1x16xf32> to vector<16xf32>
    %swap3A_431 = vector.shape_cast %broadcast_in_dim3A_192 : vector<16xf32> to vector<1x16xf32>
    tpu.vector_store %arg12[%swap3A_427, %swap3A_428], %swap3A_431 {strides = array<i32>} : memref<32x128xf32, #tpu.memory_space<vmem>>, vector<1x16xf32>,
    %swap3A_432 = arith.constant 5 : i32
    %swap3A_433 = arith.index_cast %swap3A_432 : i32 to index
    %swap3A_434 = arith.constant 0 : index
    %swap3A_435 = tpu.vector_load %arg12[%swap3A_433, %swap3A_434] {strides = array<i32>} : memref<32x128xf32, #tpu.memory_space<vmem>>, vector<1x16xf32>,
    %swap3A_436 = vector.shape_cast %swap3A_435 : vector<1x16xf32> to vector<16xf32>
    %swap3A_437 = vector.shape_cast %broadcast_in_dim3A_192 : vector<16xf32> to vector<1x16xf32>
    tpu.vector_store %arg12[%swap3A_433, %swap3A_434], %swap3A_437 {strides = array<i32>} : memref<32x128xf32, #tpu.memory_space<vmem>>, vector<1x16xf32>,
    %swap3A_438 = arith.constant 5 : i32
    %swap3A_439 = arith.index_cast %swap3A_438 : i32 to index
    %swap3A_440 = arith.constant 16 : index
    %swap3A_441 = tpu.vector_load %arg12[%swap3A_439, %swap3A_440] {strides = array<i32>} : memref<32x128xf32, #tpu.memory_space<vmem>>, vector<1x16xf32>,
    %swap3A_442 = vector.shape_cast %swap3A_441 : vector<1x16xf32> to vector<16xf32>
    %swap3A_443 = vector.shape_cast %broadcast_in_dim3A_192 : vector<16xf32> to vector<1x16xf32>
    tpu.vector_store %arg12[%swap3A_439, %swap3A_440], %swap3A_443 {strides = array<i32>} : memref<32x128xf32, #tpu.memory_space<vmem>>, vector<1x16xf32>,
    %swap3A_444 = arith.constant 5 : i32
    %swap3A_445 = arith.index_cast %swap3A_444 : i32 to index
    %swap3A_446 = arith.constant 32 : index
    %swap3A_447 = tpu.vector_load %arg12[%swap3A_445, %swap3A_446] {strides = array<i32>} : memref<32x128xf32, #tpu.memory_space<vmem>>, vector<1x16xf32>,
    %swap3A_448 = vector.shape_cast %swap3A_447 : vector<1x16xf32> to vector<16xf32>
    %swap3A_449 = vector.shape_cast %broadcast_in_dim3A_192 : vector<16xf32> to vector<1x16xf32>
    tpu.vector_store %arg12[%swap3A_445, %swap3A_446], %swap3A_449 {strides = array<i32>} : memref<32x128xf32, #tpu.memory_space<vmem>>, vector<1x16xf32>,
    %swap3A_450 = arith.constant 5 : i32
    %swap3A_451 = arith.index_cast %swap3A_450 : i32 to index
    %swap3A_452 = arith.constant 48 : index
    %swap3A_453 = tpu.vector_load %arg12[%swap3A_451, %swap3A_452] {strides = array<i32>} : memref<32x128xf32, #tpu.memory_space<vmem>>, vector<1x16xf32>,
    %swap3A_454 = vector.shape_cast %swap3A_453 : vector<1x16xf32> to vector<16xf32>
    %swap3A_455 = vector.shape_cast %broadcast_in_dim3A_192 : vector<16xf32> to vector<1x16xf32>
    tpu.vector_store %arg12[%swap3A_451, %swap3A_452], %swap3A_455 {strides = array<i32>} : memref<32x128xf32, #tpu.memory_space<vmem>>, vector<1x16xf32>,
    %swap3A_456 = arith.constant 5 : i32
    %swap3A_457 = arith.index_cast %swap3A_456 : i32 to index
    %swap3A_458 = arith.constant 64 : index
    %swap3A_459 = tpu.vector_load %arg12[%swap3A_457, %swap3A_458] {strides = array<i32>} : memref<32x128xf32, #tpu.memory_space<vmem>>, vector<1x16xf32>,
    %swap3A_460 = vector.shape_cast %swap3A_459 : vector<1x16xf32> to vector<16xf32>
    %swap3A_461 = vector.shape_cast %broadcast_in_dim3A_192 : vector<16xf32> to vector<1x16xf32>
    tpu.vector_store %arg12[%swap3A_457, %swap3A_458], %swap3A_461 {strides = array<i32>} : memref<32x128xf32, #tpu.memory_space<vmem>>, vector<1x16xf32>,
    %swap3A_462 = arith.constant 5 : i32
    %swap3A_463 = arith.index_cast %swap3A_462 : i32 to index
    %swap3A_464 = arith.constant 80 : index
    %swap3A_465 = tpu.vector_load %arg12[%swap3A_463, %swap3A_464] {strides = array<i32>} : memref<32x128xf32, #tpu.memory_space<vmem>>, vector<1x16xf32>,
    %swap3A_466 = vector.shape_cast %swap3A_465 : vector<1x16xf32> to vector<16xf32>
    %swap3A_467 = vector.shape_cast %broadcast_in_dim3A_192 : vector<16xf32> to vector<1x16xf32>
    tpu.vector_store %arg12[%swap3A_463, %swap3A_464], %swap3A_467 {strides = array<i32>} : memref<32x128xf32, #tpu.memory_space<vmem>>, vector<1x16xf32>,
    %swap3A_468 = arith.constant 5 : i32
    %swap3A_469 = arith.index_cast %swap3A_468 : i32 to index
    %swap3A_470 = arith.constant 96 : index
    %swap3A_471 = tpu.vector_load %arg12[%swap3A_469, %swap3A_470] {strides = array<i32>} : memref<32x128xf32, #tpu.memory_space<vmem>>, vector<1x16xf32>,
    %swap3A_472 = vector.shape_cast %swap3A_471 : vector<1x16xf32> to vector<16xf32>
    %swap3A_473 = vector.shape_cast %broadcast_in_dim3A_192 : vector<16xf32> to vector<1x16xf32>
    tpu.vector_store %arg12[%swap3A_469, %swap3A_470], %swap3A_473 {strides = array<i32>} : memref<32x128xf32, #tpu.memory_space<vmem>>, vector<1x16xf32>,
    %swap3A_474 = arith.constant 5 : i32
    %swap3A_475 = arith.index_cast %swap3A_474 : i32 to index
    %swap3A_476 = arith.constant 112 : index
    %swap3A_477 = tpu.vector_load %arg12[%swap3A_475, %swap3A_476] {strides = array<i32>} : memref<32x128xf32, #tpu.memory_space<vmem>>, vector<1x16xf32>,
    %swap3A_478 = vector.shape_cast %swap3A_477 : vector<1x16xf32> to vector<16xf32>
    %swap3A_479 = vector.shape_cast %broadcast_in_dim3A_192 : vector<16xf32> to vector<1x16xf32>
    tpu.vector_store %arg12[%swap3A_475, %swap3A_476], %swap3A_479 {strides = array<i32>} : memref<32x128xf32, #tpu.memory_space<vmem>>, vector<1x16xf32>,
    %swap3A_480 = arith.constant 6 : i32
    %swap3A_481 = arith.index_cast %swap3A_480 : i32 to index
    %swap3A_482 = arith.constant 0 : index
    %swap3A_483 = tpu.vector_load %arg12[%swap3A_481, %swap3A_482] {strides = array<i32>} : memref<32x128xf32, #tpu.memory_space<vmem>>, vector<1x16xf32>,
    %swap3A_484 = vector.shape_cast %swap3A_483 : vector<1x16xf32> to vector<16xf32>
    %swap3A_485 = vector.shape_cast %broadcast_in_dim3A_192 : vector<16xf32> to vector<1x16xf32>
    tpu.vector_store %arg12[%swap3A_481, %swap3A_482], %swap3A_485 {strides = array<i32>} : memref<32x128xf32, #tpu.memory_space<vmem>>, vector<1x16xf32>,
    %swap3A_486 = arith.constant 6 : i32
    %swap3A_487 = arith.index_cast %swap3A_486 : i32 to index
    %swap3A_488 = arith.constant 16 : index
    %swap3A_489 = tpu.vector_load %arg12[%swap3A_487, %swap3A_488] {strides = array<i32>} : memref<32x128xf32, #tpu.memory_space<vmem>>, vector<1x16xf32>,
    %swap3A_490 = vector.shape_cast %swap3A_489 : vector<1x16xf32> to vector<16xf32>
    %swap3A_491 = vector.shape_cast %broadcast_in_dim3A_192 : vector<16xf32> to vector<1x16xf32>
    tpu.vector_store %arg12[%swap3A_487, %swap3A_488], %swap3A_491 {strides = array<i32>} : memref<32x128xf32, #tpu.memory_space<vmem>>, vector<1x16xf32>,
    %swap3A_492 = arith.constant 6 : i32
    %swap3A_493 = arith.index_cast %swap3A_492 : i32 to index
    %swap3A_494 = arith.constant 32 : index
    %swap3A_495 = tpu.vector_load %arg12[%swap3A_493, %swap3A_494] {strides = array<i32>} : memref<32x128xf32, #tpu.memory_space<vmem>>, vector<1x16xf32>,
    %swap3A_496 = vector.shape_cast %swap3A_495 : vector<1x16xf32> to vector<16xf32>
    %swap3A_497 = vector.shape_cast %broadcast_in_dim3A_192 : vector<16xf32> to vector<1x16xf32>
    tpu.vector_store %arg12[%swap3A_493, %swap3A_494], %swap3A_497 {strides = array<i32>} : memref<32x128xf32, #tpu.memory_space<vmem>>, vector<1x16xf32>,
    %swap3A_498 = arith.constant 6 : i32
    %swap3A_499 = arith.index_cast %swap3A_498 : i32 to index
    %swap3A_500 = arith.constant 48 : index
    %swap3A_501 = tpu.vector_load %arg12[%swap3A_499, %swap3A_500] {strides = array<i32>} : memref<32x128xf32, #tpu.memory_space<vmem>>, vector<1x16xf32>,
    %swap3A_502 = vector.shape_cast %swap3A_501 : vector<1x16xf32> to vector<16xf32>
    %swap3A_503 = vector.shape_cast %broadcast_in_dim3A_192 : vector<16xf32> to vector<1x16xf32>
    tpu.vector_store %arg12[%swap3A_499, %swap3A_500], %swap3A_503 {strides = array<i32>} : memref<32x128xf32, #tpu.memory_space<vmem>>, vector<1x16xf32>,
    %swap3A_504 = arith.constant 6 : i32
    %swap3A_505 = arith.index_cast %swap3A_504 : i32 to index
    %swap3A_506 = arith.constant 64 : index
    %swap3A_507 = tpu.vector_load %arg12[%swap3A_505, %swap3A_506] {strides = array<i32>} : memref<32x128xf32, #tpu.memory_space<vmem>>, vector<1x16xf32>,
    %swap3A_508 = vector.shape_cast %swap3A_507 : vector<1x16xf32> to vector<16xf32>
    %swap3A_509 = vector.shape_cast %broadcast_in_dim3A_192 : vector<16xf32> to vector<1x16xf32>
    tpu.vector_store %arg12[%swap3A_505, %swap3A_506], %swap3A_509 {strides = array<i32>} : memref<32x128xf32, #tpu.memory_space<vmem>>, vector<1x16xf32>,
    %swap3A_510 = arith.constant 6 : i32
    %swap3A_511 = arith.index_cast %swap3A_510 : i32 to index
    %swap3A_512 = arith.constant 80 : index
    %swap3A_513 = tpu.vector_load %arg12[%swap3A_511, %swap3A_512] {strides = array<i32>} : memref<32x128xf32, #tpu.memory_space<vmem>>, vector<1x16xf32>,
    %swap3A_514 = vector.shape_cast %swap3A_513 : vector<1x16xf32> to vector<16xf32>
    %swap3A_515 = vector.shape_cast %broadcast_in_dim3A_192 : vector<16xf32> to vector<1x16xf32>
    tpu.vector_store %arg12[%swap3A_511, %swap3A_512], %swap3A_515 {strides = array<i32>} : memref<32x128xf32, #tpu.memory_space<vmem>>, vector<1x16xf32>,
    %swap3A_516 = arith.constant 6 : i32
    %swap3A_517 = arith.index_cast %swap3A_516 : i32 to index
    %swap3A_518 = arith.constant 96 : index
    %swap3A_519 = tpu.vector_load %arg12[%swap3A_517, %swap3A_518] {strides = array<i32>} : memref<32x128xf32, #tpu.memory_space<vmem>>, vector<1x16xf32>,
    %swap3A_520 = vector.shape_cast %swap3A_519 : vector<1x16xf32> to vector<16xf32>
    %swap3A_521 = vector.shape_cast %broadcast_in_dim3A_192 : vector<16xf32> to vector<1x16xf32>
    tpu.vector_store %arg12[%swap3A_517, %swap3A_518], %swap3A_521 {strides = array<i32>} : memref<32x128xf32, #tpu.memory_space<vmem>>, vector<1x16xf32>,
    %swap3A_522 = arith.constant 6 : i32
    %swap3A_523 = arith.index_cast %swap3A_522 : i32 to index
    %swap3A_524 = arith.constant 112 : index
    %swap3A_525 = tpu.vector_load %arg12[%swap3A_523, %swap3A_524] {strides = array<i32>} : memref<32x128xf32, #tpu.memory_space<vmem>>, vector<1x16xf32>,
    %swap3A_526 = vector.shape_cast %swap3A_525 : vector<1x16xf32> to vector<16xf32>
    %swap3A_527 = vector.shape_cast %broadcast_in_dim3A_192 : vector<16xf32> to vector<1x16xf32>
    tpu.vector_store %arg12[%swap3A_523, %swap3A_524], %swap3A_527 {strides = array<i32>} : memref<32x128xf32, #tpu.memory_space<vmem>>, vector<1x16xf32>,
    %swap3A_528 = arith.constant 7 : i32
    %swap3A_529 = arith.index_cast %swap3A_528 : i32 to index
    %swap3A_530 = arith.constant 0 : index
    %swap3A_531 = tpu.vector_load %arg12[%swap3A_529, %swap3A_530] {strides = array<i32>} : memref<32x128xf32, #tpu.memory_space<vmem>>, vector<1x16xf32>,
    %swap3A_532 = vector.shape_cast %swap3A_531 : vector<1x16xf32> to vector<16xf32>
    %swap3A_533 = vector.shape_cast %broadcast_in_dim3A_192 : vector<16xf32> to vector<1x16xf32>
    tpu.vector_store %arg12[%swap3A_529, %swap3A_530], %swap3A_533 {strides = array<i32>} : memref<32x128xf32, #tpu.memory_space<vmem>>, vector<1x16xf32>,
    %swap3A_534 = arith.constant 7 : i32
    %swap3A_535 = arith.index_cast %swap3A_534 : i32 to index
    %swap3A_536 = arith.constant 16 : index
    %swap3A_537 = tpu.vector_load %arg12[%swap3A_535, %swap3A_536] {strides = array<i32>} : memref<32x128xf32, #tpu.memory_space<vmem>>, vector<1x16xf32>,
    %swap3A_538 = vector.shape_cast %swap3A_537 : vector<1x16xf32> to vector<16xf32>
    %swap3A_539 = vector.shape_cast %broadcast_in_dim3A_192 : vector<16xf32> to vector<1x16xf32>
    tpu.vector_store %arg12[%swap3A_535, %swap3A_536], %swap3A_539 {strides = array<i32>} : memref<32x128xf32, #tpu.memory_space<vmem>>, vector<1x16xf32>,
    %swap3A_540 = arith.constant 7 : i32
    %swap3A_541 = arith.index_cast %swap3A_540 : i32 to index
    %swap3A_542 = arith.constant 32 : index
    %swap3A_543 = tpu.vector_load %arg12[%swap3A_541, %swap3A_542] {strides = array<i32>} : memref<32x128xf32, #tpu.memory_space<vmem>>, vector<1x16xf32>,
    %swap3A_544 = vector.shape_cast %swap3A_543 : vector<1x16xf32> to vector<16xf32>
    %swap3A_545 = vector.shape_cast %broadcast_in_dim3A_192 : vector<16xf32> to vector<1x16xf32>
    tpu.vector_store %arg12[%swap3A_541, %swap3A_542], %swap3A_545 {strides = array<i32>} : memref<32x128xf32, #tpu.memory_space<vmem>>, vector<1x16xf32>,
    %swap3A_546 = arith.constant 7 : i32
    %swap3A_547 = arith.index_cast %swap3A_546 : i32 to index
    %swap3A_548 = arith.constant 48 : index
    %swap3A_549 = tpu.vector_load %arg12[%swap3A_547, %swap3A_548] {strides = array<i32>} : memref<32x128xf32, #tpu.memory_space<vmem>>, vector<1x16xf32>,
    %swap3A_550 = vector.shape_cast %swap3A_549 : vector<1x16xf32> to vector<16xf32>
    %swap3A_551 = vector.shape_cast %broadcast_in_dim3A_192 : vector<16xf32> to vector<1x16xf32>
    tpu.vector_store %arg12[%swap3A_547, %swap3A_548], %swap3A_551 {strides = array<i32>} : memref<32x128xf32, #tpu.memory_space<vmem>>, vector<1x16xf32>,
    %swap3A_552 = arith.constant 7 : i32
    %swap3A_553 = arith.index_cast %swap3A_552 : i32 to index
    %swap3A_554 = arith.constant 64 : index
    %swap3A_555 = tpu.vector_load %arg12[%swap3A_553, %swap3A_554] {strides = array<i32>} : memref<32x128xf32, #tpu.memory_space<vmem>>, vector<1x16xf32>,
    %swap3A_556 = vector.shape_cast %swap3A_555 : vector<1x16xf32> to vector<16xf32>
    %swap3A_557 = vector.shape_cast %broadcast_in_dim3A_192 : vector<16xf32> to vector<1x16xf32>
    tpu.vector_store %arg12[%swap3A_553, %swap3A_554], %swap3A_557 {strides = array<i32>} : memref<32x128xf32, #tpu.memory_space<vmem>>, vector<1x16xf32>,
    %swap3A_558 = arith.constant 7 : i32
    %swap3A_559 = arith.index_cast %swap3A_558 : i32 to index
    %swap3A_560 = arith.constant 80 : index
    %swap3A_561 = tpu.vector_load %arg12[%swap3A_559, %swap3A_560] {strides = array<i32>} : memref<32x128xf32, #tpu.memory_space<vmem>>, vector<1x16xf32>,
    %swap3A_562 = vector.shape_cast %swap3A_561 : vector<1x16xf32> to vector<16xf32>
    %swap3A_563 = vector.shape_cast %broadcast_in_dim3A_192 : vector<16xf32> to vector<1x16xf32>
    tpu.vector_store %arg12[%swap3A_559, %swap3A_560], %swap3A_563 {strides = array<i32>} : memref<32x128xf32, #tpu.memory_space<vmem>>, vector<1x16xf32>,
    %swap3A_564 = arith.constant 7 : i32
    %swap3A_565 = arith.index_cast %swap3A_564 : i32 to index
    %swap3A_566 = arith.constant 96 : index
    %swap3A_567 = tpu.vector_load %arg12[%swap3A_565, %swap3A_566] {strides = array<i32>} : memref<32x128xf32, #tpu.memory_space<vmem>>, vector<1x16xf32>,
    %swap3A_568 = vector.shape_cast %swap3A_567 : vector<1x16xf32> to vector<16xf32>
    %swap3A_569 = vector.shape_cast %broadcast_in_dim3A_192 : vector<16xf32> to vector<1x16xf32>
    tpu.vector_store %arg12[%swap3A_565, %swap3A_566], %swap3A_569 {strides = array<i32>} : memref<32x128xf32, #tpu.memory_space<vmem>>, vector<1x16xf32>,
    %swap3A_570 = arith.constant 7 : i32
    %swap3A_571 = arith.index_cast %swap3A_570 : i32 to index
    %swap3A_572 = arith.constant 112 : index
    %swap3A_573 = tpu.vector_load %arg12[%swap3A_571, %swap3A_572] {strides = array<i32>} : memref<32x128xf32, #tpu.memory_space<vmem>>, vector<1x16xf32>,
    %swap3A_574 = vector.shape_cast %swap3A_573 : vector<1x16xf32> to vector<16xf32>
    %swap3A_575 = vector.shape_cast %broadcast_in_dim3A_192 : vector<16xf32> to vector<1x16xf32>
    tpu.vector_store %arg12[%swap3A_571, %swap3A_572], %swap3A_575 {strides = array<i32>} : memref<32x128xf32, #tpu.memory_space<vmem>>, vector<1x16xf32>,
    %swap3A_576 = arith.constant 8 : i32
    %swap3A_577 = arith.index_cast %swap3A_576 : i32 to index
    %swap3A_578 = arith.constant 0 : index
    %swap3A_579 = tpu.vector_load %arg12[%swap3A_577, %swap3A_578] {strides = array<i32>} : memref<32x128xf32, #tpu.memory_space<vmem>>, vector<1x16xf32>,
    %swap3A_580 = vector.shape_cast %swap3A_579 : vector<1x16xf32> to vector<16xf32>
    %swap3A_581 = vector.shape_cast %broadcast_in_dim3A_192 : vector<16xf32> to vector<1x16xf32>
    tpu.vector_store %arg12[%swap3A_577, %swap3A_578], %swap3A_581 {strides = array<i32>} : memref<32x128xf32, #tpu.memory_space<vmem>>, vector<1x16xf32>,
    %swap3A_582 = arith.constant 8 : i32
    %swap3A_583 = arith.index_cast %swap3A_582 : i32 to index
    %swap3A_584 = arith.constant 16 : index
    %swap3A_585 = tpu.vector_load %arg12[%swap3A_583, %swap3A_584] {strides = array<i32>} : memref<32x128xf32, #tpu.memory_space<vmem>>, vector<1x16xf32>,
    %swap3A_586 = vector.shape_cast %swap3A_585 : vector<1x16xf32> to vector<16xf32>
    %swap3A_587 = vector.shape_cast %broadcast_in_dim3A_192 : vector<16xf32> to vector<1x16xf32>
    tpu.vector_store %arg12[%swap3A_583, %swap3A_584], %swap3A_587 {strides = array<i32>} : memref<32x128xf32, #tpu.memory_space<vmem>>, vector<1x16xf32>,
    %swap3A_588 = arith.constant 8 : i32
    %swap3A_589 = arith.index_cast %swap3A_588 : i32 to index
    %swap3A_590 = arith.constant 32 : index
    %swap3A_591 = tpu.vector_load %arg12[%swap3A_589, %swap3A_590] {strides = array<i32>} : memref<32x128xf32, #tpu.memory_space<vmem>>, vector<1x16xf32>,
    %swap3A_592 = vector.shape_cast %swap3A_591 : vector<1x16xf32> to vector<16xf32>
    %swap3A_593 = vector.shape_cast %broadcast_in_dim3A_192 : vector<16xf32> to vector<1x16xf32>
    tpu.vector_store %arg12[%swap3A_589, %swap3A_590], %swap3A_593 {strides = array<i32>} : memref<32x128xf32, #tpu.memory_space<vmem>>, vector<1x16xf32>,
    %swap3A_594 = arith.constant 8 : i32
    %swap3A_595 = arith.index_cast %swap3A_594 : i32 to index
    %swap3A_596 = arith.constant 48 : index
    %swap3A_597 = tpu.vector_load %arg12[%swap3A_595, %swap3A_596] {strides = array<i32>} : memref<32x128xf32, #tpu.memory_space<vmem>>, vector<1x16xf32>,
    %swap3A_598 = vector.shape_cast %swap3A_597 : vector<1x16xf32> to vector<16xf32>
    %swap3A_599 = vector.shape_cast %broadcast_in_dim3A_192 : vector<16xf32> to vector<1x16xf32>
    tpu.vector_store %arg12[%swap3A_595, %swap3A_596], %swap3A_599 {strides = array<i32>} : memref<32x128xf32, #tpu.memory_space<vmem>>, vector<1x16xf32>,
    %swap3A_600 = arith.constant 8 : i32
    %swap3A_601 = arith.index_cast %swap3A_600 : i32 to index
    %swap3A_602 = arith.constant 64 : index
    %swap3A_603 = tpu.vector_load %arg12[%swap3A_601, %swap3A_602] {strides = array<i32>} : memref<32x128xf32, #tpu.memory_space<vmem>>, vector<1x16xf32>,
    %swap3A_604 = vector.shape_cast %swap3A_603 : vector<1x16xf32> to vector<16xf32>
    %swap3A_605 = vector.shape_cast %broadcast_in_dim3A_192 : vector<16xf32> to vector<1x16xf32>
    tpu.vector_store %arg12[%swap3A_601, %swap3A_602], %swap3A_605 {strides = array<i32>} : memref<32x128xf32, #tpu.memory_space<vmem>>, vector<1x16xf32>,
    %swap3A_606 = arith.constant 8 : i32
    %swap3A_607 = arith.index_cast %swap3A_606 : i32 to index
    %swap3A_608 = arith.constant 80 : index
    %swap3A_609 = tpu.vector_load %arg12[%swap3A_607, %swap3A_608] {strides = array<i32>} : memref<32x128xf32, #tpu.memory_space<vmem>>, vector<1x16xf32>,
    %swap3A_610 = vector.shape_cast %swap3A_609 : vector<1x16xf32> to vector<16xf32>
    %swap3A_611 = vector.shape_cast %broadcast_in_dim3A_192 : vector<16xf32> to vector<1x16xf32>
    tpu.vector_store %arg12[%swap3A_607, %swap3A_608], %swap3A_611 {strides = array<i32>} : memref<32x128xf32, #tpu.memory_space<vmem>>, vector<1x16xf32>,
    %swap3A_612 = arith.constant 8 : i32
    %swap3A_613 = arith.index_cast %swap3A_612 : i32 to index
    %swap3A_614 = arith.constant 96 : index
    %swap3A_615 = tpu.vector_load %arg12[%swap3A_613, %swap3A_614] {strides = array<i32>} : memref<32x128xf32, #tpu.memory_space<vmem>>, vector<1x16xf32>,
    %swap3A_616 = vector.shape_cast %swap3A_615 : vector<1x16xf32> to vector<16xf32>
    %swap3A_617 = vector.shape_cast %broadcast_in_dim3A_192 : vector<16xf32> to vector<1x16xf32>
    tpu.vector_store %arg12[%swap3A_613, %swap3A_614], %swap3A_617 {strides = array<i32>} : memref<32x128xf32, #tpu.memory_space<vmem>>, vector<1x16xf32>,
    %swap3A_618 = arith.constant 8 : i32
    %swap3A_619 = arith.index_cast %swap3A_618 : i32 to index
    %swap3A_620 = arith.constant 112 : index
    %swap3A_621 = tpu.vector_load %arg12[%swap3A_619, %swap3A_620] {strides = array<i32>} : memref<32x128xf32, #tpu.memory_space<vmem>>, vector<1x16xf32>,
    %swap3A_622 = vector.shape_cast %swap3A_621 : vector<1x16xf32> to vector<16xf32>
    %swap3A_623 = vector.shape_cast %broadcast_in_dim3A_192 : vector<16xf32> to vector<1x16xf32>
    tpu.vector_store %arg12[%swap3A_619, %swap3A_620], %swap3A_623 {strides = array<i32>} : memref<32x128xf32, #tpu.memory_space<vmem>>, vector<1x16xf32>,
    %swap3A_624 = arith.constant 9 : i32
    %swap3A_625 = arith.index_cast %swap3A_624 : i32 to index
    %swap3A_626 = arith.constant 0 : index
    %swap3A_627 = tpu.vector_load %arg12[%swap3A_625, %swap3A_626] {strides = array<i32>} : memref<32x128xf32, #tpu.memory_space<vmem>>, vector<1x16xf32>,
    %swap3A_628 = vector.shape_cast %swap3A_627 : vector<1x16xf32> to vector<16xf32>
    %swap3A_629 = vector.shape_cast %broadcast_in_dim3A_192 : vector<16xf32> to vector<1x16xf32>
    tpu.vector_store %arg12[%swap3A_625, %swap3A_626], %swap3A_629 {strides = array<i32>} : memref<32x128xf32, #tpu.memory_space<vmem>>, vector<1x16xf32>,
    %swap3A_630 = arith.constant 9 : i32
    %swap3A_631 = arith.index_cast %swap3A_630 : i32 to index
    %swap3A_632 = arith.constant 16 : index
    %swap3A_633 = tpu.vector_load %arg12[%swap3A_631, %swap3A_632] {strides = array<i32>} : memref<32x128xf32, #tpu.memory_space<vmem>>, vector<1x16xf32>,
    %swap3A_634 = vector.shape_cast %swap3A_633 : vector<1x16xf32> to vector<16xf32>
    %swap3A_635 = vector.shape_cast %broadcast_in_dim3A_192 : vector<16xf32> to vector<1x16xf32>
    tpu.vector_store %arg12[%swap3A_631, %swap3A_632], %swap3A_635 {strides = array<i32>} : memref<32x128xf32, #tpu.memory_space<vmem>>, vector<1x16xf32>,
    %swap3A_636 = arith.constant 9 : i32
    %swap3A_637 = arith.index_cast %swap3A_636 : i32 to index
    %swap3A_638 = arith.constant 32 : index
    %swap3A_639 = tpu.vector_load %arg12[%swap3A_637, %swap3A_638] {strides = array<i32>} : memref<32x128xf32, #tpu.memory_space<vmem>>, vector<1x16xf32>,
    %swap3A_640 = vector.shape_cast %swap3A_639 : vector<1x16xf32> to vector<16xf32>
    %swap3A_641 = vector.shape_cast %broadcast_in_dim3A_192 : vector<16xf32> to vector<1x16xf32>
    tpu.vector_store %arg12[%swap3A_637, %swap3A_638], %swap3A_641 {strides = array<i32>} : memref<32x128xf32, #tpu.memory_space<vmem>>, vector<1x16xf32>,
    %swap3A_642 = arith.constant 9 : i32
    %swap3A_643 = arith.index_cast %swap3A_642 : i32 to index
    %swap3A_644 = arith.constant 48 : index
    %swap3A_645 = tpu.vector_load %arg12[%swap3A_643, %swap3A_644] {strides = array<i32>} : memref<32x128xf32, #tpu.memory_space<vmem>>, vector<1x16xf32>,
    %swap3A_646 = vector.shape_cast %swap3A_645 : vector<1x16xf32> to vector<16xf32>
    %swap3A_647 = vector.shape_cast %broadcast_in_dim3A_192 : vector<16xf32> to vector<1x16xf32>
    tpu.vector_store %arg12[%swap3A_643, %swap3A_644], %swap3A_647 {strides = array<i32>} : memref<32x128xf32, #tpu.memory_space<vmem>>, vector<1x16xf32>,
    %swap3A_648 = arith.constant 9 : i32
    %swap3A_649 = arith.index_cast %swap3A_648 : i32 to index
    %swap3A_650 = arith.constant 64 : index
    %swap3A_651 = tpu.vector_load %arg12[%swap3A_649, %swap3A_650] {strides = array<i32>} : memref<32x128xf32, #tpu.memory_space<vmem>>, vector<1x16xf32>,
    %swap3A_652 = vector.shape_cast %swap3A_651 : vector<1x16xf32> to vector<16xf32>
    %swap3A_653 = vector.shape_cast %broadcast_in_dim3A_192 : vector<16xf32> to vector<1x16xf32>
    tpu.vector_store %arg12[%swap3A_649, %swap3A_650], %swap3A_653 {strides = array<i32>} : memref<32x128xf32, #tpu.memory_space<vmem>>, vector<1x16xf32>,
    %swap3A_654 = arith.constant 9 : i32
    %swap3A_655 = arith.index_cast %swap3A_654 : i32 to index
    %swap3A_656 = arith.constant 80 : index
    %swap3A_657 = tpu.vector_load %arg12[%swap3A_655, %swap3A_656] {strides = array<i32>} : memref<32x128xf32, #tpu.memory_space<vmem>>, vector<1x16xf32>,
    %swap3A_658 = vector.shape_cast %swap3A_657 : vector<1x16xf32> to vector<16xf32>
    %swap3A_659 = vector.shape_cast %broadcast_in_dim3A_192 : vector<16xf32> to vector<1x16xf32>
    tpu.vector_store %arg12[%swap3A_655, %swap3A_656], %swap3A_659 {strides = array<i32>} : memref<32x128xf32, #tpu.memory_space<vmem>>, vector<1x16xf32>,
    %swap3A_660 = arith.constant 9 : i32
    %swap3A_661 = arith.index_cast %swap3A_660 : i32 to index
    %swap3A_662 = arith.constant 96 : index
    %swap3A_663 = tpu.vector_load %arg12[%swap3A_661, %swap3A_662] {strides = array<i32>} : memref<32x128xf32, #tpu.memory_space<vmem>>, vector<1x16xf32>,
    %swap3A_664 = vector.shape_cast %swap3A_663 : vector<1x16xf32> to vector<16xf32>
    %swap3A_665 = vector.shape_cast %broadcast_in_dim3A_192 : vector<16xf32> to vector<1x16xf32>
    tpu.vector_store %arg12[%swap3A_661, %swap3A_662], %swap3A_665 {strides = array<i32>} : memref<32x128xf32, #tpu.memory_space<vmem>>, vector<1x16xf32>,
    %swap3A_666 = arith.constant 9 : i32
    %swap3A_667 = arith.index_cast %swap3A_666 : i32 to index
    %swap3A_668 = arith.constant 112 : index
    %swap3A_669 = tpu.vector_load %arg12[%swap3A_667, %swap3A_668] {strides = array<i32>} : memref<32x128xf32, #tpu.memory_space<vmem>>, vector<1x16xf32>,
    %swap3A_670 = vector.shape_cast %swap3A_669 : vector<1x16xf32> to vector<16xf32>
    %swap3A_671 = vector.shape_cast %broadcast_in_dim3A_192 : vector<16xf32> to vector<1x16xf32>
    tpu.vector_store %arg12[%swap3A_667, %swap3A_668], %swap3A_671 {strides = array<i32>} : memref<32x128xf32, #tpu.memory_space<vmem>>, vector<1x16xf32>,
    %swap3A_672 = arith.constant 10 : i32
    %swap3A_673 = arith.index_cast %swap3A_672 : i32 to index
    %swap3A_674 = arith.constant 0 : index
    %swap3A_675 = tpu.vector_load %arg12[%swap3A_673, %swap3A_674] {strides = array<i32>} : memref<32x128xf32, #tpu.memory_space<vmem>>, vector<1x16xf32>,
    %swap3A_676 = vector.shape_cast %swap3A_675 : vector<1x16xf32> to vector<16xf32>
    %swap3A_677 = vector.shape_cast %broadcast_in_dim3A_192 : vector<16xf32> to vector<1x16xf32>
    tpu.vector_store %arg12[%swap3A_673, %swap3A_674], %swap3A_677 {strides = array<i32>} : memref<32x128xf32, #tpu.memory_space<vmem>>, vector<1x16xf32>,
    %swap3A_678 = arith.constant 10 : i32
    %swap3A_679 = arith.index_cast %swap3A_678 : i32 to index
    %swap3A_680 = arith.constant 16 : index
    %swap3A_681 = tpu.vector_load %arg12[%swap3A_679, %swap3A_680] {strides = array<i32>} : memref<32x128xf32, #tpu.memory_space<vmem>>, vector<1x16xf32>,
    %swap3A_682 = vector.shape_cast %swap3A_681 : vector<1x16xf32> to vector<16xf32>
    %swap3A_683 = vector.shape_cast %broadcast_in_dim3A_192 : vector<16xf32> to vector<1x16xf32>
    tpu.vector_store %arg12[%swap3A_679, %swap3A_680], %swap3A_683 {strides = array<i32>} : memref<32x128xf32, #tpu.memory_space<vmem>>, vector<1x16xf32>,
    %swap3A_684 = arith.constant 10 : i32
    %swap3A_685 = arith.index_cast %swap3A_684 : i32 to index
    %swap3A_686 = arith.constant 32 : index
    %swap3A_687 = tpu.vector_load %arg12[%swap3A_685, %swap3A_686] {strides = array<i32>} : memref<32x128xf32, #tpu.memory_space<vmem>>, vector<1x16xf32>,
    %swap3A_688 = vector.shape_cast %swap3A_687 : vector<1x16xf32> to vector<16xf32>
    %swap3A_689 = vector.shape_cast %broadcast_in_dim3A_192 : vector<16xf32> to vector<1x16xf32>
    tpu.vector_store %arg12[%swap3A_685, %swap3A_686], %swap3A_689 {strides = array<i32>} : memref<32x128xf32, #tpu.memory_space<vmem>>, vector<1x16xf32>,
    %swap3A_690 = arith.constant 10 : i32
    %swap3A_691 = arith.index_cast %swap3A_690 : i32 to index
    %swap3A_692 = arith.constant 48 : index
    %swap3A_693 = tpu.vector_load %arg12[%swap3A_691, %swap3A_692] {strides = array<i32>} : memref<32x128xf32, #tpu.memory_space<vmem>>, vector<1x16xf32>,
    %swap3A_694 = vector.shape_cast %swap3A_693 : vector<1x16xf32> to vector<16xf32>
    %swap3A_695 = vector.shape_cast %broadcast_in_dim3A_192 : vector<16xf32> to vector<1x16xf32>
    tpu.vector_store %arg12[%swap3A_691, %swap3A_692], %swap3A_695 {strides = array<i32>} : memref<32x128xf32, #tpu.memory_space<vmem>>, vector<1x16xf32>,
    %swap3A_696 = arith.constant 10 : i32
    %swap3A_697 = arith.index_cast %swap3A_696 : i32 to index
    %swap3A_698 = arith.constant 64 : index
    %swap3A_699 = tpu.vector_load %arg12[%swap3A_697, %swap3A_698] {strides = array<i32>} : memref<32x128xf32, #tpu.memory_space<vmem>>, vector<1x16xf32>,
    %swap3A_700 = vector.shape_cast %swap3A_699 : vector<1x16xf32> to vector<16xf32>
    %swap3A_701 = vector.shape_cast %broadcast_in_dim3A_192 : vector<16xf32> to vector<1x16xf32>
    tpu.vector_store %arg12[%swap3A_697, %swap3A_698], %swap3A_701 {strides = array<i32>} : memref<32x128xf32, #tpu.memory_space<vmem>>, vector<1x16xf32>,
    %swap3A_702 = arith.constant 10 : i32
    %swap3A_703 = arith.index_cast %swap3A_702 : i32 to index
    %swap3A_704 = arith.constant 80 : index
    %swap3A_705 = tpu.vector_load %arg12[%swap3A_703, %swap3A_704] {strides = array<i32>} : memref<32x128xf32, #tpu.memory_space<vmem>>, vector<1x16xf32>,
    %swap3A_706 = vector.shape_cast %swap3A_705 : vector<1x16xf32> to vector<16xf32>
    %swap3A_707 = vector.shape_cast %broadcast_in_dim3A_192 : vector<16xf32> to vector<1x16xf32>
    tpu.vector_store %arg12[%swap3A_703, %swap3A_704], %swap3A_707 {strides = array<i32>} : memref<32x128xf32, #tpu.memory_space<vmem>>, vector<1x16xf32>,
    %swap3A_708 = arith.constant 10 : i32
    %swap3A_709 = arith.index_cast %swap3A_708 : i32 to index
    %swap3A_710 = arith.constant 96 : index
    %swap3A_711 = tpu.vector_load %arg12[%swap3A_709, %swap3A_710] {strides = array<i32>} : memref<32x128xf32, #tpu.memory_space<vmem>>, vector<1x16xf32>,
    %swap3A_712 = vector.shape_cast %swap3A_711 : vector<1x16xf32> to vector<16xf32>
    %swap3A_713 = vector.shape_cast %broadcast_in_dim3A_192 : vector<16xf32> to vector<1x16xf32>
    tpu.vector_store %arg12[%swap3A_709, %swap3A_710], %swap3A_713 {strides = array<i32>} : memref<32x128xf32, #tpu.memory_space<vmem>>, vector<1x16xf32>,
    %swap3A_714 = arith.constant 10 : i32
    %swap3A_715 = arith.index_cast %swap3A_714 : i32 to index
    %swap3A_716 = arith.constant 112 : index
    %swap3A_717 = tpu.vector_load %arg12[%swap3A_715, %swap3A_716] {strides = array<i32>} : memref<32x128xf32, #tpu.memory_space<vmem>>, vector<1x16xf32>,
    %swap3A_718 = vector.shape_cast %swap3A_717 : vector<1x16xf32> to vector<16xf32>
    %swap3A_719 = vector.shape_cast %broadcast_in_dim3A_192 : vector<16xf32> to vector<1x16xf32>
    tpu.vector_store %arg12[%swap3A_715, %swap3A_716], %swap3A_719 {strides = array<i32>} : memref<32x128xf32, #tpu.memory_space<vmem>>, vector<1x16xf32>,
    %swap3A_720 = arith.constant 11 : i32
    %swap3A_721 = arith.index_cast %swap3A_720 : i32 to index
    %swap3A_722 = arith.constant 0 : index
    %swap3A_723 = tpu.vector_load %arg12[%swap3A_721, %swap3A_722] {strides = array<i32>} : memref<32x128xf32, #tpu.memory_space<vmem>>, vector<1x16xf32>,
    %swap3A_724 = vector.shape_cast %swap3A_723 : vector<1x16xf32> to vector<16xf32>
    %swap3A_725 = vector.shape_cast %broadcast_in_dim3A_192 : vector<16xf32> to vector<1x16xf32>
    tpu.vector_store %arg12[%swap3A_721, %swap3A_722], %swap3A_725 {strides = array<i32>} : memref<32x128xf32, #tpu.memory_space<vmem>>, vector<1x16xf32>,
    %swap3A_726 = arith.constant 11 : i32
    %swap3A_727 = arith.index_cast %swap3A_726 : i32 to index
    %swap3A_728 = arith.constant 16 : index
    %swap3A_729 = tpu.vector_load %arg12[%swap3A_727, %swap3A_728] {strides = array<i32>} : memref<32x128xf32, #tpu.memory_space<vmem>>, vector<1x16xf32>,
    %swap3A_730 = vector.shape_cast %swap3A_729 : vector<1x16xf32> to vector<16xf32>
    %swap3A_731 = vector.shape_cast %broadcast_in_dim3A_192 : vector<16xf32> to vector<1x16xf32>
    tpu.vector_store %arg12[%swap3A_727, %swap3A_728], %swap3A_731 {strides = array<i32>} : memref<32x128xf32, #tpu.memory_space<vmem>>, vector<1x16xf32>,
    %swap3A_732 = arith.constant 11 : i32
    %swap3A_733 = arith.index_cast %swap3A_732 : i32 to index
    %swap3A_734 = arith.constant 32 : index
    %swap3A_735 = tpu.vector_load %arg12[%swap3A_733, %swap3A_734] {strides = array<i32>} : memref<32x128xf32, #tpu.memory_space<vmem>>, vector<1x16xf32>,
    %swap3A_736 = vector.shape_cast %swap3A_735 : vector<1x16xf32> to vector<16xf32>
    %swap3A_737 = vector.shape_cast %broadcast_in_dim3A_192 : vector<16xf32> to vector<1x16xf32>
    tpu.vector_store %arg12[%swap3A_733, %swap3A_734], %swap3A_737 {strides = array<i32>} : memref<32x128xf32, #tpu.memory_space<vmem>>, vector<1x16xf32>,
    %swap3A_738 = arith.constant 11 : i32
    %swap3A_739 = arith.index_cast %swap3A_738 : i32 to index
    %swap3A_740 = arith.constant 48 : index
    %swap3A_741 = tpu.vector_load %arg12[%swap3A_739, %swap3A_740] {strides = array<i32>} : memref<32x128xf32, #tpu.memory_space<vmem>>, vector<1x16xf32>,
    %swap3A_742 = vector.shape_cast %swap3A_741 : vector<1x16xf32> to vector<16xf32>
    %swap3A_743 = vector.shape_cast %broadcast_in_dim3A_192 : vector<16xf32> to vector<1x16xf32>
    tpu.vector_store %arg12[%swap3A_739, %swap3A_740], %swap3A_743 {strides = array<i32>} : memref<32x128xf32, #tpu.memory_space<vmem>>, vector<1x16xf32>,
    %swap3A_744 = arith.constant 11 : i32
    %swap3A_745 = arith.index_cast %swap3A_744 : i32 to index
    %swap3A_746 = arith.constant 64 : index
    %swap3A_747 = tpu.vector_load %arg12[%swap3A_745, %swap3A_746] {strides = array<i32>} : memref<32x128xf32, #tpu.memory_space<vmem>>, vector<1x16xf32>,
    %swap3A_748 = vector.shape_cast %swap3A_747 : vector<1x16xf32> to vector<16xf32>
    %swap3A_749 = vector.shape_cast %broadcast_in_dim3A_192 : vector<16xf32> to vector<1x16xf32>
    tpu.vector_store %arg12[%swap3A_745, %swap3A_746], %swap3A_749 {strides = array<i32>} : memref<32x128xf32, #tpu.memory_space<vmem>>, vector<1x16xf32>,
    %swap3A_750 = arith.constant 11 : i32
    %swap3A_751 = arith.index_cast %swap3A_750 : i32 to index
    %swap3A_752 = arith.constant 80 : index
    %swap3A_753 = tpu.vector_load %arg12[%swap3A_751, %swap3A_752] {strides = array<i32>} : memref<32x128xf32, #tpu.memory_space<vmem>>, vector<1x16xf32>,
    %swap3A_754 = vector.shape_cast %swap3A_753 : vector<1x16xf32> to vector<16xf32>
    %swap3A_755 = vector.shape_cast %broadcast_in_dim3A_192 : vector<16xf32> to vector<1x16xf32>
    tpu.vector_store %arg12[%swap3A_751, %swap3A_752], %swap3A_755 {strides = array<i32>} : memref<32x128xf32, #tpu.memory_space<vmem>>, vector<1x16xf32>,
    %swap3A_756 = arith.constant 11 : i32
    %swap3A_757 = arith.index_cast %swap3A_756 : i32 to index
    %swap3A_758 = arith.constant 96 : index
    %swap3A_759 = tpu.vector_load %arg12[%swap3A_757, %swap3A_758] {strides = array<i32>} : memref<32x128xf32, #tpu.memory_space<vmem>>, vector<1x16xf32>,
    %swap3A_760 = vector.shape_cast %swap3A_759 : vector<1x16xf32> to vector<16xf32>
    %swap3A_761 = vector.shape_cast %broadcast_in_dim3A_192 : vector<16xf32> to vector<1x16xf32>
    tpu.vector_store %arg12[%swap3A_757, %swap3A_758], %swap3A_761 {strides = array<i32>} : memref<32x128xf32, #tpu.memory_space<vmem>>, vector<1x16xf32>,
    %swap3A_762 = arith.constant 11 : i32
    %swap3A_763 = arith.index_cast %swap3A_762 : i32 to index
    %swap3A_764 = arith.constant 112 : index
    %swap3A_765 = tpu.vector_load %arg12[%swap3A_763, %swap3A_764] {strides = array<i32>} : memref<32x128xf32, #tpu.memory_space<vmem>>, vector<1x16xf32>,
    %swap3A_766 = vector.shape_cast %swap3A_765 : vector<1x16xf32> to vector<16xf32>
    %swap3A_767 = vector.shape_cast %broadcast_in_dim3A_192 : vector<16xf32> to vector<1x16xf32>
    tpu.vector_store %arg12[%swap3A_763, %swap3A_764], %swap3A_767 {strides = array<i32>} : memref<32x128xf32, #tpu.memory_space<vmem>>, vector<1x16xf32>,
    %swap3A_768 = arith.constant 12 : i32
    %swap3A_769 = arith.index_cast %swap3A_768 : i32 to index
    %swap3A_770 = arith.constant 0 : index
    %swap3A_771 = tpu.vector_load %arg12[%swap3A_769, %swap3A_770] {strides = array<i32>} : memref<32x128xf32, #tpu.memory_space<vmem>>, vector<1x16xf32>,
    %swap3A_772 = vector.shape_cast %swap3A_771 : vector<1x16xf32> to vector<16xf32>
    %swap3A_773 = vector.shape_cast %broadcast_in_dim3A_192 : vector<16xf32> to vector<1x16xf32>
    tpu.vector_store %arg12[%swap3A_769, %swap3A_770], %swap3A_773 {strides = array<i32>} : memref<32x128xf32, #tpu.memory_space<vmem>>, vector<1x16xf32>,
    %swap3A_774 = arith.constant 12 : i32
    %swap3A_775 = arith.index_cast %swap3A_774 : i32 to index
    %swap3A_776 = arith.constant 16 : index
    %swap3A_777 = tpu.vector_load %arg12[%swap3A_775, %swap3A_776] {strides = array<i32>} : memref<32x128xf32, #tpu.memory_space<vmem>>, vector<1x16xf32>,
    %swap3A_778 = vector.shape_cast %swap3A_777 : vector<1x16xf32> to vector<16xf32>
    %swap3A_779 = vector.shape_cast %broadcast_in_dim3A_192 : vector<16xf32> to vector<1x16xf32>
    tpu.vector_store %arg12[%swap3A_775, %swap3A_776], %swap3A_779 {strides = array<i32>} : memref<32x128xf32, #tpu.memory_space<vmem>>, vector<1x16xf32>,
    %swap3A_780 = arith.constant 12 : i32
    %swap3A_781 = arith.index_cast %swap3A_780 : i32 to index
    %swap3A_782 = arith.constant 32 : index
    %swap3A_783 = tpu.vector_load %arg12[%swap3A_781, %swap3A_782] {strides = array<i32>} : memref<32x128xf32, #tpu.memory_space<vmem>>, vector<1x16xf32>,
    %swap3A_784 = vector.shape_cast %swap3A_783 : vector<1x16xf32> to vector<16xf32>
    %swap3A_785 = vector.shape_cast %broadcast_in_dim3A_192 : vector<16xf32> to vector<1x16xf32>
    tpu.vector_store %arg12[%swap3A_781, %swap3A_782], %swap3A_785 {strides = array<i32>} : memref<32x128xf32, #tpu.memory_space<vmem>>, vector<1x16xf32>,
    %swap3A_786 = arith.constant 12 : i32
    %swap3A_787 = arith.index_cast %swap3A_786 : i32 to index
    %swap3A_788 = arith.constant 48 : index
    %swap3A_789 = tpu.vector_load %arg12[%swap3A_787, %swap3A_788] {strides = array<i32>} : memref<32x128xf32, #tpu.memory_space<vmem>>, vector<1x16xf32>,
    %swap3A_790 = vector.shape_cast %swap3A_789 : vector<1x16xf32> to vector<16xf32>
    %swap3A_791 = vector.shape_cast %broadcast_in_dim3A_192 : vector<16xf32> to vector<1x16xf32>
    tpu.vector_store %arg12[%swap3A_787, %swap3A_788], %swap3A_791 {strides = array<i32>} : memref<32x128xf32, #tpu.memory_space<vmem>>, vector<1x16xf32>,
    %swap3A_792 = arith.constant 12 : i32
    %swap3A_793 = arith.index_cast %swap3A_792 : i32 to index
    %swap3A_794 = arith.constant 64 : index
    %swap3A_795 = tpu.vector_load %arg12[%swap3A_793, %swap3A_794] {strides = array<i32>} : memref<32x128xf32, #tpu.memory_space<vmem>>, vector<1x16xf32>,
    %swap3A_796 = vector.shape_cast %swap3A_795 : vector<1x16xf32> to vector<16xf32>
    %swap3A_797 = vector.shape_cast %broadcast_in_dim3A_192 : vector<16xf32> to vector<1x16xf32>
    tpu.vector_store %arg12[%swap3A_793, %swap3A_794], %swap3A_797 {strides = array<i32>} : memref<32x128xf32, #tpu.memory_space<vmem>>, vector<1x16xf32>,
    %swap3A_798 = arith.constant 12 : i32
    %swap3A_799 = arith.index_cast %swap3A_798 : i32 to index
    %swap3A_800 = arith.constant 80 : index
    %swap3A_801 = tpu.vector_load %arg12[%swap3A_799, %swap3A_800] {strides = array<i32>} : memref<32x128xf32, #tpu.memory_space<vmem>>, vector<1x16xf32>,
    %swap3A_802 = vector.shape_cast %swap3A_801 : vector<1x16xf32> to vector<16xf32>
    %swap3A_803 = vector.shape_cast %broadcast_in_dim3A_192 : vector<16xf32> to vector<1x16xf32>
    tpu.vector_store %arg12[%swap3A_799, %swap3A_800], %swap3A_803 {strides = array<i32>} : memref<32x128xf32, #tpu.memory_space<vmem>>, vector<1x16xf32>,
    %swap3A_804 = arith.constant 12 : i32
    %swap3A_805 = arith.index_cast %swap3A_804 : i32 to index
    %swap3A_806 = arith.constant 96 : index
    %swap3A_807 = tpu.vector_load %arg12[%swap3A_805, %swap3A_806] {strides = array<i32>} : memref<32x128xf32, #tpu.memory_space<vmem>>, vector<1x16xf32>,
    %swap3A_808 = vector.shape_cast %swap3A_807 : vector<1x16xf32> to vector<16xf32>
    %swap3A_809 = vector.shape_cast %broadcast_in_dim3A_192 : vector<16xf32> to vector<1x16xf32>
    tpu.vector_store %arg12[%swap3A_805, %swap3A_806], %swap3A_809 {strides = array<i32>} : memref<32x128xf32, #tpu.memory_space<vmem>>, vector<1x16xf32>,
    %swap3A_810 = arith.constant 12 : i32
    %swap3A_811 = arith.index_cast %swap3A_810 : i32 to index
    %swap3A_812 = arith.constant 112 : index
    %swap3A_813 = tpu.vector_load %arg12[%swap3A_811, %swap3A_812] {strides = array<i32>} : memref<32x128xf32, #tpu.memory_space<vmem>>, vector<1x16xf32>,
    %swap3A_814 = vector.shape_cast %swap3A_813 : vector<1x16xf32> to vector<16xf32>
    %swap3A_815 = vector.shape_cast %broadcast_in_dim3A_192 : vector<16xf32> to vector<1x16xf32>
    tpu.vector_store %arg12[%swap3A_811, %swap3A_812], %swap3A_815 {strides = array<i32>} : memref<32x128xf32, #tpu.memory_space<vmem>>, vector<1x16xf32>,
    %swap3A_816 = arith.constant 13 : i32
    %swap3A_817 = arith.index_cast %swap3A_816 : i32 to index
    %swap3A_818 = arith.constant 0 : index
    %swap3A_819 = tpu.vector_load %arg12[%swap3A_817, %swap3A_818] {strides = array<i32>} : memref<32x128xf32, #tpu.memory_space<vmem>>, vector<1x16xf32>,
    %swap3A_820 = vector.shape_cast %swap3A_819 : vector<1x16xf32> to vector<16xf32>
    %swap3A_821 = vector.shape_cast %broadcast_in_dim3A_192 : vector<16xf32> to vector<1x16xf32>
    tpu.vector_store %arg12[%swap3A_817, %swap3A_818], %swap3A_821 {strides = array<i32>} : memref<32x128xf32, #tpu.memory_space<vmem>>, vector<1x16xf32>,
    %swap3A_822 = arith.constant 13 : i32
    %swap3A_823 = arith.index_cast %swap3A_822 : i32 to index
    %swap3A_824 = arith.constant 16 : index
    %swap3A_825 = tpu.vector_load %arg12[%swap3A_823, %swap3A_824] {strides = array<i32>} : memref<32x128xf32, #tpu.memory_space<vmem>>, vector<1x16xf32>,
    %swap3A_826 = vector.shape_cast %swap3A_825 : vector<1x16xf32> to vector<16xf32>
    %swap3A_827 = vector.shape_cast %broadcast_in_dim3A_192 : vector<16xf32> to vector<1x16xf32>
    tpu.vector_store %arg12[%swap3A_823, %swap3A_824], %swap3A_827 {strides = array<i32>} : memref<32x128xf32, #tpu.memory_space<vmem>>, vector<1x16xf32>,
    %swap3A_828 = arith.constant 13 : i32
    %swap3A_829 = arith.index_cast %swap3A_828 : i32 to index
    %swap3A_830 = arith.constant 32 : index
    %swap3A_831 = tpu.vector_load %arg12[%swap3A_829, %swap3A_830] {strides = array<i32>} : memref<32x128xf32, #tpu.memory_space<vmem>>, vector<1x16xf32>,
    %swap3A_832 = vector.shape_cast %swap3A_831 : vector<1x16xf32> to vector<16xf32>
    %swap3A_833 = vector.shape_cast %broadcast_in_dim3A_192 : vector<16xf32> to vector<1x16xf32>
    tpu.vector_store %arg12[%swap3A_829, %swap3A_830], %swap3A_833 {strides = array<i32>} : memref<32x128xf32, #tpu.memory_space<vmem>>, vector<1x16xf32>,
    %swap3A_834 = arith.constant 13 : i32
    %swap3A_835 = arith.index_cast %swap3A_834 : i32 to index
    %swap3A_836 = arith.constant 48 : index
    %swap3A_837 = tpu.vector_load %arg12[%swap3A_835, %swap3A_836] {strides = array<i32>} : memref<32x128xf32, #tpu.memory_space<vmem>>, vector<1x16xf32>,
    %swap3A_838 = vector.shape_cast %swap3A_837 : vector<1x16xf32> to vector<16xf32>
    %swap3A_839 = vector.shape_cast %broadcast_in_dim3A_192 : vector<16xf32> to vector<1x16xf32>
    tpu.vector_store %arg12[%swap3A_835, %swap3A_836], %swap3A_839 {strides = array<i32>} : memref<32x128xf32, #tpu.memory_space<vmem>>, vector<1x16xf32>,
    %swap3A_840 = arith.constant 13 : i32
    %swap3A_841 = arith.index_cast %swap3A_840 : i32 to index
    %swap3A_842 = arith.constant 64 : index
    %swap3A_843 = tpu.vector_load %arg12[%swap3A_841, %swap3A_842] {strides = array<i32>} : memref<32x128xf32, #tpu.memory_space<vmem>>, vector<1x16xf32>,
    %swap3A_844 = vector.shape_cast %swap3A_843 : vector<1x16xf32> to vector<16xf32>
    %swap3A_845 = vector.shape_cast %broadcast_in_dim3A_192 : vector<16xf32> to vector<1x16xf32>
    tpu.vector_store %arg12[%swap3A_841, %swap3A_842], %swap3A_845 {strides = array<i32>} : memref<32x128xf32, #tpu.memory_space<vmem>>, vector<1x16xf32>,
    %swap3A_846 = arith.constant 13 : i32
    %swap3A_847 = arith.index_cast %swap3A_846 : i32 to index
    %swap3A_848 = arith.constant 80 : index
    %swap3A_849 = tpu.vector_load %arg12[%swap3A_847, %swap3A_848] {strides = array<i32>} : memref<32x128xf32, #tpu.memory_space<vmem>>, vector<1x16xf32>,
    %swap3A_850 = vector.shape_cast %swap3A_849 : vector<1x16xf32> to vector<16xf32>
    %swap3A_851 = vector.shape_cast %broadcast_in_dim3A_192 : vector<16xf32> to vector<1x16xf32>
    tpu.vector_store %arg12[%swap3A_847, %swap3A_848], %swap3A_851 {strides = array<i32>} : memref<32x128xf32, #tpu.memory_space<vmem>>, vector<1x16xf32>,
    %swap3A_852 = arith.constant 13 : i32
    %swap3A_853 = arith.index_cast %swap3A_852 : i32 to index
    %swap3A_854 = arith.constant 96 : index
    %swap3A_855 = tpu.vector_load %arg12[%swap3A_853, %swap3A_854] {strides = array<i32>} : memref<32x128xf32, #tpu.memory_space<vmem>>, vector<1x16xf32>,
    %swap3A_856 = vector.shape_cast %swap3A_855 : vector<1x16xf32> to vector<16xf32>
    %swap3A_857 = vector.shape_cast %broadcast_in_dim3A_192 : vector<16xf32> to vector<1x16xf32>
    tpu.vector_store %arg12[%swap3A_853, %swap3A_854], %swap3A_857 {strides = array<i32>} : memref<32x128xf32, #tpu.memory_space<vmem>>, vector<1x16xf32>,
    %swap3A_858 = arith.constant 13 : i32
    %swap3A_859 = arith.index_cast %swap3A_858 : i32 to index
    %swap3A_860 = arith.constant 112 : index
    %swap3A_861 = tpu.vector_load %arg12[%swap3A_859, %swap3A_860] {strides = array<i32>} : memref<32x128xf32, #tpu.memory_space<vmem>>, vector<1x16xf32>,
    %swap3A_862 = vector.shape_cast %swap3A_861 : vector<1x16xf32> to vector<16xf32>
    %swap3A_863 = vector.shape_cast %broadcast_in_dim3A_192 : vector<16xf32> to vector<1x16xf32>
    tpu.vector_store %arg12[%swap3A_859, %swap3A_860], %swap3A_863 {strides = array<i32>} : memref<32x128xf32, #tpu.memory_space<vmem>>, vector<1x16xf32>,
    %swap3A_864 = arith.constant 14 : i32
    %swap3A_865 = arith.index_cast %swap3A_864 : i32 to index
    %swap3A_866 = arith.constant 0 : index
    %swap3A_867 = tpu.vector_load %arg12[%swap3A_865, %swap3A_866] {strides = array<i32>} : memref<32x128xf32, #tpu.memory_space<vmem>>, vector<1x16xf32>,
    %swap3A_868 = vector.shape_cast %swap3A_867 : vector<1x16xf32> to vector<16xf32>
    %swap3A_869 = vector.shape_cast %broadcast_in_dim3A_192 : vector<16xf32> to vector<1x16xf32>
    tpu.vector_store %arg12[%swap3A_865, %swap3A_866], %swap3A_869 {strides = array<i32>} : memref<32x128xf32, #tpu.memory_space<vmem>>, vector<1x16xf32>,
    %swap3A_870 = arith.constant 14 : i32
    %swap3A_871 = arith.index_cast %swap3A_870 : i32 to index
    %swap3A_872 = arith.constant 16 : index
    %swap3A_873 = tpu.vector_load %arg12[%swap3A_871, %swap3A_872] {strides = array<i32>} : memref<32x128xf32, #tpu.memory_space<vmem>>, vector<1x16xf32>,
    %swap3A_874 = vector.shape_cast %swap3A_873 : vector<1x16xf32> to vector<16xf32>
    %swap3A_875 = vector.shape_cast %broadcast_in_dim3A_192 : vector<16xf32> to vector<1x16xf32>
    tpu.vector_store %arg12[%swap3A_871, %swap3A_872], %swap3A_875 {strides = array<i32>} : memref<32x128xf32, #tpu.memory_space<vmem>>, vector<1x16xf32>,
    %swap3A_876 = arith.constant 14 : i32
    %swap3A_877 = arith.index_cast %swap3A_876 : i32 to index
    %swap3A_878 = arith.constant 32 : index
    %swap3A_879 = tpu.vector_load %arg12[%swap3A_877, %swap3A_878] {strides = array<i32>} : memref<32x128xf32, #tpu.memory_space<vmem>>, vector<1x16xf32>,
    %swap3A_880 = vector.shape_cast %swap3A_879 : vector<1x16xf32> to vector<16xf32>
    %swap3A_881 = vector.shape_cast %broadcast_in_dim3A_192 : vector<16xf32> to vector<1x16xf32>
    tpu.vector_store %arg12[%swap3A_877, %swap3A_878], %swap3A_881 {strides = array<i32>} : memref<32x128xf32, #tpu.memory_space<vmem>>, vector<1x16xf32>,
    %swap3A_882 = arith.constant 14 : i32
    %swap3A_883 = arith.index_cast %swap3A_882 : i32 to index
    %swap3A_884 = arith.constant 48 : index
    %swap3A_885 = tpu.vector_load %arg12[%swap3A_883, %swap3A_884] {strides = array<i32>} : memref<32x128xf32, #tpu.memory_space<vmem>>, vector<1x16xf32>,
    %swap3A_886 = vector.shape_cast %swap3A_885 : vector<1x16xf32> to vector<16xf32>
    %swap3A_887 = vector.shape_cast %broadcast_in_dim3A_192 : vector<16xf32> to vector<1x16xf32>
    tpu.vector_store %arg12[%swap3A_883, %swap3A_884], %swap3A_887 {strides = array<i32>} : memref<32x128xf32, #tpu.memory_space<vmem>>, vector<1x16xf32>,
    %swap3A_888 = arith.constant 14 : i32
    %swap3A_889 = arith.index_cast %swap3A_888 : i32 to index
    %swap3A_890 = arith.constant 64 : index
    %swap3A_891 = tpu.vector_load %arg12[%swap3A_889, %swap3A_890] {strides = array<i32>} : memref<32x128xf32, #tpu.memory_space<vmem>>, vector<1x16xf32>,
    %swap3A_892 = vector.shape_cast %swap3A_891 : vector<1x16xf32> to vector<16xf32>
    %swap3A_893 = vector.shape_cast %broadcast_in_dim3A_192 : vector<16xf32> to vector<1x16xf32>
    tpu.vector_store %arg12[%swap3A_889, %swap3A_890], %swap3A_893 {strides = array<i32>} : memref<32x128xf32, #tpu.memory_space<vmem>>, vector<1x16xf32>,
    %swap3A_894 = arith.constant 14 : i32
    %swap3A_895 = arith.index_cast %swap3A_894 : i32 to index
    %swap3A_896 = arith.constant 80 : index
    %swap3A_897 = tpu.vector_load %arg12[%swap3A_895, %swap3A_896] {strides = array<i32>} : memref<32x128xf32, #tpu.memory_space<vmem>>, vector<1x16xf32>,
    %swap3A_898 = vector.shape_cast %swap3A_897 : vector<1x16xf32> to vector<16xf32>
    %swap3A_899 = vector.shape_cast %broadcast_in_dim3A_192 : vector<16xf32> to vector<1x16xf32>
    tpu.vector_store %arg12[%swap3A_895, %swap3A_896], %swap3A_899 {strides = array<i32>} : memref<32x128xf32, #tpu.memory_space<vmem>>, vector<1x16xf32>,
    %swap3A_900 = arith.constant 14 : i32
    %swap3A_901 = arith.index_cast %swap3A_900 : i32 to index
    %swap3A_902 = arith.constant 96 : index
    %swap3A_903 = tpu.vector_load %arg12[%swap3A_901, %swap3A_902] {strides = array<i32>} : memref<32x128xf32, #tpu.memory_space<vmem>>, vector<1x16xf32>,
    %swap3A_904 = vector.shape_cast %swap3A_903 : vector<1x16xf32> to vector<16xf32>
    %swap3A_905 = vector.shape_cast %broadcast_in_dim3A_192 : vector<16xf32> to vector<1x16xf32>
    tpu.vector_store %arg12[%swap3A_901, %swap3A_902], %swap3A_905 {strides = array<i32>} : memref<32x128xf32, #tpu.memory_space<vmem>>, vector<1x16xf32>,
    %swap3A_906 = arith.constant 14 : i32
    %swap3A_907 = arith.index_cast %swap3A_906 : i32 to index
    %swap3A_908 = arith.constant 112 : index
    %swap3A_909 = tpu.vector_load %arg12[%swap3A_907, %swap3A_908] {strides = array<i32>} : memref<32x128xf32, #tpu.memory_space<vmem>>, vector<1x16xf32>,
    %swap3A_910 = vector.shape_cast %swap3A_909 : vector<1x16xf32> to vector<16xf32>
    %swap3A_911 = vector.shape_cast %broadcast_in_dim3A_192 : vector<16xf32> to vector<1x16xf32>
    tpu.vector_store %arg12[%swap3A_907, %swap3A_908], %swap3A_911 {strides = array<i32>} : memref<32x128xf32, #tpu.memory_space<vmem>>, vector<1x16xf32>,
    %swap3A_912 = arith.constant 15 : i32
    %swap3A_913 = arith.index_cast %swap3A_912 : i32 to index
    %swap3A_914 = arith.constant 0 : index
    %swap3A_915 = tpu.vector_load %arg12[%swap3A_913, %swap3A_914] {strides = array<i32>} : memref<32x128xf32, #tpu.memory_space<vmem>>, vector<1x16xf32>,
    %swap3A_916 = vector.shape_cast %swap3A_915 : vector<1x16xf32> to vector<16xf32>
    %swap3A_917 = vector.shape_cast %broadcast_in_dim3A_192 : vector<16xf32> to vector<1x16xf32>
    tpu.vector_store %arg12[%swap3A_913, %swap3A_914], %swap3A_917 {strides = array<i32>} : memref<32x128xf32, #tpu.memory_space<vmem>>, vector<1x16xf32>,
    %swap3A_918 = arith.constant 15 : i32
    %swap3A_919 = arith.index_cast %swap3A_918 : i32 to index
    %swap3A_920 = arith.constant 16 : index
    %swap3A_921 = tpu.vector_load %arg12[%swap3A_919, %swap3A_920] {strides = array<i32>} : memref<32x128xf32, #tpu.memory_space<vmem>>, vector<1x16xf32>,
    %swap3A_922 = vector.shape_cast %swap3A_921 : vector<1x16xf32> to vector<16xf32>
    %swap3A_923 = vector.shape_cast %broadcast_in_dim3A_192 : vector<16xf32> to vector<1x16xf32>
    tpu.vector_store %arg12[%swap3A_919, %swap3A_920], %swap3A_923 {strides = array<i32>} : memref<32x128xf32, #tpu.memory_space<vmem>>, vector<1x16xf32>,
    %swap3A_924 = arith.constant 15 : i32
    %swap3A_925 = arith.index_cast %swap3A_924 : i32 to index
    %swap3A_926 = arith.constant 32 : index
    %swap3A_927 = tpu.vector_load %arg12[%swap3A_925, %swap3A_926] {strides = array<i32>} : memref<32x128xf32, #tpu.memory_space<vmem>>, vector<1x16xf32>,
    %swap3A_928 = vector.shape_cast %swap3A_927 : vector<1x16xf32> to vector<16xf32>
    %swap3A_929 = vector.shape_cast %broadcast_in_dim3A_192 : vector<16xf32> to vector<1x16xf32>
    tpu.vector_store %arg12[%swap3A_925, %swap3A_926], %swap3A_929 {strides = array<i32>} : memref<32x128xf32, #tpu.memory_space<vmem>>, vector<1x16xf32>,
    %swap3A_930 = arith.constant 15 : i32
    %swap3A_931 = arith.index_cast %swap3A_930 : i32 to index
    %swap3A_932 = arith.constant 48 : index
    %swap3A_933 = tpu.vector_load %arg12[%swap3A_931, %swap3A_932] {strides = array<i32>} : memref<32x128xf32, #tpu.memory_space<vmem>>, vector<1x16xf32>,
    %swap3A_934 = vector.shape_cast %swap3A_933 : vector<1x16xf32> to vector<16xf32>
    %swap3A_935 = vector.shape_cast %broadcast_in_dim3A_192 : vector<16xf32> to vector<1x16xf32>
    tpu.vector_store %arg12[%swap3A_931, %swap3A_932], %swap3A_935 {strides = array<i32>} : memref<32x128xf32, #tpu.memory_space<vmem>>, vector<1x16xf32>,
    %swap3A_936 = arith.constant 15 : i32
    %swap3A_937 = arith.index_cast %swap3A_936 : i32 to index
    %swap3A_938 = arith.constant 64 : index
    %swap3A_939 = tpu.vector_load %arg12[%swap3A_937, %swap3A_938] {strides = array<i32>} : memref<32x128xf32, #tpu.memory_space<vmem>>, vector<1x16xf32>,
    %swap3A_940 = vector.shape_cast %swap3A_939 : vector<1x16xf32> to vector<16xf32>
    %swap3A_941 = vector.shape_cast %broadcast_in_dim3A_192 : vector<16xf32> to vector<1x16xf32>
    tpu.vector_store %arg12[%swap3A_937, %swap3A_938], %swap3A_941 {strides = array<i32>} : memref<32x128xf32, #tpu.memory_space<vmem>>, vector<1x16xf32>,
    %swap3A_942 = arith.constant 15 : i32
    %swap3A_943 = arith.index_cast %swap3A_942 : i32 to index
    %swap3A_944 = arith.constant 80 : index
    %swap3A_945 = tpu.vector_load %arg12[%swap3A_943, %swap3A_944] {strides = array<i32>} : memref<32x128xf32, #tpu.memory_space<vmem>>, vector<1x16xf32>,
    %swap3A_946 = vector.shape_cast %swap3A_945 : vector<1x16xf32> to vector<16xf32>
    %swap3A_947 = vector.shape_cast %broadcast_in_dim3A_192 : vector<16xf32> to vector<1x16xf32>
    tpu.vector_store %arg12[%swap3A_943, %swap3A_944], %swap3A_947 {strides = array<i32>} : memref<32x128xf32, #tpu.memory_space<vmem>>, vector<1x16xf32>,
    %swap3A_948 = arith.constant 15 : i32
    %swap3A_949 = arith.index_cast %swap3A_948 : i32 to index
    %swap3A_950 = arith.constant 96 : index
    %swap3A_951 = tpu.vector_load %arg12[%swap3A_949, %swap3A_950] {strides = array<i32>} : memref<32x128xf32, #tpu.memory_space<vmem>>, vector<1x16xf32>,
    %swap3A_952 = vector.shape_cast %swap3A_951 : vector<1x16xf32> to vector<16xf32>
    %swap3A_953 = vector.shape_cast %broadcast_in_dim3A_192 : vector<16xf32> to vector<1x16xf32>
    tpu.vector_store %arg12[%swap3A_949, %swap3A_950], %swap3A_953 {strides = array<i32>} : memref<32x128xf32, #tpu.memory_space<vmem>>, vector<1x16xf32>,
    %swap3A_954 = arith.constant 15 : i32
    %swap3A_955 = arith.index_cast %swap3A_954 : i32 to index
    %swap3A_956 = arith.constant 112 : index
    %swap3A_957 = tpu.vector_load %arg12[%swap3A_955, %swap3A_956] {strides = array<i32>} : memref<32x128xf32, #tpu.memory_space<vmem>>, vector<1x16xf32>,
    %swap3A_958 = vector.shape_cast %swap3A_957 : vector<1x16xf32> to vector<16xf32>
    %swap3A_959 = vector.shape_cast %broadcast_in_dim3A_192 : vector<16xf32> to vector<1x16xf32>
    tpu.vector_store %arg12[%swap3A_955, %swap3A_956], %swap3A_959 {strides = array<i32>} : memref<32x128xf32, #tpu.memory_space<vmem>>, vector<1x16xf32>,
    %swap3A_960 = arith.constant 16 : i32
    %swap3A_961 = arith.index_cast %swap3A_960 : i32 to index
    %swap3A_962 = arith.constant 0 : index
    %swap3A_963 = tpu.vector_load %arg12[%swap3A_961, %swap3A_962] {strides = array<i32>} : memref<32x128xf32, #tpu.memory_space<vmem>>, vector<1x16xf32>,
    %swap3A_964 = vector.shape_cast %swap3A_963 : vector<1x16xf32> to vector<16xf32>
    %swap3A_965 = vector.shape_cast %broadcast_in_dim3A_192 : vector<16xf32> to vector<1x16xf32>
    tpu.vector_store %arg12[%swap3A_961, %swap3A_962], %swap3A_965 {strides = array<i32>} : memref<32x128xf32, #tpu.memory_space<vmem>>, vector<1x16xf32>,
    %swap3A_966 = arith.constant 16 : i32
    %swap3A_967 = arith.index_cast %swap3A_966 : i32 to index
    %swap3A_968 = arith.constant 16 : index
    %swap3A_969 = tpu.vector_load %arg12[%swap3A_967, %swap3A_968] {strides = array<i32>} : memref<32x128xf32, #tpu.memory_space<vmem>>, vector<1x16xf32>,
    %swap3A_970 = vector.shape_cast %swap3A_969 : vector<1x16xf32> to vector<16xf32>
    %swap3A_971 = vector.shape_cast %broadcast_in_dim3A_192 : vector<16xf32> to vector<1x16xf32>
    tpu.vector_store %arg12[%swap3A_967, %swap3A_968], %swap3A_971 {strides = array<i32>} : memref<32x128xf32, #tpu.memory_space<vmem>>, vector<1x16xf32>,
    %swap3A_972 = arith.constant 16 : i32
    %swap3A_973 = arith.index_cast %swap3A_972 : i32 to index
    %swap3A_974 = arith.constant 32 : index
    %swap3A_975 = tpu.vector_load %arg12[%swap3A_973, %swap3A_974] {strides = array<i32>} : memref<32x128xf32, #tpu.memory_space<vmem>>, vector<1x16xf32>,
    %swap3A_976 = vector.shape_cast %swap3A_975 : vector<1x16xf32> to vector<16xf32>
    %swap3A_977 = vector.shape_cast %broadcast_in_dim3A_192 : vector<16xf32> to vector<1x16xf32>
    tpu.vector_store %arg12[%swap3A_973, %swap3A_974], %swap3A_977 {strides = array<i32>} : memref<32x128xf32, #tpu.memory_space<vmem>>, vector<1x16xf32>,
    %swap3A_978 = arith.constant 16 : i32
    %swap3A_979 = arith.index_cast %swap3A_978 : i32 to index
    %swap3A_980 = arith.constant 48 : index
    %swap3A_981 = tpu.vector_load %arg12[%swap3A_979, %swap3A_980] {strides = array<i32>} : memref<32x128xf32, #tpu.memory_space<vmem>>, vector<1x16xf32>,
    %swap3A_982 = vector.shape_cast %swap3A_981 : vector<1x16xf32> to vector<16xf32>
    %swap3A_983 = vector.shape_cast %broadcast_in_dim3A_192 : vector<16xf32> to vector<1x16xf32>
    tpu.vector_store %arg12[%swap3A_979, %swap3A_980], %swap3A_983 {strides = array<i32>} : memref<32x128xf32, #tpu.memory_space<vmem>>, vector<1x16xf32>,
    %swap3A_984 = arith.constant 16 : i32
    %swap3A_985 = arith.index_cast %swap3A_984 : i32 to index
    %swap3A_986 = arith.constant 64 : index
    %swap3A_987 = tpu.vector_load %arg12[%swap3A_985, %swap3A_986] {strides = array<i32>} : memref<32x128xf32, #tpu.memory_space<vmem>>, vector<1x16xf32>,
    %swap3A_988 = vector.shape_cast %swap3A_987 : vector<1x16xf32> to vector<16xf32>
    %swap3A_989 = vector.shape_cast %broadcast_in_dim3A_192 : vector<16xf32> to vector<1x16xf32>
    tpu.vector_store %arg12[%swap3A_985, %swap3A_986], %swap3A_989 {strides = array<i32>} : memref<32x128xf32, #tpu.memory_space<vmem>>, vector<1x16xf32>,
    %swap3A_990 = arith.constant 16 : i32
    %swap3A_991 = arith.index_cast %swap3A_990 : i32 to index
    %swap3A_992 = arith.constant 80 : index
    %swap3A_993 = tpu.vector_load %arg12[%swap3A_991, %swap3A_992] {strides = array<i32>} : memref<32x128xf32, #tpu.memory_space<vmem>>, vector<1x16xf32>,
    %swap3A_994 = vector.shape_cast %swap3A_993 : vector<1x16xf32> to vector<16xf32>
    %swap3A_995 = vector.shape_cast %broadcast_in_dim3A_192 : vector<16xf32> to vector<1x16xf32>
    tpu.vector_store %arg12[%swap3A_991, %swap3A_992], %swap3A_995 {strides = array<i32>} : memref<32x128xf32, #tpu.memory_space<vmem>>, vector<1x16xf32>,
    %swap3A_996 = arith.constant 16 : i32
    %swap3A_997 = arith.index_cast %swap3A_996 : i32 to index
    %swap3A_998 = arith.constant 96 : index
    %swap3A_999 = tpu.vector_load %arg12[%swap3A_997, %swap3A_998] {strides = array<i32>} : memref<32x128xf32, #tpu.memory_space<vmem>>, vector<1x16xf32>,
    %swap3A_1000 = vector.shape_cast %swap3A_999 : vector<1x16xf32> to vector<16xf32>
    %swap3A_1001 = vector.shape_cast %broadcast_in_dim3A_192 : vector<16xf32> to vector<1x16xf32>
    tpu.vector_store %arg12[%swap3A_997, %swap3A_998], %swap3A_1001 {strides = array<i32>} : memref<32x128xf32, #tpu.memory_space<vmem>>, vector<1x16xf32>,
    %swap3A_1002 = arith.constant 16 : i32
    %swap3A_1003 = arith.index_cast %swap3A_1002 : i32 to index
    %swap3A_1004 = arith.constant 112 : index
    %swap3A_1005 = tpu.vector_load %arg12[%swap3A_1003, %swap3A_1004] {strides = array<i32>} : memref<32x128xf32, #tpu.memory_space<vmem>>, vector<1x16xf32>,
    %swap3A_1006 = vector.shape_cast %swap3A_1005 : vector<1x16xf32> to vector<16xf32>
    %swap3A_1007 = vector.shape_cast %broadcast_in_dim3A_192 : vector<16xf32> to vector<1x16xf32>
    tpu.vector_store %arg12[%swap3A_1003, %swap3A_1004], %swap3A_1007 {strides = array<i32>} : memref<32x128xf32, #tpu.memory_space<vmem>>, vector<1x16xf32>,
    %swap3A_1008 = arith.constant 17 : i32
    %swap3A_1009 = arith.index_cast %swap3A_1008 : i32 to index
    %swap3A_1010 = arith.constant 0 : index
    %swap3A_1011 = tpu.vector_load %arg12[%swap3A_1009, %swap3A_1010] {strides = array<i32>} : memref<32x128xf32, #tpu.memory_space<vmem>>, vector<1x16xf32>,
    %swap3A_1012 = vector.shape_cast %swap3A_1011 : vector<1x16xf32> to vector<16xf32>
    %swap3A_1013 = vector.shape_cast %broadcast_in_dim3A_192 : vector<16xf32> to vector<1x16xf32>
    tpu.vector_store %arg12[%swap3A_1009, %swap3A_1010], %swap3A_1013 {strides = array<i32>} : memref<32x128xf32, #tpu.memory_space<vmem>>, vector<1x16xf32>,
    %swap3A_1014 = arith.constant 17 : i32
    %swap3A_1015 = arith.index_cast %swap3A_1014 : i32 to index
    %swap3A_1016 = arith.constant 16 : index
    %swap3A_1017 = tpu.vector_load %arg12[%swap3A_1015, %swap3A_1016] {strides = array<i32>} : memref<32x128xf32, #tpu.memory_space<vmem>>, vector<1x16xf32>,
    %swap3A_1018 = vector.shape_cast %swap3A_1017 : vector<1x16xf32> to vector<16xf32>
    %swap3A_1019 = vector.shape_cast %broadcast_in_dim3A_192 : vector<16xf32> to vector<1x16xf32>
    tpu.vector_store %arg12[%swap3A_1015, %swap3A_1016], %swap3A_1019 {strides = array<i32>} : memref<32x128xf32, #tpu.memory_space<vmem>>, vector<1x16xf32>,
    %swap3A_1020 = arith.constant 17 : i32
    %swap3A_1021 = arith.index_cast %swap3A_1020 : i32 to index
    %swap3A_1022 = arith.constant 32 : index
    %swap3A_1023 = tpu.vector_load %arg12[%swap3A_1021, %swap3A_1022] {strides = array<i32>} : memref<32x128xf32, #tpu.memory_space<vmem>>, vector<1x16xf32>,
    %swap3A_1024 = vector.shape_cast %swap3A_1023 : vector<1x16xf32> to vector<16xf32>
    %swap3A_1025 = vector.shape_cast %broadcast_in_dim3A_192 : vector<16xf32> to vector<1x16xf32>
    tpu.vector_store %arg12[%swap3A_1021, %swap3A_1022], %swap3A_1025 {strides = array<i32>} : memref<32x128xf32, #tpu.memory_space<vmem>>, vector<1x16xf32>,
    %swap3A_1026 = arith.constant 17 : i32
    %swap3A_1027 = arith.index_cast %swap3A_1026 : i32 to index
    %swap3A_1028 = arith.constant 48 : index
    %swap3A_1029 = tpu.vector_load %arg12[%swap3A_1027, %swap3A_1028] {strides = array<i32>} : memref<32x128xf32, #tpu.memory_space<vmem>>, vector<1x16xf32>,
    %swap3A_1030 = vector.shape_cast %swap3A_1029 : vector<1x16xf32> to vector<16xf32>
    %swap3A_1031 = vector.shape_cast %broadcast_in_dim3A_192 : vector<16xf32> to vector<1x16xf32>
    tpu.vector_store %arg12[%swap3A_1027, %swap3A_1028], %swap3A_1031 {strides = array<i32>} : memref<32x128xf32, #tpu.memory_space<vmem>>, vector<1x16xf32>,
    %swap3A_1032 = arith.constant 17 : i32
    %swap3A_1033 = arith.index_cast %swap3A_1032 : i32 to index
    %swap3A_1034 = arith.constant 64 : index
    %swap3A_1035 = tpu.vector_load %arg12[%swap3A_1033, %swap3A_1034] {strides = array<i32>} : memref<32x128xf32, #tpu.memory_space<vmem>>, vector<1x16xf32>,
    %swap3A_1036 = vector.shape_cast %swap3A_1035 : vector<1x16xf32> to vector<16xf32>
    %swap3A_1037 = vector.shape_cast %broadcast_in_dim3A_192 : vector<16xf32> to vector<1x16xf32>
    tpu.vector_store %arg12[%swap3A_1033, %swap3A_1034], %swap3A_1037 {strides = array<i32>} : memref<32x128xf32, #tpu.memory_space<vmem>>, vector<1x16xf32>,
    %swap3A_1038 = arith.constant 17 : i32
    %swap3A_1039 = arith.index_cast %swap3A_1038 : i32 to index
    %swap3A_1040 = arith.constant 80 : index
    %swap3A_1041 = tpu.vector_load %arg12[%swap3A_1039, %swap3A_1040] {strides = array<i32>} : memref<32x128xf32, #tpu.memory_space<vmem>>, vector<1x16xf32>,
    %swap3A_1042 = vector.shape_cast %swap3A_1041 : vector<1x16xf32> to vector<16xf32>
    %swap3A_1043 = vector.shape_cast %broadcast_in_dim3A_192 : vector<16xf32> to vector<1x16xf32>
    tpu.vector_store %arg12[%swap3A_1039, %swap3A_1040], %swap3A_1043 {strides = array<i32>} : memref<32x128xf32, #tpu.memory_space<vmem>>, vector<1x16xf32>,
    %swap3A_1044 = arith.constant 17 : i32
    %swap3A_1045 = arith.index_cast %swap3A_1044 : i32 to index
    %swap3A_1046 = arith.constant 96 : index
    %swap3A_1047 = tpu.vector_load %arg12[%swap3A_1045, %swap3A_1046] {strides = array<i32>} : memref<32x128xf32, #tpu.memory_space<vmem>>, vector<1x16xf32>,
    %swap3A_1048 = vector.shape_cast %swap3A_1047 : vector<1x16xf32> to vector<16xf32>
    %swap3A_1049 = vector.shape_cast %broadcast_in_dim3A_192 : vector<16xf32> to vector<1x16xf32>
    tpu.vector_store %arg12[%swap3A_1045, %swap3A_1046], %swap3A_1049 {strides = array<i32>} : memref<32x128xf32, #tpu.memory_space<vmem>>, vector<1x16xf32>,
    %swap3A_1050 = arith.constant 17 : i32
    %swap3A_1051 = arith.index_cast %swap3A_1050 : i32 to index
    %swap3A_1052 = arith.constant 112 : index
    %swap3A_1053 = tpu.vector_load %arg12[%swap3A_1051, %swap3A_1052] {strides = array<i32>} : memref<32x128xf32, #tpu.memory_space<vmem>>, vector<1x16xf32>,
    %swap3A_1054 = vector.shape_cast %swap3A_1053 : vector<1x16xf32> to vector<16xf32>
    %swap3A_1055 = vector.shape_cast %broadcast_in_dim3A_192 : vector<16xf32> to vector<1x16xf32>
    tpu.vector_store %arg12[%swap3A_1051, %swap3A_1052], %swap3A_1055 {strides = array<i32>} : memref<32x128xf32, #tpu.memory_space<vmem>>, vector<1x16xf32>,
    %swap3A_1056 = arith.constant 18 : i32
    %swap3A_1057 = arith.index_cast %swap3A_1056 : i32 to index
    %swap3A_1058 = arith.constant 0 : index
    %swap3A_1059 = tpu.vector_load %arg12[%swap3A_1057, %swap3A_1058] {strides = array<i32>} : memref<32x128xf32, #tpu.memory_space<vmem>>, vector<1x16xf32>,
    %swap3A_1060 = vector.shape_cast %swap3A_1059 : vector<1x16xf32> to vector<16xf32>
    %swap3A_1061 = vector.shape_cast %broadcast_in_dim3A_192 : vector<16xf32> to vector<1x16xf32>
    tpu.vector_store %arg12[%swap3A_1057, %swap3A_1058], %swap3A_1061 {strides = array<i32>} : memref<32x128xf32, #tpu.memory_space<vmem>>, vector<1x16xf32>,
    %swap3A_1062 = arith.constant 18 : i32
    %swap3A_1063 = arith.index_cast %swap3A_1062 : i32 to index
    %swap3A_1064 = arith.constant 16 : index
    %swap3A_1065 = tpu.vector_load %arg12[%swap3A_1063, %swap3A_1064] {strides = array<i32>} : memref<32x128xf32, #tpu.memory_space<vmem>>, vector<1x16xf32>,
    %swap3A_1066 = vector.shape_cast %swap3A_1065 : vector<1x16xf32> to vector<16xf32>
    %swap3A_1067 = vector.shape_cast %broadcast_in_dim3A_192 : vector<16xf32> to vector<1x16xf32>
    tpu.vector_store %arg12[%swap3A_1063, %swap3A_1064], %swap3A_1067 {strides = array<i32>} : memref<32x128xf32, #tpu.memory_space<vmem>>, vector<1x16xf32>,
    %swap3A_1068 = arith.constant 18 : i32
    %swap3A_1069 = arith.index_cast %swap3A_1068 : i32 to index
    %swap3A_1070 = arith.constant 32 : index
    %swap3A_1071 = tpu.vector_load %arg12[%swap3A_1069, %swap3A_1070] {strides = array<i32>} : memref<32x128xf32, #tpu.memory_space<vmem>>, vector<1x16xf32>,
    %swap3A_1072 = vector.shape_cast %swap3A_1071 : vector<1x16xf32> to vector<16xf32>
    %swap3A_1073 = vector.shape_cast %broadcast_in_dim3A_192 : vector<16xf32> to vector<1x16xf32>
    tpu.vector_store %arg12[%swap3A_1069, %swap3A_1070], %swap3A_1073 {strides = array<i32>} : memref<32x128xf32, #tpu.memory_space<vmem>>, vector<1x16xf32>,
    %swap3A_1074 = arith.constant 18 : i32
    %swap3A_1075 = arith.index_cast %swap3A_1074 : i32 to index
    %swap3A_1076 = arith.constant 48 : index
    %swap3A_1077 = tpu.vector_load %arg12[%swap3A_1075, %swap3A_1076] {strides = array<i32>} : memref<32x128xf32, #tpu.memory_space<vmem>>, vector<1x16xf32>,
    %swap3A_1078 = vector.shape_cast %swap3A_1077 : vector<1x16xf32> to vector<16xf32>
    %swap3A_1079 = vector.shape_cast %broadcast_in_dim3A_192 : vector<16xf32> to vector<1x16xf32>
    tpu.vector_store %arg12[%swap3A_1075, %swap3A_1076], %swap3A_1079 {strides = array<i32>} : memref<32x128xf32, #tpu.memory_space<vmem>>, vector<1x16xf32>,
    %swap3A_1080 = arith.constant 18 : i32
    %swap3A_1081 = arith.index_cast %swap3A_1080 : i32 to index
    %swap3A_1082 = arith.constant 64 : index
    %swap3A_1083 = tpu.vector_load %arg12[%swap3A_1081, %swap3A_1082] {strides = array<i32>} : memref<32x128xf32, #tpu.memory_space<vmem>>, vector<1x16xf32>,
    %swap3A_1084 = vector.shape_cast %swap3A_1083 : vector<1x16xf32> to vector<16xf32>
    %swap3A_1085 = vector.shape_cast %broadcast_in_dim3A_192 : vector<16xf32> to vector<1x16xf32>
    tpu.vector_store %arg12[%swap3A_1081, %swap3A_1082], %swap3A_1085 {strides = array<i32>} : memref<32x128xf32, #tpu.memory_space<vmem>>, vector<1x16xf32>,
    %swap3A_1086 = arith.constant 18 : i32
    %swap3A_1087 = arith.index_cast %swap3A_1086 : i32 to index
    %swap3A_1088 = arith.constant 80 : index
    %swap3A_1089 = tpu.vector_load %arg12[%swap3A_1087, %swap3A_1088] {strides = array<i32>} : memref<32x128xf32, #tpu.memory_space<vmem>>, vector<1x16xf32>,
    %swap3A_1090 = vector.shape_cast %swap3A_1089 : vector<1x16xf32> to vector<16xf32>
    %swap3A_1091 = vector.shape_cast %broadcast_in_dim3A_192 : vector<16xf32> to vector<1x16xf32>
    tpu.vector_store %arg12[%swap3A_1087, %swap3A_1088], %swap3A_1091 {strides = array<i32>} : memref<32x128xf32, #tpu.memory_space<vmem>>, vector<1x16xf32>,
    %swap3A_1092 = arith.constant 18 : i32
    %swap3A_1093 = arith.index_cast %swap3A_1092 : i32 to index
    %swap3A_1094 = arith.constant 96 : index
    %swap3A_1095 = tpu.vector_load %arg12[%swap3A_1093, %swap3A_1094] {strides = array<i32>} : memref<32x128xf32, #tpu.memory_space<vmem>>, vector<1x16xf32>,
    %swap3A_1096 = vector.shape_cast %swap3A_1095 : vector<1x16xf32> to vector<16xf32>
    %swap3A_1097 = vector.shape_cast %broadcast_in_dim3A_192 : vector<16xf32> to vector<1x16xf32>
    tpu.vector_store %arg12[%swap3A_1093, %swap3A_1094], %swap3A_1097 {strides = array<i32>} : memref<32x128xf32, #tpu.memory_space<vmem>>, vector<1x16xf32>,
    %swap3A_1098 = arith.constant 18 : i32
    %swap3A_1099 = arith.index_cast %swap3A_1098 : i32 to index
    %swap3A_1100 = arith.constant 112 : index
    %swap3A_1101 = tpu.vector_load %arg12[%swap3A_1099, %swap3A_1100] {strides = array<i32>} : memref<32x128xf32, #tpu.memory_space<vmem>>, vector<1x16xf32>,
    %swap3A_1102 = vector.shape_cast %swap3A_1101 : vector<1x16xf32> to vector<16xf32>
    %swap3A_1103 = vector.shape_cast %broadcast_in_dim3A_192 : vector<16xf32> to vector<1x16xf32>
    tpu.vector_store %arg12[%swap3A_1099, %swap3A_1100], %swap3A_1103 {strides = array<i32>} : memref<32x128xf32, #tpu.memory_space<vmem>>, vector<1x16xf32>,
    %swap3A_1104 = arith.constant 19 : i32
    %swap3A_1105 = arith.index_cast %swap3A_1104 : i32 to index
    %swap3A_1106 = arith.constant 0 : index
    %swap3A_1107 = tpu.vector_load %arg12[%swap3A_1105, %swap3A_1106] {strides = array<i32>} : memref<32x128xf32, #tpu.memory_space<vmem>>, vector<1x16xf32>,
    %swap3A_1108 = vector.shape_cast %swap3A_1107 : vector<1x16xf32> to vector<16xf32>
    %swap3A_1109 = vector.shape_cast %broadcast_in_dim3A_192 : vector<16xf32> to vector<1x16xf32>
    tpu.vector_store %arg12[%swap3A_1105, %swap3A_1106], %swap3A_1109 {strides = array<i32>} : memref<32x128xf32, #tpu.memory_space<vmem>>, vector<1x16xf32>,
    %swap3A_1110 = arith.constant 19 : i32
    %swap3A_1111 = arith.index_cast %swap3A_1110 : i32 to index
    %swap3A_1112 = arith.constant 16 : index
    %swap3A_1113 = tpu.vector_load %arg12[%swap3A_1111, %swap3A_1112] {strides = array<i32>} : memref<32x128xf32, #tpu.memory_space<vmem>>, vector<1x16xf32>,
    %swap3A_1114 = vector.shape_cast %swap3A_1113 : vector<1x16xf32> to vector<16xf32>
    %swap3A_1115 = vector.shape_cast %broadcast_in_dim3A_192 : vector<16xf32> to vector<1x16xf32>
    tpu.vector_store %arg12[%swap3A_1111, %swap3A_1112], %swap3A_1115 {strides = array<i32>} : memref<32x128xf32, #tpu.memory_space<vmem>>, vector<1x16xf32>,
    %swap3A_1116 = arith.constant 19 : i32
    %swap3A_1117 = arith.index_cast %swap3A_1116 : i32 to index
    %swap3A_1118 = arith.constant 32 : index
    %swap3A_1119 = tpu.vector_load %arg12[%swap3A_1117, %swap3A_1118] {strides = array<i32>} : memref<32x128xf32, #tpu.memory_space<vmem>>, vector<1x16xf32>,
    %swap3A_1120 = vector.shape_cast %swap3A_1119 : vector<1x16xf32> to vector<16xf32>
    %swap3A_1121 = vector.shape_cast %broadcast_in_dim3A_192 : vector<16xf32> to vector<1x16xf32>
    tpu.vector_store %arg12[%swap3A_1117, %swap3A_1118], %swap3A_1121 {strides = array<i32>} : memref<32x128xf32, #tpu.memory_space<vmem>>, vector<1x16xf32>,
    %swap3A_1122 = arith.constant 19 : i32
    %swap3A_1123 = arith.index_cast %swap3A_1122 : i32 to index
    %swap3A_1124 = arith.constant 48 : index
    %swap3A_1125 = tpu.vector_load %arg12[%swap3A_1123, %swap3A_1124] {strides = array<i32>} : memref<32x128xf32, #tpu.memory_space<vmem>>, vector<1x16xf32>,
    %swap3A_1126 = vector.shape_cast %swap3A_1125 : vector<1x16xf32> to vector<16xf32>
    %swap3A_1127 = vector.shape_cast %broadcast_in_dim3A_192 : vector<16xf32> to vector<1x16xf32>
    tpu.vector_store %arg12[%swap3A_1123, %swap3A_1124], %swap3A_1127 {strides = array<i32>} : memref<32x128xf32, #tpu.memory_space<vmem>>, vector<1x16xf32>,
    %swap3A_1128 = arith.constant 19 : i32
    %swap3A_1129 = arith.index_cast %swap3A_1128 : i32 to index
    %swap3A_1130 = arith.constant 64 : index
    %swap3A_1131 = tpu.vector_load %arg12[%swap3A_1129, %swap3A_1130] {strides = array<i32>} : memref<32x128xf32, #tpu.memory_space<vmem>>, vector<1x16xf32>,
    %swap3A_1132 = vector.shape_cast %swap3A_1131 : vector<1x16xf32> to vector<16xf32>
    %swap3A_1133 = vector.shape_cast %broadcast_in_dim3A_192 : vector<16xf32> to vector<1x16xf32>
    tpu.vector_store %arg12[%swap3A_1129, %swap3A_1130], %swap3A_1133 {strides = array<i32>} : memref<32x128xf32, #tpu.memory_space<vmem>>, vector<1x16xf32>,
    %swap3A_1134 = arith.constant 19 : i32
    %swap3A_1135 = arith.index_cast %swap3A_1134 : i32 to index
    %swap3A_1136 = arith.constant 80 : index
    %swap3A_1137 = tpu.vector_load %arg12[%swap3A_1135, %swap3A_1136] {strides = array<i32>} : memref<32x128xf32, #tpu.memory_space<vmem>>, vector<1x16xf32>,
    %swap3A_1138 = vector.shape_cast %swap3A_1137 : vector<1x16xf32> to vector<16xf32>
    %swap3A_1139 = vector.shape_cast %broadcast_in_dim3A_192 : vector<16xf32> to vector<1x16xf32>
    tpu.vector_store %arg12[%swap3A_1135, %swap3A_1136], %swap3A_1139 {strides = array<i32>} : memref<32x128xf32, #tpu.memory_space<vmem>>, vector<1x16xf32>,
    %swap3A_1140 = arith.constant 19 : i32
    %swap3A_1141 = arith.index_cast %swap3A_1140 : i32 to index
    %swap3A_1142 = arith.constant 96 : index
    %swap3A_1143 = tpu.vector_load %arg12[%swap3A_1141, %swap3A_1142] {strides = array<i32>} : memref<32x128xf32, #tpu.memory_space<vmem>>, vector<1x16xf32>,
    %swap3A_1144 = vector.shape_cast %swap3A_1143 : vector<1x16xf32> to vector<16xf32>
    %swap3A_1145 = vector.shape_cast %broadcast_in_dim3A_192 : vector<16xf32> to vector<1x16xf32>
    tpu.vector_store %arg12[%swap3A_1141, %swap3A_1142], %swap3A_1145 {strides = array<i32>} : memref<32x128xf32, #tpu.memory_space<vmem>>, vector<1x16xf32>,
    %swap3A_1146 = arith.constant 19 : i32
    %swap3A_1147 = arith.index_cast %swap3A_1146 : i32 to index
    %swap3A_1148 = arith.constant 112 : index
    %swap3A_1149 = tpu.vector_load %arg12[%swap3A_1147, %swap3A_1148] {strides = array<i32>} : memref<32x128xf32, #tpu.memory_space<vmem>>, vector<1x16xf32>,
    %swap3A_1150 = vector.shape_cast %swap3A_1149 : vector<1x16xf32> to vector<16xf32>
    %swap3A_1151 = vector.shape_cast %broadcast_in_dim3A_192 : vector<16xf32> to vector<1x16xf32>
    tpu.vector_store %arg12[%swap3A_1147, %swap3A_1148], %swap3A_1151 {strides = array<i32>} : memref<32x128xf32, #tpu.memory_space<vmem>>, vector<1x16xf32>,
    %swap3A_1152 = arith.constant 20 : i32
    %swap3A_1153 = arith.index_cast %swap3A_1152 : i32 to index
    %swap3A_1154 = arith.constant 0 : index
    %swap3A_1155 = tpu.vector_load %arg12[%swap3A_1153, %swap3A_1154] {strides = array<i32>} : memref<32x128xf32, #tpu.memory_space<vmem>>, vector<1x16xf32>,
    %swap3A_1156 = vector.shape_cast %swap3A_1155 : vector<1x16xf32> to vector<16xf32>
    %swap3A_1157 = vector.shape_cast %broadcast_in_dim3A_192 : vector<16xf32> to vector<1x16xf32>
    tpu.vector_store %arg12[%swap3A_1153, %swap3A_1154], %swap3A_1157 {strides = array<i32>} : memref<32x128xf32, #tpu.memory_space<vmem>>, vector<1x16xf32>,
    %swap3A_1158 = arith.constant 20 : i32
    %swap3A_1159 = arith.index_cast %swap3A_1158 : i32 to index
    %swap3A_1160 = arith.constant 16 : index
    %swap3A_1161 = tpu.vector_load %arg12[%swap3A_1159, %swap3A_1160] {strides = array<i32>} : memref<32x128xf32, #tpu.memory_space<vmem>>, vector<1x16xf32>,
    %swap3A_1162 = vector.shape_cast %swap3A_1161 : vector<1x16xf32> to vector<16xf32>
    %swap3A_1163 = vector.shape_cast %broadcast_in_dim3A_192 : vector<16xf32> to vector<1x16xf32>
    tpu.vector_store %arg12[%swap3A_1159, %swap3A_1160], %swap3A_1163 {strides = array<i32>} : memref<32x128xf32, #tpu.memory_space<vmem>>, vector<1x16xf32>,
    %swap3A_1164 = arith.constant 20 : i32
    %swap3A_1165 = arith.index_cast %swap3A_1164 : i32 to index
    %swap3A_1166 = arith.constant 32 : index
    %swap3A_1167 = tpu.vector_load %arg12[%swap3A_1165, %swap3A_1166] {strides = array<i32>} : memref<32x128xf32, #tpu.memory_space<vmem>>, vector<1x16xf32>,
    %swap3A_1168 = vector.shape_cast %swap3A_1167 : vector<1x16xf32> to vector<16xf32>
    %swap3A_1169 = vector.shape_cast %broadcast_in_dim3A_192 : vector<16xf32> to vector<1x16xf32>
    tpu.vector_store %arg12[%swap3A_1165, %swap3A_1166], %swap3A_1169 {strides = array<i32>} : memref<32x128xf32, #tpu.memory_space<vmem>>, vector<1x16xf32>,
    %swap3A_1170 = arith.constant 20 : i32
    %swap3A_1171 = arith.index_cast %swap3A_1170 : i32 to index
    %swap3A_1172 = arith.constant 48 : index
    %swap3A_1173 = tpu.vector_load %arg12[%swap3A_1171, %swap3A_1172] {strides = array<i32>} : memref<32x128xf32, #tpu.memory_space<vmem>>, vector<1x16xf32>,
    %swap3A_1174 = vector.shape_cast %swap3A_1173 : vector<1x16xf32> to vector<16xf32>
    %swap3A_1175 = vector.shape_cast %broadcast_in_dim3A_192 : vector<16xf32> to vector<1x16xf32>
    tpu.vector_store %arg12[%swap3A_1171, %swap3A_1172], %swap3A_1175 {strides = array<i32>} : memref<32x128xf32, #tpu.memory_space<vmem>>, vector<1x16xf32>,
    %swap3A_1176 = arith.constant 20 : i32
    %swap3A_1177 = arith.index_cast %swap3A_1176 : i32 to index
    %swap3A_1178 = arith.constant 64 : index
    %swap3A_1179 = tpu.vector_load %arg12[%swap3A_1177, %swap3A_1178] {strides = array<i32>} : memref<32x128xf32, #tpu.memory_space<vmem>>, vector<1x16xf32>,
    %swap3A_1180 = vector.shape_cast %swap3A_1179 : vector<1x16xf32> to vector<16xf32>
    %swap3A_1181 = vector.shape_cast %broadcast_in_dim3A_192 : vector<16xf32> to vector<1x16xf32>
    tpu.vector_store %arg12[%swap3A_1177, %swap3A_1178], %swap3A_1181 {strides = array<i32>} : memref<32x128xf32, #tpu.memory_space<vmem>>, vector<1x16xf32>,
    %swap3A_1182 = arith.constant 20 : i32
    %swap3A_1183 = arith.index_cast %swap3A_1182 : i32 to index
    %swap3A_1184 = arith.constant 80 : index
    %swap3A_1185 = tpu.vector_load %arg12[%swap3A_1183, %swap3A_1184] {strides = array<i32>} : memref<32x128xf32, #tpu.memory_space<vmem>>, vector<1x16xf32>,
    %swap3A_1186 = vector.shape_cast %swap3A_1185 : vector<1x16xf32> to vector<16xf32>
    %swap3A_1187 = vector.shape_cast %broadcast_in_dim3A_192 : vector<16xf32> to vector<1x16xf32>
    tpu.vector_store %arg12[%swap3A_1183, %swap3A_1184], %swap3A_1187 {strides = array<i32>} : memref<32x128xf32, #tpu.memory_space<vmem>>, vector<1x16xf32>,
    %swap3A_1188 = arith.constant 20 : i32
    %swap3A_1189 = arith.index_cast %swap3A_1188 : i32 to index
    %swap3A_1190 = arith.constant 96 : index
    %swap3A_1191 = tpu.vector_load %arg12[%swap3A_1189, %swap3A_1190] {strides = array<i32>} : memref<32x128xf32, #tpu.memory_space<vmem>>, vector<1x16xf32>,
    %swap3A_1192 = vector.shape_cast %swap3A_1191 : vector<1x16xf32> to vector<16xf32>
    %swap3A_1193 = vector.shape_cast %broadcast_in_dim3A_192 : vector<16xf32> to vector<1x16xf32>
    tpu.vector_store %arg12[%swap3A_1189, %swap3A_1190], %swap3A_1193 {strides = array<i32>} : memref<32x128xf32, #tpu.memory_space<vmem>>, vector<1x16xf32>,
    %swap3A_1194 = arith.constant 20 : i32
    %swap3A_1195 = arith.index_cast %swap3A_1194 : i32 to index
    %swap3A_1196 = arith.constant 112 : index
    %swap3A_1197 = tpu.vector_load %arg12[%swap3A_1195, %swap3A_1196] {strides = array<i32>} : memref<32x128xf32, #tpu.memory_space<vmem>>, vector<1x16xf32>,
    %swap3A_1198 = vector.shape_cast %swap3A_1197 : vector<1x16xf32> to vector<16xf32>
    %swap3A_1199 = vector.shape_cast %broadcast_in_dim3A_192 : vector<16xf32> to vector<1x16xf32>
    tpu.vector_store %arg12[%swap3A_1195, %swap3A_1196], %swap3A_1199 {strides = array<i32>} : memref<32x128xf32, #tpu.memory_space<vmem>>, vector<1x16xf32>,
    %swap3A_1200 = arith.constant 21 : i32
    %swap3A_1201 = arith.index_cast %swap3A_1200 : i32 to index
    %swap3A_1202 = arith.constant 0 : index
    %swap3A_1203 = tpu.vector_load %arg12[%swap3A_1201, %swap3A_1202] {strides = array<i32>} : memref<32x128xf32, #tpu.memory_space<vmem>>, vector<1x16xf32>,
    %swap3A_1204 = vector.shape_cast %swap3A_1203 : vector<1x16xf32> to vector<16xf32>
    %swap3A_1205 = vector.shape_cast %broadcast_in_dim3A_192 : vector<16xf32> to vector<1x16xf32>
    tpu.vector_store %arg12[%swap3A_1201, %swap3A_1202], %swap3A_1205 {strides = array<i32>} : memref<32x128xf32, #tpu.memory_space<vmem>>, vector<1x16xf32>,
    %swap3A_1206 = arith.constant 21 : i32
    %swap3A_1207 = arith.index_cast %swap3A_1206 : i32 to index
    %swap3A_1208 = arith.constant 16 : index
    %swap3A_1209 = tpu.vector_load %arg12[%swap3A_1207, %swap3A_1208] {strides = array<i32>} : memref<32x128xf32, #tpu.memory_space<vmem>>, vector<1x16xf32>,
    %swap3A_1210 = vector.shape_cast %swap3A_1209 : vector<1x16xf32> to vector<16xf32>
    %swap3A_1211 = vector.shape_cast %broadcast_in_dim3A_192 : vector<16xf32> to vector<1x16xf32>
    tpu.vector_store %arg12[%swap3A_1207, %swap3A_1208], %swap3A_1211 {strides = array<i32>} : memref<32x128xf32, #tpu.memory_space<vmem>>, vector<1x16xf32>,
    %swap3A_1212 = arith.constant 21 : i32
    %swap3A_1213 = arith.index_cast %swap3A_1212 : i32 to index
    %swap3A_1214 = arith.constant 32 : index
    %swap3A_1215 = tpu.vector_load %arg12[%swap3A_1213, %swap3A_1214] {strides = array<i32>} : memref<32x128xf32, #tpu.memory_space<vmem>>, vector<1x16xf32>,
    %swap3A_1216 = vector.shape_cast %swap3A_1215 : vector<1x16xf32> to vector<16xf32>
    %swap3A_1217 = vector.shape_cast %broadcast_in_dim3A_192 : vector<16xf32> to vector<1x16xf32>
    tpu.vector_store %arg12[%swap3A_1213, %swap3A_1214], %swap3A_1217 {strides = array<i32>} : memref<32x128xf32, #tpu.memory_space<vmem>>, vector<1x16xf32>,
    %swap3A_1218 = arith.constant 21 : i32
    %swap3A_1219 = arith.index_cast %swap3A_1218 : i32 to index
    %swap3A_1220 = arith.constant 48 : index
    %swap3A_1221 = tpu.vector_load %arg12[%swap3A_1219, %swap3A_1220] {strides = array<i32>} : memref<32x128xf32, #tpu.memory_space<vmem>>, vector<1x16xf32>,
    %swap3A_1222 = vector.shape_cast %swap3A_1221 : vector<1x16xf32> to vector<16xf32>
    %swap3A_1223 = vector.shape_cast %broadcast_in_dim3A_192 : vector<16xf32> to vector<1x16xf32>
    tpu.vector_store %arg12[%swap3A_1219, %swap3A_1220], %swap3A_1223 {strides = array<i32>} : memref<32x128xf32, #tpu.memory_space<vmem>>, vector<1x16xf32>,
    %swap3A_1224 = arith.constant 21 : i32
    %swap3A_1225 = arith.index_cast %swap3A_1224 : i32 to index
    %swap3A_1226 = arith.constant 64 : index
    %swap3A_1227 = tpu.vector_load %arg12[%swap3A_1225, %swap3A_1226] {strides = array<i32>} : memref<32x128xf32, #tpu.memory_space<vmem>>, vector<1x16xf32>,
    %swap3A_1228 = vector.shape_cast %swap3A_1227 : vector<1x16xf32> to vector<16xf32>
    %swap3A_1229 = vector.shape_cast %broadcast_in_dim3A_192 : vector<16xf32> to vector<1x16xf32>
    tpu.vector_store %arg12[%swap3A_1225, %swap3A_1226], %swap3A_1229 {strides = array<i32>} : memref<32x128xf32, #tpu.memory_space<vmem>>, vector<1x16xf32>,
    %swap3A_1230 = arith.constant 21 : i32
    %swap3A_1231 = arith.index_cast %swap3A_1230 : i32 to index
    %swap3A_1232 = arith.constant 80 : index
    %swap3A_1233 = tpu.vector_load %arg12[%swap3A_1231, %swap3A_1232] {strides = array<i32>} : memref<32x128xf32, #tpu.memory_space<vmem>>, vector<1x16xf32>,
    %swap3A_1234 = vector.shape_cast %swap3A_1233 : vector<1x16xf32> to vector<16xf32>
    %swap3A_1235 = vector.shape_cast %broadcast_in_dim3A_192 : vector<16xf32> to vector<1x16xf32>
    tpu.vector_store %arg12[%swap3A_1231, %swap3A_1232], %swap3A_1235 {strides = array<i32>} : memref<32x128xf32, #tpu.memory_space<vmem>>, vector<1x16xf32>,
    %swap3A_1236 = arith.constant 21 : i32
    %swap3A_1237 = arith.index_cast %swap3A_1236 : i32 to index
    %swap3A_1238 = arith.constant 96 : index
    %swap3A_1239 = tpu.vector_load %arg12[%swap3A_1237, %swap3A_1238] {strides = array<i32>} : memref<32x128xf32, #tpu.memory_space<vmem>>, vector<1x16xf32>,
    %swap3A_1240 = vector.shape_cast %swap3A_1239 : vector<1x16xf32> to vector<16xf32>
    %swap3A_1241 = vector.shape_cast %broadcast_in_dim3A_192 : vector<16xf32> to vector<1x16xf32>
    tpu.vector_store %arg12[%swap3A_1237, %swap3A_1238], %swap3A_1241 {strides = array<i32>} : memref<32x128xf32, #tpu.memory_space<vmem>>, vector<1x16xf32>,
    %swap3A_1242 = arith.constant 21 : i32
    %swap3A_1243 = arith.index_cast %swap3A_1242 : i32 to index
    %swap3A_1244 = arith.constant 112 : index
    %swap3A_1245 = tpu.vector_load %arg12[%swap3A_1243, %swap3A_1244] {strides = array<i32>} : memref<32x128xf32, #tpu.memory_space<vmem>>, vector<1x16xf32>,
    %swap3A_1246 = vector.shape_cast %swap3A_1245 : vector<1x16xf32> to vector<16xf32>
    %swap3A_1247 = vector.shape_cast %broadcast_in_dim3A_192 : vector<16xf32> to vector<1x16xf32>
    tpu.vector_store %arg12[%swap3A_1243, %swap3A_1244], %swap3A_1247 {strides = array<i32>} : memref<32x128xf32, #tpu.memory_space<vmem>>, vector<1x16xf32>,
    %swap3A_1248 = arith.constant 22 : i32
    %swap3A_1249 = arith.index_cast %swap3A_1248 : i32 to index
    %swap3A_1250 = arith.constant 0 : index
    %swap3A_1251 = tpu.vector_load %arg12[%swap3A_1249, %swap3A_1250] {strides = array<i32>} : memref<32x128xf32, #tpu.memory_space<vmem>>, vector<1x16xf32>,
    %swap3A_1252 = vector.shape_cast %swap3A_1251 : vector<1x16xf32> to vector<16xf32>
    %swap3A_1253 = vector.shape_cast %broadcast_in_dim3A_192 : vector<16xf32> to vector<1x16xf32>
    tpu.vector_store %arg12[%swap3A_1249, %swap3A_1250], %swap3A_1253 {strides = array<i32>} : memref<32x128xf32, #tpu.memory_space<vmem>>, vector<1x16xf32>,
    %swap3A_1254 = arith.constant 22 : i32
    %swap3A_1255 = arith.index_cast %swap3A_1254 : i32 to index
    %swap3A_1256 = arith.constant 16 : index
    %swap3A_1257 = tpu.vector_load %arg12[%swap3A_1255, %swap3A_1256] {strides = array<i32>} : memref<32x128xf32, #tpu.memory_space<vmem>>, vector<1x16xf32>,
    %swap3A_1258 = vector.shape_cast %swap3A_1257 : vector<1x16xf32> to vector<16xf32>
    %swap3A_1259 = vector.shape_cast %broadcast_in_dim3A_192 : vector<16xf32> to vector<1x16xf32>
    tpu.vector_store %arg12[%swap3A_1255, %swap3A_1256], %swap3A_1259 {strides = array<i32>} : memref<32x128xf32, #tpu.memory_space<vmem>>, vector<1x16xf32>,
    %swap3A_1260 = arith.constant 22 : i32
    %swap3A_1261 = arith.index_cast %swap3A_1260 : i32 to index
    %swap3A_1262 = arith.constant 32 : index
    %swap3A_1263 = tpu.vector_load %arg12[%swap3A_1261, %swap3A_1262] {strides = array<i32>} : memref<32x128xf32, #tpu.memory_space<vmem>>, vector<1x16xf32>,
    %swap3A_1264 = vector.shape_cast %swap3A_1263 : vector<1x16xf32> to vector<16xf32>
    %swap3A_1265 = vector.shape_cast %broadcast_in_dim3A_192 : vector<16xf32> to vector<1x16xf32>
    tpu.vector_store %arg12[%swap3A_1261, %swap3A_1262], %swap3A_1265 {strides = array<i32>} : memref<32x128xf32, #tpu.memory_space<vmem>>, vector<1x16xf32>,
    %swap3A_1266 = arith.constant 22 : i32
    %swap3A_1267 = arith.index_cast %swap3A_1266 : i32 to index
    %swap3A_1268 = arith.constant 48 : index
    %swap3A_1269 = tpu.vector_load %arg12[%swap3A_1267, %swap3A_1268] {strides = array<i32>} : memref<32x128xf32, #tpu.memory_space<vmem>>, vector<1x16xf32>,
    %swap3A_1270 = vector.shape_cast %swap3A_1269 : vector<1x16xf32> to vector<16xf32>
    %swap3A_1271 = vector.shape_cast %broadcast_in_dim3A_192 : vector<16xf32> to vector<1x16xf32>
    tpu.vector_store %arg12[%swap3A_1267, %swap3A_1268], %swap3A_1271 {strides = array<i32>} : memref<32x128xf32, #tpu.memory_space<vmem>>, vector<1x16xf32>,
    %swap3A_1272 = arith.constant 22 : i32
    %swap3A_1273 = arith.index_cast %swap3A_1272 : i32 to index
    %swap3A_1274 = arith.constant 64 : index
    %swap3A_1275 = tpu.vector_load %arg12[%swap3A_1273, %swap3A_1274] {strides = array<i32>} : memref<32x128xf32, #tpu.memory_space<vmem>>, vector<1x16xf32>,
    %swap3A_1276 = vector.shape_cast %swap3A_1275 : vector<1x16xf32> to vector<16xf32>
    %swap3A_1277 = vector.shape_cast %broadcast_in_dim3A_192 : vector<16xf32> to vector<1x16xf32>
    tpu.vector_store %arg12[%swap3A_1273, %swap3A_1274], %swap3A_1277 {strides = array<i32>} : memref<32x128xf32, #tpu.memory_space<vmem>>, vector<1x16xf32>,
    %swap3A_1278 = arith.constant 22 : i32
    %swap3A_1279 = arith.index_cast %swap3A_1278 : i32 to index
    %swap3A_1280 = arith.constant 80 : index
    %swap3A_1281 = tpu.vector_load %arg12[%swap3A_1279, %swap3A_1280] {strides = array<i32>} : memref<32x128xf32, #tpu.memory_space<vmem>>, vector<1x16xf32>,
    %swap3A_1282 = vector.shape_cast %swap3A_1281 : vector<1x16xf32> to vector<16xf32>
    %swap3A_1283 = vector.shape_cast %broadcast_in_dim3A_192 : vector<16xf32> to vector<1x16xf32>
    tpu.vector_store %arg12[%swap3A_1279, %swap3A_1280], %swap3A_1283 {strides = array<i32>} : memref<32x128xf32, #tpu.memory_space<vmem>>, vector<1x16xf32>,
    %swap3A_1284 = arith.constant 22 : i32
    %swap3A_1285 = arith.index_cast %swap3A_1284 : i32 to index
    %swap3A_1286 = arith.constant 96 : index
    %swap3A_1287 = tpu.vector_load %arg12[%swap3A_1285, %swap3A_1286] {strides = array<i32>} : memref<32x128xf32, #tpu.memory_space<vmem>>, vector<1x16xf32>,
    %swap3A_1288 = vector.shape_cast %swap3A_1287 : vector<1x16xf32> to vector<16xf32>
    %swap3A_1289 = vector.shape_cast %broadcast_in_dim3A_192 : vector<16xf32> to vector<1x16xf32>
    tpu.vector_store %arg12[%swap3A_1285, %swap3A_1286], %swap3A_1289 {strides = array<i32>} : memref<32x128xf32, #tpu.memory_space<vmem>>, vector<1x16xf32>,
    %swap3A_1290 = arith.constant 22 : i32
    %swap3A_1291 = arith.index_cast %swap3A_1290 : i32 to index
    %swap3A_1292 = arith.constant 112 : index
    %swap3A_1293 = tpu.vector_load %arg12[%swap3A_1291, %swap3A_1292] {strides = array<i32>} : memref<32x128xf32, #tpu.memory_space<vmem>>, vector<1x16xf32>,
    %swap3A_1294 = vector.shape_cast %swap3A_1293 : vector<1x16xf32> to vector<16xf32>
    %swap3A_1295 = vector.shape_cast %broadcast_in_dim3A_192 : vector<16xf32> to vector<1x16xf32>
    tpu.vector_store %arg12[%swap3A_1291, %swap3A_1292], %swap3A_1295 {strides = array<i32>} : memref<32x128xf32, #tpu.memory_space<vmem>>, vector<1x16xf32>,
    %swap3A_1296 = arith.constant 23 : i32
    %swap3A_1297 = arith.index_cast %swap3A_1296 : i32 to index
    %swap3A_1298 = arith.constant 0 : index
    %swap3A_1299 = tpu.vector_load %arg12[%swap3A_1297, %swap3A_1298] {strides = array<i32>} : memref<32x128xf32, #tpu.memory_space<vmem>>, vector<1x16xf32>,
    %swap3A_1300 = vector.shape_cast %swap3A_1299 : vector<1x16xf32> to vector<16xf32>
    %swap3A_1301 = vector.shape_cast %broadcast_in_dim3A_192 : vector<16xf32> to vector<1x16xf32>
    tpu.vector_store %arg12[%swap3A_1297, %swap3A_1298], %swap3A_1301 {strides = array<i32>} : memref<32x128xf32, #tpu.memory_space<vmem>>, vector<1x16xf32>,
    %swap3A_1302 = arith.constant 23 : i32
    %swap3A_1303 = arith.index_cast %swap3A_1302 : i32 to index
    %swap3A_1304 = arith.constant 16 : index
    %swap3A_1305 = tpu.vector_load %arg12[%swap3A_1303, %swap3A_1304] {strides = array<i32>} : memref<32x128xf32, #tpu.memory_space<vmem>>, vector<1x16xf32>,
    %swap3A_1306 = vector.shape_cast %swap3A_1305 : vector<1x16xf32> to vector<16xf32>
    %swap3A_1307 = vector.shape_cast %broadcast_in_dim3A_192 : vector<16xf32> to vector<1x16xf32>
    tpu.vector_store %arg12[%swap3A_1303, %swap3A_1304], %swap3A_1307 {strides = array<i32>} : memref<32x128xf32, #tpu.memory_space<vmem>>, vector<1x16xf32>,
    %swap3A_1308 = arith.constant 23 : i32
    %swap3A_1309 = arith.index_cast %swap3A_1308 : i32 to index
    %swap3A_1310 = arith.constant 32 : index
    %swap3A_1311 = tpu.vector_load %arg12[%swap3A_1309, %swap3A_1310] {strides = array<i32>} : memref<32x128xf32, #tpu.memory_space<vmem>>, vector<1x16xf32>,
    %swap3A_1312 = vector.shape_cast %swap3A_1311 : vector<1x16xf32> to vector<16xf32>
    %swap3A_1313 = vector.shape_cast %broadcast_in_dim3A_192 : vector<16xf32> to vector<1x16xf32>
    tpu.vector_store %arg12[%swap3A_1309, %swap3A_1310], %swap3A_1313 {strides = array<i32>} : memref<32x128xf32, #tpu.memory_space<vmem>>, vector<1x16xf32>,
    %swap3A_1314 = arith.constant 23 : i32
    %swap3A_1315 = arith.index_cast %swap3A_1314 : i32 to index
    %swap3A_1316 = arith.constant 48 : index
    %swap3A_1317 = tpu.vector_load %arg12[%swap3A_1315, %swap3A_1316] {strides = array<i32>} : memref<32x128xf32, #tpu.memory_space<vmem>>, vector<1x16xf32>,
    %swap3A_1318 = vector.shape_cast %swap3A_1317 : vector<1x16xf32> to vector<16xf32>
    %swap3A_1319 = vector.shape_cast %broadcast_in_dim3A_192 : vector<16xf32> to vector<1x16xf32>
    tpu.vector_store %arg12[%swap3A_1315, %swap3A_1316], %swap3A_1319 {strides = array<i32>} : memref<32x128xf32, #tpu.memory_space<vmem>>, vector<1x16xf32>,
    %swap3A_1320 = arith.constant 23 : i32
    %swap3A_1321 = arith.index_cast %swap3A_1320 : i32 to index
    %swap3A_1322 = arith.constant 64 : index
    %swap3A_1323 = tpu.vector_load %arg12[%swap3A_1321, %swap3A_1322] {strides = array<i32>} : memref<32x128xf32, #tpu.memory_space<vmem>>, vector<1x16xf32>,
    %swap3A_1324 = vector.shape_cast %swap3A_1323 : vector<1x16xf32> to vector<16xf32>
    %swap3A_1325 = vector.shape_cast %broadcast_in_dim3A_192 : vector<16xf32> to vector<1x16xf32>
    tpu.vector_store %arg12[%swap3A_1321, %swap3A_1322], %swap3A_1325 {strides = array<i32>} : memref<32x128xf32, #tpu.memory_space<vmem>>, vector<1x16xf32>,
    %swap3A_1326 = arith.constant 23 : i32
    %swap3A_1327 = arith.index_cast %swap3A_1326 : i32 to index
    %swap3A_1328 = arith.constant 80 : index
    %swap3A_1329 = tpu.vector_load %arg12[%swap3A_1327, %swap3A_1328] {strides = array<i32>} : memref<32x128xf32, #tpu.memory_space<vmem>>, vector<1x16xf32>,
    %swap3A_1330 = vector.shape_cast %swap3A_1329 : vector<1x16xf32> to vector<16xf32>
    %swap3A_1331 = vector.shape_cast %broadcast_in_dim3A_192 : vector<16xf32> to vector<1x16xf32>
    tpu.vector_store %arg12[%swap3A_1327, %swap3A_1328], %swap3A_1331 {strides = array<i32>} : memref<32x128xf32, #tpu.memory_space<vmem>>, vector<1x16xf32>,
    %swap3A_1332 = arith.constant 23 : i32
    %swap3A_1333 = arith.index_cast %swap3A_1332 : i32 to index
    %swap3A_1334 = arith.constant 96 : index
    %swap3A_1335 = tpu.vector_load %arg12[%swap3A_1333, %swap3A_1334] {strides = array<i32>} : memref<32x128xf32, #tpu.memory_space<vmem>>, vector<1x16xf32>,
    %swap3A_1336 = vector.shape_cast %swap3A_1335 : vector<1x16xf32> to vector<16xf32>
    %swap3A_1337 = vector.shape_cast %broadcast_in_dim3A_192 : vector<16xf32> to vector<1x16xf32>
    tpu.vector_store %arg12[%swap3A_1333, %swap3A_1334], %swap3A_1337 {strides = array<i32>} : memref<32x128xf32, #tpu.memory_space<vmem>>, vector<1x16xf32>,
    %swap3A_1338 = arith.constant 23 : i32
    %swap3A_1339 = arith.index_cast %swap3A_1338 : i32 to index
    %swap3A_1340 = arith.constant 112 : index
    %swap3A_1341 = tpu.vector_load %arg12[%swap3A_1339, %swap3A_1340] {strides = array<i32>} : memref<32x128xf32, #tpu.memory_space<vmem>>, vector<1x16xf32>,
    %swap3A_1342 = vector.shape_cast %swap3A_1341 : vector<1x16xf32> to vector<16xf32>
    %swap3A_1343 = vector.shape_cast %broadcast_in_dim3A_192 : vector<16xf32> to vector<1x16xf32>
    tpu.vector_store %arg12[%swap3A_1339, %swap3A_1340], %swap3A_1343 {strides = array<i32>} : memref<32x128xf32, #tpu.memory_space<vmem>>, vector<1x16xf32>,
    %swap3A_1344 = arith.constant 24 : i32
    %swap3A_1345 = arith.index_cast %swap3A_1344 : i32 to index
    %swap3A_1346 = arith.constant 0 : index
    %swap3A_1347 = tpu.vector_load %arg12[%swap3A_1345, %swap3A_1346] {strides = array<i32>} : memref<32x128xf32, #tpu.memory_space<vmem>>, vector<1x16xf32>,
    %swap3A_1348 = vector.shape_cast %swap3A_1347 : vector<1x16xf32> to vector<16xf32>
    %swap3A_1349 = vector.shape_cast %broadcast_in_dim3A_192 : vector<16xf32> to vector<1x16xf32>
    tpu.vector_store %arg12[%swap3A_1345, %swap3A_1346], %swap3A_1349 {strides = array<i32>} : memref<32x128xf32, #tpu.memory_space<vmem>>, vector<1x16xf32>,
    %swap3A_1350 = arith.constant 24 : i32
    %swap3A_1351 = arith.index_cast %swap3A_1350 : i32 to index
    %swap3A_1352 = arith.constant 16 : index
    %swap3A_1353 = tpu.vector_load %arg12[%swap3A_1351, %swap3A_1352] {strides = array<i32>} : memref<32x128xf32, #tpu.memory_space<vmem>>, vector<1x16xf32>,
    %swap3A_1354 = vector.shape_cast %swap3A_1353 : vector<1x16xf32> to vector<16xf32>
    %swap3A_1355 = vector.shape_cast %broadcast_in_dim3A_192 : vector<16xf32> to vector<1x16xf32>
    tpu.vector_store %arg12[%swap3A_1351, %swap3A_1352], %swap3A_1355 {strides = array<i32>} : memref<32x128xf32, #tpu.memory_space<vmem>>, vector<1x16xf32>,
    %swap3A_1356 = arith.constant 24 : i32
    %swap3A_1357 = arith.index_cast %swap3A_1356 : i32 to index
    %swap3A_1358 = arith.constant 32 : index
    %swap3A_1359 = tpu.vector_load %arg12[%swap3A_1357, %swap3A_1358] {strides = array<i32>} : memref<32x128xf32, #tpu.memory_space<vmem>>, vector<1x16xf32>,
    %swap3A_1360 = vector.shape_cast %swap3A_1359 : vector<1x16xf32> to vector<16xf32>
    %swap3A_1361 = vector.shape_cast %broadcast_in_dim3A_192 : vector<16xf32> to vector<1x16xf32>
    tpu.vector_store %arg12[%swap3A_1357, %swap3A_1358], %swap3A_1361 {strides = array<i32>} : memref<32x128xf32, #tpu.memory_space<vmem>>, vector<1x16xf32>,
    %swap3A_1362 = arith.constant 24 : i32
    %swap3A_1363 = arith.index_cast %swap3A_1362 : i32 to index
    %swap3A_1364 = arith.constant 48 : index
    %swap3A_1365 = tpu.vector_load %arg12[%swap3A_1363, %swap3A_1364] {strides = array<i32>} : memref<32x128xf32, #tpu.memory_space<vmem>>, vector<1x16xf32>,
    %swap3A_1366 = vector.shape_cast %swap3A_1365 : vector<1x16xf32> to vector<16xf32>
    %swap3A_1367 = vector.shape_cast %broadcast_in_dim3A_192 : vector<16xf32> to vector<1x16xf32>
    tpu.vector_store %arg12[%swap3A_1363, %swap3A_1364], %swap3A_1367 {strides = array<i32>} : memref<32x128xf32, #tpu.memory_space<vmem>>, vector<1x16xf32>,
    %swap3A_1368 = arith.constant 24 : i32
    %swap3A_1369 = arith.index_cast %swap3A_1368 : i32 to index
    %swap3A_1370 = arith.constant 64 : index
    %swap3A_1371 = tpu.vector_load %arg12[%swap3A_1369, %swap3A_1370] {strides = array<i32>} : memref<32x128xf32, #tpu.memory_space<vmem>>, vector<1x16xf32>,
    %swap3A_1372 = vector.shape_cast %swap3A_1371 : vector<1x16xf32> to vector<16xf32>
    %swap3A_1373 = vector.shape_cast %broadcast_in_dim3A_192 : vector<16xf32> to vector<1x16xf32>
    tpu.vector_store %arg12[%swap3A_1369, %swap3A_1370], %swap3A_1373 {strides = array<i32>} : memref<32x128xf32, #tpu.memory_space<vmem>>, vector<1x16xf32>,
    %swap3A_1374 = arith.constant 24 : i32
    %swap3A_1375 = arith.index_cast %swap3A_1374 : i32 to index
    %swap3A_1376 = arith.constant 80 : index
    %swap3A_1377 = tpu.vector_load %arg12[%swap3A_1375, %swap3A_1376] {strides = array<i32>} : memref<32x128xf32, #tpu.memory_space<vmem>>, vector<1x16xf32>,
    %swap3A_1378 = vector.shape_cast %swap3A_1377 : vector<1x16xf32> to vector<16xf32>
    %swap3A_1379 = vector.shape_cast %broadcast_in_dim3A_192 : vector<16xf32> to vector<1x16xf32>
    tpu.vector_store %arg12[%swap3A_1375, %swap3A_1376], %swap3A_1379 {strides = array<i32>} : memref<32x128xf32, #tpu.memory_space<vmem>>, vector<1x16xf32>,
    %swap3A_1380 = arith.constant 24 : i32
    %swap3A_1381 = arith.index_cast %swap3A_1380 : i32 to index
    %swap3A_1382 = arith.constant 96 : index
    %swap3A_1383 = tpu.vector_load %arg12[%swap3A_1381, %swap3A_1382] {strides = array<i32>} : memref<32x128xf32, #tpu.memory_space<vmem>>, vector<1x16xf32>,
    %swap3A_1384 = vector.shape_cast %swap3A_1383 : vector<1x16xf32> to vector<16xf32>
    %swap3A_1385 = vector.shape_cast %broadcast_in_dim3A_192 : vector<16xf32> to vector<1x16xf32>
    tpu.vector_store %arg12[%swap3A_1381, %swap3A_1382], %swap3A_1385 {strides = array<i32>} : memref<32x128xf32, #tpu.memory_space<vmem>>, vector<1x16xf32>,
    %swap3A_1386 = arith.constant 24 : i32
    %swap3A_1387 = arith.index_cast %swap3A_1386 : i32 to index
    %swap3A_1388 = arith.constant 112 : index
    %swap3A_1389 = tpu.vector_load %arg12[%swap3A_1387, %swap3A_1388] {strides = array<i32>} : memref<32x128xf32, #tpu.memory_space<vmem>>, vector<1x16xf32>,
    %swap3A_1390 = vector.shape_cast %swap3A_1389 : vector<1x16xf32> to vector<16xf32>
    %swap3A_1391 = vector.shape_cast %broadcast_in_dim3A_192 : vector<16xf32> to vector<1x16xf32>
    tpu.vector_store %arg12[%swap3A_1387, %swap3A_1388], %swap3A_1391 {strides = array<i32>} : memref<32x128xf32, #tpu.memory_space<vmem>>, vector<1x16xf32>,
    %swap3A_1392 = arith.constant 25 : i32
    %swap3A_1393 = arith.index_cast %swap3A_1392 : i32 to index
    %swap3A_1394 = arith.constant 0 : index
    %swap3A_1395 = tpu.vector_load %arg12[%swap3A_1393, %swap3A_1394] {strides = array<i32>} : memref<32x128xf32, #tpu.memory_space<vmem>>, vector<1x16xf32>,
    %swap3A_1396 = vector.shape_cast %swap3A_1395 : vector<1x16xf32> to vector<16xf32>
    %swap3A_1397 = vector.shape_cast %broadcast_in_dim3A_192 : vector<16xf32> to vector<1x16xf32>
    tpu.vector_store %arg12[%swap3A_1393, %swap3A_1394], %swap3A_1397 {strides = array<i32>} : memref<32x128xf32, #tpu.memory_space<vmem>>, vector<1x16xf32>,
    %swap3A_1398 = arith.constant 25 : i32
    %swap3A_1399 = arith.index_cast %swap3A_1398 : i32 to index
    %swap3A_1400 = arith.constant 16 : index
    %swap3A_1401 = tpu.vector_load %arg12[%swap3A_1399, %swap3A_1400] {strides = array<i32>} : memref<32x128xf32, #tpu.memory_space<vmem>>, vector<1x16xf32>,
    %swap3A_1402 = vector.shape_cast %swap3A_1401 : vector<1x16xf32> to vector<16xf32>
    %swap3A_1403 = vector.shape_cast %broadcast_in_dim3A_192 : vector<16xf32> to vector<1x16xf32>
    tpu.vector_store %arg12[%swap3A_1399, %swap3A_1400], %swap3A_1403 {strides = array<i32>} : memref<32x128xf32, #tpu.memory_space<vmem>>, vector<1x16xf32>,
    %swap3A_1404 = arith.constant 25 : i32
    %swap3A_1405 = arith.index_cast %swap3A_1404 : i32 to index
    %swap3A_1406 = arith.constant 32 : index
    %swap3A_1407 = tpu.vector_load %arg12[%swap3A_1405, %swap3A_1406] {strides = array<i32>} : memref<32x128xf32, #tpu.memory_space<vmem>>, vector<1x16xf32>,
    %swap3A_1408 = vector.shape_cast %swap3A_1407 : vector<1x16xf32> to vector<16xf32>
    %swap3A_1409 = vector.shape_cast %broadcast_in_dim3A_192 : vector<16xf32> to vector<1x16xf32>
    tpu.vector_store %arg12[%swap3A_1405, %swap3A_1406], %swap3A_1409 {strides = array<i32>} : memref<32x128xf32, #tpu.memory_space<vmem>>, vector<1x16xf32>,
    %swap3A_1410 = arith.constant 25 : i32
    %swap3A_1411 = arith.index_cast %swap3A_1410 : i32 to index
    %swap3A_1412 = arith.constant 48 : index
    %swap3A_1413 = tpu.vector_load %arg12[%swap3A_1411, %swap3A_1412] {strides = array<i32>} : memref<32x128xf32, #tpu.memory_space<vmem>>, vector<1x16xf32>,
    %swap3A_1414 = vector.shape_cast %swap3A_1413 : vector<1x16xf32> to vector<16xf32>
    %swap3A_1415 = vector.shape_cast %broadcast_in_dim3A_192 : vector<16xf32> to vector<1x16xf32>
    tpu.vector_store %arg12[%swap3A_1411, %swap3A_1412], %swap3A_1415 {strides = array<i32>} : memref<32x128xf32, #tpu.memory_space<vmem>>, vector<1x16xf32>,
    %swap3A_1416 = arith.constant 25 : i32
    %swap3A_1417 = arith.index_cast %swap3A_1416 : i32 to index
    %swap3A_1418 = arith.constant 64 : index
    %swap3A_1419 = tpu.vector_load %arg12[%swap3A_1417, %swap3A_1418] {strides = array<i32>} : memref<32x128xf32, #tpu.memory_space<vmem>>, vector<1x16xf32>,
    %swap3A_1420 = vector.shape_cast %swap3A_1419 : vector<1x16xf32> to vector<16xf32>
    %swap3A_1421 = vector.shape_cast %broadcast_in_dim3A_192 : vector<16xf32> to vector<1x16xf32>
    tpu.vector_store %arg12[%swap3A_1417, %swap3A_1418], %swap3A_1421 {strides = array<i32>} : memref<32x128xf32, #tpu.memory_space<vmem>>, vector<1x16xf32>,
    %swap3A_1422 = arith.constant 25 : i32
    %swap3A_1423 = arith.index_cast %swap3A_1422 : i32 to index
    %swap3A_1424 = arith.constant 80 : index
    %swap3A_1425 = tpu.vector_load %arg12[%swap3A_1423, %swap3A_1424] {strides = array<i32>} : memref<32x128xf32, #tpu.memory_space<vmem>>, vector<1x16xf32>,
    %swap3A_1426 = vector.shape_cast %swap3A_1425 : vector<1x16xf32> to vector<16xf32>
    %swap3A_1427 = vector.shape_cast %broadcast_in_dim3A_192 : vector<16xf32> to vector<1x16xf32>
    tpu.vector_store %arg12[%swap3A_1423, %swap3A_1424], %swap3A_1427 {strides = array<i32>} : memref<32x128xf32, #tpu.memory_space<vmem>>, vector<1x16xf32>,
    %swap3A_1428 = arith.constant 25 : i32
    %swap3A_1429 = arith.index_cast %swap3A_1428 : i32 to index
    %swap3A_1430 = arith.constant 96 : index
    %swap3A_1431 = tpu.vector_load %arg12[%swap3A_1429, %swap3A_1430] {strides = array<i32>} : memref<32x128xf32, #tpu.memory_space<vmem>>, vector<1x16xf32>,
    %swap3A_1432 = vector.shape_cast %swap3A_1431 : vector<1x16xf32> to vector<16xf32>
    %swap3A_1433 = vector.shape_cast %broadcast_in_dim3A_192 : vector<16xf32> to vector<1x16xf32>
    tpu.vector_store %arg12[%swap3A_1429, %swap3A_1430], %swap3A_1433 {strides = array<i32>} : memref<32x128xf32, #tpu.memory_space<vmem>>, vector<1x16xf32>,
    %swap3A_1434 = arith.constant 25 : i32
    %swap3A_1435 = arith.index_cast %swap3A_1434 : i32 to index
    %swap3A_1436 = arith.constant 112 : index
    %swap3A_1437 = tpu.vector_load %arg12[%swap3A_1435, %swap3A_1436] {strides = array<i32>} : memref<32x128xf32, #tpu.memory_space<vmem>>, vector<1x16xf32>,
    %swap3A_1438 = vector.shape_cast %swap3A_1437 : vector<1x16xf32> to vector<16xf32>
    %swap3A_1439 = vector.shape_cast %broadcast_in_dim3A_192 : vector<16xf32> to vector<1x16xf32>
    tpu.vector_store %arg12[%swap3A_1435, %swap3A_1436], %swap3A_1439 {strides = array<i32>} : memref<32x128xf32, #tpu.memory_space<vmem>>, vector<1x16xf32>,
    %swap3A_1440 = arith.constant 26 : i32
    %swap3A_1441 = arith.index_cast %swap3A_1440 : i32 to index
    %swap3A_1442 = arith.constant 0 : index
    %swap3A_1443 = tpu.vector_load %arg12[%swap3A_1441, %swap3A_1442] {strides = array<i32>} : memref<32x128xf32, #tpu.memory_space<vmem>>, vector<1x16xf32>,
    %swap3A_1444 = vector.shape_cast %swap3A_1443 : vector<1x16xf32> to vector<16xf32>
    %swap3A_1445 = vector.shape_cast %broadcast_in_dim3A_192 : vector<16xf32> to vector<1x16xf32>
    tpu.vector_store %arg12[%swap3A_1441, %swap3A_1442], %swap3A_1445 {strides = array<i32>} : memref<32x128xf32, #tpu.memory_space<vmem>>, vector<1x16xf32>,
    %swap3A_1446 = arith.constant 26 : i32
    %swap3A_1447 = arith.index_cast %swap3A_1446 : i32 to index
    %swap3A_1448 = arith.constant 16 : index
    %swap3A_1449 = tpu.vector_load %arg12[%swap3A_1447, %swap3A_1448] {strides = array<i32>} : memref<32x128xf32, #tpu.memory_space<vmem>>, vector<1x16xf32>,
    %swap3A_1450 = vector.shape_cast %swap3A_1449 : vector<1x16xf32> to vector<16xf32>
    %swap3A_1451 = vector.shape_cast %broadcast_in_dim3A_192 : vector<16xf32> to vector<1x16xf32>
    tpu.vector_store %arg12[%swap3A_1447, %swap3A_1448], %swap3A_1451 {strides = array<i32>} : memref<32x128xf32, #tpu.memory_space<vmem>>, vector<1x16xf32>,
    %swap3A_1452 = arith.constant 26 : i32
    %swap3A_1453 = arith.index_cast %swap3A_1452 : i32 to index
    %swap3A_1454 = arith.constant 32 : index
    %swap3A_1455 = tpu.vector_load %arg12[%swap3A_1453, %swap3A_1454] {strides = array<i32>} : memref<32x128xf32, #tpu.memory_space<vmem>>, vector<1x16xf32>,
    %swap3A_1456 = vector.shape_cast %swap3A_1455 : vector<1x16xf32> to vector<16xf32>
    %swap3A_1457 = vector.shape_cast %broadcast_in_dim3A_192 : vector<16xf32> to vector<1x16xf32>
    tpu.vector_store %arg12[%swap3A_1453, %swap3A_1454], %swap3A_1457 {strides = array<i32>} : memref<32x128xf32, #tpu.memory_space<vmem>>, vector<1x16xf32>,
    %swap3A_1458 = arith.constant 26 : i32
    %swap3A_1459 = arith.index_cast %swap3A_1458 : i32 to index
    %swap3A_1460 = arith.constant 48 : index
    %swap3A_1461 = tpu.vector_load %arg12[%swap3A_1459, %swap3A_1460] {strides = array<i32>} : memref<32x128xf32, #tpu.memory_space<vmem>>, vector<1x16xf32>,
    %swap3A_1462 = vector.shape_cast %swap3A_1461 : vector<1x16xf32> to vector<16xf32>
    %swap3A_1463 = vector.shape_cast %broadcast_in_dim3A_192 : vector<16xf32> to vector<1x16xf32>
    tpu.vector_store %arg12[%swap3A_1459, %swap3A_1460], %swap3A_1463 {strides = array<i32>} : memref<32x128xf32, #tpu.memory_space<vmem>>, vector<1x16xf32>,
    %swap3A_1464 = arith.constant 26 : i32
    %swap3A_1465 = arith.index_cast %swap3A_1464 : i32 to index
    %swap3A_1466 = arith.constant 64 : index
    %swap3A_1467 = tpu.vector_load %arg12[%swap3A_1465, %swap3A_1466] {strides = array<i32>} : memref<32x128xf32, #tpu.memory_space<vmem>>, vector<1x16xf32>,
    %swap3A_1468 = vector.shape_cast %swap3A_1467 : vector<1x16xf32> to vector<16xf32>
    %swap3A_1469 = vector.shape_cast %broadcast_in_dim3A_192 : vector<16xf32> to vector<1x16xf32>
    tpu.vector_store %arg12[%swap3A_1465, %swap3A_1466], %swap3A_1469 {strides = array<i32>} : memref<32x128xf32, #tpu.memory_space<vmem>>, vector<1x16xf32>,
    %swap3A_1470 = arith.constant 26 : i32
    %swap3A_1471 = arith.index_cast %swap3A_1470 : i32 to index
    %swap3A_1472 = arith.constant 80 : index
    %swap3A_1473 = tpu.vector_load %arg12[%swap3A_1471, %swap3A_1472] {strides = array<i32>} : memref<32x128xf32, #tpu.memory_space<vmem>>, vector<1x16xf32>,
    %swap3A_1474 = vector.shape_cast %swap3A_1473 : vector<1x16xf32> to vector<16xf32>
    %swap3A_1475 = vector.shape_cast %broadcast_in_dim3A_192 : vector<16xf32> to vector<1x16xf32>
    tpu.vector_store %arg12[%swap3A_1471, %swap3A_1472], %swap3A_1475 {strides = array<i32>} : memref<32x128xf32, #tpu.memory_space<vmem>>, vector<1x16xf32>,
    %swap3A_1476 = arith.constant 26 : i32
    %swap3A_1477 = arith.index_cast %swap3A_1476 : i32 to index
    %swap3A_1478 = arith.constant 96 : index
    %swap3A_1479 = tpu.vector_load %arg12[%swap3A_1477, %swap3A_1478] {strides = array<i32>} : memref<32x128xf32, #tpu.memory_space<vmem>>, vector<1x16xf32>,
    %swap3A_1480 = vector.shape_cast %swap3A_1479 : vector<1x16xf32> to vector<16xf32>
    %swap3A_1481 = vector.shape_cast %broadcast_in_dim3A_192 : vector<16xf32> to vector<1x16xf32>
    tpu.vector_store %arg12[%swap3A_1477, %swap3A_1478], %swap3A_1481 {strides = array<i32>} : memref<32x128xf32, #tpu.memory_space<vmem>>, vector<1x16xf32>,
    %swap3A_1482 = arith.constant 26 : i32
    %swap3A_1483 = arith.index_cast %swap3A_1482 : i32 to index
    %swap3A_1484 = arith.constant 112 : index
    %swap3A_1485 = tpu.vector_load %arg12[%swap3A_1483, %swap3A_1484] {strides = array<i32>} : memref<32x128xf32, #tpu.memory_space<vmem>>, vector<1x16xf32>,
    %swap3A_1486 = vector.shape_cast %swap3A_1485 : vector<1x16xf32> to vector<16xf32>
    %swap3A_1487 = vector.shape_cast %broadcast_in_dim3A_192 : vector<16xf32> to vector<1x16xf32>
    tpu.vector_store %arg12[%swap3A_1483, %swap3A_1484], %swap3A_1487 {strides = array<i32>} : memref<32x128xf32, #tpu.memory_space<vmem>>, vector<1x16xf32>,
    %swap3A_1488 = arith.constant 27 : i32
    %swap3A_1489 = arith.index_cast %swap3A_1488 : i32 to index
    %swap3A_1490 = arith.constant 0 : index
    %swap3A_1491 = tpu.vector_load %arg12[%swap3A_1489, %swap3A_1490] {strides = array<i32>} : memref<32x128xf32, #tpu.memory_space<vmem>>, vector<1x16xf32>,
    %swap3A_1492 = vector.shape_cast %swap3A_1491 : vector<1x16xf32> to vector<16xf32>
    %swap3A_1493 = vector.shape_cast %broadcast_in_dim3A_192 : vector<16xf32> to vector<1x16xf32>
    tpu.vector_store %arg12[%swap3A_1489, %swap3A_1490], %swap3A_1493 {strides = array<i32>} : memref<32x128xf32, #tpu.memory_space<vmem>>, vector<1x16xf32>,
    %swap3A_1494 = arith.constant 27 : i32
    %swap3A_1495 = arith.index_cast %swap3A_1494 : i32 to index
    %swap3A_1496 = arith.constant 16 : index
    %swap3A_1497 = tpu.vector_load %arg12[%swap3A_1495, %swap3A_1496] {strides = array<i32>} : memref<32x128xf32, #tpu.memory_space<vmem>>, vector<1x16xf32>,
    %swap3A_1498 = vector.shape_cast %swap3A_1497 : vector<1x16xf32> to vector<16xf32>
    %swap3A_1499 = vector.shape_cast %broadcast_in_dim3A_192 : vector<16xf32> to vector<1x16xf32>
    tpu.vector_store %arg12[%swap3A_1495, %swap3A_1496], %swap3A_1499 {strides = array<i32>} : memref<32x128xf32, #tpu.memory_space<vmem>>, vector<1x16xf32>,
    %swap3A_1500 = arith.constant 27 : i32
    %swap3A_1501 = arith.index_cast %swap3A_1500 : i32 to index
    %swap3A_1502 = arith.constant 32 : index
    %swap3A_1503 = tpu.vector_load %arg12[%swap3A_1501, %swap3A_1502] {strides = array<i32>} : memref<32x128xf32, #tpu.memory_space<vmem>>, vector<1x16xf32>,
    %swap3A_1504 = vector.shape_cast %swap3A_1503 : vector<1x16xf32> to vector<16xf32>
    %swap3A_1505 = vector.shape_cast %broadcast_in_dim3A_192 : vector<16xf32> to vector<1x16xf32>
    tpu.vector_store %arg12[%swap3A_1501, %swap3A_1502], %swap3A_1505 {strides = array<i32>} : memref<32x128xf32, #tpu.memory_space<vmem>>, vector<1x16xf32>,
    %swap3A_1506 = arith.constant 27 : i32
    %swap3A_1507 = arith.index_cast %swap3A_1506 : i32 to index
    %swap3A_1508 = arith.constant 48 : index
    %swap3A_1509 = tpu.vector_load %arg12[%swap3A_1507, %swap3A_1508] {strides = array<i32>} : memref<32x128xf32, #tpu.memory_space<vmem>>, vector<1x16xf32>,
    %swap3A_1510 = vector.shape_cast %swap3A_1509 : vector<1x16xf32> to vector<16xf32>
    %swap3A_1511 = vector.shape_cast %broadcast_in_dim3A_192 : vector<16xf32> to vector<1x16xf32>
    tpu.vector_store %arg12[%swap3A_1507, %swap3A_1508], %swap3A_1511 {strides = array<i32>} : memref<32x128xf32, #tpu.memory_space<vmem>>, vector<1x16xf32>,
    %swap3A_1512 = arith.constant 27 : i32
    %swap3A_1513 = arith.index_cast %swap3A_1512 : i32 to index
    %swap3A_1514 = arith.constant 64 : index
    %swap3A_1515 = tpu.vector_load %arg12[%swap3A_1513, %swap3A_1514] {strides = array<i32>} : memref<32x128xf32, #tpu.memory_space<vmem>>, vector<1x16xf32>,
    %swap3A_1516 = vector.shape_cast %swap3A_1515 : vector<1x16xf32> to vector<16xf32>
    %swap3A_1517 = vector.shape_cast %broadcast_in_dim3A_192 : vector<16xf32> to vector<1x16xf32>
    tpu.vector_store %arg12[%swap3A_1513, %swap3A_1514], %swap3A_1517 {strides = array<i32>} : memref<32x128xf32, #tpu.memory_space<vmem>>, vector<1x16xf32>,
    %swap3A_1518 = arith.constant 27 : i32
    %swap3A_1519 = arith.index_cast %swap3A_1518 : i32 to index
    %swap3A_1520 = arith.constant 80 : index
    %swap3A_1521 = tpu.vector_load %arg12[%swap3A_1519, %swap3A_1520] {strides = array<i32>} : memref<32x128xf32, #tpu.memory_space<vmem>>, vector<1x16xf32>,
    %swap3A_1522 = vector.shape_cast %swap3A_1521 : vector<1x16xf32> to vector<16xf32>
    %swap3A_1523 = vector.shape_cast %broadcast_in_dim3A_192 : vector<16xf32> to vector<1x16xf32>
    tpu.vector_store %arg12[%swap3A_1519, %swap3A_1520], %swap3A_1523 {strides = array<i32>} : memref<32x128xf32, #tpu.memory_space<vmem>>, vector<1x16xf32>,
    %swap3A_1524 = arith.constant 27 : i32
    %swap3A_1525 = arith.index_cast %swap3A_1524 : i32 to index
    %swap3A_1526 = arith.constant 96 : index
    %swap3A_1527 = tpu.vector_load %arg12[%swap3A_1525, %swap3A_1526] {strides = array<i32>} : memref<32x128xf32, #tpu.memory_space<vmem>>, vector<1x16xf32>,
    %swap3A_1528 = vector.shape_cast %swap3A_1527 : vector<1x16xf32> to vector<16xf32>
    %swap3A_1529 = vector.shape_cast %broadcast_in_dim3A_192 : vector<16xf32> to vector<1x16xf32>
    tpu.vector_store %arg12[%swap3A_1525, %swap3A_1526], %swap3A_1529 {strides = array<i32>} : memref<32x128xf32, #tpu.memory_space<vmem>>, vector<1x16xf32>,
    %swap3A_1530 = arith.constant 27 : i32
    %swap3A_1531 = arith.index_cast %swap3A_1530 : i32 to index
    %swap3A_1532 = arith.constant 112 : index
    %swap3A_1533 = tpu.vector_load %arg12[%swap3A_1531, %swap3A_1532] {strides = array<i32>} : memref<32x128xf32, #tpu.memory_space<vmem>>, vector<1x16xf32>,
    %swap3A_1534 = vector.shape_cast %swap3A_1533 : vector<1x16xf32> to vector<16xf32>
    %swap3A_1535 = vector.shape_cast %broadcast_in_dim3A_192 : vector<16xf32> to vector<1x16xf32>
    tpu.vector_store %arg12[%swap3A_1531, %swap3A_1532], %swap3A_1535 {strides = array<i32>} : memref<32x128xf32, #tpu.memory_space<vmem>>, vector<1x16xf32>,
    %swap3A_1536 = arith.constant 28 : i32
    %swap3A_1537 = arith.index_cast %swap3A_1536 : i32 to index
    %swap3A_1538 = arith.constant 0 : index
    %swap3A_1539 = tpu.vector_load %arg12[%swap3A_1537, %swap3A_1538] {strides = array<i32>} : memref<32x128xf32, #tpu.memory_space<vmem>>, vector<1x16xf32>,
    %swap3A_1540 = vector.shape_cast %swap3A_1539 : vector<1x16xf32> to vector<16xf32>
    %swap3A_1541 = vector.shape_cast %broadcast_in_dim3A_192 : vector<16xf32> to vector<1x16xf32>
    tpu.vector_store %arg12[%swap3A_1537, %swap3A_1538], %swap3A_1541 {strides = array<i32>} : memref<32x128xf32, #tpu.memory_space<vmem>>, vector<1x16xf32>,
    %swap3A_1542 = arith.constant 28 : i32
    %swap3A_1543 = arith.index_cast %swap3A_1542 : i32 to index
    %swap3A_1544 = arith.constant 16 : index
    %swap3A_1545 = tpu.vector_load %arg12[%swap3A_1543, %swap3A_1544] {strides = array<i32>} : memref<32x128xf32, #tpu.memory_space<vmem>>, vector<1x16xf32>,
    %swap3A_1546 = vector.shape_cast %swap3A_1545 : vector<1x16xf32> to vector<16xf32>
    %swap3A_1547 = vector.shape_cast %broadcast_in_dim3A_192 : vector<16xf32> to vector<1x16xf32>
    tpu.vector_store %arg12[%swap3A_1543, %swap3A_1544], %swap3A_1547 {strides = array<i32>} : memref<32x128xf32, #tpu.memory_space<vmem>>, vector<1x16xf32>,
    %swap3A_1548 = arith.constant 28 : i32
    %swap3A_1549 = arith.index_cast %swap3A_1548 : i32 to index
    %swap3A_1550 = arith.constant 32 : index
    %swap3A_1551 = tpu.vector_load %arg12[%swap3A_1549, %swap3A_1550] {strides = array<i32>} : memref<32x128xf32, #tpu.memory_space<vmem>>, vector<1x16xf32>,
    %swap3A_1552 = vector.shape_cast %swap3A_1551 : vector<1x16xf32> to vector<16xf32>
    %swap3A_1553 = vector.shape_cast %broadcast_in_dim3A_192 : vector<16xf32> to vector<1x16xf32>
    tpu.vector_store %arg12[%swap3A_1549, %swap3A_1550], %swap3A_1553 {strides = array<i32>} : memref<32x128xf32, #tpu.memory_space<vmem>>, vector<1x16xf32>,
    %swap3A_1554 = arith.constant 28 : i32
    %swap3A_1555 = arith.index_cast %swap3A_1554 : i32 to index
    %swap3A_1556 = arith.constant 48 : index
    %swap3A_1557 = tpu.vector_load %arg12[%swap3A_1555, %swap3A_1556] {strides = array<i32>} : memref<32x128xf32, #tpu.memory_space<vmem>>, vector<1x16xf32>,
    %swap3A_1558 = vector.shape_cast %swap3A_1557 : vector<1x16xf32> to vector<16xf32>
    %swap3A_1559 = vector.shape_cast %broadcast_in_dim3A_192 : vector<16xf32> to vector<1x16xf32>
    tpu.vector_store %arg12[%swap3A_1555, %swap3A_1556], %swap3A_1559 {strides = array<i32>} : memref<32x128xf32, #tpu.memory_space<vmem>>, vector<1x16xf32>,
    %swap3A_1560 = arith.constant 28 : i32
    %swap3A_1561 = arith.index_cast %swap3A_1560 : i32 to index
    %swap3A_1562 = arith.constant 64 : index
    %swap3A_1563 = tpu.vector_load %arg12[%swap3A_1561, %swap3A_1562] {strides = array<i32>} : memref<32x128xf32, #tpu.memory_space<vmem>>, vector<1x16xf32>,
    %swap3A_1564 = vector.shape_cast %swap3A_1563 : vector<1x16xf32> to vector<16xf32>
    %swap3A_1565 = vector.shape_cast %broadcast_in_dim3A_192 : vector<16xf32> to vector<1x16xf32>
    tpu.vector_store %arg12[%swap3A_1561, %swap3A_1562], %swap3A_1565 {strides = array<i32>} : memref<32x128xf32, #tpu.memory_space<vmem>>, vector<1x16xf32>,
    %swap3A_1566 = arith.constant 28 : i32
    %swap3A_1567 = arith.index_cast %swap3A_1566 : i32 to index
    %swap3A_1568 = arith.constant 80 : index
    %swap3A_1569 = tpu.vector_load %arg12[%swap3A_1567, %swap3A_1568] {strides = array<i32>} : memref<32x128xf32, #tpu.memory_space<vmem>>, vector<1x16xf32>,
    %swap3A_1570 = vector.shape_cast %swap3A_1569 : vector<1x16xf32> to vector<16xf32>
    %swap3A_1571 = vector.shape_cast %broadcast_in_dim3A_192 : vector<16xf32> to vector<1x16xf32>
    tpu.vector_store %arg12[%swap3A_1567, %swap3A_1568], %swap3A_1571 {strides = array<i32>} : memref<32x128xf32, #tpu.memory_space<vmem>>, vector<1x16xf32>,
    %swap3A_1572 = arith.constant 28 : i32
    %swap3A_1573 = arith.index_cast %swap3A_1572 : i32 to index
    %swap3A_1574 = arith.constant 96 : index
    %swap3A_1575 = tpu.vector_load %arg12[%swap3A_1573, %swap3A_1574] {strides = array<i32>} : memref<32x128xf32, #tpu.memory_space<vmem>>, vector<1x16xf32>,
    %swap3A_1576 = vector.shape_cast %swap3A_1575 : vector<1x16xf32> to vector<16xf32>
    %swap3A_1577 = vector.shape_cast %broadcast_in_dim3A_192 : vector<16xf32> to vector<1x16xf32>
    tpu.vector_store %arg12[%swap3A_1573, %swap3A_1574], %swap3A_1577 {strides = array<i32>} : memref<32x128xf32, #tpu.memory_space<vmem>>, vector<1x16xf32>,
    %swap3A_1578 = arith.constant 28 : i32
    %swap3A_1579 = arith.index_cast %swap3A_1578 : i32 to index
    %swap3A_1580 = arith.constant 112 : index
    %swap3A_1581 = tpu.vector_load %arg12[%swap3A_1579, %swap3A_1580] {strides = array<i32>} : memref<32x128xf32, #tpu.memory_space<vmem>>, vector<1x16xf32>,
    %swap3A_1582 = vector.shape_cast %swap3A_1581 : vector<1x16xf32> to vector<16xf32>
    %swap3A_1583 = vector.shape_cast %broadcast_in_dim3A_192 : vector<16xf32> to vector<1x16xf32>
    tpu.vector_store %arg12[%swap3A_1579, %swap3A_1580], %swap3A_1583 {strides = array<i32>} : memref<32x128xf32, #tpu.memory_space<vmem>>, vector<1x16xf32>,
    %swap3A_1584 = arith.constant 29 : i32
    %swap3A_1585 = arith.index_cast %swap3A_1584 : i32 to index
    %swap3A_1586 = arith.constant 0 : index
    %swap3A_1587 = tpu.vector_load %arg12[%swap3A_1585, %swap3A_1586] {strides = array<i32>} : memref<32x128xf32, #tpu.memory_space<vmem>>, vector<1x16xf32>,
    %swap3A_1588 = vector.shape_cast %swap3A_1587 : vector<1x16xf32> to vector<16xf32>
    %swap3A_1589 = vector.shape_cast %broadcast_in_dim3A_192 : vector<16xf32> to vector<1x16xf32>
    tpu.vector_store %arg12[%swap3A_1585, %swap3A_1586], %swap3A_1589 {strides = array<i32>} : memref<32x128xf32, #tpu.memory_space<vmem>>, vector<1x16xf32>,
    %swap3A_1590 = arith.constant 29 : i32
    %swap3A_1591 = arith.index_cast %swap3A_1590 : i32 to index
    %swap3A_1592 = arith.constant 16 : index
    %swap3A_1593 = tpu.vector_load %arg12[%swap3A_1591, %swap3A_1592] {strides = array<i32>} : memref<32x128xf32, #tpu.memory_space<vmem>>, vector<1x16xf32>,
    %swap3A_1594 = vector.shape_cast %swap3A_1593 : vector<1x16xf32> to vector<16xf32>
    %swap3A_1595 = vector.shape_cast %broadcast_in_dim3A_192 : vector<16xf32> to vector<1x16xf32>
    tpu.vector_store %arg12[%swap3A_1591, %swap3A_1592], %swap3A_1595 {strides = array<i32>} : memref<32x128xf32, #tpu.memory_space<vmem>>, vector<1x16xf32>,
    %swap3A_1596 = arith.constant 29 : i32
    %swap3A_1597 = arith.index_cast %swap3A_1596 : i32 to index
    %swap3A_1598 = arith.constant 32 : index
    %swap3A_1599 = tpu.vector_load %arg12[%swap3A_1597, %swap3A_1598] {strides = array<i32>} : memref<32x128xf32, #tpu.memory_space<vmem>>, vector<1x16xf32>,
    %swap3A_1600 = vector.shape_cast %swap3A_1599 : vector<1x16xf32> to vector<16xf32>
    %swap3A_1601 = vector.shape_cast %broadcast_in_dim3A_192 : vector<16xf32> to vector<1x16xf32>
    tpu.vector_store %arg12[%swap3A_1597, %swap3A_1598], %swap3A_1601 {strides = array<i32>} : memref<32x128xf32, #tpu.memory_space<vmem>>, vector<1x16xf32>,
    %swap3A_1602 = arith.constant 29 : i32
    %swap3A_1603 = arith.index_cast %swap3A_1602 : i32 to index
    %swap3A_1604 = arith.constant 48 : index
    %swap3A_1605 = tpu.vector_load %arg12[%swap3A_1603, %swap3A_1604] {strides = array<i32>} : memref<32x128xf32, #tpu.memory_space<vmem>>, vector<1x16xf32>,
    %swap3A_1606 = vector.shape_cast %swap3A_1605 : vector<1x16xf32> to vector<16xf32>
    %swap3A_1607 = vector.shape_cast %broadcast_in_dim3A_192 : vector<16xf32> to vector<1x16xf32>
    tpu.vector_store %arg12[%swap3A_1603, %swap3A_1604], %swap3A_1607 {strides = array<i32>} : memref<32x128xf32, #tpu.memory_space<vmem>>, vector<1x16xf32>,
    %swap3A_1608 = arith.constant 29 : i32
    %swap3A_1609 = arith.index_cast %swap3A_1608 : i32 to index
    %swap3A_1610 = arith.constant 64 : index
    %swap3A_1611 = tpu.vector_load %arg12[%swap3A_1609, %swap3A_1610] {strides = array<i32>} : memref<32x128xf32, #tpu.memory_space<vmem>>, vector<1x16xf32>,
    %swap3A_1612 = vector.shape_cast %swap3A_1611 : vector<1x16xf32> to vector<16xf32>
    %swap3A_1613 = vector.shape_cast %broadcast_in_dim3A_192 : vector<16xf32> to vector<1x16xf32>
    tpu.vector_store %arg12[%swap3A_1609, %swap3A_1610], %swap3A_1613 {strides = array<i32>} : memref<32x128xf32, #tpu.memory_space<vmem>>, vector<1x16xf32>,
    %swap3A_1614 = arith.constant 29 : i32
    %swap3A_1615 = arith.index_cast %swap3A_1614 : i32 to index
    %swap3A_1616 = arith.constant 80 : index
    %swap3A_1617 = tpu.vector_load %arg12[%swap3A_1615, %swap3A_1616] {strides = array<i32>} : memref<32x128xf32, #tpu.memory_space<vmem>>, vector<1x16xf32>,
    %swap3A_1618 = vector.shape_cast %swap3A_1617 : vector<1x16xf32> to vector<16xf32>
    %swap3A_1619 = vector.shape_cast %broadcast_in_dim3A_192 : vector<16xf32> to vector<1x16xf32>
    tpu.vector_store %arg12[%swap3A_1615, %swap3A_1616], %swap3A_1619 {strides = array<i32>} : memref<32x128xf32, #tpu.memory_space<vmem>>, vector<1x16xf32>,
    %swap3A_1620 = arith.constant 29 : i32
    %swap3A_1621 = arith.index_cast %swap3A_1620 : i32 to index
    %swap3A_1622 = arith.constant 96 : index
    %swap3A_1623 = tpu.vector_load %arg12[%swap3A_1621, %swap3A_1622] {strides = array<i32>} : memref<32x128xf32, #tpu.memory_space<vmem>>, vector<1x16xf32>,
    %swap3A_1624 = vector.shape_cast %swap3A_1623 : vector<1x16xf32> to vector<16xf32>
    %swap3A_1625 = vector.shape_cast %broadcast_in_dim3A_192 : vector<16xf32> to vector<1x16xf32>
    tpu.vector_store %arg12[%swap3A_1621, %swap3A_1622], %swap3A_1625 {strides = array<i32>} : memref<32x128xf32, #tpu.memory_space<vmem>>, vector<1x16xf32>,
    %swap3A_1626 = arith.constant 29 : i32
    %swap3A_1627 = arith.index_cast %swap3A_1626 : i32 to index
    %swap3A_1628 = arith.constant 112 : index
    %swap3A_1629 = tpu.vector_load %arg12[%swap3A_1627, %swap3A_1628] {strides = array<i32>} : memref<32x128xf32, #tpu.memory_space<vmem>>, vector<1x16xf32>,
    %swap3A_1630 = vector.shape_cast %swap3A_1629 : vector<1x16xf32> to vector<16xf32>
    %swap3A_1631 = vector.shape_cast %broadcast_in_dim3A_192 : vector<16xf32> to vector<1x16xf32>
    tpu.vector_store %arg12[%swap3A_1627, %swap3A_1628], %swap3A_1631 {strides = array<i32>} : memref<32x128xf32, #tpu.memory_space<vmem>>, vector<1x16xf32>,
    %swap3A_1632 = arith.constant 30 : i32
    %swap3A_1633 = arith.index_cast %swap3A_1632 : i32 to index
    %swap3A_1634 = arith.constant 0 : index
    %swap3A_1635 = tpu.vector_load %arg12[%swap3A_1633, %swap3A_1634] {strides = array<i32>} : memref<32x128xf32, #tpu.memory_space<vmem>>, vector<1x16xf32>,
    %swap3A_1636 = vector.shape_cast %swap3A_1635 : vector<1x16xf32> to vector<16xf32>
    %swap3A_1637 = vector.shape_cast %broadcast_in_dim3A_192 : vector<16xf32> to vector<1x16xf32>
    tpu.vector_store %arg12[%swap3A_1633, %swap3A_1634], %swap3A_1637 {strides = array<i32>} : memref<32x128xf32, #tpu.memory_space<vmem>>, vector<1x16xf32>,
    %swap3A_1638 = arith.constant 30 : i32
    %swap3A_1639 = arith.index_cast %swap3A_1638 : i32 to index
    %swap3A_1640 = arith.constant 16 : index
    %swap3A_1641 = tpu.vector_load %arg12[%swap3A_1639, %swap3A_1640] {strides = array<i32>} : memref<32x128xf32, #tpu.memory_space<vmem>>, vector<1x16xf32>,
    %swap3A_1642 = vector.shape_cast %swap3A_1641 : vector<1x16xf32> to vector<16xf32>
    %swap3A_1643 = vector.shape_cast %broadcast_in_dim3A_192 : vector<16xf32> to vector<1x16xf32>
    tpu.vector_store %arg12[%swap3A_1639, %swap3A_1640], %swap3A_1643 {strides = array<i32>} : memref<32x128xf32, #tpu.memory_space<vmem>>, vector<1x16xf32>,
    %swap3A_1644 = arith.constant 30 : i32
    %swap3A_1645 = arith.index_cast %swap3A_1644 : i32 to index
    %swap3A_1646 = arith.constant 32 : index
    %swap3A_1647 = tpu.vector_load %arg12[%swap3A_1645, %swap3A_1646] {strides = array<i32>} : memref<32x128xf32, #tpu.memory_space<vmem>>, vector<1x16xf32>,
    %swap3A_1648 = vector.shape_cast %swap3A_1647 : vector<1x16xf32> to vector<16xf32>
    %swap3A_1649 = vector.shape_cast %broadcast_in_dim3A_192 : vector<16xf32> to vector<1x16xf32>
    tpu.vector_store %arg12[%swap3A_1645, %swap3A_1646], %swap3A_1649 {strides = array<i32>} : memref<32x128xf32, #tpu.memory_space<vmem>>, vector<1x16xf32>,
    %swap3A_1650 = arith.constant 30 : i32
    %swap3A_1651 = arith.index_cast %swap3A_1650 : i32 to index
    %swap3A_1652 = arith.constant 48 : index
    %swap3A_1653 = tpu.vector_load %arg12[%swap3A_1651, %swap3A_1652] {strides = array<i32>} : memref<32x128xf32, #tpu.memory_space<vmem>>, vector<1x16xf32>,
    %swap3A_1654 = vector.shape_cast %swap3A_1653 : vector<1x16xf32> to vector<16xf32>
    %swap3A_1655 = vector.shape_cast %broadcast_in_dim3A_192 : vector<16xf32> to vector<1x16xf32>
    tpu.vector_store %arg12[%swap3A_1651, %swap3A_1652], %swap3A_1655 {strides = array<i32>} : memref<32x128xf32, #tpu.memory_space<vmem>>, vector<1x16xf32>,
    %swap3A_1656 = arith.constant 30 : i32
    %swap3A_1657 = arith.index_cast %swap3A_1656 : i32 to index
    %swap3A_1658 = arith.constant 64 : index
    %swap3A_1659 = tpu.vector_load %arg12[%swap3A_1657, %swap3A_1658] {strides = array<i32>} : memref<32x128xf32, #tpu.memory_space<vmem>>, vector<1x16xf32>,
    %swap3A_1660 = vector.shape_cast %swap3A_1659 : vector<1x16xf32> to vector<16xf32>
    %swap3A_1661 = vector.shape_cast %broadcast_in_dim3A_192 : vector<16xf32> to vector<1x16xf32>
    tpu.vector_store %arg12[%swap3A_1657, %swap3A_1658], %swap3A_1661 {strides = array<i32>} : memref<32x128xf32, #tpu.memory_space<vmem>>, vector<1x16xf32>,
    %swap3A_1662 = arith.constant 30 : i32
    %swap3A_1663 = arith.index_cast %swap3A_1662 : i32 to index
    %swap3A_1664 = arith.constant 80 : index
    %swap3A_1665 = tpu.vector_load %arg12[%swap3A_1663, %swap3A_1664] {strides = array<i32>} : memref<32x128xf32, #tpu.memory_space<vmem>>, vector<1x16xf32>,
    %swap3A_1666 = vector.shape_cast %swap3A_1665 : vector<1x16xf32> to vector<16xf32>
    %swap3A_1667 = vector.shape_cast %broadcast_in_dim3A_192 : vector<16xf32> to vector<1x16xf32>
    tpu.vector_store %arg12[%swap3A_1663, %swap3A_1664], %swap3A_1667 {strides = array<i32>} : memref<32x128xf32, #tpu.memory_space<vmem>>, vector<1x16xf32>,
    %swap3A_1668 = arith.constant 30 : i32
    %swap3A_1669 = arith.index_cast %swap3A_1668 : i32 to index
    %swap3A_1670 = arith.constant 96 : index
    %swap3A_1671 = tpu.vector_load %arg12[%swap3A_1669, %swap3A_1670] {strides = array<i32>} : memref<32x128xf32, #tpu.memory_space<vmem>>, vector<1x16xf32>,
    %swap3A_1672 = vector.shape_cast %swap3A_1671 : vector<1x16xf32> to vector<16xf32>
    %swap3A_1673 = vector.shape_cast %broadcast_in_dim3A_192 : vector<16xf32> to vector<1x16xf32>
    tpu.vector_store %arg12[%swap3A_1669, %swap3A_1670], %swap3A_1673 {strides = array<i32>} : memref<32x128xf32, #tpu.memory_space<vmem>>, vector<1x16xf32>,
    %swap3A_1674 = arith.constant 30 : i32
    %swap3A_1675 = arith.index_cast %swap3A_1674 : i32 to index
    %swap3A_1676 = arith.constant 112 : index
    %swap3A_1677 = tpu.vector_load %arg12[%swap3A_1675, %swap3A_1676] {strides = array<i32>} : memref<32x128xf32, #tpu.memory_space<vmem>>, vector<1x16xf32>,
    %swap3A_1678 = vector.shape_cast %swap3A_1677 : vector<1x16xf32> to vector<16xf32>
    %swap3A_1679 = vector.shape_cast %broadcast_in_dim3A_192 : vector<16xf32> to vector<1x16xf32>
    tpu.vector_store %arg12[%swap3A_1675, %swap3A_1676], %swap3A_1679 {strides = array<i32>} : memref<32x128xf32, #tpu.memory_space<vmem>>, vector<1x16xf32>,
    %swap3A_1680 = arith.constant 31 : i32
    %swap3A_1681 = arith.index_cast %swap3A_1680 : i32 to index
    %swap3A_1682 = arith.constant 0 : index
    %swap3A_1683 = tpu.vector_load %arg12[%swap3A_1681, %swap3A_1682] {strides = array<i32>} : memref<32x128xf32, #tpu.memory_space<vmem>>, vector<1x16xf32>,
    %swap3A_1684 = vector.shape_cast %swap3A_1683 : vector<1x16xf32> to vector<16xf32>
    %swap3A_1685 = vector.shape_cast %broadcast_in_dim3A_192 : vector<16xf32> to vector<1x16xf32>
    tpu.vector_store %arg12[%swap3A_1681, %swap3A_1682], %swap3A_1685 {strides = array<i32>} : memref<32x128xf32, #tpu.memory_space<vmem>>, vector<1x16xf32>,
    %swap3A_1686 = arith.constant 31 : i32
    %swap3A_1687 = arith.index_cast %swap3A_1686 : i32 to index
    %swap3A_1688 = arith.constant 16 : index
    %swap3A_1689 = tpu.vector_load %arg12[%swap3A_1687, %swap3A_1688] {strides = array<i32>} : memref<32x128xf32, #tpu.memory_space<vmem>>, vector<1x16xf32>,
    %swap3A_1690 = vector.shape_cast %swap3A_1689 : vector<1x16xf32> to vector<16xf32>
    %swap3A_1691 = vector.shape_cast %broadcast_in_dim3A_192 : vector<16xf32> to vector<1x16xf32>
    tpu.vector_store %arg12[%swap3A_1687, %swap3A_1688], %swap3A_1691 {strides = array<i32>} : memref<32x128xf32, #tpu.memory_space<vmem>>, vector<1x16xf32>,
    %swap3A_1692 = arith.constant 31 : i32
    %swap3A_1693 = arith.index_cast %swap3A_1692 : i32 to index
    %swap3A_1694 = arith.constant 32 : index
    %swap3A_1695 = tpu.vector_load %arg12[%swap3A_1693, %swap3A_1694] {strides = array<i32>} : memref<32x128xf32, #tpu.memory_space<vmem>>, vector<1x16xf32>,
    %swap3A_1696 = vector.shape_cast %swap3A_1695 : vector<1x16xf32> to vector<16xf32>
    %swap3A_1697 = vector.shape_cast %broadcast_in_dim3A_192 : vector<16xf32> to vector<1x16xf32>
    tpu.vector_store %arg12[%swap3A_1693, %swap3A_1694], %swap3A_1697 {strides = array<i32>} : memref<32x128xf32, #tpu.memory_space<vmem>>, vector<1x16xf32>,
    %swap3A_1698 = arith.constant 31 : i32
    %swap3A_1699 = arith.index_cast %swap3A_1698 : i32 to index
    %swap3A_1700 = arith.constant 48 : index
    %swap3A_1701 = tpu.vector_load %arg12[%swap3A_1699, %swap3A_1700] {strides = array<i32>} : memref<32x128xf32, #tpu.memory_space<vmem>>, vector<1x16xf32>,
    %swap3A_1702 = vector.shape_cast %swap3A_1701 : vector<1x16xf32> to vector<16xf32>
    %swap3A_1703 = vector.shape_cast %broadcast_in_dim3A_192 : vector<16xf32> to vector<1x16xf32>
    tpu.vector_store %arg12[%swap3A_1699, %swap3A_1700], %swap3A_1703 {strides = array<i32>} : memref<32x128xf32, #tpu.memory_space<vmem>>, vector<1x16xf32>,
    %swap3A_1704 = arith.constant 31 : i32
    %swap3A_1705 = arith.index_cast %swap3A_1704 : i32 to index
    %swap3A_1706 = arith.constant 64 : index
    %swap3A_1707 = tpu.vector_load %arg12[%swap3A_1705, %swap3A_1706] {strides = array<i32>} : memref<32x128xf32, #tpu.memory_space<vmem>>, vector<1x16xf32>,
    %swap3A_1708 = vector.shape_cast %swap3A_1707 : vector<1x16xf32> to vector<16xf32>
    %swap3A_1709 = vector.shape_cast %broadcast_in_dim3A_192 : vector<16xf32> to vector<1x16xf32>
    tpu.vector_store %arg12[%swap3A_1705, %swap3A_1706], %swap3A_1709 {strides = array<i32>} : memref<32x128xf32, #tpu.memory_space<vmem>>, vector<1x16xf32>,
    %swap3A_1710 = arith.constant 31 : i32
    %swap3A_1711 = arith.index_cast %swap3A_1710 : i32 to index
    %swap3A_1712 = arith.constant 80 : index
    %swap3A_1713 = tpu.vector_load %arg12[%swap3A_1711, %swap3A_1712] {strides = array<i32>} : memref<32x128xf32, #tpu.memory_space<vmem>>, vector<1x16xf32>,
    %swap3A_1714 = vector.shape_cast %swap3A_1713 : vector<1x16xf32> to vector<16xf32>
    %swap3A_1715 = vector.shape_cast %broadcast_in_dim3A_192 : vector<16xf32> to vector<1x16xf32>
    tpu.vector_store %arg12[%swap3A_1711, %swap3A_1712], %swap3A_1715 {strides = array<i32>} : memref<32x128xf32, #tpu.memory_space<vmem>>, vector<1x16xf32>,
    %swap3A_1716 = arith.constant 31 : i32
    %swap3A_1717 = arith.index_cast %swap3A_1716 : i32 to index
    %swap3A_1718 = arith.constant 96 : index
    %swap3A_1719 = tpu.vector_load %arg12[%swap3A_1717, %swap3A_1718] {strides = array<i32>} : memref<32x128xf32, #tpu.memory_space<vmem>>, vector<1x16xf32>,
    %swap3A_1720 = vector.shape_cast %swap3A_1719 : vector<1x16xf32> to vector<16xf32>
    %swap3A_1721 = vector.shape_cast %broadcast_in_dim3A_192 : vector<16xf32> to vector<1x16xf32>
    tpu.vector_store %arg12[%swap3A_1717, %swap3A_1718], %swap3A_1721 {strides = array<i32>} : memref<32x128xf32, #tpu.memory_space<vmem>>, vector<1x16xf32>,
    %swap3A_1722 = arith.constant 31 : i32
    %swap3A_1723 = arith.index_cast %swap3A_1722 : i32 to index
    %swap3A_1724 = arith.constant 112 : index
    %swap3A_1725 = tpu.vector_load %arg12[%swap3A_1723, %swap3A_1724] {strides = array<i32>} : memref<32x128xf32, #tpu.memory_space<vmem>>, vector<1x16xf32>,
    %swap3A_1726 = vector.shape_cast %swap3A_1725 : vector<1x16xf32> to vector<16xf32>
    %swap3A_1727 = vector.shape_cast %broadcast_in_dim3A_192 : vector<16xf32> to vector<1x16xf32>
    tpu.vector_store %arg12[%swap3A_1723, %swap3A_1724], %swap3A_1727 {strides = array<i32>} : memref<32x128xf32, #tpu.memory_space<vmem>>, vector<1x16xf32>,
    %mul3A_1728 = arith.constant 32 : i32
    %mul3A_1729 = arith.muli %arg1, %mul3A_1728 : i32
    "tpu.region"() ({
      %run_scoped3A = tpu.sem_alloc : memref<!tpu.dma_semaphore, #tpu.memory_space<semaphore_mem>>
      %dma_start3A_1939 = arith.constant 0 : i32
      %dma_start3A_1940 = tpu.memref_slice %arg5[%mul3A_1729, %dma_start3A_1939] : memref<512x128xf32, #tpu.memory_space<vmem_shared>> -> memref<32x128xf32, #tpu.memory_space<vmem_shared>>
      %dma_start3A_1941 = arith.constant 0 : i32
      %dma_start3A_1942 = tpu.memref_slice %arg5[%mul3A_1729, %dma_start3A_1941] : memref<512x128xf32, #tpu.memory_space<vmem_shared>> -> memref<32x128xf32, #tpu.memory_space<vmem_shared>>
      tpu.enqueue_dma source(%arg12 : memref<32x128xf32, #tpu.memory_space<vmem>>) target(%dma_start3A_1942 : memref<32x128xf32, #tpu.memory_space<vmem_shared>>) target_semaphore(%run_scoped3A : memref<!tpu.dma_semaphore, #tpu.memory_space<semaphore_mem>>)
      %dma_wait3A_1943 = arith.constant 0 : i32
      %dma_wait3A_1944 = tpu.memref_slice %arg5[%mul3A_1729, %dma_wait3A_1943] : memref<512x128xf32, #tpu.memory_space<vmem_shared>> -> memref<32x128xf32, #tpu.memory_space<vmem_shared>>
      %dma_wait3A_1945 = arith.constant 0 : i32
      %dma_wait3A_1946 = tpu.memref_slice %arg5[%mul3A_1729, %dma_wait3A_1945] : memref<512x128xf32, #tpu.memory_space<vmem_shared>> -> memref<32x128xf32, #tpu.memory_space<vmem_shared>>
      tpu.wait_dma2 semaphore(%run_scoped3A : memref<!tpu.dma_semaphore, #tpu.memory_space<semaphore_mem>>) src(%arg12 : memref<32x128xf32, #tpu.memory_space<vmem>>) dst(%dma_wait3A_1946 : memref<32x128xf32, #tpu.memory_space<vmem_shared>>)
      tpu.yield
    }) : () -> ()
    %add3A_1730 = arith.constant 0 : i32
    %add3A_1731 = arith.addi %mul3A_2, %add3A_1730 : i32
    %lt3A_1732 = arith.constant 781 : i32
    %lt3A_1733 = arith.cmpi slt, %add3A_1731, %lt3A_1732 : i32
    %convert_element_type3A_1734 = arith.extui %lt3A_1733 : i1 to i32
    %cond3A_1735 = arith.constant 0 : i32
    %cond3A_1736 = arith.cmpi ne, %convert_element_type3A_1734, %cond3A_1735 : i32
    scf.if %cond3A_1736 {
      %add3A_1939 = arith.constant 0 : i32
      %add3A_1940 = arith.addi %mul3A_2, %add3A_1939 : i32
      %mul3A_1941 = arith.constant 128 : i32
      %mul3A_1942 = arith.muli %add3A_1940, %mul3A_1941 : i32
      %dma_wait3A_1943 = arith.constant 0 : i32
      %dma_wait3A_1944 = arith.constant 0 : i32
      %dma_wait3A_1945 = tpu.memref_slice %arg6[%dma_wait3A_1943, %dma_wait3A_1944] : memref<25x128xi32, #tpu.memory_space<vmem>> -> memref<1x128xi32, #tpu.memory_space<vmem>>
      %dma_wait3A_1946 = tpu.memref_squeeze %dma_wait3A_1945 : memref<1x128xi32, #tpu.memory_space<vmem>> -> memref<128xi32, #tpu.memory_space<vmem>>
      %dma_wait3A_1947 = tpu.memref_slice %arg3[%mul3A_1942] : memref<100000xi32, #tpu.memory_space<hbm>> -> memref<128xi32, #tpu.memory_space<hbm>>
      %dma_wait3A_1948 = arith.constant 0 : i32
      %dma_wait3A_1949 = tpu.memref_slice %arg6[%dma_wait3A_1943, %dma_wait3A_1948] : memref<25x128xi32, #tpu.memory_space<vmem>> -> memref<1x128xi32, #tpu.memory_space<vmem>>
      %dma_wait3A_1950 = tpu.memref_squeeze %dma_wait3A_1949 : memref<1x128xi32, #tpu.memory_space<vmem>> -> memref<128xi32, #tpu.memory_space<vmem>>
      %dma_wait3A_1951 = tpu.memref_slice %arg3[%mul3A_1942] : memref<100000xi32, #tpu.memory_space<hbm>> -> memref<128xi32, #tpu.memory_space<hbm>>
      tpu.wait_dma2 semaphore(%arg17 : memref<!tpu.dma_semaphore, #tpu.memory_space<semaphore_mem>>) src(%dma_wait3A_1951 : memref<128xi32, #tpu.memory_space<hbm>>) dst(%dma_wait3A_1950 : memref<128xi32, #tpu.memory_space<vmem>>)
    } else {
    }
    %add3A_1737 = arith.constant 1 : i32
    %add3A_1738 = arith.addi %mul3A_2, %add3A_1737 : i32
    %lt3A_1739 = arith.constant 781 : i32
    %lt3A_1740 = arith.cmpi slt, %add3A_1738, %lt3A_1739 : i32
    %convert_element_type3A_1741 = arith.extui %lt3A_1740 : i1 to i32
    %cond3A_1742 = arith.constant 0 : i32
    %cond3A_1743 = arith.cmpi ne, %convert_element_type3A_1741, %cond3A_1742 : i32
    scf.if %cond3A_1743 {
      %add3A_1939 = arith.constant 1 : i32
      %add3A_1940 = arith.addi %mul3A_2, %add3A_1939 : i32
      %mul3A_1941 = arith.constant 128 : i32
      %mul3A_1942 = arith.muli %add3A_1940, %mul3A_1941 : i32
      %dma_wait3A_1943 = arith.constant 1 : i32
      %dma_wait3A_1944 = arith.constant 0 : i32
      %dma_wait3A_1945 = tpu.memref_slice %arg6[%dma_wait3A_1943, %dma_wait3A_1944] : memref<25x128xi32, #tpu.memory_space<vmem>> -> memref<1x128xi32, #tpu.memory_space<vmem>>
      %dma_wait3A_1946 = tpu.memref_squeeze %dma_wait3A_1945 : memref<1x128xi32, #tpu.memory_space<vmem>> -> memref<128xi32, #tpu.memory_space<vmem>>
      %dma_wait3A_1947 = tpu.memref_slice %arg3[%mul3A_1942] : memref<100000xi32, #tpu.memory_space<hbm>> -> memref<128xi32, #tpu.memory_space<hbm>>
      %dma_wait3A_1948 = arith.constant 0 : i32
      %dma_wait3A_1949 = tpu.memref_slice %arg6[%dma_wait3A_1943, %dma_wait3A_1948] : memref<25x128xi32, #tpu.memory_space<vmem>> -> memref<1x128xi32, #tpu.memory_space<vmem>>
      %dma_wait3A_1950 = tpu.memref_squeeze %dma_wait3A_1949 : memref<1x128xi32, #tpu.memory_space<vmem>> -> memref<128xi32, #tpu.memory_space<vmem>>
      %dma_wait3A_1951 = tpu.memref_slice %arg3[%mul3A_1942] : memref<100000xi32, #tpu.memory_space<hbm>> -> memref<128xi32, #tpu.memory_space<hbm>>
      tpu.wait_dma2 semaphore(%arg17 : memref<!tpu.dma_semaphore, #tpu.memory_space<semaphore_mem>>) src(%dma_wait3A_1951 : memref<128xi32, #tpu.memory_space<hbm>>) dst(%dma_wait3A_1950 : memref<128xi32, #tpu.memory_space<vmem>>)
    } else {
    }
    %add3A_1744 = arith.constant 2 : i32
    %add3A_1745 = arith.addi %mul3A_2, %add3A_1744 : i32
    %lt3A_1746 = arith.constant 781 : i32
    %lt3A_1747 = arith.cmpi slt, %add3A_1745, %lt3A_1746 : i32
    %convert_element_type3A_1748 = arith.extui %lt3A_1747 : i1 to i32
    %cond3A_1749 = arith.constant 0 : i32
    %cond3A_1750 = arith.cmpi ne, %convert_element_type3A_1748, %cond3A_1749 : i32
    scf.if %cond3A_1750 {
      %add3A_1939 = arith.constant 2 : i32
      %add3A_1940 = arith.addi %mul3A_2, %add3A_1939 : i32
      %mul3A_1941 = arith.constant 128 : i32
      %mul3A_1942 = arith.muli %add3A_1940, %mul3A_1941 : i32
      %dma_wait3A_1943 = arith.constant 2 : i32
      %dma_wait3A_1944 = arith.constant 0 : i32
      %dma_wait3A_1945 = tpu.memref_slice %arg6[%dma_wait3A_1943, %dma_wait3A_1944] : memref<25x128xi32, #tpu.memory_space<vmem>> -> memref<1x128xi32, #tpu.memory_space<vmem>>
      %dma_wait3A_1946 = tpu.memref_squeeze %dma_wait3A_1945 : memref<1x128xi32, #tpu.memory_space<vmem>> -> memref<128xi32, #tpu.memory_space<vmem>>
      %dma_wait3A_1947 = tpu.memref_slice %arg3[%mul3A_1942] : memref<100000xi32, #tpu.memory_space<hbm>> -> memref<128xi32, #tpu.memory_space<hbm>>
      %dma_wait3A_1948 = arith.constant 0 : i32
      %dma_wait3A_1949 = tpu.memref_slice %arg6[%dma_wait3A_1943, %dma_wait3A_1948] : memref<25x128xi32, #tpu.memory_space<vmem>> -> memref<1x128xi32, #tpu.memory_space<vmem>>
      %dma_wait3A_1950 = tpu.memref_squeeze %dma_wait3A_1949 : memref<1x128xi32, #tpu.memory_space<vmem>> -> memref<128xi32, #tpu.memory_space<vmem>>
      %dma_wait3A_1951 = tpu.memref_slice %arg3[%mul3A_1942] : memref<100000xi32, #tpu.memory_space<hbm>> -> memref<128xi32, #tpu.memory_space<hbm>>
      tpu.wait_dma2 semaphore(%arg17 : memref<!tpu.dma_semaphore, #tpu.memory_space<semaphore_mem>>) src(%dma_wait3A_1951 : memref<128xi32, #tpu.memory_space<hbm>>) dst(%dma_wait3A_1950 : memref<128xi32, #tpu.memory_space<vmem>>)
    } else {
    }
    %add3A_1751 = arith.constant 3 : i32
    %add3A_1752 = arith.addi %mul3A_2, %add3A_1751 : i32
    %lt3A_1753 = arith.constant 781 : i32
    %lt3A_1754 = arith.cmpi slt, %add3A_1752, %lt3A_1753 : i32
    %convert_element_type3A_1755 = arith.extui %lt3A_1754 : i1 to i32
    %cond3A_1756 = arith.constant 0 : i32
    %cond3A_1757 = arith.cmpi ne, %convert_element_type3A_1755, %cond3A_1756 : i32
    scf.if %cond3A_1757 {
      %add3A_1939 = arith.constant 3 : i32
      %add3A_1940 = arith.addi %mul3A_2, %add3A_1939 : i32
      %mul3A_1941 = arith.constant 128 : i32
      %mul3A_1942 = arith.muli %add3A_1940, %mul3A_1941 : i32
      %dma_wait3A_1943 = arith.constant 3 : i32
      %dma_wait3A_1944 = arith.constant 0 : i32
      %dma_wait3A_1945 = tpu.memref_slice %arg6[%dma_wait3A_1943, %dma_wait3A_1944] : memref<25x128xi32, #tpu.memory_space<vmem>> -> memref<1x128xi32, #tpu.memory_space<vmem>>
      %dma_wait3A_1946 = tpu.memref_squeeze %dma_wait3A_1945 : memref<1x128xi32, #tpu.memory_space<vmem>> -> memref<128xi32, #tpu.memory_space<vmem>>
      %dma_wait3A_1947 = tpu.memref_slice %arg3[%mul3A_1942] : memref<100000xi32, #tpu.memory_space<hbm>> -> memref<128xi32, #tpu.memory_space<hbm>>
      %dma_wait3A_1948 = arith.constant 0 : i32
      %dma_wait3A_1949 = tpu.memref_slice %arg6[%dma_wait3A_1943, %dma_wait3A_1948] : memref<25x128xi32, #tpu.memory_space<vmem>> -> memref<1x128xi32, #tpu.memory_space<vmem>>
      %dma_wait3A_1950 = tpu.memref_squeeze %dma_wait3A_1949 : memref<1x128xi32, #tpu.memory_space<vmem>> -> memref<128xi32, #tpu.memory_space<vmem>>
      %dma_wait3A_1951 = tpu.memref_slice %arg3[%mul3A_1942] : memref<100000xi32, #tpu.memory_space<hbm>> -> memref<128xi32, #tpu.memory_space<hbm>>
      tpu.wait_dma2 semaphore(%arg17 : memref<!tpu.dma_semaphore, #tpu.memory_space<semaphore_mem>>) src(%dma_wait3A_1951 : memref<128xi32, #tpu.memory_space<hbm>>) dst(%dma_wait3A_1950 : memref<128xi32, #tpu.memory_space<vmem>>)
    } else {
    }
    %add3A_1758 = arith.constant 4 : i32
    %add3A_1759 = arith.addi %mul3A_2, %add3A_1758 : i32
    %lt3A_1760 = arith.constant 781 : i32
    %lt3A_1761 = arith.cmpi slt, %add3A_1759, %lt3A_1760 : i32
    %convert_element_type3A_1762 = arith.extui %lt3A_1761 : i1 to i32
    %cond3A_1763 = arith.constant 0 : i32
    %cond3A_1764 = arith.cmpi ne, %convert_element_type3A_1762, %cond3A_1763 : i32
    scf.if %cond3A_1764 {
      %add3A_1939 = arith.constant 4 : i32
      %add3A_1940 = arith.addi %mul3A_2, %add3A_1939 : i32
      %mul3A_1941 = arith.constant 128 : i32
      %mul3A_1942 = arith.muli %add3A_1940, %mul3A_1941 : i32
      %dma_wait3A_1943 = arith.constant 4 : i32
      %dma_wait3A_1944 = arith.constant 0 : i32
      %dma_wait3A_1945 = tpu.memref_slice %arg6[%dma_wait3A_1943, %dma_wait3A_1944] : memref<25x128xi32, #tpu.memory_space<vmem>> -> memref<1x128xi32, #tpu.memory_space<vmem>>
      %dma_wait3A_1946 = tpu.memref_squeeze %dma_wait3A_1945 : memref<1x128xi32, #tpu.memory_space<vmem>> -> memref<128xi32, #tpu.memory_space<vmem>>
      %dma_wait3A_1947 = tpu.memref_slice %arg3[%mul3A_1942] : memref<100000xi32, #tpu.memory_space<hbm>> -> memref<128xi32, #tpu.memory_space<hbm>>
      %dma_wait3A_1948 = arith.constant 0 : i32
      %dma_wait3A_1949 = tpu.memref_slice %arg6[%dma_wait3A_1943, %dma_wait3A_1948] : memref<25x128xi32, #tpu.memory_space<vmem>> -> memref<1x128xi32, #tpu.memory_space<vmem>>
      %dma_wait3A_1950 = tpu.memref_squeeze %dma_wait3A_1949 : memref<1x128xi32, #tpu.memory_space<vmem>> -> memref<128xi32, #tpu.memory_space<vmem>>
      %dma_wait3A_1951 = tpu.memref_slice %arg3[%mul3A_1942] : memref<100000xi32, #tpu.memory_space<hbm>> -> memref<128xi32, #tpu.memory_space<hbm>>
      tpu.wait_dma2 semaphore(%arg17 : memref<!tpu.dma_semaphore, #tpu.memory_space<semaphore_mem>>) src(%dma_wait3A_1951 : memref<128xi32, #tpu.memory_space<hbm>>) dst(%dma_wait3A_1950 : memref<128xi32, #tpu.memory_space<vmem>>)
    } else {
    }
    %add3A_1765 = arith.constant 5 : i32
    %add3A_1766 = arith.addi %mul3A_2, %add3A_1765 : i32
    %lt3A_1767 = arith.constant 781 : i32
    %lt3A_1768 = arith.cmpi slt, %add3A_1766, %lt3A_1767 : i32
    %convert_element_type3A_1769 = arith.extui %lt3A_1768 : i1 to i32
    %cond3A_1770 = arith.constant 0 : i32
    %cond3A_1771 = arith.cmpi ne, %convert_element_type3A_1769, %cond3A_1770 : i32
    scf.if %cond3A_1771 {
      %add3A_1939 = arith.constant 5 : i32
      %add3A_1940 = arith.addi %mul3A_2, %add3A_1939 : i32
      %mul3A_1941 = arith.constant 128 : i32
      %mul3A_1942 = arith.muli %add3A_1940, %mul3A_1941 : i32
      %dma_wait3A_1943 = arith.constant 5 : i32
      %dma_wait3A_1944 = arith.constant 0 : i32
      %dma_wait3A_1945 = tpu.memref_slice %arg6[%dma_wait3A_1943, %dma_wait3A_1944] : memref<25x128xi32, #tpu.memory_space<vmem>> -> memref<1x128xi32, #tpu.memory_space<vmem>>
      %dma_wait3A_1946 = tpu.memref_squeeze %dma_wait3A_1945 : memref<1x128xi32, #tpu.memory_space<vmem>> -> memref<128xi32, #tpu.memory_space<vmem>>
      %dma_wait3A_1947 = tpu.memref_slice %arg3[%mul3A_1942] : memref<100000xi32, #tpu.memory_space<hbm>> -> memref<128xi32, #tpu.memory_space<hbm>>
      %dma_wait3A_1948 = arith.constant 0 : i32
      %dma_wait3A_1949 = tpu.memref_slice %arg6[%dma_wait3A_1943, %dma_wait3A_1948] : memref<25x128xi32, #tpu.memory_space<vmem>> -> memref<1x128xi32, #tpu.memory_space<vmem>>
      %dma_wait3A_1950 = tpu.memref_squeeze %dma_wait3A_1949 : memref<1x128xi32, #tpu.memory_space<vmem>> -> memref<128xi32, #tpu.memory_space<vmem>>
      %dma_wait3A_1951 = tpu.memref_slice %arg3[%mul3A_1942] : memref<100000xi32, #tpu.memory_space<hbm>> -> memref<128xi32, #tpu.memory_space<hbm>>
      tpu.wait_dma2 semaphore(%arg17 : memref<!tpu.dma_semaphore, #tpu.memory_space<semaphore_mem>>) src(%dma_wait3A_1951 : memref<128xi32, #tpu.memory_space<hbm>>) dst(%dma_wait3A_1950 : memref<128xi32, #tpu.memory_space<vmem>>)
    } else {
    }
    %add3A_1772 = arith.constant 6 : i32
    %add3A_1773 = arith.addi %mul3A_2, %add3A_1772 : i32
    %lt3A_1774 = arith.constant 781 : i32
    %lt3A_1775 = arith.cmpi slt, %add3A_1773, %lt3A_1774 : i32
    %convert_element_type3A_1776 = arith.extui %lt3A_1775 : i1 to i32
    %cond3A_1777 = arith.constant 0 : i32
    %cond3A_1778 = arith.cmpi ne, %convert_element_type3A_1776, %cond3A_1777 : i32
    scf.if %cond3A_1778 {
      %add3A_1939 = arith.constant 6 : i32
      %add3A_1940 = arith.addi %mul3A_2, %add3A_1939 : i32
      %mul3A_1941 = arith.constant 128 : i32
      %mul3A_1942 = arith.muli %add3A_1940, %mul3A_1941 : i32
      %dma_wait3A_1943 = arith.constant 6 : i32
      %dma_wait3A_1944 = arith.constant 0 : i32
      %dma_wait3A_1945 = tpu.memref_slice %arg6[%dma_wait3A_1943, %dma_wait3A_1944] : memref<25x128xi32, #tpu.memory_space<vmem>> -> memref<1x128xi32, #tpu.memory_space<vmem>>
      %dma_wait3A_1946 = tpu.memref_squeeze %dma_wait3A_1945 : memref<1x128xi32, #tpu.memory_space<vmem>> -> memref<128xi32, #tpu.memory_space<vmem>>
      %dma_wait3A_1947 = tpu.memref_slice %arg3[%mul3A_1942] : memref<100000xi32, #tpu.memory_space<hbm>> -> memref<128xi32, #tpu.memory_space<hbm>>
      %dma_wait3A_1948 = arith.constant 0 : i32
      %dma_wait3A_1949 = tpu.memref_slice %arg6[%dma_wait3A_1943, %dma_wait3A_1948] : memref<25x128xi32, #tpu.memory_space<vmem>> -> memref<1x128xi32, #tpu.memory_space<vmem>>
      %dma_wait3A_1950 = tpu.memref_squeeze %dma_wait3A_1949 : memref<1x128xi32, #tpu.memory_space<vmem>> -> memref<128xi32, #tpu.memory_space<vmem>>
      %dma_wait3A_1951 = tpu.memref_slice %arg3[%mul3A_1942] : memref<100000xi32, #tpu.memory_space<hbm>> -> memref<128xi32, #tpu.memory_space<hbm>>
      tpu.wait_dma2 semaphore(%arg17 : memref<!tpu.dma_semaphore, #tpu.memory_space<semaphore_mem>>) src(%dma_wait3A_1951 : memref<128xi32, #tpu.memory_space<hbm>>) dst(%dma_wait3A_1950 : memref<128xi32, #tpu.memory_space<vmem>>)
    } else {
    }
    %add3A_1779 = arith.constant 7 : i32
    %add3A_1780 = arith.addi %mul3A_2, %add3A_1779 : i32
    %lt3A_1781 = arith.constant 781 : i32
    %lt3A_1782 = arith.cmpi slt, %add3A_1780, %lt3A_1781 : i32
    %convert_element_type3A_1783 = arith.extui %lt3A_1782 : i1 to i32
    %cond3A_1784 = arith.constant 0 : i32
    %cond3A_1785 = arith.cmpi ne, %convert_element_type3A_1783, %cond3A_1784 : i32
    scf.if %cond3A_1785 {
      %add3A_1939 = arith.constant 7 : i32
      %add3A_1940 = arith.addi %mul3A_2, %add3A_1939 : i32
      %mul3A_1941 = arith.constant 128 : i32
      %mul3A_1942 = arith.muli %add3A_1940, %mul3A_1941 : i32
      %dma_wait3A_1943 = arith.constant 7 : i32
      %dma_wait3A_1944 = arith.constant 0 : i32
      %dma_wait3A_1945 = tpu.memref_slice %arg6[%dma_wait3A_1943, %dma_wait3A_1944] : memref<25x128xi32, #tpu.memory_space<vmem>> -> memref<1x128xi32, #tpu.memory_space<vmem>>
      %dma_wait3A_1946 = tpu.memref_squeeze %dma_wait3A_1945 : memref<1x128xi32, #tpu.memory_space<vmem>> -> memref<128xi32, #tpu.memory_space<vmem>>
      %dma_wait3A_1947 = tpu.memref_slice %arg3[%mul3A_1942] : memref<100000xi32, #tpu.memory_space<hbm>> -> memref<128xi32, #tpu.memory_space<hbm>>
      %dma_wait3A_1948 = arith.constant 0 : i32
      %dma_wait3A_1949 = tpu.memref_slice %arg6[%dma_wait3A_1943, %dma_wait3A_1948] : memref<25x128xi32, #tpu.memory_space<vmem>> -> memref<1x128xi32, #tpu.memory_space<vmem>>
      %dma_wait3A_1950 = tpu.memref_squeeze %dma_wait3A_1949 : memref<1x128xi32, #tpu.memory_space<vmem>> -> memref<128xi32, #tpu.memory_space<vmem>>
      %dma_wait3A_1951 = tpu.memref_slice %arg3[%mul3A_1942] : memref<100000xi32, #tpu.memory_space<hbm>> -> memref<128xi32, #tpu.memory_space<hbm>>
      tpu.wait_dma2 semaphore(%arg17 : memref<!tpu.dma_semaphore, #tpu.memory_space<semaphore_mem>>) src(%dma_wait3A_1951 : memref<128xi32, #tpu.memory_space<hbm>>) dst(%dma_wait3A_1950 : memref<128xi32, #tpu.memory_space<vmem>>)
    } else {
    }
    %add3A_1786 = arith.constant 8 : i32
    %add3A_1787 = arith.addi %mul3A_2, %add3A_1786 : i32
    %lt3A_1788 = arith.constant 781 : i32
    %lt3A_1789 = arith.cmpi slt, %add3A_1787, %lt3A_1788 : i32
    %convert_element_type3A_1790 = arith.extui %lt3A_1789 : i1 to i32
    %cond3A_1791 = arith.constant 0 : i32
    %cond3A_1792 = arith.cmpi ne, %convert_element_type3A_1790, %cond3A_1791 : i32
    scf.if %cond3A_1792 {
      %add3A_1939 = arith.constant 8 : i32
      %add3A_1940 = arith.addi %mul3A_2, %add3A_1939 : i32
      %mul3A_1941 = arith.constant 128 : i32
      %mul3A_1942 = arith.muli %add3A_1940, %mul3A_1941 : i32
      %dma_wait3A_1943 = arith.constant 8 : i32
      %dma_wait3A_1944 = arith.constant 0 : i32
      %dma_wait3A_1945 = tpu.memref_slice %arg6[%dma_wait3A_1943, %dma_wait3A_1944] : memref<25x128xi32, #tpu.memory_space<vmem>> -> memref<1x128xi32, #tpu.memory_space<vmem>>
      %dma_wait3A_1946 = tpu.memref_squeeze %dma_wait3A_1945 : memref<1x128xi32, #tpu.memory_space<vmem>> -> memref<128xi32, #tpu.memory_space<vmem>>
      %dma_wait3A_1947 = tpu.memref_slice %arg3[%mul3A_1942] : memref<100000xi32, #tpu.memory_space<hbm>> -> memref<128xi32, #tpu.memory_space<hbm>>
      %dma_wait3A_1948 = arith.constant 0 : i32
      %dma_wait3A_1949 = tpu.memref_slice %arg6[%dma_wait3A_1943, %dma_wait3A_1948] : memref<25x128xi32, #tpu.memory_space<vmem>> -> memref<1x128xi32, #tpu.memory_space<vmem>>
      %dma_wait3A_1950 = tpu.memref_squeeze %dma_wait3A_1949 : memref<1x128xi32, #tpu.memory_space<vmem>> -> memref<128xi32, #tpu.memory_space<vmem>>
      %dma_wait3A_1951 = tpu.memref_slice %arg3[%mul3A_1942] : memref<100000xi32, #tpu.memory_space<hbm>> -> memref<128xi32, #tpu.memory_space<hbm>>
      tpu.wait_dma2 semaphore(%arg17 : memref<!tpu.dma_semaphore, #tpu.memory_space<semaphore_mem>>) src(%dma_wait3A_1951 : memref<128xi32, #tpu.memory_space<hbm>>) dst(%dma_wait3A_1950 : memref<128xi32, #tpu.memory_space<vmem>>)
    } else {
    }
    %add3A_1793 = arith.constant 9 : i32
    %add3A_1794 = arith.addi %mul3A_2, %add3A_1793 : i32
    %lt3A_1795 = arith.constant 781 : i32
    %lt3A_1796 = arith.cmpi slt, %add3A_1794, %lt3A_1795 : i32
    %convert_element_type3A_1797 = arith.extui %lt3A_1796 : i1 to i32
    %cond3A_1798 = arith.constant 0 : i32
    %cond3A_1799 = arith.cmpi ne, %convert_element_type3A_1797, %cond3A_1798 : i32
    scf.if %cond3A_1799 {
      %add3A_1939 = arith.constant 9 : i32
      %add3A_1940 = arith.addi %mul3A_2, %add3A_1939 : i32
      %mul3A_1941 = arith.constant 128 : i32
      %mul3A_1942 = arith.muli %add3A_1940, %mul3A_1941 : i32
      %dma_wait3A_1943 = arith.constant 9 : i32
      %dma_wait3A_1944 = arith.constant 0 : i32
      %dma_wait3A_1945 = tpu.memref_slice %arg6[%dma_wait3A_1943, %dma_wait3A_1944] : memref<25x128xi32, #tpu.memory_space<vmem>> -> memref<1x128xi32, #tpu.memory_space<vmem>>
      %dma_wait3A_1946 = tpu.memref_squeeze %dma_wait3A_1945 : memref<1x128xi32, #tpu.memory_space<vmem>> -> memref<128xi32, #tpu.memory_space<vmem>>
      %dma_wait3A_1947 = tpu.memref_slice %arg3[%mul3A_1942] : memref<100000xi32, #tpu.memory_space<hbm>> -> memref<128xi32, #tpu.memory_space<hbm>>
      %dma_wait3A_1948 = arith.constant 0 : i32
      %dma_wait3A_1949 = tpu.memref_slice %arg6[%dma_wait3A_1943, %dma_wait3A_1948] : memref<25x128xi32, #tpu.memory_space<vmem>> -> memref<1x128xi32, #tpu.memory_space<vmem>>
      %dma_wait3A_1950 = tpu.memref_squeeze %dma_wait3A_1949 : memref<1x128xi32, #tpu.memory_space<vmem>> -> memref<128xi32, #tpu.memory_space<vmem>>
      %dma_wait3A_1951 = tpu.memref_slice %arg3[%mul3A_1942] : memref<100000xi32, #tpu.memory_space<hbm>> -> memref<128xi32, #tpu.memory_space<hbm>>
      tpu.wait_dma2 semaphore(%arg17 : memref<!tpu.dma_semaphore, #tpu.memory_space<semaphore_mem>>) src(%dma_wait3A_1951 : memref<128xi32, #tpu.memory_space<hbm>>) dst(%dma_wait3A_1950 : memref<128xi32, #tpu.memory_space<vmem>>)
    } else {
    }
    %add3A_1800 = arith.constant 10 : i32
    %add3A_1801 = arith.addi %mul3A_2, %add3A_1800 : i32
    %lt3A_1802 = arith.constant 781 : i32
    %lt3A_1803 = arith.cmpi slt, %add3A_1801, %lt3A_1802 : i32
    %convert_element_type3A_1804 = arith.extui %lt3A_1803 : i1 to i32
    %cond3A_1805 = arith.constant 0 : i32
    %cond3A_1806 = arith.cmpi ne, %convert_element_type3A_1804, %cond3A_1805 : i32
    scf.if %cond3A_1806 {
      %add3A_1939 = arith.constant 10 : i32
      %add3A_1940 = arith.addi %mul3A_2, %add3A_1939 : i32
      %mul3A_1941 = arith.constant 128 : i32
      %mul3A_1942 = arith.muli %add3A_1940, %mul3A_1941 : i32
      %dma_wait3A_1943 = arith.constant 10 : i32
      %dma_wait3A_1944 = arith.constant 0 : i32
      %dma_wait3A_1945 = tpu.memref_slice %arg6[%dma_wait3A_1943, %dma_wait3A_1944] : memref<25x128xi32, #tpu.memory_space<vmem>> -> memref<1x128xi32, #tpu.memory_space<vmem>>
      %dma_wait3A_1946 = tpu.memref_squeeze %dma_wait3A_1945 : memref<1x128xi32, #tpu.memory_space<vmem>> -> memref<128xi32, #tpu.memory_space<vmem>>
      %dma_wait3A_1947 = tpu.memref_slice %arg3[%mul3A_1942] : memref<100000xi32, #tpu.memory_space<hbm>> -> memref<128xi32, #tpu.memory_space<hbm>>
      %dma_wait3A_1948 = arith.constant 0 : i32
      %dma_wait3A_1949 = tpu.memref_slice %arg6[%dma_wait3A_1943, %dma_wait3A_1948] : memref<25x128xi32, #tpu.memory_space<vmem>> -> memref<1x128xi32, #tpu.memory_space<vmem>>
      %dma_wait3A_1950 = tpu.memref_squeeze %dma_wait3A_1949 : memref<1x128xi32, #tpu.memory_space<vmem>> -> memref<128xi32, #tpu.memory_space<vmem>>
      %dma_wait3A_1951 = tpu.memref_slice %arg3[%mul3A_1942] : memref<100000xi32, #tpu.memory_space<hbm>> -> memref<128xi32, #tpu.memory_space<hbm>>
      tpu.wait_dma2 semaphore(%arg17 : memref<!tpu.dma_semaphore, #tpu.memory_space<semaphore_mem>>) src(%dma_wait3A_1951 : memref<128xi32, #tpu.memory_space<hbm>>) dst(%dma_wait3A_1950 : memref<128xi32, #tpu.memory_space<vmem>>)
    } else {
    }
    %add3A_1807 = arith.constant 11 : i32
    %add3A_1808 = arith.addi %mul3A_2, %add3A_1807 : i32
    %lt3A_1809 = arith.constant 781 : i32
    %lt3A_1810 = arith.cmpi slt, %add3A_1808, %lt3A_1809 : i32
    %convert_element_type3A_1811 = arith.extui %lt3A_1810 : i1 to i32
    %cond3A_1812 = arith.constant 0 : i32
    %cond3A_1813 = arith.cmpi ne, %convert_element_type3A_1811, %cond3A_1812 : i32
    scf.if %cond3A_1813 {
      %add3A_1939 = arith.constant 11 : i32
      %add3A_1940 = arith.addi %mul3A_2, %add3A_1939 : i32
      %mul3A_1941 = arith.constant 128 : i32
      %mul3A_1942 = arith.muli %add3A_1940, %mul3A_1941 : i32
      %dma_wait3A_1943 = arith.constant 11 : i32
      %dma_wait3A_1944 = arith.constant 0 : i32
      %dma_wait3A_1945 = tpu.memref_slice %arg6[%dma_wait3A_1943, %dma_wait3A_1944] : memref<25x128xi32, #tpu.memory_space<vmem>> -> memref<1x128xi32, #tpu.memory_space<vmem>>
      %dma_wait3A_1946 = tpu.memref_squeeze %dma_wait3A_1945 : memref<1x128xi32, #tpu.memory_space<vmem>> -> memref<128xi32, #tpu.memory_space<vmem>>
      %dma_wait3A_1947 = tpu.memref_slice %arg3[%mul3A_1942] : memref<100000xi32, #tpu.memory_space<hbm>> -> memref<128xi32, #tpu.memory_space<hbm>>
      %dma_wait3A_1948 = arith.constant 0 : i32
      %dma_wait3A_1949 = tpu.memref_slice %arg6[%dma_wait3A_1943, %dma_wait3A_1948] : memref<25x128xi32, #tpu.memory_space<vmem>> -> memref<1x128xi32, #tpu.memory_space<vmem>>
      %dma_wait3A_1950 = tpu.memref_squeeze %dma_wait3A_1949 : memref<1x128xi32, #tpu.memory_space<vmem>> -> memref<128xi32, #tpu.memory_space<vmem>>
      %dma_wait3A_1951 = tpu.memref_slice %arg3[%mul3A_1942] : memref<100000xi32, #tpu.memory_space<hbm>> -> memref<128xi32, #tpu.memory_space<hbm>>
      tpu.wait_dma2 semaphore(%arg17 : memref<!tpu.dma_semaphore, #tpu.memory_space<semaphore_mem>>) src(%dma_wait3A_1951 : memref<128xi32, #tpu.memory_space<hbm>>) dst(%dma_wait3A_1950 : memref<128xi32, #tpu.memory_space<vmem>>)
    } else {
    }
    %add3A_1814 = arith.constant 12 : i32
    %add3A_1815 = arith.addi %mul3A_2, %add3A_1814 : i32
    %lt3A_1816 = arith.constant 781 : i32
    %lt3A_1817 = arith.cmpi slt, %add3A_1815, %lt3A_1816 : i32
    %convert_element_type3A_1818 = arith.extui %lt3A_1817 : i1 to i32
    %cond3A_1819 = arith.constant 0 : i32
    %cond3A_1820 = arith.cmpi ne, %convert_element_type3A_1818, %cond3A_1819 : i32
    scf.if %cond3A_1820 {
      %add3A_1939 = arith.constant 12 : i32
      %add3A_1940 = arith.addi %mul3A_2, %add3A_1939 : i32
      %mul3A_1941 = arith.constant 128 : i32
      %mul3A_1942 = arith.muli %add3A_1940, %mul3A_1941 : i32
      %dma_wait3A_1943 = arith.constant 12 : i32
      %dma_wait3A_1944 = arith.constant 0 : i32
      %dma_wait3A_1945 = tpu.memref_slice %arg6[%dma_wait3A_1943, %dma_wait3A_1944] : memref<25x128xi32, #tpu.memory_space<vmem>> -> memref<1x128xi32, #tpu.memory_space<vmem>>
      %dma_wait3A_1946 = tpu.memref_squeeze %dma_wait3A_1945 : memref<1x128xi32, #tpu.memory_space<vmem>> -> memref<128xi32, #tpu.memory_space<vmem>>
      %dma_wait3A_1947 = tpu.memref_slice %arg3[%mul3A_1942] : memref<100000xi32, #tpu.memory_space<hbm>> -> memref<128xi32, #tpu.memory_space<hbm>>
      %dma_wait3A_1948 = arith.constant 0 : i32
      %dma_wait3A_1949 = tpu.memref_slice %arg6[%dma_wait3A_1943, %dma_wait3A_1948] : memref<25x128xi32, #tpu.memory_space<vmem>> -> memref<1x128xi32, #tpu.memory_space<vmem>>
      %dma_wait3A_1950 = tpu.memref_squeeze %dma_wait3A_1949 : memref<1x128xi32, #tpu.memory_space<vmem>> -> memref<128xi32, #tpu.memory_space<vmem>>
      %dma_wait3A_1951 = tpu.memref_slice %arg3[%mul3A_1942] : memref<100000xi32, #tpu.memory_space<hbm>> -> memref<128xi32, #tpu.memory_space<hbm>>
      tpu.wait_dma2 semaphore(%arg17 : memref<!tpu.dma_semaphore, #tpu.memory_space<semaphore_mem>>) src(%dma_wait3A_1951 : memref<128xi32, #tpu.memory_space<hbm>>) dst(%dma_wait3A_1950 : memref<128xi32, #tpu.memory_space<vmem>>)
    } else {
    }
    %add3A_1821 = arith.constant 13 : i32
    %add3A_1822 = arith.addi %mul3A_2, %add3A_1821 : i32
    %lt3A_1823 = arith.constant 781 : i32
    %lt3A_1824 = arith.cmpi slt, %add3A_1822, %lt3A_1823 : i32
    %convert_element_type3A_1825 = arith.extui %lt3A_1824 : i1 to i32
    %cond3A_1826 = arith.constant 0 : i32
    %cond3A_1827 = arith.cmpi ne, %convert_element_type3A_1825, %cond3A_1826 : i32
    scf.if %cond3A_1827 {
      %add3A_1939 = arith.constant 13 : i32
      %add3A_1940 = arith.addi %mul3A_2, %add3A_1939 : i32
      %mul3A_1941 = arith.constant 128 : i32
      %mul3A_1942 = arith.muli %add3A_1940, %mul3A_1941 : i32
      %dma_wait3A_1943 = arith.constant 13 : i32
      %dma_wait3A_1944 = arith.constant 0 : i32
      %dma_wait3A_1945 = tpu.memref_slice %arg6[%dma_wait3A_1943, %dma_wait3A_1944] : memref<25x128xi32, #tpu.memory_space<vmem>> -> memref<1x128xi32, #tpu.memory_space<vmem>>
      %dma_wait3A_1946 = tpu.memref_squeeze %dma_wait3A_1945 : memref<1x128xi32, #tpu.memory_space<vmem>> -> memref<128xi32, #tpu.memory_space<vmem>>
      %dma_wait3A_1947 = tpu.memref_slice %arg3[%mul3A_1942] : memref<100000xi32, #tpu.memory_space<hbm>> -> memref<128xi32, #tpu.memory_space<hbm>>
      %dma_wait3A_1948 = arith.constant 0 : i32
      %dma_wait3A_1949 = tpu.memref_slice %arg6[%dma_wait3A_1943, %dma_wait3A_1948] : memref<25x128xi32, #tpu.memory_space<vmem>> -> memref<1x128xi32, #tpu.memory_space<vmem>>
      %dma_wait3A_1950 = tpu.memref_squeeze %dma_wait3A_1949 : memref<1x128xi32, #tpu.memory_space<vmem>> -> memref<128xi32, #tpu.memory_space<vmem>>
      %dma_wait3A_1951 = tpu.memref_slice %arg3[%mul3A_1942] : memref<100000xi32, #tpu.memory_space<hbm>> -> memref<128xi32, #tpu.memory_space<hbm>>
      tpu.wait_dma2 semaphore(%arg17 : memref<!tpu.dma_semaphore, #tpu.memory_space<semaphore_mem>>) src(%dma_wait3A_1951 : memref<128xi32, #tpu.memory_space<hbm>>) dst(%dma_wait3A_1950 : memref<128xi32, #tpu.memory_space<vmem>>)
    } else {
    }
    %add3A_1828 = arith.constant 14 : i32
    %add3A_1829 = arith.addi %mul3A_2, %add3A_1828 : i32
    %lt3A_1830 = arith.constant 781 : i32
    %lt3A_1831 = arith.cmpi slt, %add3A_1829, %lt3A_1830 : i32
    %convert_element_type3A_1832 = arith.extui %lt3A_1831 : i1 to i32
    %cond3A_1833 = arith.constant 0 : i32
    %cond3A_1834 = arith.cmpi ne, %convert_element_type3A_1832, %cond3A_1833 : i32
    scf.if %cond3A_1834 {
      %add3A_1939 = arith.constant 14 : i32
      %add3A_1940 = arith.addi %mul3A_2, %add3A_1939 : i32
      %mul3A_1941 = arith.constant 128 : i32
      %mul3A_1942 = arith.muli %add3A_1940, %mul3A_1941 : i32
      %dma_wait3A_1943 = arith.constant 14 : i32
      %dma_wait3A_1944 = arith.constant 0 : i32
      %dma_wait3A_1945 = tpu.memref_slice %arg6[%dma_wait3A_1943, %dma_wait3A_1944] : memref<25x128xi32, #tpu.memory_space<vmem>> -> memref<1x128xi32, #tpu.memory_space<vmem>>
      %dma_wait3A_1946 = tpu.memref_squeeze %dma_wait3A_1945 : memref<1x128xi32, #tpu.memory_space<vmem>> -> memref<128xi32, #tpu.memory_space<vmem>>
      %dma_wait3A_1947 = tpu.memref_slice %arg3[%mul3A_1942] : memref<100000xi32, #tpu.memory_space<hbm>> -> memref<128xi32, #tpu.memory_space<hbm>>
      %dma_wait3A_1948 = arith.constant 0 : i32
      %dma_wait3A_1949 = tpu.memref_slice %arg6[%dma_wait3A_1943, %dma_wait3A_1948] : memref<25x128xi32, #tpu.memory_space<vmem>> -> memref<1x128xi32, #tpu.memory_space<vmem>>
      %dma_wait3A_1950 = tpu.memref_squeeze %dma_wait3A_1949 : memref<1x128xi32, #tpu.memory_space<vmem>> -> memref<128xi32, #tpu.memory_space<vmem>>
      %dma_wait3A_1951 = tpu.memref_slice %arg3[%mul3A_1942] : memref<100000xi32, #tpu.memory_space<hbm>> -> memref<128xi32, #tpu.memory_space<hbm>>
      tpu.wait_dma2 semaphore(%arg17 : memref<!tpu.dma_semaphore, #tpu.memory_space<semaphore_mem>>) src(%dma_wait3A_1951 : memref<128xi32, #tpu.memory_space<hbm>>) dst(%dma_wait3A_1950 : memref<128xi32, #tpu.memory_space<vmem>>)
    } else {
    }
    %add3A_1835 = arith.constant 15 : i32
    %add3A_1836 = arith.addi %mul3A_2, %add3A_1835 : i32
    %lt3A_1837 = arith.constant 781 : i32
    %lt3A_1838 = arith.cmpi slt, %add3A_1836, %lt3A_1837 : i32
    %convert_element_type3A_1839 = arith.extui %lt3A_1838 : i1 to i32
    %cond3A_1840 = arith.constant 0 : i32
    %cond3A_1841 = arith.cmpi ne, %convert_element_type3A_1839, %cond3A_1840 : i32
    scf.if %cond3A_1841 {
      %add3A_1939 = arith.constant 15 : i32
      %add3A_1940 = arith.addi %mul3A_2, %add3A_1939 : i32
      %mul3A_1941 = arith.constant 128 : i32
      %mul3A_1942 = arith.muli %add3A_1940, %mul3A_1941 : i32
      %dma_wait3A_1943 = arith.constant 15 : i32
      %dma_wait3A_1944 = arith.constant 0 : i32
      %dma_wait3A_1945 = tpu.memref_slice %arg6[%dma_wait3A_1943, %dma_wait3A_1944] : memref<25x128xi32, #tpu.memory_space<vmem>> -> memref<1x128xi32, #tpu.memory_space<vmem>>
      %dma_wait3A_1946 = tpu.memref_squeeze %dma_wait3A_1945 : memref<1x128xi32, #tpu.memory_space<vmem>> -> memref<128xi32, #tpu.memory_space<vmem>>
      %dma_wait3A_1947 = tpu.memref_slice %arg3[%mul3A_1942] : memref<100000xi32, #tpu.memory_space<hbm>> -> memref<128xi32, #tpu.memory_space<hbm>>
      %dma_wait3A_1948 = arith.constant 0 : i32
      %dma_wait3A_1949 = tpu.memref_slice %arg6[%dma_wait3A_1943, %dma_wait3A_1948] : memref<25x128xi32, #tpu.memory_space<vmem>> -> memref<1x128xi32, #tpu.memory_space<vmem>>
      %dma_wait3A_1950 = tpu.memref_squeeze %dma_wait3A_1949 : memref<1x128xi32, #tpu.memory_space<vmem>> -> memref<128xi32, #tpu.memory_space<vmem>>
      %dma_wait3A_1951 = tpu.memref_slice %arg3[%mul3A_1942] : memref<100000xi32, #tpu.memory_space<hbm>> -> memref<128xi32, #tpu.memory_space<hbm>>
      tpu.wait_dma2 semaphore(%arg17 : memref<!tpu.dma_semaphore, #tpu.memory_space<semaphore_mem>>) src(%dma_wait3A_1951 : memref<128xi32, #tpu.memory_space<hbm>>) dst(%dma_wait3A_1950 : memref<128xi32, #tpu.memory_space<vmem>>)
    } else {
    }
    %add3A_1842 = arith.constant 16 : i32
    %add3A_1843 = arith.addi %mul3A_2, %add3A_1842 : i32
    %lt3A_1844 = arith.constant 781 : i32
    %lt3A_1845 = arith.cmpi slt, %add3A_1843, %lt3A_1844 : i32
    %convert_element_type3A_1846 = arith.extui %lt3A_1845 : i1 to i32
    %cond3A_1847 = arith.constant 0 : i32
    %cond3A_1848 = arith.cmpi ne, %convert_element_type3A_1846, %cond3A_1847 : i32
    scf.if %cond3A_1848 {
      %add3A_1939 = arith.constant 16 : i32
      %add3A_1940 = arith.addi %mul3A_2, %add3A_1939 : i32
      %mul3A_1941 = arith.constant 128 : i32
      %mul3A_1942 = arith.muli %add3A_1940, %mul3A_1941 : i32
      %dma_wait3A_1943 = arith.constant 16 : i32
      %dma_wait3A_1944 = arith.constant 0 : i32
      %dma_wait3A_1945 = tpu.memref_slice %arg6[%dma_wait3A_1943, %dma_wait3A_1944] : memref<25x128xi32, #tpu.memory_space<vmem>> -> memref<1x128xi32, #tpu.memory_space<vmem>>
      %dma_wait3A_1946 = tpu.memref_squeeze %dma_wait3A_1945 : memref<1x128xi32, #tpu.memory_space<vmem>> -> memref<128xi32, #tpu.memory_space<vmem>>
      %dma_wait3A_1947 = tpu.memref_slice %arg3[%mul3A_1942] : memref<100000xi32, #tpu.memory_space<hbm>> -> memref<128xi32, #tpu.memory_space<hbm>>
      %dma_wait3A_1948 = arith.constant 0 : i32
      %dma_wait3A_1949 = tpu.memref_slice %arg6[%dma_wait3A_1943, %dma_wait3A_1948] : memref<25x128xi32, #tpu.memory_space<vmem>> -> memref<1x128xi32, #tpu.memory_space<vmem>>
      %dma_wait3A_1950 = tpu.memref_squeeze %dma_wait3A_1949 : memref<1x128xi32, #tpu.memory_space<vmem>> -> memref<128xi32, #tpu.memory_space<vmem>>
      %dma_wait3A_1951 = tpu.memref_slice %arg3[%mul3A_1942] : memref<100000xi32, #tpu.memory_space<hbm>> -> memref<128xi32, #tpu.memory_space<hbm>>
      tpu.wait_dma2 semaphore(%arg17 : memref<!tpu.dma_semaphore, #tpu.memory_space<semaphore_mem>>) src(%dma_wait3A_1951 : memref<128xi32, #tpu.memory_space<hbm>>) dst(%dma_wait3A_1950 : memref<128xi32, #tpu.memory_space<vmem>>)
    } else {
    }
    %add3A_1849 = arith.constant 17 : i32
    %add3A_1850 = arith.addi %mul3A_2, %add3A_1849 : i32
    %lt3A_1851 = arith.constant 781 : i32
    %lt3A_1852 = arith.cmpi slt, %add3A_1850, %lt3A_1851 : i32
    %convert_element_type3A_1853 = arith.extui %lt3A_1852 : i1 to i32
    %cond3A_1854 = arith.constant 0 : i32
    %cond3A_1855 = arith.cmpi ne, %convert_element_type3A_1853, %cond3A_1854 : i32
    scf.if %cond3A_1855 {
      %add3A_1939 = arith.constant 17 : i32
      %add3A_1940 = arith.addi %mul3A_2, %add3A_1939 : i32
      %mul3A_1941 = arith.constant 128 : i32
      %mul3A_1942 = arith.muli %add3A_1940, %mul3A_1941 : i32
      %dma_wait3A_1943 = arith.constant 17 : i32
      %dma_wait3A_1944 = arith.constant 0 : i32
      %dma_wait3A_1945 = tpu.memref_slice %arg6[%dma_wait3A_1943, %dma_wait3A_1944] : memref<25x128xi32, #tpu.memory_space<vmem>> -> memref<1x128xi32, #tpu.memory_space<vmem>>
      %dma_wait3A_1946 = tpu.memref_squeeze %dma_wait3A_1945 : memref<1x128xi32, #tpu.memory_space<vmem>> -> memref<128xi32, #tpu.memory_space<vmem>>
      %dma_wait3A_1947 = tpu.memref_slice %arg3[%mul3A_1942] : memref<100000xi32, #tpu.memory_space<hbm>> -> memref<128xi32, #tpu.memory_space<hbm>>
      %dma_wait3A_1948 = arith.constant 0 : i32
      %dma_wait3A_1949 = tpu.memref_slice %arg6[%dma_wait3A_1943, %dma_wait3A_1948] : memref<25x128xi32, #tpu.memory_space<vmem>> -> memref<1x128xi32, #tpu.memory_space<vmem>>
      %dma_wait3A_1950 = tpu.memref_squeeze %dma_wait3A_1949 : memref<1x128xi32, #tpu.memory_space<vmem>> -> memref<128xi32, #tpu.memory_space<vmem>>
      %dma_wait3A_1951 = tpu.memref_slice %arg3[%mul3A_1942] : memref<100000xi32, #tpu.memory_space<hbm>> -> memref<128xi32, #tpu.memory_space<hbm>>
      tpu.wait_dma2 semaphore(%arg17 : memref<!tpu.dma_semaphore, #tpu.memory_space<semaphore_mem>>) src(%dma_wait3A_1951 : memref<128xi32, #tpu.memory_space<hbm>>) dst(%dma_wait3A_1950 : memref<128xi32, #tpu.memory_space<vmem>>)
    } else {
    }
    %add3A_1856 = arith.constant 18 : i32
    %add3A_1857 = arith.addi %mul3A_2, %add3A_1856 : i32
    %lt3A_1858 = arith.constant 781 : i32
    %lt3A_1859 = arith.cmpi slt, %add3A_1857, %lt3A_1858 : i32
    %convert_element_type3A_1860 = arith.extui %lt3A_1859 : i1 to i32
    %cond3A_1861 = arith.constant 0 : i32
    %cond3A_1862 = arith.cmpi ne, %convert_element_type3A_1860, %cond3A_1861 : i32
    scf.if %cond3A_1862 {
      %add3A_1939 = arith.constant 18 : i32
      %add3A_1940 = arith.addi %mul3A_2, %add3A_1939 : i32
      %mul3A_1941 = arith.constant 128 : i32
      %mul3A_1942 = arith.muli %add3A_1940, %mul3A_1941 : i32
      %dma_wait3A_1943 = arith.constant 18 : i32
      %dma_wait3A_1944 = arith.constant 0 : i32
      %dma_wait3A_1945 = tpu.memref_slice %arg6[%dma_wait3A_1943, %dma_wait3A_1944] : memref<25x128xi32, #tpu.memory_space<vmem>> -> memref<1x128xi32, #tpu.memory_space<vmem>>
      %dma_wait3A_1946 = tpu.memref_squeeze %dma_wait3A_1945 : memref<1x128xi32, #tpu.memory_space<vmem>> -> memref<128xi32, #tpu.memory_space<vmem>>
      %dma_wait3A_1947 = tpu.memref_slice %arg3[%mul3A_1942] : memref<100000xi32, #tpu.memory_space<hbm>> -> memref<128xi32, #tpu.memory_space<hbm>>
      %dma_wait3A_1948 = arith.constant 0 : i32
      %dma_wait3A_1949 = tpu.memref_slice %arg6[%dma_wait3A_1943, %dma_wait3A_1948] : memref<25x128xi32, #tpu.memory_space<vmem>> -> memref<1x128xi32, #tpu.memory_space<vmem>>
      %dma_wait3A_1950 = tpu.memref_squeeze %dma_wait3A_1949 : memref<1x128xi32, #tpu.memory_space<vmem>> -> memref<128xi32, #tpu.memory_space<vmem>>
      %dma_wait3A_1951 = tpu.memref_slice %arg3[%mul3A_1942] : memref<100000xi32, #tpu.memory_space<hbm>> -> memref<128xi32, #tpu.memory_space<hbm>>
      tpu.wait_dma2 semaphore(%arg17 : memref<!tpu.dma_semaphore, #tpu.memory_space<semaphore_mem>>) src(%dma_wait3A_1951 : memref<128xi32, #tpu.memory_space<hbm>>) dst(%dma_wait3A_1950 : memref<128xi32, #tpu.memory_space<vmem>>)
    } else {
    }
    %add3A_1863 = arith.constant 19 : i32
    %add3A_1864 = arith.addi %mul3A_2, %add3A_1863 : i32
    %lt3A_1865 = arith.constant 781 : i32
    %lt3A_1866 = arith.cmpi slt, %add3A_1864, %lt3A_1865 : i32
    %convert_element_type3A_1867 = arith.extui %lt3A_1866 : i1 to i32
    %cond3A_1868 = arith.constant 0 : i32
    %cond3A_1869 = arith.cmpi ne, %convert_element_type3A_1867, %cond3A_1868 : i32
    scf.if %cond3A_1869 {
      %add3A_1939 = arith.constant 19 : i32
      %add3A_1940 = arith.addi %mul3A_2, %add3A_1939 : i32
      %mul3A_1941 = arith.constant 128 : i32
      %mul3A_1942 = arith.muli %add3A_1940, %mul3A_1941 : i32
      %dma_wait3A_1943 = arith.constant 19 : i32
      %dma_wait3A_1944 = arith.constant 0 : i32
      %dma_wait3A_1945 = tpu.memref_slice %arg6[%dma_wait3A_1943, %dma_wait3A_1944] : memref<25x128xi32, #tpu.memory_space<vmem>> -> memref<1x128xi32, #tpu.memory_space<vmem>>
      %dma_wait3A_1946 = tpu.memref_squeeze %dma_wait3A_1945 : memref<1x128xi32, #tpu.memory_space<vmem>> -> memref<128xi32, #tpu.memory_space<vmem>>
      %dma_wait3A_1947 = tpu.memref_slice %arg3[%mul3A_1942] : memref<100000xi32, #tpu.memory_space<hbm>> -> memref<128xi32, #tpu.memory_space<hbm>>
      %dma_wait3A_1948 = arith.constant 0 : i32
      %dma_wait3A_1949 = tpu.memref_slice %arg6[%dma_wait3A_1943, %dma_wait3A_1948] : memref<25x128xi32, #tpu.memory_space<vmem>> -> memref<1x128xi32, #tpu.memory_space<vmem>>
      %dma_wait3A_1950 = tpu.memref_squeeze %dma_wait3A_1949 : memref<1x128xi32, #tpu.memory_space<vmem>> -> memref<128xi32, #tpu.memory_space<vmem>>
      %dma_wait3A_1951 = tpu.memref_slice %arg3[%mul3A_1942] : memref<100000xi32, #tpu.memory_space<hbm>> -> memref<128xi32, #tpu.memory_space<hbm>>
      tpu.wait_dma2 semaphore(%arg17 : memref<!tpu.dma_semaphore, #tpu.memory_space<semaphore_mem>>) src(%dma_wait3A_1951 : memref<128xi32, #tpu.memory_space<hbm>>) dst(%dma_wait3A_1950 : memref<128xi32, #tpu.memory_space<vmem>>)
    } else {
    }
    %add3A_1870 = arith.constant 20 : i32
    %add3A_1871 = arith.addi %mul3A_2, %add3A_1870 : i32
    %lt3A_1872 = arith.constant 781 : i32
    %lt3A_1873 = arith.cmpi slt, %add3A_1871, %lt3A_1872 : i32
    %convert_element_type3A_1874 = arith.extui %lt3A_1873 : i1 to i32
    %cond3A_1875 = arith.constant 0 : i32
    %cond3A_1876 = arith.cmpi ne, %convert_element_type3A_1874, %cond3A_1875 : i32
    scf.if %cond3A_1876 {
      %add3A_1939 = arith.constant 20 : i32
      %add3A_1940 = arith.addi %mul3A_2, %add3A_1939 : i32
      %mul3A_1941 = arith.constant 128 : i32
      %mul3A_1942 = arith.muli %add3A_1940, %mul3A_1941 : i32
      %dma_wait3A_1943 = arith.constant 20 : i32
      %dma_wait3A_1944 = arith.constant 0 : i32
      %dma_wait3A_1945 = tpu.memref_slice %arg6[%dma_wait3A_1943, %dma_wait3A_1944] : memref<25x128xi32, #tpu.memory_space<vmem>> -> memref<1x128xi32, #tpu.memory_space<vmem>>
      %dma_wait3A_1946 = tpu.memref_squeeze %dma_wait3A_1945 : memref<1x128xi32, #tpu.memory_space<vmem>> -> memref<128xi32, #tpu.memory_space<vmem>>
      %dma_wait3A_1947 = tpu.memref_slice %arg3[%mul3A_1942] : memref<100000xi32, #tpu.memory_space<hbm>> -> memref<128xi32, #tpu.memory_space<hbm>>
      %dma_wait3A_1948 = arith.constant 0 : i32
      %dma_wait3A_1949 = tpu.memref_slice %arg6[%dma_wait3A_1943, %dma_wait3A_1948] : memref<25x128xi32, #tpu.memory_space<vmem>> -> memref<1x128xi32, #tpu.memory_space<vmem>>
      %dma_wait3A_1950 = tpu.memref_squeeze %dma_wait3A_1949 : memref<1x128xi32, #tpu.memory_space<vmem>> -> memref<128xi32, #tpu.memory_space<vmem>>
      %dma_wait3A_1951 = tpu.memref_slice %arg3[%mul3A_1942] : memref<100000xi32, #tpu.memory_space<hbm>> -> memref<128xi32, #tpu.memory_space<hbm>>
      tpu.wait_dma2 semaphore(%arg17 : memref<!tpu.dma_semaphore, #tpu.memory_space<semaphore_mem>>) src(%dma_wait3A_1951 : memref<128xi32, #tpu.memory_space<hbm>>) dst(%dma_wait3A_1950 : memref<128xi32, #tpu.memory_space<vmem>>)
    } else {
    }
    %add3A_1877 = arith.constant 21 : i32
    %add3A_1878 = arith.addi %mul3A_2, %add3A_1877 : i32
    %lt3A_1879 = arith.constant 781 : i32
    %lt3A_1880 = arith.cmpi slt, %add3A_1878, %lt3A_1879 : i32
    %convert_element_type3A_1881 = arith.extui %lt3A_1880 : i1 to i32
    %cond3A_1882 = arith.constant 0 : i32
    %cond3A_1883 = arith.cmpi ne, %convert_element_type3A_1881, %cond3A_1882 : i32
    scf.if %cond3A_1883 {
      %add3A_1939 = arith.constant 21 : i32
      %add3A_1940 = arith.addi %mul3A_2, %add3A_1939 : i32
      %mul3A_1941 = arith.constant 128 : i32
      %mul3A_1942 = arith.muli %add3A_1940, %mul3A_1941 : i32
      %dma_wait3A_1943 = arith.constant 21 : i32
      %dma_wait3A_1944 = arith.constant 0 : i32
      %dma_wait3A_1945 = tpu.memref_slice %arg6[%dma_wait3A_1943, %dma_wait3A_1944] : memref<25x128xi32, #tpu.memory_space<vmem>> -> memref<1x128xi32, #tpu.memory_space<vmem>>
      %dma_wait3A_1946 = tpu.memref_squeeze %dma_wait3A_1945 : memref<1x128xi32, #tpu.memory_space<vmem>> -> memref<128xi32, #tpu.memory_space<vmem>>
      %dma_wait3A_1947 = tpu.memref_slice %arg3[%mul3A_1942] : memref<100000xi32, #tpu.memory_space<hbm>> -> memref<128xi32, #tpu.memory_space<hbm>>
      %dma_wait3A_1948 = arith.constant 0 : i32
      %dma_wait3A_1949 = tpu.memref_slice %arg6[%dma_wait3A_1943, %dma_wait3A_1948] : memref<25x128xi32, #tpu.memory_space<vmem>> -> memref<1x128xi32, #tpu.memory_space<vmem>>
      %dma_wait3A_1950 = tpu.memref_squeeze %dma_wait3A_1949 : memref<1x128xi32, #tpu.memory_space<vmem>> -> memref<128xi32, #tpu.memory_space<vmem>>
      %dma_wait3A_1951 = tpu.memref_slice %arg3[%mul3A_1942] : memref<100000xi32, #tpu.memory_space<hbm>> -> memref<128xi32, #tpu.memory_space<hbm>>
      tpu.wait_dma2 semaphore(%arg17 : memref<!tpu.dma_semaphore, #tpu.memory_space<semaphore_mem>>) src(%dma_wait3A_1951 : memref<128xi32, #tpu.memory_space<hbm>>) dst(%dma_wait3A_1950 : memref<128xi32, #tpu.memory_space<vmem>>)
    } else {
    }
    %add3A_1884 = arith.constant 22 : i32
    %add3A_1885 = arith.addi %mul3A_2, %add3A_1884 : i32
    %lt3A_1886 = arith.constant 781 : i32
    %lt3A_1887 = arith.cmpi slt, %add3A_1885, %lt3A_1886 : i32
    %convert_element_type3A_1888 = arith.extui %lt3A_1887 : i1 to i32
    %cond3A_1889 = arith.constant 0 : i32
    %cond3A_1890 = arith.cmpi ne, %convert_element_type3A_1888, %cond3A_1889 : i32
    scf.if %cond3A_1890 {
      %add3A_1939 = arith.constant 22 : i32
      %add3A_1940 = arith.addi %mul3A_2, %add3A_1939 : i32
      %mul3A_1941 = arith.constant 128 : i32
      %mul3A_1942 = arith.muli %add3A_1940, %mul3A_1941 : i32
      %dma_wait3A_1943 = arith.constant 22 : i32
      %dma_wait3A_1944 = arith.constant 0 : i32
      %dma_wait3A_1945 = tpu.memref_slice %arg6[%dma_wait3A_1943, %dma_wait3A_1944] : memref<25x128xi32, #tpu.memory_space<vmem>> -> memref<1x128xi32, #tpu.memory_space<vmem>>
      %dma_wait3A_1946 = tpu.memref_squeeze %dma_wait3A_1945 : memref<1x128xi32, #tpu.memory_space<vmem>> -> memref<128xi32, #tpu.memory_space<vmem>>
      %dma_wait3A_1947 = tpu.memref_slice %arg3[%mul3A_1942] : memref<100000xi32, #tpu.memory_space<hbm>> -> memref<128xi32, #tpu.memory_space<hbm>>
      %dma_wait3A_1948 = arith.constant 0 : i32
      %dma_wait3A_1949 = tpu.memref_slice %arg6[%dma_wait3A_1943, %dma_wait3A_1948] : memref<25x128xi32, #tpu.memory_space<vmem>> -> memref<1x128xi32, #tpu.memory_space<vmem>>
      %dma_wait3A_1950 = tpu.memref_squeeze %dma_wait3A_1949 : memref<1x128xi32, #tpu.memory_space<vmem>> -> memref<128xi32, #tpu.memory_space<vmem>>
      %dma_wait3A_1951 = tpu.memref_slice %arg3[%mul3A_1942] : memref<100000xi32, #tpu.memory_space<hbm>> -> memref<128xi32, #tpu.memory_space<hbm>>
      tpu.wait_dma2 semaphore(%arg17 : memref<!tpu.dma_semaphore, #tpu.memory_space<semaphore_mem>>) src(%dma_wait3A_1951 : memref<128xi32, #tpu.memory_space<hbm>>) dst(%dma_wait3A_1950 : memref<128xi32, #tpu.memory_space<vmem>>)
    } else {
    }
    %add3A_1891 = arith.constant 23 : i32
    %add3A_1892 = arith.addi %mul3A_2, %add3A_1891 : i32
    %lt3A_1893 = arith.constant 781 : i32
    %lt3A_1894 = arith.cmpi slt, %add3A_1892, %lt3A_1893 : i32
    %convert_element_type3A_1895 = arith.extui %lt3A_1894 : i1 to i32
    %cond3A_1896 = arith.constant 0 : i32
    %cond3A_1897 = arith.cmpi ne, %convert_element_type3A_1895, %cond3A_1896 : i32
    scf.if %cond3A_1897 {
      %add3A_1939 = arith.constant 23 : i32
      %add3A_1940 = arith.addi %mul3A_2, %add3A_1939 : i32
      %mul3A_1941 = arith.constant 128 : i32
      %mul3A_1942 = arith.muli %add3A_1940, %mul3A_1941 : i32
      %dma_wait3A_1943 = arith.constant 23 : i32
      %dma_wait3A_1944 = arith.constant 0 : i32
      %dma_wait3A_1945 = tpu.memref_slice %arg6[%dma_wait3A_1943, %dma_wait3A_1944] : memref<25x128xi32, #tpu.memory_space<vmem>> -> memref<1x128xi32, #tpu.memory_space<vmem>>
      %dma_wait3A_1946 = tpu.memref_squeeze %dma_wait3A_1945 : memref<1x128xi32, #tpu.memory_space<vmem>> -> memref<128xi32, #tpu.memory_space<vmem>>
      %dma_wait3A_1947 = tpu.memref_slice %arg3[%mul3A_1942] : memref<100000xi32, #tpu.memory_space<hbm>> -> memref<128xi32, #tpu.memory_space<hbm>>
      %dma_wait3A_1948 = arith.constant 0 : i32
      %dma_wait3A_1949 = tpu.memref_slice %arg6[%dma_wait3A_1943, %dma_wait3A_1948] : memref<25x128xi32, #tpu.memory_space<vmem>> -> memref<1x128xi32, #tpu.memory_space<vmem>>
      %dma_wait3A_1950 = tpu.memref_squeeze %dma_wait3A_1949 : memref<1x128xi32, #tpu.memory_space<vmem>> -> memref<128xi32, #tpu.memory_space<vmem>>
      %dma_wait3A_1951 = tpu.memref_slice %arg3[%mul3A_1942] : memref<100000xi32, #tpu.memory_space<hbm>> -> memref<128xi32, #tpu.memory_space<hbm>>
      tpu.wait_dma2 semaphore(%arg17 : memref<!tpu.dma_semaphore, #tpu.memory_space<semaphore_mem>>) src(%dma_wait3A_1951 : memref<128xi32, #tpu.memory_space<hbm>>) dst(%dma_wait3A_1950 : memref<128xi32, #tpu.memory_space<vmem>>)
    } else {
    }
    %add3A_1898 = arith.constant 24 : i32
    %add3A_1899 = arith.addi %mul3A_2, %add3A_1898 : i32
    %lt3A_1900 = arith.constant 781 : i32
    %lt3A_1901 = arith.cmpi slt, %add3A_1899, %lt3A_1900 : i32
    %convert_element_type3A_1902 = arith.extui %lt3A_1901 : i1 to i32
    %cond3A_1903 = arith.constant 0 : i32
    %cond3A_1904 = arith.cmpi ne, %convert_element_type3A_1902, %cond3A_1903 : i32
    scf.if %cond3A_1904 {
      %add3A_1939 = arith.constant 24 : i32
      %add3A_1940 = arith.addi %mul3A_2, %add3A_1939 : i32
      %mul3A_1941 = arith.constant 128 : i32
      %mul3A_1942 = arith.muli %add3A_1940, %mul3A_1941 : i32
      %dma_wait3A_1943 = arith.constant 24 : i32
      %dma_wait3A_1944 = arith.constant 0 : i32
      %dma_wait3A_1945 = tpu.memref_slice %arg6[%dma_wait3A_1943, %dma_wait3A_1944] : memref<25x128xi32, #tpu.memory_space<vmem>> -> memref<1x128xi32, #tpu.memory_space<vmem>>
      %dma_wait3A_1946 = tpu.memref_squeeze %dma_wait3A_1945 : memref<1x128xi32, #tpu.memory_space<vmem>> -> memref<128xi32, #tpu.memory_space<vmem>>
      %dma_wait3A_1947 = tpu.memref_slice %arg3[%mul3A_1942] : memref<100000xi32, #tpu.memory_space<hbm>> -> memref<128xi32, #tpu.memory_space<hbm>>
      %dma_wait3A_1948 = arith.constant 0 : i32
      %dma_wait3A_1949 = tpu.memref_slice %arg6[%dma_wait3A_1943, %dma_wait3A_1948] : memref<25x128xi32, #tpu.memory_space<vmem>> -> memref<1x128xi32, #tpu.memory_space<vmem>>
      %dma_wait3A_1950 = tpu.memref_squeeze %dma_wait3A_1949 : memref<1x128xi32, #tpu.memory_space<vmem>> -> memref<128xi32, #tpu.memory_space<vmem>>
      %dma_wait3A_1951 = tpu.memref_slice %arg3[%mul3A_1942] : memref<100000xi32, #tpu.memory_space<hbm>> -> memref<128xi32, #tpu.memory_space<hbm>>
      tpu.wait_dma2 semaphore(%arg17 : memref<!tpu.dma_semaphore, #tpu.memory_space<semaphore_mem>>) src(%dma_wait3A_1951 : memref<128xi32, #tpu.memory_space<hbm>>) dst(%dma_wait3A_1950 : memref<128xi32, #tpu.memory_space<vmem>>)
    } else {
    }
    %barrier3A = arith.constant 0 : index
    tpu.barrier barrier_id(%barrier3A)
    %eq3A = arith.constant 31 : i32
    %eq3A_1905 = arith.cmpi eq, %add3A, %eq3A : i32
    %convert_element_type3A_1906 = arith.extui %eq3A_1905 : i1 to i32
    %cond3A_1907 = arith.constant 0 : i32
    %cond3A_1908 = arith.cmpi ne, %convert_element_type3A_1906, %cond3A_1907 : i32
    scf.if %cond3A_1908 {
      "tpu.region"() ({
        %run_scoped3A = tpu.sem_alloc : memref<!tpu.dma_semaphore, #tpu.memory_space<semaphore_mem>>
        %dma_start3A_1939 = arith.constant 99968 : i32
        %dma_start3A_1940 = tpu.memref_slice %arg3[%dma_start3A_1939] : memref<100000xi32, #tpu.memory_space<hbm>> -> memref<32xi32, #tpu.memory_space<hbm>>
        %dma_start3A_1941 = arith.constant 99968 : i32
        %dma_start3A_1942 = tpu.memref_slice %arg3[%dma_start3A_1941] : memref<100000xi32, #tpu.memory_space<hbm>> -> memref<32xi32, #tpu.memory_space<hbm>>
        tpu.enqueue_dma source(%dma_start3A_1942 : memref<32xi32, #tpu.memory_space<hbm>>) target(%arg10 : memref<32xi32, #tpu.memory_space<vmem>>) target_semaphore(%run_scoped3A : memref<!tpu.dma_semaphore, #tpu.memory_space<semaphore_mem>>)
        %dma_wait3A_1943 = arith.constant 99968 : i32
        %dma_wait3A_1944 = tpu.memref_slice %arg3[%dma_wait3A_1943] : memref<100000xi32, #tpu.memory_space<hbm>> -> memref<32xi32, #tpu.memory_space<hbm>>
        %dma_wait3A_1945 = arith.constant 99968 : i32
        %dma_wait3A_1946 = tpu.memref_slice %arg3[%dma_wait3A_1945] : memref<100000xi32, #tpu.memory_space<hbm>> -> memref<32xi32, #tpu.memory_space<hbm>>
        tpu.wait_dma2 semaphore(%run_scoped3A : memref<!tpu.dma_semaphore, #tpu.memory_space<semaphore_mem>>) src(%dma_wait3A_1946 : memref<32xi32, #tpu.memory_space<hbm>>) dst(%arg10 : memref<32xi32, #tpu.memory_space<vmem>>)
        tpu.yield
      }) : () -> ()
      "tpu.region"() ({
        %run_scoped3A = tpu.sem_alloc : memref<!tpu.dma_semaphore, #tpu.memory_space<semaphore_mem>>
        %dma_start3A_1939 = arith.constant 99968 : i32
        %dma_start3A_1940 = arith.constant 0 : i32
        %dma_start3A_1941 = tpu.memref_slice %arg2[%dma_start3A_1939, %dma_start3A_1940] : memref<100000x128xf32, #tpu.memory_space<hbm>> -> memref<32x128xf32, #tpu.memory_space<hbm>>
        %dma_start3A_1942 = arith.constant 99968 : i32
        %dma_start3A_1943 = arith.constant 0 : i32
        %dma_start3A_1944 = tpu.memref_slice %arg2[%dma_start3A_1942, %dma_start3A_1943] : memref<100000x128xf32, #tpu.memory_space<hbm>> -> memref<32x128xf32, #tpu.memory_space<hbm>>
        tpu.enqueue_dma source(%dma_start3A_1944 : memref<32x128xf32, #tpu.memory_space<hbm>>) target(%arg11 : memref<32x128xf32, #tpu.memory_space<vmem>>) target_semaphore(%run_scoped3A : memref<!tpu.dma_semaphore, #tpu.memory_space<semaphore_mem>>)
        %dma_wait3A_1945 = arith.constant 99968 : i32
        %dma_wait3A_1946 = arith.constant 0 : i32
        %dma_wait3A_1947 = tpu.memref_slice %arg2[%dma_wait3A_1945, %dma_wait3A_1946] : memref<100000x128xf32, #tpu.memory_space<hbm>> -> memref<32x128xf32, #tpu.memory_space<hbm>>
        %dma_wait3A_1948 = arith.constant 99968 : i32
        %dma_wait3A_1949 = arith.constant 0 : i32
        %dma_wait3A_1950 = tpu.memref_slice %arg2[%dma_wait3A_1948, %dma_wait3A_1949] : memref<100000x128xf32, #tpu.memory_space<hbm>> -> memref<32x128xf32, #tpu.memory_space<hbm>>
        tpu.wait_dma2 semaphore(%run_scoped3A : memref<!tpu.dma_semaphore, #tpu.memory_space<semaphore_mem>>) src(%dma_wait3A_1950 : memref<32x128xf32, #tpu.memory_space<hbm>>) dst(%arg11 : memref<32x128xf32, #tpu.memory_space<vmem>>)
        tpu.yield
      }) : () -> ()
      "tpu.region"() ({
        %run_scoped3A = tpu.sem_alloc : memref<!tpu.dma_semaphore, #tpu.memory_space<semaphore_mem>>
        %dma_start3A_1939 = arith.constant 0 : i32
        %dma_start3A_1940 = arith.constant 0 : i32
        %dma_start3A_1941 = tpu.memref_slice %arg5[%dma_start3A_1939, %dma_start3A_1940] : memref<512x128xf32, #tpu.memory_space<vmem_shared>> -> memref<512x128xf32, #tpu.memory_space<vmem_shared>>
        tpu.enqueue_indirect_dma source(%arg11 : memref<32x128xf32, #tpu.memory_space<vmem>>) target(%dma_start3A_1941 : memref<512x128xf32, #tpu.memory_space<vmem_shared>>) offsets(%arg10 : memref<32xi32, #tpu.memory_space<vmem>>) semaphore(%run_scoped3A : memref<!tpu.dma_semaphore, #tpu.memory_space<semaphore_mem>>) {add = true}
        %dma_wait3A_1942 = arith.constant 0 : i32
        %dma_wait3A_1943 = arith.constant 0 : i32
        %dma_wait3A_1944 = tpu.memref_slice %arg5[%dma_wait3A_1942, %dma_wait3A_1943] : memref<512x128xf32, #tpu.memory_space<vmem_shared>> -> memref<512x128xf32, #tpu.memory_space<vmem_shared>>
        tpu.wait_indirect_dma semaphore(%run_scoped3A : memref<!tpu.dma_semaphore, #tpu.memory_space<semaphore_mem>>) src(%arg11 : memref<32x128xf32, #tpu.memory_space<vmem>>) dst(%dma_wait3A_1944 : memref<512x128xf32, #tpu.memory_space<vmem_shared>>)
        tpu.yield
      }) : () -> ()
    } else {
    }
    %scan3A = arith.constant 0 : i32
    %scan3A_1909 = arith.constant 0 : i32
    %scan3A_1910 = arith.constant 9 : i32
    %scan3A_1911 = arith.addi %scan3A_1909, %scan3A_1910 : i32
    %scan3A_1912 = arith.constant 1 : i32
    scf.for %scan3A_1939 = %scan3A_1909 to %scan3A_1911 step %scan3A_1912  : i32 {
      %mul3A_1940 = arith.constant 3 : i32
      %mul3A_1941 = arith.muli %mul3A_1940, %scan3A_1939 : i32
      %add3A_1942 = arith.constant 0 : i32
      %add3A_1943 = arith.addi %mul3A_1941, %add3A_1942 : i32
      %add3A_1944 = arith.constant 2 : i32
      %add3A_1945 = arith.addi %add3A_1943, %add3A_1944 : i32
      %lt3A_1946 = arith.cmpi slt, %add3A_1945, %min3A_4 : i32
      %convert_element_type3A_1947 = arith.extui %lt3A_1946 : i1 to i32
      %cond3A_1948 = arith.constant 0 : i32
      %cond3A_1949 = arith.cmpi ne, %convert_element_type3A_1947, %cond3A_1948 : i32
      scf.if %cond3A_1949 {
        %ge3A = arith.constant 1 : i32
        %ge3A_1982 = arith.cmpi sge, %add3A_1943, %ge3A : i32
        %convert_element_type3A_1983 = arith.extui %ge3A_1982 : i1 to i32
        %cond3A_1984 = arith.constant 0 : i32
        %cond3A_1985 = arith.cmpi ne, %convert_element_type3A_1983, %cond3A_1984 : i32
        scf.if %cond3A_1985 {
          %dma_wait3A_1995 = arith.constant 0 : i32
          %dma_wait3A_1996 = arith.constant 0 : i32
          %dma_wait3A_1997 = tpu.memref_slice %arg6[%dma_wait3A_1995, %dma_wait3A_1996] : memref<25x128xi32, #tpu.memory_space<vmem>> -> memref<1x128xi32, #tpu.memory_space<vmem>>
          %dma_wait3A_1998 = tpu.memref_squeeze %dma_wait3A_1997 : memref<1x128xi32, #tpu.memory_space<vmem>> -> memref<128xi32, #tpu.memory_space<vmem>>
          %dma_wait3A_1999 = arith.constant 0 : i32
          %dma_wait3A_2000 = arith.constant 0 : i32
          %dma_wait3A_2001 = tpu.memref_slice %arg5[%dma_wait3A_1999, %dma_wait3A_2000] : memref<512x128xf32, #tpu.memory_space<vmem_shared>> -> memref<512x128xf32, #tpu.memory_space<vmem_shared>>
          tpu.wait_indirect_dma semaphore(%arg16 : memref<!tpu.dma_semaphore, #tpu.memory_space<semaphore_mem>>) src(%arg7 : memref<128x128xf32, #tpu.memory_space<vmem>>) dst(%dma_wait3A_2001 : memref<512x128xf32, #tpu.memory_space<vmem_shared>>)
        } else {
        }
        %add3A_1986 = arith.constant 2 : i32
        %add3A_1987 = arith.addi %add3A_1943, %add3A_1986 : i32
        %add3A_1988 = arith.addi %mul3A_2, %add3A_1987 : i32
        %mul3A_1989 = arith.constant 128 : i32
        %mul3A_1990 = arith.muli %add3A_1988, %mul3A_1989 : i32
        %dma_start3A_1991 = arith.constant 0 : i32
        %dma_start3A_1992 = tpu.memref_slice %arg2[%mul3A_1990, %dma_start3A_1991] : memref<100000x128xf32, #tpu.memory_space<hbm>> -> memref<128x128xf32, #tpu.memory_space<hbm>>
        %dma_start3A_1993 = arith.constant 0 : i32
        %dma_start3A_1994 = tpu.memref_slice %arg2[%mul3A_1990, %dma_start3A_1993] : memref<100000x128xf32, #tpu.memory_space<hbm>> -> memref<128x128xf32, #tpu.memory_space<hbm>>
        tpu.enqueue_dma source(%dma_start3A_1994 : memref<128x128xf32, #tpu.memory_space<hbm>>) target(%arg9 : memref<128x128xf32, #tpu.memory_space<vmem>>) target_semaphore(%arg15 : memref<!tpu.dma_semaphore, #tpu.memory_space<semaphore_mem>>)
      } else {
      }
      %lt3A_1950 = arith.cmpi slt, %add3A_1943, %min3A_4 : i32
      %convert_element_type3A_1951 = arith.extui %lt3A_1950 : i1 to i32
      %cond3A_1952 = arith.constant 0 : i32
      %cond3A_1953 = arith.cmpi ne, %convert_element_type3A_1951, %cond3A_1952 : i32
      scf.if %cond3A_1953 {
        %dma_wait3A_1982 = arith.constant 0 : i32
        %dma_wait3A_1983 = arith.constant 0 : i32
        %dma_wait3A_1984 = tpu.memref_slice %arg2[%dma_wait3A_1982, %dma_wait3A_1983] : memref<100000x128xf32, #tpu.memory_space<hbm>> -> memref<128x128xf32, #tpu.memory_space<hbm>>
        %dma_wait3A_1985 = arith.constant 0 : i32
        %dma_wait3A_1986 = arith.constant 0 : i32
        %dma_wait3A_1987 = tpu.memref_slice %arg2[%dma_wait3A_1985, %dma_wait3A_1986] : memref<100000x128xf32, #tpu.memory_space<hbm>> -> memref<128x128xf32, #tpu.memory_space<hbm>>
        tpu.wait_dma2 semaphore(%arg13 : memref<!tpu.dma_semaphore, #tpu.memory_space<semaphore_mem>>) src(%dma_wait3A_1987 : memref<128x128xf32, #tpu.memory_space<hbm>>) dst(%arg7 : memref<128x128xf32, #tpu.memory_space<vmem>>)
        %dma_start3A_1988 = arith.constant 0 : i32
        %dma_start3A_1989 = tpu.memref_slice %arg6[%add3A_1943, %dma_start3A_1988] : memref<25x128xi32, #tpu.memory_space<vmem>> -> memref<1x128xi32, #tpu.memory_space<vmem>>
        %dma_start3A_1990 = tpu.memref_squeeze %dma_start3A_1989 : memref<1x128xi32, #tpu.memory_space<vmem>> -> memref<128xi32, #tpu.memory_space<vmem>>
        %dma_start3A_1991 = arith.constant 0 : i32
        %dma_start3A_1992 = arith.constant 0 : i32
        %dma_start3A_1993 = tpu.memref_slice %arg5[%dma_start3A_1991, %dma_start3A_1992] : memref<512x128xf32, #tpu.memory_space<vmem_shared>> -> memref<512x128xf32, #tpu.memory_space<vmem_shared>>
        tpu.enqueue_indirect_dma source(%arg7 : memref<128x128xf32, #tpu.memory_space<vmem>>) target(%dma_start3A_1993 : memref<512x128xf32, #tpu.memory_space<vmem_shared>>) offsets(%dma_start3A_1990 : memref<128xi32, #tpu.memory_space<vmem>>) semaphore(%arg16 : memref<!tpu.dma_semaphore, #tpu.memory_space<semaphore_mem>>) {add = true}
      } else {
      }
      %mul3A_1954 = arith.constant 3 : i32
      %mul3A_1955 = arith.muli %mul3A_1954, %scan3A_1939 : i32
      %add3A_1956 = arith.constant 1 : i32
      %add3A_1957 = arith.addi %mul3A_1955, %add3A_1956 : i32
      %add3A_1958 = arith.constant 2 : i32
      %add3A_1959 = arith.addi %add3A_1957, %add3A_1958 : i32
      %lt3A_1960 = arith.cmpi slt, %add3A_1959, %min3A_4 : i32
      %convert_element_type3A_1961 = arith.extui %lt3A_1960 : i1 to i32
      %cond3A_1962 = arith.constant 0 : i32
      %cond3A_1963 = arith.cmpi ne, %convert_element_type3A_1961, %cond3A_1962 : i32
      scf.if %cond3A_1963 {
        %ge3A = arith.constant 1 : i32
        %ge3A_1982 = arith.cmpi sge, %add3A_1957, %ge3A : i32
        %convert_element_type3A_1983 = arith.extui %ge3A_1982 : i1 to i32
        %cond3A_1984 = arith.constant 0 : i32
        %cond3A_1985 = arith.cmpi ne, %convert_element_type3A_1983, %cond3A_1984 : i32
        scf.if %cond3A_1985 {
          %dma_wait3A_1995 = arith.constant 0 : i32
          %dma_wait3A_1996 = arith.constant 0 : i32
          %dma_wait3A_1997 = tpu.memref_slice %arg6[%dma_wait3A_1995, %dma_wait3A_1996] : memref<25x128xi32, #tpu.memory_space<vmem>> -> memref<1x128xi32, #tpu.memory_space<vmem>>
          %dma_wait3A_1998 = tpu.memref_squeeze %dma_wait3A_1997 : memref<1x128xi32, #tpu.memory_space<vmem>> -> memref<128xi32, #tpu.memory_space<vmem>>
          %dma_wait3A_1999 = arith.constant 0 : i32
          %dma_wait3A_2000 = arith.constant 0 : i32
          %dma_wait3A_2001 = tpu.memref_slice %arg5[%dma_wait3A_1999, %dma_wait3A_2000] : memref<512x128xf32, #tpu.memory_space<vmem_shared>> -> memref<512x128xf32, #tpu.memory_space<vmem_shared>>
          tpu.wait_indirect_dma semaphore(%arg16 : memref<!tpu.dma_semaphore, #tpu.memory_space<semaphore_mem>>) src(%arg7 : memref<128x128xf32, #tpu.memory_space<vmem>>) dst(%dma_wait3A_2001 : memref<512x128xf32, #tpu.memory_space<vmem_shared>>)
        } else {
        }
        %add3A_1986 = arith.constant 2 : i32
        %add3A_1987 = arith.addi %add3A_1957, %add3A_1986 : i32
        %add3A_1988 = arith.addi %mul3A_2, %add3A_1987 : i32
        %mul3A_1989 = arith.constant 128 : i32
        %mul3A_1990 = arith.muli %add3A_1988, %mul3A_1989 : i32
        %dma_start3A_1991 = arith.constant 0 : i32
        %dma_start3A_1992 = tpu.memref_slice %arg2[%mul3A_1990, %dma_start3A_1991] : memref<100000x128xf32, #tpu.memory_space<hbm>> -> memref<128x128xf32, #tpu.memory_space<hbm>>
        %dma_start3A_1993 = arith.constant 0 : i32
        %dma_start3A_1994 = tpu.memref_slice %arg2[%mul3A_1990, %dma_start3A_1993] : memref<100000x128xf32, #tpu.memory_space<hbm>> -> memref<128x128xf32, #tpu.memory_space<hbm>>
        tpu.enqueue_dma source(%dma_start3A_1994 : memref<128x128xf32, #tpu.memory_space<hbm>>) target(%arg7 : memref<128x128xf32, #tpu.memory_space<vmem>>) target_semaphore(%arg13 : memref<!tpu.dma_semaphore, #tpu.memory_space<semaphore_mem>>)
      } else {
      }
      %lt3A_1964 = arith.cmpi slt, %add3A_1957, %min3A_4 : i32
      %convert_element_type3A_1965 = arith.extui %lt3A_1964 : i1 to i32
      %cond3A_1966 = arith.constant 0 : i32
      %cond3A_1967 = arith.cmpi ne, %convert_element_type3A_1965, %cond3A_1966 : i32
      scf.if %cond3A_1967 {
        %dma_wait3A_1982 = arith.constant 0 : i32
        %dma_wait3A_1983 = arith.constant 0 : i32
        %dma_wait3A_1984 = tpu.memref_slice %arg2[%dma_wait3A_1982, %dma_wait3A_1983] : memref<100000x128xf32, #tpu.memory_space<hbm>> -> memref<128x128xf32, #tpu.memory_space<hbm>>
        %dma_wait3A_1985 = arith.constant 0 : i32
        %dma_wait3A_1986 = arith.constant 0 : i32
        %dma_wait3A_1987 = tpu.memref_slice %arg2[%dma_wait3A_1985, %dma_wait3A_1986] : memref<100000x128xf32, #tpu.memory_space<hbm>> -> memref<128x128xf32, #tpu.memory_space<hbm>>
        tpu.wait_dma2 semaphore(%arg14 : memref<!tpu.dma_semaphore, #tpu.memory_space<semaphore_mem>>) src(%dma_wait3A_1987 : memref<128x128xf32, #tpu.memory_space<hbm>>) dst(%arg8 : memref<128x128xf32, #tpu.memory_space<vmem>>)
        %dma_start3A_1988 = arith.constant 0 : i32
        %dma_start3A_1989 = tpu.memref_slice %arg6[%add3A_1957, %dma_start3A_1988] : memref<25x128xi32, #tpu.memory_space<vmem>> -> memref<1x128xi32, #tpu.memory_space<vmem>>
        %dma_start3A_1990 = tpu.memref_squeeze %dma_start3A_1989 : memref<1x128xi32, #tpu.memory_space<vmem>> -> memref<128xi32, #tpu.memory_space<vmem>>
        %dma_start3A_1991 = arith.constant 0 : i32
        %dma_start3A_1992 = arith.constant 0 : i32
        %dma_start3A_1993 = tpu.memref_slice %arg5[%dma_start3A_1991, %dma_start3A_1992] : memref<512x128xf32, #tpu.memory_space<vmem_shared>> -> memref<512x128xf32, #tpu.memory_space<vmem_shared>>
        tpu.enqueue_indirect_dma source(%arg8 : memref<128x128xf32, #tpu.memory_space<vmem>>) target(%dma_start3A_1993 : memref<512x128xf32, #tpu.memory_space<vmem_shared>>) offsets(%dma_start3A_1990 : memref<128xi32, #tpu.memory_space<vmem>>) semaphore(%arg16 : memref<!tpu.dma_semaphore, #tpu.memory_space<semaphore_mem>>) {add = true}
      } else {
      }
      %mul3A_1968 = arith.constant 3 : i32
      %mul3A_1969 = arith.muli %mul3A_1968, %scan3A_1939 : i32
      %add3A_1970 = arith.constant 2 : i32
      %add3A_1971 = arith.addi %mul3A_1969, %add3A_1970 : i32
      %add3A_1972 = arith.constant 2 : i32
      %add3A_1973 = arith.addi %add3A_1971, %add3A_1972 : i32
      %lt3A_1974 = arith.cmpi slt, %add3A_1973, %min3A_4 : i32
      %convert_element_type3A_1975 = arith.extui %lt3A_1974 : i1 to i32
      %cond3A_1976 = arith.constant 0 : i32
      %cond3A_1977 = arith.cmpi ne, %convert_element_type3A_1975, %cond3A_1976 : i32
      scf.if %cond3A_1977 {
        %ge3A = arith.constant 1 : i32
        %ge3A_1982 = arith.cmpi sge, %add3A_1971, %ge3A : i32
        %convert_element_type3A_1983 = arith.extui %ge3A_1982 : i1 to i32
        %cond3A_1984 = arith.constant 0 : i32
        %cond3A_1985 = arith.cmpi ne, %convert_element_type3A_1983, %cond3A_1984 : i32
        scf.if %cond3A_1985 {
          %dma_wait3A_1995 = arith.constant 0 : i32
          %dma_wait3A_1996 = arith.constant 0 : i32
          %dma_wait3A_1997 = tpu.memref_slice %arg6[%dma_wait3A_1995, %dma_wait3A_1996] : memref<25x128xi32, #tpu.memory_space<vmem>> -> memref<1x128xi32, #tpu.memory_space<vmem>>
          %dma_wait3A_1998 = tpu.memref_squeeze %dma_wait3A_1997 : memref<1x128xi32, #tpu.memory_space<vmem>> -> memref<128xi32, #tpu.memory_space<vmem>>
          %dma_wait3A_1999 = arith.constant 0 : i32
          %dma_wait3A_2000 = arith.constant 0 : i32
          %dma_wait3A_2001 = tpu.memref_slice %arg5[%dma_wait3A_1999, %dma_wait3A_2000] : memref<512x128xf32, #tpu.memory_space<vmem_shared>> -> memref<512x128xf32, #tpu.memory_space<vmem_shared>>
          tpu.wait_indirect_dma semaphore(%arg16 : memref<!tpu.dma_semaphore, #tpu.memory_space<semaphore_mem>>) src(%arg7 : memref<128x128xf32, #tpu.memory_space<vmem>>) dst(%dma_wait3A_2001 : memref<512x128xf32, #tpu.memory_space<vmem_shared>>)
        } else {
        }
        %add3A_1986 = arith.constant 2 : i32
        %add3A_1987 = arith.addi %add3A_1971, %add3A_1986 : i32
        %add3A_1988 = arith.addi %mul3A_2, %add3A_1987 : i32
        %mul3A_1989 = arith.constant 128 : i32
        %mul3A_1990 = arith.muli %add3A_1988, %mul3A_1989 : i32
        %dma_start3A_1991 = arith.constant 0 : i32
        %dma_start3A_1992 = tpu.memref_slice %arg2[%mul3A_1990, %dma_start3A_1991] : memref<100000x128xf32, #tpu.memory_space<hbm>> -> memref<128x128xf32, #tpu.memory_space<hbm>>
        %dma_start3A_1993 = arith.constant 0 : i32
        %dma_start3A_1994 = tpu.memref_slice %arg2[%mul3A_1990, %dma_start3A_1993] : memref<100000x128xf32, #tpu.memory_space<hbm>> -> memref<128x128xf32, #tpu.memory_space<hbm>>
        tpu.enqueue_dma source(%dma_start3A_1994 : memref<128x128xf32, #tpu.memory_space<hbm>>) target(%arg8 : memref<128x128xf32, #tpu.memory_space<vmem>>) target_semaphore(%arg14 : memref<!tpu.dma_semaphore, #tpu.memory_space<semaphore_mem>>)
      } else {
      }
      %lt3A_1978 = arith.cmpi slt, %add3A_1971, %min3A_4 : i32
      %convert_element_type3A_1979 = arith.extui %lt3A_1978 : i1 to i32
      %cond3A_1980 = arith.constant 0 : i32
      %cond3A_1981 = arith.cmpi ne, %convert_element_type3A_1979, %cond3A_1980 : i32
      scf.if %cond3A_1981 {
        %dma_wait3A_1982 = arith.constant 0 : i32
        %dma_wait3A_1983 = arith.constant 0 : i32
        %dma_wait3A_1984 = tpu.memref_slice %arg2[%dma_wait3A_1982, %dma_wait3A_1983] : memref<100000x128xf32, #tpu.memory_space<hbm>> -> memref<128x128xf32, #tpu.memory_space<hbm>>
        %dma_wait3A_1985 = arith.constant 0 : i32
        %dma_wait3A_1986 = arith.constant 0 : i32
        %dma_wait3A_1987 = tpu.memref_slice %arg2[%dma_wait3A_1985, %dma_wait3A_1986] : memref<100000x128xf32, #tpu.memory_space<hbm>> -> memref<128x128xf32, #tpu.memory_space<hbm>>
        tpu.wait_dma2 semaphore(%arg15 : memref<!tpu.dma_semaphore, #tpu.memory_space<semaphore_mem>>) src(%dma_wait3A_1987 : memref<128x128xf32, #tpu.memory_space<hbm>>) dst(%arg9 : memref<128x128xf32, #tpu.memory_space<vmem>>)
        %dma_start3A_1988 = arith.constant 0 : i32
        %dma_start3A_1989 = tpu.memref_slice %arg6[%add3A_1971, %dma_start3A_1988] : memref<25x128xi32, #tpu.memory_space<vmem>> -> memref<1x128xi32, #tpu.memory_space<vmem>>
        %dma_start3A_1990 = tpu.memref_squeeze %dma_start3A_1989 : memref<1x128xi32, #tpu.memory_space<vmem>> -> memref<128xi32, #tpu.memory_space<vmem>>
        %dma_start3A_1991 = arith.constant 0 : i32
        %dma_start3A_1992 = arith.constant 0 : i32
        %dma_start3A_1993 = tpu.memref_slice %arg5[%dma_start3A_1991, %dma_start3A_1992] : memref<512x128xf32, #tpu.memory_space<vmem_shared>> -> memref<512x128xf32, #tpu.memory_space<vmem_shared>>
        tpu.enqueue_indirect_dma source(%arg9 : memref<128x128xf32, #tpu.memory_space<vmem>>) target(%dma_start3A_1993 : memref<512x128xf32, #tpu.memory_space<vmem_shared>>) offsets(%dma_start3A_1990 : memref<128xi32, #tpu.memory_space<vmem>>) semaphore(%arg16 : memref<!tpu.dma_semaphore, #tpu.memory_space<semaphore_mem>>) {add = true}
      } else {
      }
    }
    %scan3A_1913 = arith.constant 9 : i32
    %dma_wait3A = arith.constant 0 : i32
    %dma_wait3A_1914 = arith.constant 0 : i32
    %dma_wait3A_1915 = tpu.memref_slice %arg6[%dma_wait3A, %dma_wait3A_1914] : memref<25x128xi32, #tpu.memory_space<vmem>> -> memref<1x128xi32, #tpu.memory_space<vmem>>
    %dma_wait3A_1916 = tpu.memref_squeeze %dma_wait3A_1915 : memref<1x128xi32, #tpu.memory_space<vmem>> -> memref<128xi32, #tpu.memory_space<vmem>>
    %dma_wait3A_1917 = arith.constant 0 : i32
    %dma_wait3A_1918 = arith.constant 0 : i32
    %dma_wait3A_1919 = tpu.memref_slice %arg5[%dma_wait3A_1917, %dma_wait3A_1918] : memref<512x128xf32, #tpu.memory_space<vmem_shared>> -> memref<512x128xf32, #tpu.memory_space<vmem_shared>>
    tpu.wait_indirect_dma semaphore(%arg16 : memref<!tpu.dma_semaphore, #tpu.memory_space<semaphore_mem>>) src(%arg7 : memref<128x128xf32, #tpu.memory_space<vmem>>) dst(%dma_wait3A_1919 : memref<512x128xf32, #tpu.memory_space<vmem_shared>>)
    %dma_wait3A_1920 = arith.constant 0 : i32
    %dma_wait3A_1921 = arith.constant 0 : i32
    %dma_wait3A_1922 = tpu.memref_slice %arg6[%dma_wait3A_1920, %dma_wait3A_1921] : memref<25x128xi32, #tpu.memory_space<vmem>> -> memref<1x128xi32, #tpu.memory_space<vmem>>
    %dma_wait3A_1923 = tpu.memref_squeeze %dma_wait3A_1922 : memref<1x128xi32, #tpu.memory_space<vmem>> -> memref<128xi32, #tpu.memory_space<vmem>>
    %dma_wait3A_1924 = arith.constant 0 : i32
    %dma_wait3A_1925 = arith.constant 0 : i32
    %dma_wait3A_1926 = tpu.memref_slice %arg5[%dma_wait3A_1924, %dma_wait3A_1925] : memref<512x128xf32, #tpu.memory_space<vmem_shared>> -> memref<512x128xf32, #tpu.memory_space<vmem_shared>>
    tpu.wait_indirect_dma semaphore(%arg16 : memref<!tpu.dma_semaphore, #tpu.memory_space<semaphore_mem>>) src(%arg7 : memref<128x128xf32, #tpu.memory_space<vmem>>) dst(%dma_wait3A_1926 : memref<512x128xf32, #tpu.memory_space<vmem_shared>>)
    %dma_wait3A_1927 = arith.constant 0 : i32
    %dma_wait3A_1928 = arith.constant 0 : i32
    %dma_wait3A_1929 = tpu.memref_slice %arg6[%dma_wait3A_1927, %dma_wait3A_1928] : memref<25x128xi32, #tpu.memory_space<vmem>> -> memref<1x128xi32, #tpu.memory_space<vmem>>
    %dma_wait3A_1930 = tpu.memref_squeeze %dma_wait3A_1929 : memref<1x128xi32, #tpu.memory_space<vmem>> -> memref<128xi32, #tpu.memory_space<vmem>>
    %dma_wait3A_1931 = arith.constant 0 : i32
    %dma_wait3A_1932 = arith.constant 0 : i32
    %dma_wait3A_1933 = tpu.memref_slice %arg5[%dma_wait3A_1931, %dma_wait3A_1932] : memref<512x128xf32, #tpu.memory_space<vmem_shared>> -> memref<512x128xf32, #tpu.memory_space<vmem_shared>>
    tpu.wait_indirect_dma semaphore(%arg16 : memref<!tpu.dma_semaphore, #tpu.memory_space<semaphore_mem>>) src(%arg7 : memref<128x128xf32, #tpu.memory_space<vmem>>) dst(%dma_wait3A_1933 : memref<512x128xf32, #tpu.memory_space<vmem_shared>>)
    %barrier3A_1934 = arith.constant 0 : index
    tpu.barrier barrier_id(%barrier3A_1934)
    %mul3A_1935 = arith.constant 32 : i32
    %mul3A_1936 = arith.muli %arg1, %mul3A_1935 : i32
    %mul3A_1937 = arith.constant 32 : i32
    %mul3A_1938 = arith.muli %arg1, %mul3A_1937 : i32
    "tpu.region"() ({
      %run_scoped3A = tpu.sem_alloc : memref<!tpu.dma_semaphore, #tpu.memory_space<semaphore_mem>>
      %dma_start3A_1939 = arith.constant 0 : i32
      %dma_start3A_1940 = tpu.memref_slice %arg4[%arg0, %mul3A_1938, %dma_start3A_1939] : memref<2x512x128xf32, #tpu.memory_space<hbm>> -> memref<1x32x128xf32, #tpu.memory_space<hbm>>
      %dma_start3A_1941 = tpu.memref_squeeze %dma_start3A_1940 : memref<1x32x128xf32, #tpu.memory_space<hbm>> -> memref<32x128xf32, #tpu.memory_space<hbm>>
      %dma_start3A_1942 = arith.constant 0 : i32
      %dma_start3A_1943 = tpu.memref_slice %arg5[%mul3A_1936, %dma_start3A_1942] : memref<512x128xf32, #tpu.memory_space<vmem_shared>> -> memref<32x128xf32, #tpu.memory_space<vmem_shared>>
      tpu.enqueue_dma source(%dma_start3A_1943 : memref<32x128xf32, #tpu.memory_space<vmem_shared>>) target(%dma_start3A_1941 : memref<32x128xf32, #tpu.memory_space<hbm>>) target_semaphore(%run_scoped3A : memref<!tpu.dma_semaphore, #tpu.memory_space<semaphore_mem>>)
      %dma_wait3A_1944 = arith.constant 0 : i32
      %dma_wait3A_1945 = tpu.memref_slice %arg4[%arg0, %mul3A_1938, %dma_wait3A_1944] : memref<2x512x128xf32, #tpu.memory_space<hbm>> -> memref<1x32x128xf32, #tpu.memory_space<hbm>>
      %dma_wait3A_1946 = tpu.memref_squeeze %dma_wait3A_1945 : memref<1x32x128xf32, #tpu.memory_space<hbm>> -> memref<32x128xf32, #tpu.memory_space<hbm>>
      %dma_wait3A_1947 = arith.constant 0 : i32
      %dma_wait3A_1948 = tpu.memref_slice %arg5[%mul3A_1936, %dma_wait3A_1947] : memref<512x128xf32, #tpu.memory_space<vmem_shared>> -> memref<32x128xf32, #tpu.memory_space<vmem_shared>>
      tpu.wait_dma2 semaphore(%run_scoped3A : memref<!tpu.dma_semaphore, #tpu.memory_space<semaphore_mem>>) src(%dma_wait3A_1948 : memref<32x128xf32, #tpu.memory_space<vmem_shared>>) dst(%dma_wait3A_1946 : memref<32x128xf32, #tpu.memory_space<hbm>>)
      tpu.yield
    }) : () -> ()
    return
  }
}

module attributes {stable_mosaic.version = 14 : i64} {
  func.func @_mlp_body(%arg0: memref<2x512x128xf32, #tpu.memory_space<vmem>>, %arg1: memref<128x128xf32, #tpu.memory_space<vmem>>, %arg2: memref<1x128xf32, #tpu.memory_space<vmem>>, %arg3: memref<1x128xf32, #tpu.memory_space<vmem>>, %arg4: memref<1x128xf32, #tpu.memory_space<vmem>>, %arg5: memref<128x10xf32, #tpu.memory_space<vmem>>, %arg6: memref<1x10xf32, #tpu.memory_space<vmem>>, %arg7: memref<512x10xf32, #tpu.memory_space<vmem>>) attributes {dimension_semantics = [], scalar_prefetch = 0 : i64, scratch_operands = 0 : i64, tpu.core_type = #tpu.core_type<tc>} {
    %get3A = arith.constant 0 : index
    %get3A_0 = arith.constant 0 : index
    %get3A_1 = arith.constant 0 : index
    %get3A_2 = vector.load %arg0[%get3A, %get3A_0, %get3A_1] : memref<2x512x128xf32, #tpu.memory_space<vmem>>, vector<1x512x128xf32>
    %get3A_3 = vector.shape_cast %get3A_2 : vector<1x512x128xf32> to vector<512x128xf32>
    %get3A_4 = arith.constant 1 : index
    %get3A_5 = arith.constant 0 : index
    %get3A_6 = arith.constant 0 : index
    %get3A_7 = vector.load %arg0[%get3A_4, %get3A_5, %get3A_6] : memref<2x512x128xf32, #tpu.memory_space<vmem>>, vector<1x512x128xf32>
    %get3A_8 = vector.shape_cast %get3A_7 : vector<1x512x128xf32> to vector<512x128xf32>
    %add3A = arith.addf %get3A_3, %get3A_8 : vector<512x128xf32>
    %get3A_9 = arith.constant 0 : index
    %get3A_10 = arith.constant 0 : index
    %get3A_11 = vector.load %arg1[%get3A_9, %get3A_10] : memref<128x128xf32, #tpu.memory_space<vmem>>, vector<128x128xf32>
    %dot_general3A = arith.constant dense<0.000000e+00> : vector<512x128xf32>
    %dot_general3A_12 = tpu.matmul %add3A, %get3A_11, %dot_general3A {dimension_numbers = #tpu.dot_dimension_numbers<[1], [0], [0], [1], [0, 0, 1, 1], [], []>, transpose_lhs_hint = false} : vector<512x128xf32>, vector<128x128xf32>, vector<512x128xf32> -> vector<512x128xf32>
    %get3A_13 = arith.constant 0 : index
    %get3A_14 = arith.constant 0 : index
    %get3A_15 = vector.load %arg2[%get3A_13, %get3A_14] : memref<1x128xf32, #tpu.memory_space<vmem>>, vector<1x128xf32>
    %add3A_16 = vector.broadcast %get3A_15 : vector<1x128xf32> to vector<512x128xf32>
    %add3A_17 = arith.addf %dot_general3A_12, %add3A_16 : vector<512x128xf32>
    %get3A_18 = arith.constant 0 : index
    %get3A_19 = arith.constant 0 : index
    %get3A_20 = vector.load %arg3[%get3A_18, %get3A_19] : memref<1x128xf32, #tpu.memory_space<vmem>>, vector<1x128xf32>
    %mul3A = arith.constant 0.999994993 : f32
    %mul3A_21 = vector.broadcast %mul3A : f32 to vector<1x128xf32>
    %mul3A_22 = arith.mulf %get3A_20, %mul3A_21 : vector<1x128xf32>
    %mul3A_23 = vector.broadcast %mul3A_22 : vector<1x128xf32> to vector<512x128xf32>
    %mul3A_24 = arith.mulf %add3A_17, %mul3A_23 : vector<512x128xf32>
    %get3A_25 = arith.constant 0 : index
    %get3A_26 = arith.constant 0 : index
    %get3A_27 = vector.load %arg4[%get3A_25, %get3A_26] : memref<1x128xf32, #tpu.memory_space<vmem>>, vector<1x128xf32>
    %add3A_28 = vector.broadcast %get3A_27 : vector<1x128xf32> to vector<512x128xf32>
    %add3A_29 = arith.addf %mul3A_24, %add3A_28 : vector<512x128xf32>
    %get3A_30 = arith.constant 0 : index
    %get3A_31 = arith.constant 0 : index
    %get3A_32 = vector.load %arg5[%get3A_30, %get3A_31] : memref<128x10xf32, #tpu.memory_space<vmem>>, vector<128x10xf32>
    %dot_general3A_33 = arith.constant dense<0.000000e+00> : vector<512x10xf32>
    %dot_general3A_34 = tpu.matmul %add3A_29, %get3A_32, %dot_general3A_33 {dimension_numbers = #tpu.dot_dimension_numbers<[1], [0], [0], [1], [0, 0, 1, 1], [], []>, transpose_lhs_hint = false} : vector<512x128xf32>, vector<128x10xf32>, vector<512x10xf32> -> vector<512x10xf32>
    %get3A_35 = arith.constant 0 : index
    %get3A_36 = arith.constant 0 : index
    %get3A_37 = vector.load %arg6[%get3A_35, %get3A_36] : memref<1x10xf32, #tpu.memory_space<vmem>>, vector<1x10xf32>
    %add3A_38 = vector.broadcast %get3A_37 : vector<1x10xf32> to vector<512x10xf32>
    %add3A_39 = arith.addf %dot_general3A_34, %add3A_38 : vector<512x10xf32>
    %swap3A = arith.constant 0 : index
    %swap3A_40 = arith.constant 0 : index
    %swap3A_41 = vector.load %arg7[%swap3A, %swap3A_40] : memref<512x10xf32, #tpu.memory_space<vmem>>, vector<512x10xf32>
    tpu.vector_store %arg7[%swap3A, %swap3A_40], %add3A_39 {strides = array<i32>} : memref<512x10xf32, #tpu.memory_space<vmem>>, vector<512x10xf32>,
    return
  }
}

</mosaic_0001>

<sc_bundles>
// kernel: kernel.4.cloned.1.call-start
scs
__scs_entry_jumppad:
0x0: {  	(pc) =	sbr.rel $0x88, $3  }
0x1: {  	(tag) =	ssettag $0x0;
	lr =	simm.s32 $0x1  }
0x2: {  	[smem:$0x3F99] =	sst lr;
	_ =	strace $0xD0000000  }
0x3: {  	_ = 	snop  }
0x4: {  	_ = 	snop  }
0x5: {  	_ = 	snop  }
0x6: {  	_ = 	snop  }
0x7: {  	_ = 	snop  }
__scs_overlays_trampoline_lowered:
0x8: {  	[smem:$0x3FA8] =	sst s0  }
0x9: {  	[smem:$0x3FA9] =	sst s1  }
0xa: {  	[smem:$0x3FAA] =	sst s2  }
0xb: {  	[smem:$0x3FAB] =	sst s3  }
0xc: {  	[smem:$0x3FAC] =	sst s4  }
0xd: {  	[smem:$0x3FAD] =	sst s5  }
0xe: {  	[smem:$0x3FAE] =	sst s6  }
0xf: {  	[smem:$0x3FAF] =	sst s7  }
0x10: {  	[smem:$0x3FB0] =	sst s8  }
0x11: {  	[smem:$0x3FB1] =	sst s9;
	s0 =	simm.s32 @!p0 $0x0  }
0x12: {  	s1 =	sld [smem:$0x3F97];
	s0 =	simm.s32 @p0 $0x1  }
0x13: {  	[smem:$0x3FB2] =	sst s0;
	s0 =	simm.s32 @!p1 $0x0  }
0x14: {  	s2 =	sld [smem:$0x3F96];
	s0 =	simm.s32 @p1 $0x1  }
0x15: {  	[smem:$0x3FB3] =	sst s0;
	s0 =	simm.s32 @!p2 $0x0  }
0x16: {  	s3 =	sld [smem:$0x3FDB];
	s0 =	simm.s32 @p2 $0x1  }
0x17: {  	s4 =	simm.s32 $0x1BF5;
	[smem:$0x3FB5] =	sst s0  }
0x18: {  	s0 =	sld [smem:$0x3F98];
	_ =	swait.ge [sflag:s4], $0x0  }
0x19: {  	s7 =	sld [smem:$0x3F99]  }
0x1a: {  	s8 =	sadd.s32 $0xFFFFE003, lr  }
0x1b: {  	s9 =	sadd.s32 $0xFFFFFEF7, lr;
	s5 =	simm.s32 $0xFFFFFFFF;
	p2 =	slt.u32 s8, $0xFFFFF086  }
0x1c: {  	p1 =	slt.u32 s9, $0xF7A;
	s5 =	simm.s32 @!p2 $0x0  }
0x1d: {  	s5 =	simm.s32 @p1 $0x1;
	p0 =	seq.s32 s7, s2  }
0x1e: {  	s7 =	smul.u32 @!p0 $0xF7A, s2;
	p2 =	seq.s32 @!p0 s5, $0x0  }
0x1f: {  	s9 =	smul.u32 $0xF7A, s1;
	s8 =	simm.s32 @!p0 $0x1BF5;
	p2 =	por !p2, p0  }
0x20: {  	[sflag:s8] =	ssyncset.s32 @!p0 $0xFFFFF086;
	s6 =	sadd.s32 @!p0 s3, s7;
	s7 =	simm.s32 @!p0 $0x108  }
0x21: {  	s3 =	sadd.s32 s3, s9;
	s6 =	sadd.s32 @!p0 $0x88, s6;
	s7 =	simm.s32 @p2 $0x1082  }
0x22: {  	[simem:s7], [sflag:s8] =	dma.local @!p0 [hbm:s6], $0xF7A  }
0x23: {  	s9 =	sor.u32 $0xD0000000, s2;
	s6 =	simm.s32 $0x108;
	_ =	swait.ge @!p0 [sflag:s8], $0x0  }
0x24: {  	s3 =	sadd.s32 $0x88, s3;
	s6 =	simm.s32 @!p1 $0x1082;
	[sflag:s4] =	ssyncset.s32 $0xFFFFF086  }
0x25: {  	[simem:s6], [sflag:s4] =	dma.local [hbm:s3], $0xF7A  }
0x26: {  	[smem:$0x3F99] =	sst s1;
	(tag) =	ssettag s2;
	_ =	strace s9  }
0x27: {  	s1 =	sld [smem:$0x3FA9]  }
0x28: {  	s2 =	sld [smem:$0x3FAA]  }
0x29: {  	s4 =	sld [smem:$0x3FAC]  }
0x2a: {  	p0 =	seq.s32 s5, $0x0;
	s5 =	sld [smem:$0x3FAD]  }
0x2b: {  	s6 =	sld [smem:$0x3FAE]  }
0x2c: {  	s7 =	sld [smem:$0x3FAF]  }
0x2d: {  	s3 =	simm.s32 $0x108;
	s8 =	sld [smem:$0x3FB0]  }
0x2e: {  	s3 =	simm.s32 @!p0 $0x1082;
	s9 =	sld [smem:$0x3FB1]  }
0x2f: {  	lr =	sadd.s32 s0, s3;
	s0 =	sld [smem:$0x3FA8]  }
0x30: {  	s3 =	sld [smem:$0x3FAB]  }
0x31: {  	[smem:$0x3FB4] =	sst s10  }
0x32: {  	s10 =	sld [smem:$0x3FB2];
	_ =	sdelay $0x3  }
0x33: {  	p0 =	seq.s32 s10, $0x1;
	s10 =	sld [smem:$0x3FB4];
	_ =	sdelay $0x3  }
0x34: {  	[smem:$0x3FB4] =	sst s10  }
0x35: {  	s10 =	sld [smem:$0x3FB3];
	_ =	sdelay $0x3  }
0x36: {  	p1 =	seq.s32 s10, $0x1;
	s10 =	sld [smem:$0x3FB4];
	_ =	sdelay $0x3  }
0x37: {  	[smem:$0x3FB4] =	sst s10  }
0x38: {  	s10 =	sld [smem:$0x3FB5]  }
0x39: {  	_ = 	snop;
	(pc) =	sbr.ind lr, $3  }
0x3a: {  	_ = 	snop  }
0x3b: {  	_ = 	snop  }
0x3c: {  	p2 =	seq.s32 s10, $0x1;
	s10 =	sld [smem:$0x3FB4]  }
0x3d: {  	_ =	shalt  }
0x3e: {  	_ =	shalt  }
0x3f: {  	_ =	shalt  }
0x40: {  	_ =	shalt  }
0x41: {  	_ =	shalt  }
0x42: {  	_ =	shalt  }
0x43: {  	_ =	shalt  }
0x44: {  	_ =	shalt  }
0x45: {  	_ =	shalt  }
0x46: {  	_ =	shalt  }
0x47: {  	_ =	shalt  }
0x48: {  	_ =	shalt  }
0x49: {  	_ =	shalt  }
0x4a: {  	_ =	shalt  }
0x4b: {  	_ =	shalt  }
0x4c: {  	_ =	shalt  }
0x4d: {  	_ =	shalt  }
0x4e: {  	_ =	shalt  }
0x4f: {  	_ =	shalt  }
0x50: {  	_ =	shalt  }
0x51: {  	_ =	shalt  }
0x52: {  	_ =	shalt  }
0x53: {  	_ =	shalt  }
0x54: {  	_ =	shalt  }
0x55: {  	_ =	shalt  }
0x56: {  	_ =	shalt  }
0x57: {  	_ =	shalt  }
0x58: {  	_ =	shalt  }
0x59: {  	_ =	shalt  }
0x5a: {  	_ =	shalt  }
0x5b: {  	_ =	shalt  }
0x5c: {  	_ =	shalt  }
0x5d: {  	_ =	shalt  }
0x5e: {  	_ =	shalt  }
0x5f: {  	_ =	shalt  }
0x60: {  	_ =	shalt  }
0x61: {  	_ =	shalt  }
0x62: {  	_ =	shalt  }
0x63: {  	_ =	shalt  }
0x64: {  	_ =	shalt  }
0x65: {  	_ =	shalt  }
0x66: {  	_ =	shalt  }
0x67: {  	_ =	shalt  }
0x68: {  	_ =	shalt  }
0x69: {  	_ =	shalt  }
0x6a: {  	_ =	shalt  }
0x6b: {  	_ =	shalt  }
0x6c: {  	_ =	shalt  }
0x6d: {  	_ =	shalt  }
0x6e: {  	_ =	shalt  }
0x6f: {  	_ =	shalt  }
0x70: {  	_ =	shalt  }
0x71: {  	_ =	shalt  }
0x72: {  	_ =	shalt  }
0x73: {  	_ =	shalt  }
0x74: {  	_ =	shalt  }
0x75: {  	_ =	shalt  }
0x76: {  	_ =	shalt  }
0x77: {  	_ =	shalt  }
0x78: {  	_ =	shalt  }
0x79: {  	_ =	shalt  }
0x7a: {  	_ =	shalt  }
0x7b: {  	_ =	shalt  }
0x7c: {  	_ =	shalt  }
0x7d: {  	_ =	shalt  }
0x7e: {  	_ =	shalt  }
0x7f: {  	_ =	shalt  }
0x80: {  	_ =	shalt  }
0x81: {  	_ =	shalt  }
0x82: {  	_ =	shalt  }
0x83: {  	_ =	shalt  }
0x84: {  	_ =	shalt  }
0x85: {  	_ =	shalt  }
0x86: {  	_ =	shalt  }
0x87: {  	_ =	shalt  }
.Lfunc_end0:
.L_simem_size_0:
called_computation_lowered:
.L_overlay_start_0:
0x88: {  	s2 =	sld [smem:$0x3FD9]  }
0x89: {  	s3 =	sld [smem:$0x3FFE];
	_ =	sdelay $0x1  }
0x8a: {  	s1 =	srdreg.scid  }
0x8b: {  	s0 =	sand.u32 $0x1, s1  }
0x8c: {  	s17 =	sshll.u32 s0, $0xA;
	s2 =	sadd.s32 s3, s2  }
0x8d: {  	s2 =	sadd.s32 s2, s17  }
0x8e: {  	[smem:$0x3FC0] =	sst s2  }
0x8f: {  	_ = 	snop  }
0x90: {  	s2 =	sld [smem:$0x3FC9]  }
0x91: {  	s18 =	sld [smem:$0x3FC8];
	(tm) =	ssettm $0x1  }
0x92: {  	s4 =	sld [smem:$0x3FFB];
	_ =	sdelay $0x3  }
0x93: {  	_ =	strace s4  }
0x94: {  	s4 =	sld [smem:$0x3FFC];
	_ =	sdelay $0x3  }
0x95: {  	_ =	strace s4  }
0x96: {  	s4 =	sld [smem:$0x3FFD];
	_ =	sdelay $0x3  }
0x97: {  	_ =	strace s4  }
0x98: {  	_ =	strace $0x8FFFFFFF  }
0x99: {  	s19 =	sld [smem:$0x3FDB];
	_ =	sdelay $0x1  }
0x9a: {  	s5 =	simm.s32 $_scs_section_size  }
0x9b: {  	s6 =	simm.s32 $_size__tile_overlayer_lowered;
	s7 =	simm.s32 $_tile_overlayer_lowered  }
0x9c: {  	s22 =	simm.s32 $0x1BFF;
	s21 =	sshll.u32 s7, $0x1;
	s4 =	sadd.s32 s5, s19  }
0x9d: {  	s8 =	simm.s32 $0x0;
	s20 =	sshll.u32 s6, $0x1;
	s6 =	sadd.s32 s21, s4  }
0x9e: {  	[timem:s8], [sflag:s22] =	dma.local [hbm:s6], s20  }
0x9f: {  	_ =	swait.ge [sflag:s22], s20  }
0xa0: {  	s5 =	ssub.s32 $0x0, s20;
	[sflag:s22] =	ssyncset.done $0x0  }
0xa1: {  	[sflag:s22] =	ssyncadd.s32 s5;
	_ =	sdelay $0x1  }
0xa2: {  	s23 =	simm.s32 $0x1B8B  }
0xa3: {  	_ =	swait.ge [sflag:s23], $0x1  }
0xa4: {  	[sflag:s23] =	ssyncset.done $0x0  }
0xa5: {  	s25 =	simm.s32 $0x1B8E;
	s24 =	sld [smem:$0x3FFE];
	[sflag:s23] =	ssyncadd.s32 $0xFFFFFFFF  }
0xa6: {  	s26 =	simm.s32 $execute0_lowered;
	[smem:$0x3FD2] =	sst s25  }
0xa7: {  	s6 =	sshll.u32 s26, $0x1;
	_ =	strace $0x80000046;
	[dreg:$0x1] =	wrdreg $0xFFFFFFFF  }
0xa8: {  	s28 =	simm.s32 $_size_execute0_lowered;
	s4 =	sadd.s32 s4, s6;
	[dreg:$0x0] =	wrdreg $0x0  }
0xa9: {  	s6 =	sshll.u32 s28, $0x1;
	[dreg:$0x2] =	wrdreg s4  }
0xaa: {  	[dreg:$0x3] =	wrdreg s6  }
0xab: {  	[dreg:$0x4] =	wrdreg $0xC0  }
0xac: {  	_ =	task [dreg:s8], $0x5FFFF  }
0xad: {  	[dreg:$0x1] =	wrdreg $0xFFFFFFFF  }
0xae: {  	[dreg:$0x0] =	wrdreg $0x60  }
0xaf: {  	[dreg:$0x2] =	wrdreg s2  }
0xb0: {  	[dreg:$0x3] =	wrdreg s18  }
0xb1: {  	[dreg:$0x4] =	wrdreg s24  }
0xb2: {  	[dreg:$0x5] =	wrdreg $0x0  }
0xb3: {  	[dreg:$0x6] =	wrdreg $0x9  }
0xb4: {  	_ =	task.clear_ibuf [dreg:s8], $0x7FFFF;
	_ =	strace $0x90000046  }
0xb5: {  	s29 =	simm.s32 $0x9;
	_ =	strace $0x80000048  }
0xb6: {  	_ =	swait.ge [sflag:s29], $0x1  }
0xb7: {  	[sflag:s29] =	ssyncadd.s32 $0xFFFFFFFF  }
0xb8: {  	_ =	strace $0x90000048  }
0xb9: {  	_ =	sfence  }
0xba: {  	s30 =	sld [smem:$0x0];
	_ =	sdelay $0x2  }
0xbb: {  	s31 =	sshll.u32 s1, $0xD;
	s1 =	sshrl.u32 s1, $0x2  }
0xbc: {  	s3 =	sand.u32 $0x4000, s31;
	s1 =	sadd.s32 s1, s30  }
0xbd: {  	s0 =	sor.u32 s3, s0;
	s1 =	sshll.u32 s1, $0x11  }
0xbe: {  	s0 =	sor.u32 s1, s0  }
0xbf: {  	s0 =	sadd.s32 $0x8F2B, s0  }
0xc0: {  	[sflag:s0] =	ssyncadd.remote.s32 $0x1  }
0xc1: {  	_ =	sfence.sel $0xFFFF  }
0xc2: {  	[dreg:$0x0] =	wrdreg $0xFFFFFFFF;
	(pc) =	sbr.abs _section_cstart, $3  }
0xc3: {  	[dreg:$0x1] =	wrdreg $0xFFFFFFFF  }
0xc4: {  	_ =	task.clear_ibuf [dreg:s8], $0x2FFFF;
	_ =	strace $0x9FFFFFFF  }
0xc5: {  	(tm) =	ssettm $0x7FFFFFFF  }
tec
execute0_lowered:
.L_overlay_start_1:
0x0: {  	(tag) =	ssettag $0x1  }
0x1: {  	s0 =	rddreg [dreg:$0x0]  }
0x2: {  	s1 =	rddreg [dreg:$0x1]  }
0x3: {  	s4 =	rddreg [dreg:$0x2]  }
0x4: {  	s2 =	rddreg [dreg:$0x3]  }
0x5: {  	s12 =	stileid.u32;
	s5 =	srdreg.scid  }
0x6: {  	s3 =	simm.s32 $0x0;
	s5 =	sand.u32 $0x1, s5;
	s6 =	sshll.u32 s12, $0x1  }
0x7: {  	[smem:$0x7FF] =	sst s3;
	s6 =	sor.u32 s5, s6  }
0x8: {  	s14 =	sadd.s32 $0x186800, s0;
	s7 =	ssub.s32 $0x2, s5;
	s10 =	smul.u32 $0x19, s6  }
0x9: {  	_ =	strace $0x80000047;
	s9 =	sshrl.u32 s7, $0x1;
	s19 =	smul.u32 $0xC800, s6  }
0xa: {  	[dreg:$0x12] =	wrdreg s14;
	s11 =	smul.u32 $0x190, s6;
	s9 =	ssub.s32 s7, s9  }
0xb: {  	s20 =	ssub.s32 $0x30D, s10;
	s10 =	sadd.s32 $0x1, s10;
	s7 =	sadd.s32 s0, s19  }
0xc: {  	s16 =	smax.u32 s9, $0x1;
	[dreg:$0x5] =	wrdreg s7;
	s21 =	sshll.u32 s10, $0xB  }
0xd: {  	s10 =	sshll.u32 s10, $0x4;
	[dreg:$0x14] =	wrdreg s16;
	s7 =	sadd.s32 s0, s21  }
0xe: {  	s10 =	sadd.s32 s1, s10;
	[dreg:$0x6] =	wrdreg s7  }
0xf: {  	s7 =	sadd.s32 s1, s11;
	[dreg:$0x7] =	wrdreg s10;
	s1 =	sadd.s32 $0x30D0, s1  }
0x10: {  	s22 =	sadd.s32 $0x20, s7;
	[dreg:$0x11] =	wrdreg s1  }
0x11: {  	s23 =	sadd.s32 $0x30, s7;
	[dreg:$0x8] =	wrdreg s22  }
0x12: {  	s24 =	sadd.s32 $0x40, s7;
	[dreg:$0x9] =	wrdreg s23  }
0x13: {  	s8 =	sshll.u32 s12, $0x9;
	s25 =	sadd.s32 $0x50, s7;
	[dreg:$0xa] =	wrdreg s24  }
0x14: {  	s26 =	smul.u32 $0x32, s12;
	s11 =	sadd.s32 $0x60, s7;
	[dreg:$0xb] =	wrdreg s25  }
0x15: {  	s12 =	sshll.u32 s12, $0xC;
	s28 =	sadd.s32 $0x70, s7;
	[dreg:$0xc] =	wrdreg s11  }
0x16: {  	s8 =	sadd.s32 s8, s4;
	s13 =	sadd.s32 $0x80, s7;
	[dreg:$0xd] =	wrdreg s28  }
0x17: {  	s29 =	smul.u32 $0x19, s5;
	s30 =	sadd.s32 $0x90, s7;
	[dreg:$0xe] =	wrdreg s13  }
0x18: {  	s18 =	sadd.s32 s12, s2;
	s31 =	sadd.s32 $0xA0, s7;
	[dreg:$0xf] =	wrdreg s30  }
0x19: {  	s12 =	sshll.u32 s5, $0xD;
	s17 =	sadd.s32 $0xB0, s7;
	[dreg:$0x10] =	wrdreg s31  }
0x1a: {  	s14 =	simm.s32 $0x6;
	s19 =	sadd.s32 $0xC0, s7;
	[dreg:$0x15] =	wrdreg s17  }
0x1b: {  	s4 =	smin.u32 s20, $0x19;
	s20 =	sadd.s32 $0xD0, s7;
	[dreg:$0x16] =	wrdreg s19  }
0x1c: {  	p0 =	seq.s32 s6, $0x1F;
	s21 =	sadd.s32 $0xE0, s7;
	[dreg:$0x17] =	wrdreg s20  }
0x1d: {  	s10 =	sadd.s32 s29, s26;
	s26 =	sadd.s32 $0x110, s7;
	[dreg:$0x18] =	wrdreg s21  }
0x1e: {  	s1 =	sadd.s32 s12, s8;
	s29 =	sadd.s32 $0x130, s7;
	[dreg:$0x1b] =	wrdreg s26  }
0x1f: {  	s16 =	simm.s32 $0x4;
	s15 =	sadd.s32 $0x1200, s1;
	[dreg:$0x1d] =	wrdreg s29  }
0x20: {  	s12 =	sadd.s32 $0x180, s7;
	s22 =	sadd.s32 $0xF0, s7;
	[dreg:$0x13] =	wrdreg s15  }
0x21: {  	s13 =	sshll.u32 s10, $0xB;
	s23 =	sadd.s32 $0x100, s7;
	[dreg:$0x19] =	wrdreg s22  }
0x22: {  	s28 =	sadd.s32 $0x120, s7;
	s30 =	sadd.s32 $0x140, s7;
	[dreg:$0x1a] =	wrdreg s23  }
0x23: {  	s31 =	sadd.s32 $0x150, s7;
	s10 =	sadd.s32 $0x160, s7;
	[dreg:$0x1c] =	wrdreg s28  }
0x24: {  	s11 =	sadd.s32 $0x170, s7;
	s17 =	simm.s32 $0x0;
	[dreg:$0x1e] =	wrdreg s30  }
0x25: {  	s5 =	sadd.s32 s13, s0;
	[dreg:$0x1f] =	wrdreg s31;
	s15 =	simm.s32 $0x5  }
0x26: {  	v0 =	vimm.f32 $0.0e+00;
	s0 =	sadd.s32 $0x2000, s5;
	s24 =	sadd.s32 $0x1800, s5;
	s25 =	sadd.s32 $0x1000, s5  }
.LBB2_1:
0x27: {  	s1 =	rddreg [dreg:$0x5];
	s5 =	simm.s32 $0x2000  }
0x28: {  	[tilespmem:s5], [sflag:$0x1] =	stream.linear.gather [hbm4b:s1+s3], $0x4000, $0x38;
	[tilespmem:$0x10080] =	vst v63  }
0x29: {  	s21 =	rddreg [dreg:$0x6];
	s22 =	simm.s32 $0x6000  }
0x2a: {  	[tilespmem:s22], [sflag:$0x2] =	stream.linear.gather [hbm4b:s21+s3], $0x4000, $0x38;
	[tilespmem:$0x10080] =	vst v63  }
0x2b: {  	s8 =	simm.s32 $0x1000  }
0x2c: {  	[tilespmem:s8], [sflag:$0x5] =	stream.linear.gather [hbm4b:s7+s3], $0x80, $0x38;
	[tilespmem:$0x10080] =	vst v63  }
0x2d: {  	s23 =	rddreg [dreg:$0x7];
	s26 =	simm.s32 $0x1080  }
0x2e: {  	[tilespmem:s26], [sflag:$0x5] =	stream.linear.gather [hbm4b:s23+s3], $0x80, $0x38;
	[tilespmem:$0x10080] =	vst v63  }
0x2f: {  	s6 =	rddreg [dreg:$0x8];
	s9 =	simm.s32 $0x1100  }
0x30: {  	[tilespmem:s9], [sflag:$0x5] =	stream.linear.gather [hbm4b:s6+s3], $0x80, $0x38;
	[tilespmem:$0x10080] =	vst v63  }
0x31: {  	s13 =	rddreg [dreg:$0x9];
	s19 =	simm.s32 $0x1180  }
0x32: {  	[tilespmem:s19], [sflag:$0x5] =	stream.linear.gather [hbm4b:s13+s3], $0x80, $0x38;
	[tilespmem:$0x10080] =	vst v63  }
0x33: {  	s20 =	rddreg [dreg:$0xa];
	s21 =	simm.s32 $0x1200  }
0x34: {  	[tilespmem:s21], [sflag:$0x5] =	stream.linear.gather [hbm4b:s20+s3], $0x80, $0x38;
	[tilespmem:$0x10080] =	vst v63  }
0x35: {  	s22 =	rddreg [dreg:$0xb];
	s23 =	simm.s32 $0x1280  }
0x36: {  	[tilespmem:s23], [sflag:$0x5] =	stream.linear.gather [hbm4b:s22+s3], $0x80, $0x38;
	[tilespmem:$0x10080] =	vst v63  }
0x37: {  	s1 =	simm.s32 @!p0 $0x0;
	s5 =	simm.s32 @!p0 $0x1300;
	s6 =	rddreg [dreg:$0xc]  }
0x38: {  	[tilespmem:s5], [sflag:$0x5] =	stream.linear.gather @!p0 [hbm4b:s6+s1], $0x80, $0x38;
	[tilespmem:$0x10080] =	vst v63  }
0x39: {  	s5 =	simm.s32 @!p0 $0x1380;
	s6 =	rddreg [dreg:$0xd]  }
0x3a: {  	[tilespmem:s5], [sflag:$0x5] =	stream.linear.gather @!p0 [hbm4b:s6+s1], $0x80, $0x38;
	[tilespmem:$0x10080] =	vst v63  }
0x3b: {  	s5 =	simm.s32 @!p0 $0x1400;
	s6 =	rddreg [dreg:$0xe]  }
0x3c: {  	[tilespmem:s5], [sflag:$0x5] =	stream.linear.gather @!p0 [hbm4b:s6+s1], $0x80, $0x38;
	[tilespmem:$0x10080] =	vst v63  }
0x3d: {  	s5 =	simm.s32 @!p0 $0x1480;
	s6 =	rddreg [dreg:$0xf]  }
0x3e: {  	[tilespmem:s5], [sflag:$0x5] =	stream.linear.gather @!p0 [hbm4b:s6+s1], $0x80, $0x38;
	[tilespmem:$0x10080] =	vst v63  }
0x3f: {  	s5 =	simm.s32 @!p0 $0x1500;
	s6 =	rddreg [dreg:$0x10]  }
0x40: {  	[tilespmem:s5], [sflag:$0x5] =	stream.linear.gather @!p0 [hbm4b:s6+s1], $0x80, $0x38;
	[tilespmem:$0x10080] =	vst v63  }
0x41: {  	s5 =	simm.s32 @!p0 $0x1580;
	s6 =	rddreg [dreg:$0x15]  }
0x42: {  	[tilespmem:s5], [sflag:$0x5] =	stream.linear.gather @!p0 [hbm4b:s6+s1], $0x80, $0x38;
	[tilespmem:$0x10080] =	vst v63  }
0x43: {  	s5 =	simm.s32 @!p0 $0x1600;
	s6 =	rddreg [dreg:$0x16]  }
0x44: {  	[tilespmem:s5], [sflag:$0x5] =	stream.linear.gather @!p0 [hbm4b:s6+s1], $0x80, $0x38;
	[tilespmem:$0x10080] =	vst v63  }
0x45: {  	s5 =	simm.s32 @!p0 $0x1680;
	s6 =	rddreg [dreg:$0x17]  }
0x46: {  	[tilespmem:s5], [sflag:$0x5] =	stream.linear.gather @!p0 [hbm4b:s6+s1], $0x80, $0x38;
	[tilespmem:$0x10080] =	vst v63  }
0x47: {  	s5 =	simm.s32 @!p0 $0x1700;
	s6 =	rddreg [dreg:$0x18]  }
0x48: {  	[tilespmem:s5], [sflag:$0x5] =	stream.linear.gather @!p0 [hbm4b:s6+s1], $0x80, $0x38;
	[tilespmem:$0x10080] =	vst v63  }
0x49: {  	s5 =	simm.s32 @!p0 $0x1780;
	s6 =	rddreg [dreg:$0x19]  }
0x4a: {  	[tilespmem:s5], [sflag:$0x5] =	stream.linear.gather @!p0 [hbm4b:s6+s1], $0x80, $0x38;
	[tilespmem:$0x10080] =	vst v63  }
0x4b: {  	s5 =	simm.s32 @!p0 $0x1800;
	s6 =	rddreg [dreg:$0x1a]  }
0x4c: {  	[tilespmem:s5], [sflag:$0x5] =	stream.linear.gather @!p0 [hbm4b:s6+s1], $0x80, $0x38;
	[tilespmem:$0x10080] =	vst v63  }
0x4d: {  	s5 =	simm.s32 @!p0 $0x1880;
	s6 =	rddreg [dreg:$0x1b]  }
0x4e: {  	[tilespmem:s5], [sflag:$0x5] =	stream.linear.gather @!p0 [hbm4b:s6+s1], $0x80, $0x38;
	[tilespmem:$0x10080] =	vst v63  }
0x4f: {  	s5 =	simm.s32 @!p0 $0x1900;
	s6 =	rddreg [dreg:$0x1c]  }
0x50: {  	[tilespmem:s5], [sflag:$0x5] =	stream.linear.gather @!p0 [hbm4b:s6+s1], $0x80, $0x38;
	[tilespmem:$0x10080] =	vst v63  }
0x51: {  	s5 =	simm.s32 @!p0 $0x1980;
	s6 =	rddreg [dreg:$0x1d]  }
0x52: {  	[tilespmem:s5], [sflag:$0x5] =	stream.linear.gather @!p0 [hbm4b:s6+s1], $0x80, $0x38;
	[tilespmem:$0x10080] =	vst v63  }
0x53: {  	s5 =	simm.s32 @!p0 $0x1A00;
	s6 =	rddreg [dreg:$0x1e]  }
0x54: {  	[tilespmem:s5], [sflag:$0x5] =	stream.linear.gather @!p0 [hbm4b:s6+s1], $0x80, $0x38;
	[tilespmem:$0x10080] =	vst v63  }
0x55: {  	s5 =	simm.s32 @!p0 $0x1A80;
	s6 =	rddreg [dreg:$0x1f]  }
0x56: {  	[tilespmem:s5], [sflag:$0x5] =	stream.linear.gather @!p0 [hbm4b:s6+s1], $0x80, $0x38;
	[tilespmem:$0x10080] =	vst v63  }
0x57: {  	s5 =	simm.s32 @!p0 $0x1B00  }
0x58: {  	[tilespmem:s5], [sflag:$0x5] =	stream.linear.gather @!p0 [hbm4b:s10+s1], $0x80, $0x38;
	[tilespmem:$0x10080] =	vst v63  }
0x59: {  	s5 =	simm.s32 @!p0 $0x1B80  }
0x5a: {  	[tilespmem:s5], [sflag:$0x5] =	stream.linear.gather @!p0 [hbm4b:s11+s1], $0x80, $0x38;
	[tilespmem:$0x10080] =	vst v63  }
0x5b: {  	s5 =	simm.s32 @!p0 $0x1C00  }
0x5c: {  	[tilespmem:s5], [sflag:$0x5] =	stream.linear.gather @!p0 [hbm4b:s12+s1], $0x80, $0x38;
	[tilespmem:$0x10080] =	vst v63  }
0x5d: {  	[tilespmem:$0xF080] =	vst v0  }
0x5e: {  	[tilespmem:$0xF090] =	vst v0  }
0x5f: {  	[tilespmem:$0xF0A0] =	vst v0  }
0x60: {  	[tilespmem:$0xF0B0] =	vst v0  }
0x61: {  	[tilespmem:$0xF0C0] =	vst v0  }
0x62: {  	[tilespmem:$0xF0D0] =	vst v0  }
0x63: {  	[tilespmem:$0xF0E0] =	vst v0  }
0x64: {  	[tilespmem:$0xF0F0] =	vst v0  }
0x65: {  	[tilespmem:$0xF100] =	vst v0  }
0x66: {  	[tilespmem:$0xF110] =	vst v0  }
0x67: {  	[tilespmem:$0xF120] =	vst v0  }
0x68: {  	[tilespmem:$0xF130] =	vst v0  }
0x69: {  	[tilespmem:$0xF140] =	vst v0  }
0x6a: {  	[tilespmem:$0xF150] =	vst v0  }
0x6b: {  	[tilespmem:$0xF160] =	vst v0  }
0x6c: {  	[tilespmem:$0xF170] =	vst v0  }
0x6d: {  	[tilespmem:$0xF180] =	vst v0  }
0x6e: {  	[tilespmem:$0xF190] =	vst v0  }
0x6f: {  	[tilespmem:$0xF1A0] =	vst v0  }
0x70: {  	[tilespmem:$0xF1B0] =	vst v0  }
0x71: {  	[tilespmem:$0xF1C0] =	vst v0  }
0x72: {  	[tilespmem:$0xF1D0] =	vst v0  }
0x73: {  	[tilespmem:$0xF1E0] =	vst v0  }
0x74: {  	[tilespmem:$0xF1F0] =	vst v0  }
0x75: {  	[tilespmem:$0xF200] =	vst v0  }
0x76: {  	[tilespmem:$0xF210] =	vst v0  }
0x77: {  	[tilespmem:$0xF220] =	vst v0  }
0x78: {  	[tilespmem:$0xF230] =	vst v0  }
0x79: {  	[tilespmem:$0xF240] =	vst v0  }
0x7a: {  	[tilespmem:$0xF250] =	vst v0  }
0x7b: {  	[tilespmem:$0xF260] =	vst v0  }
0x7c: {  	[tilespmem:$0xF270] =	vst v0  }
0x7d: {  	[tilespmem:$0xF280] =	vst v0  }
0x7e: {  	[tilespmem:$0xF290] =	vst v0  }
0x7f: {  	[tilespmem:$0xF2A0] =	vst v0  }
0x80: {  	[tilespmem:$0xF2B0] =	vst v0  }
0x81: {  	[tilespmem:$0xF2C0] =	vst v0  }
0x82: {  	[tilespmem:$0xF2D0] =	vst v0  }
0x83: {  	[tilespmem:$0xF2E0] =	vst v0  }
0x84: {  	[tilespmem:$0xF2F0] =	vst v0  }
0x85: {  	[tilespmem:$0xF300] =	vst v0  }
0x86: {  	[tilespmem:$0xF310] =	vst v0  }
0x87: {  	[tilespmem:$0xF320] =	vst v0  }
0x88: {  	[tilespmem:$0xF330] =	vst v0  }
0x89: {  	[tilespmem:$0xF340] =	vst v0  }
0x8a: {  	[tilespmem:$0xF350] =	vst v0  }
0x8b: {  	[tilespmem:$0xF360] =	vst v0  }
0x8c: {  	[tilespmem:$0xF370] =	vst v0  }
0x8d: {  	[tilespmem:$0xF380] =	vst v0  }
0x8e: {  	[tilespmem:$0xF390] =	vst v0  }
0x8f: {  	[tilespmem:$0xF3A0] =	vst v0  }
0x90: {  	[tilespmem:$0xF3B0] =	vst v0  }
0x91: {  	[tilespmem:$0xF3C0] =	vst v0  }
0x92: {  	[tilespmem:$0xF3D0] =	vst v0  }
0x93: {  	[tilespmem:$0xF3E0] =	vst v0  }
0x94: {  	[tilespmem:$0xF3F0] =	vst v0  }
0x95: {  	[tilespmem:$0xF400] =	vst v0  }
0x96: {  	[tilespmem:$0xF410] =	vst v0  }
0x97: {  	[tilespmem:$0xF420] =	vst v0  }
0x98: {  	[tilespmem:$0xF430] =	vst v0  }
0x99: {  	[tilespmem:$0xF440] =	vst v0  }
0x9a: {  	[tilespmem:$0xF450] =	vst v0  }
0x9b: {  	[tilespmem:$0xF460] =	vst v0  }
0x9c: {  	[tilespmem:$0xF470] =	vst v0  }
0x9d: {  	[tilespmem:$0xF480] =	vst v0  }
0x9e: {  	[tilespmem:$0xF490] =	vst v0  }
0x9f: {  	[tilespmem:$0xF4A0] =	vst v0  }
0xa0: {  	[tilespmem:$0xF4B0] =	vst v0  }
0xa1: {  	[tilespmem:$0xF4C0] =	vst v0  }
0xa2: {  	[tilespmem:$0xF4D0] =	vst v0  }
0xa3: {  	[tilespmem:$0xF4E0] =	vst v0  }
0xa4: {  	[tilespmem:$0xF4F0] =	vst v0  }
0xa5: {  	[tilespmem:$0xF500] =	vst v0  }
0xa6: {  	[tilespmem:$0xF510] =	vst v0  }
0xa7: {  	[tilespmem:$0xF520] =	vst v0  }
0xa8: {  	[tilespmem:$0xF530] =	vst v0  }
0xa9: {  	[tilespmem:$0xF540] =	vst v0  }
0xaa: {  	[tilespmem:$0xF550] =	vst v0  }
0xab: {  	[tilespmem:$0xF560] =	vst v0  }
0xac: {  	[tilespmem:$0xF570] =	vst v0  }
0xad: {  	[tilespmem:$0xF580] =	vst v0  }
0xae: {  	[tilespmem:$0xF590] =	vst v0  }
0xaf: {  	[tilespmem:$0xF5A0] =	vst v0  }
0xb0: {  	[tilespmem:$0xF5B0] =	vst v0  }
0xb1: {  	[tilespmem:$0xF5C0] =	vst v0  }
0xb2: {  	[tilespmem:$0xF5D0] =	vst v0  }
0xb3: {  	[tilespmem:$0xF5E0] =	vst v0  }
0xb4: {  	[tilespmem:$0xF5F0] =	vst v0  }
0xb5: {  	[tilespmem:$0xF600] =	vst v0  }
0xb6: {  	[tilespmem:$0xF610] =	vst v0  }
0xb7: {  	[tilespmem:$0xF620] =	vst v0  }
0xb8: {  	[tilespmem:$0xF630] =	vst v0  }
0xb9: {  	[tilespmem:$0xF640] =	vst v0  }
0xba: {  	[tilespmem:$0xF650] =	vst v0  }
0xbb: {  	[tilespmem:$0xF660] =	vst v0  }
0xbc: {  	[tilespmem:$0xF670] =	vst v0  }
0xbd: {  	[tilespmem:$0xF680] =	vst v0  }
0xbe: {  	[tilespmem:$0xF690] =	vst v0  }
0xbf: {  	[tilespmem:$0xF6A0] =	vst v0  }
0xc0: {  	[tilespmem:$0xF6B0] =	vst v0  }
0xc1: {  	[tilespmem:$0xF6C0] =	vst v0  }
0xc2: {  	[tilespmem:$0xF6D0] =	vst v0  }
0xc3: {  	[tilespmem:$0xF6E0] =	vst v0  }
0xc4: {  	[tilespmem:$0xF6F0] =	vst v0  }
0xc5: {  	[tilespmem:$0xF700] =	vst v0  }
0xc6: {  	[tilespmem:$0xF710] =	vst v0  }
0xc7: {  	[tilespmem:$0xF720] =	vst v0  }
0xc8: {  	[tilespmem:$0xF730] =	vst v0  }
0xc9: {  	[tilespmem:$0xF740] =	vst v0  }
0xca: {  	[tilespmem:$0xF750] =	vst v0  }
0xcb: {  	[tilespmem:$0xF760] =	vst v0  }
0xcc: {  	[tilespmem:$0xF770] =	vst v0  }
0xcd: {  	[tilespmem:$0xF780] =	vst v0  }
0xce: {  	[tilespmem:$0xF790] =	vst v0  }
0xcf: {  	[tilespmem:$0xF7A0] =	vst v0  }
0xd0: {  	[tilespmem:$0xF7B0] =	vst v0  }
0xd1: {  	[tilespmem:$0xF7C0] =	vst v0  }
0xd2: {  	[tilespmem:$0xF7D0] =	vst v0  }
0xd3: {  	[tilespmem:$0xF7E0] =	vst v0  }
0xd4: {  	[tilespmem:$0xF7F0] =	vst v0  }
0xd5: {  	[tilespmem:$0xF800] =	vst v0  }
0xd6: {  	[tilespmem:$0xF810] =	vst v0  }
0xd7: {  	[tilespmem:$0xF820] =	vst v0  }
0xd8: {  	[tilespmem:$0xF830] =	vst v0  }
0xd9: {  	[tilespmem:$0xF840] =	vst v0  }
0xda: {  	[tilespmem:$0xF850] =	vst v0  }
0xdb: {  	[tilespmem:$0xF860] =	vst v0  }
0xdc: {  	[tilespmem:$0xF870] =	vst v0  }
0xdd: {  	[tilespmem:$0xF880] =	vst v0  }
0xde: {  	[tilespmem:$0xF890] =	vst v0  }
0xdf: {  	[tilespmem:$0xF8A0] =	vst v0  }
0xe0: {  	[tilespmem:$0xF8B0] =	vst v0  }
0xe1: {  	[tilespmem:$0xF8C0] =	vst v0  }
0xe2: {  	[tilespmem:$0xF8D0] =	vst v0  }
0xe3: {  	[tilespmem:$0xF8E0] =	vst v0  }
0xe4: {  	[tilespmem:$0xF8F0] =	vst v0  }
0xe5: {  	[tilespmem:$0xF900] =	vst v0  }
0xe6: {  	[tilespmem:$0xF910] =	vst v0  }
0xe7: {  	[tilespmem:$0xF920] =	vst v0  }
0xe8: {  	[tilespmem:$0xF930] =	vst v0  }
0xe9: {  	[tilespmem:$0xF940] =	vst v0  }
0xea: {  	[tilespmem:$0xF950] =	vst v0  }
0xeb: {  	[tilespmem:$0xF960] =	vst v0  }
0xec: {  	[tilespmem:$0xF970] =	vst v0  }
0xed: {  	[tilespmem:$0xF980] =	vst v0  }
0xee: {  	[tilespmem:$0xF990] =	vst v0  }
0xef: {  	[tilespmem:$0xF9A0] =	vst v0  }
0xf0: {  	[tilespmem:$0xF9B0] =	vst v0  }
0xf1: {  	[tilespmem:$0xF9C0] =	vst v0  }
0xf2: {  	[tilespmem:$0xF9D0] =	vst v0  }
0xf3: {  	[tilespmem:$0xF9E0] =	vst v0  }
0xf4: {  	[tilespmem:$0xF9F0] =	vst v0  }
0xf5: {  	[tilespmem:$0xFA00] =	vst v0  }
0xf6: {  	[tilespmem:$0xFA10] =	vst v0  }
0xf7: {  	[tilespmem:$0xFA20] =	vst v0  }
0xf8: {  	[tilespmem:$0xFA30] =	vst v0  }
0xf9: {  	[tilespmem:$0xFA40] =	vst v0  }
0xfa: {  	[tilespmem:$0xFA50] =	vst v0  }
0xfb: {  	[tilespmem:$0xFA60] =	vst v0  }
0xfc: {  	[tilespmem:$0xFA70] =	vst v0  }
0xfd: {  	[tilespmem:$0xFA80] =	vst v0  }
0xfe: {  	[tilespmem:$0xFA90] =	vst v0  }
0xff: {  	[tilespmem:$0xFAA0] =	vst v0  }
0x100: {  	[tilespmem:$0xFAB0] =	vst v0  }
0x101: {  	[tilespmem:$0xFAC0] =	vst v0  }
0x102: {  	[tilespmem:$0xFAD0] =	vst v0  }
0x103: {  	[tilespmem:$0xFAE0] =	vst v0  }
0x104: {  	[tilespmem:$0xFAF0] =	vst v0  }
0x105: {  	[tilespmem:$0xFB00] =	vst v0  }
0x106: {  	[tilespmem:$0xFB10] =	vst v0  }
0x107: {  	[tilespmem:$0xFB20] =	vst v0  }
0x108: {  	[tilespmem:$0xFB30] =	vst v0  }
0x109: {  	[tilespmem:$0xFB40] =	vst v0  }
0x10a: {  	[tilespmem:$0xFB50] =	vst v0  }
0x10b: {  	[tilespmem:$0xFB60] =	vst v0  }
0x10c: {  	[tilespmem:$0xFB70] =	vst v0  }
0x10d: {  	[tilespmem:$0xFB80] =	vst v0  }
0x10e: {  	[tilespmem:$0xFB90] =	vst v0  }
0x10f: {  	[tilespmem:$0xFBA0] =	vst v0  }
0x110: {  	[tilespmem:$0xFBB0] =	vst v0  }
0x111: {  	[tilespmem:$0xFBC0] =	vst v0  }
0x112: {  	[tilespmem:$0xFBD0] =	vst v0  }
0x113: {  	[tilespmem:$0xFBE0] =	vst v0  }
0x114: {  	[tilespmem:$0xFBF0] =	vst v0  }
0x115: {  	[tilespmem:$0xFC00] =	vst v0  }
0x116: {  	[tilespmem:$0xFC10] =	vst v0  }
0x117: {  	[tilespmem:$0xFC20] =	vst v0  }
0x118: {  	[tilespmem:$0xFC30] =	vst v0  }
0x119: {  	[tilespmem:$0xFC40] =	vst v0  }
0x11a: {  	[tilespmem:$0xFC50] =	vst v0  }
0x11b: {  	[tilespmem:$0xFC60] =	vst v0  }
0x11c: {  	[tilespmem:$0xFC70] =	vst v0  }
0x11d: {  	[tilespmem:$0xFC80] =	vst v0  }
0x11e: {  	[tilespmem:$0xFC90] =	vst v0  }
0x11f: {  	[tilespmem:$0xFCA0] =	vst v0  }
0x120: {  	[tilespmem:$0xFCB0] =	vst v0  }
0x121: {  	[tilespmem:$0xFCC0] =	vst v0  }
0x122: {  	[tilespmem:$0xFCD0] =	vst v0  }
0x123: {  	[tilespmem:$0xFCE0] =	vst v0  }
0x124: {  	[tilespmem:$0xFCF0] =	vst v0  }
0x125: {  	[tilespmem:$0xFD00] =	vst v0  }
0x126: {  	[tilespmem:$0xFD10] =	vst v0  }
0x127: {  	[tilespmem:$0xFD20] =	vst v0  }
0x128: {  	[tilespmem:$0xFD30] =	vst v0  }
0x129: {  	[tilespmem:$0xFD40] =	vst v0  }
0x12a: {  	[tilespmem:$0xFD50] =	vst v0  }
0x12b: {  	[tilespmem:$0xFD60] =	vst v0  }
0x12c: {  	[tilespmem:$0xFD70] =	vst v0  }
0x12d: {  	[tilespmem:$0xFD80] =	vst v0  }
0x12e: {  	[tilespmem:$0xFD90] =	vst v0  }
0x12f: {  	[tilespmem:$0xFDA0] =	vst v0  }
0x130: {  	[tilespmem:$0xFDB0] =	vst v0  }
0x131: {  	[tilespmem:$0xFDC0] =	vst v0  }
0x132: {  	[tilespmem:$0xFDD0] =	vst v0  }
0x133: {  	[tilespmem:$0xFDE0] =	vst v0  }
0x134: {  	[tilespmem:$0xFDF0] =	vst v0  }
0x135: {  	[tilespmem:$0xFE00] =	vst v0  }
0x136: {  	[tilespmem:$0xFE10] =	vst v0  }
0x137: {  	[tilespmem:$0xFE20] =	vst v0  }
0x138: {  	[tilespmem:$0xFE30] =	vst v0  }
0x139: {  	[tilespmem:$0xFE40] =	vst v0  }
0x13a: {  	[tilespmem:$0xFE50] =	vst v0  }
0x13b: {  	[tilespmem:$0xFE60] =	vst v0  }
0x13c: {  	[tilespmem:$0xFE70] =	vst v0  }
0x13d: {  	[tilespmem:$0xFE80] =	vst v0  }
0x13e: {  	[tilespmem:$0xFE90] =	vst v0  }
0x13f: {  	[tilespmem:$0xFEA0] =	vst v0  }
0x140: {  	[tilespmem:$0xFEB0] =	vst v0  }
0x141: {  	[tilespmem:$0xFEC0] =	vst v0  }
0x142: {  	[tilespmem:$0xFED0] =	vst v0  }
0x143: {  	[tilespmem:$0xFEE0] =	vst v0  }
0x144: {  	[tilespmem:$0xFEF0] =	vst v0  }
0x145: {  	[tilespmem:$0xFF00] =	vst v0  }
0x146: {  	[tilespmem:$0xFF10] =	vst v0  }
0x147: {  	[tilespmem:$0xFF20] =	vst v0  }
0x148: {  	[tilespmem:$0xFF30] =	vst v0  }
0x149: {  	[tilespmem:$0xFF40] =	vst v0  }
0x14a: {  	[tilespmem:$0xFF50] =	vst v0  }
0x14b: {  	[tilespmem:$0xFF60] =	vst v0  }
0x14c: {  	[tilespmem:$0xFF70] =	vst v0  }
0x14d: {  	[tilespmem:$0xFF80] =	vst v0  }
0x14e: {  	[tilespmem:$0xFF90] =	vst v0  }
0x14f: {  	[tilespmem:$0xFFA0] =	vst v0  }
0x150: {  	[tilespmem:$0xFFB0] =	vst v0  }
0x151: {  	[tilespmem:$0xFFC0] =	vst v0  }
0x152: {  	[tilespmem:$0xFFD0] =	vst v0  }
0x153: {  	[tilespmem:$0xFFE0] =	vst v0  }
0x154: {  	[tilespmem:$0xFFF0] =	vst v0  }
0x155: {  	[tilespmem:$0x10000] =	vst v0  }
0x156: {  	[tilespmem:$0x10010] =	vst v0  }
0x157: {  	[tilespmem:$0x10020] =	vst v0  }
0x158: {  	[tilespmem:$0x10030] =	vst v0  }
0x159: {  	[tilespmem:$0x10040] =	vst v0  }
0x15a: {  	[tilespmem:$0x10050] =	vst v0  }
0x15b: {  	[tilespmem:$0x10060] =	vst v0  }
0x15c: {  	s26 =	simm.s32 $0xF080;
	[tilespmem:$0x10070] =	vst v0  }
0x15d: {  	[spmem:s18] =	stream.linear.scatter [tilespmem:s26], [sflag:$0x6], $0x1000, $0x38;
	[tilespmem:$0x10080] =	vst v63  }
0x15e: {  	_ =	swait.ge [sflag:s14], $0x1000  }
0x15f: {  	[sflag:s14] =	ssyncset.done $0x0  }
0x160: {  	[sflag:s14] =	ssyncadd.s32 $0xFFFFF000  }
0x161: {  	_ =	swait.ge [sflag:s15], $0x80  }
0x162: {  	[sflag:s15] =	ssyncset.done $0x0  }
0x163: {  	[sflag:s15] =	ssyncadd.s32 $0xFFFFFF80  }
0x164: {  	_ =	swait.ge [sflag:s15], $0x80  }
0x165: {  	[sflag:s15] =	ssyncset.done $0x0  }
0x166: {  	[sflag:s15] =	ssyncadd.s32 $0xFFFFFF80  }
0x167: {  	_ =	swait.ge [sflag:s15], $0x80  }
0x168: {  	[sflag:s15] =	ssyncset.done $0x0  }
0x169: {  	[sflag:s15] =	ssyncadd.s32 $0xFFFFFF80  }
0x16a: {  	_ =	swait.ge [sflag:s15], $0x80  }
0x16b: {  	[sflag:s15] =	ssyncset.done $0x0  }
0x16c: {  	[sflag:s15] =	ssyncadd.s32 $0xFFFFFF80  }
0x16d: {  	_ =	swait.ge [sflag:s15], $0x80  }
0x16e: {  	[sflag:s15] =	ssyncset.done $0x0  }
0x16f: {  	[sflag:s15] =	ssyncadd.s32 $0xFFFFFF80  }
0x170: {  	_ =	swait.ge [sflag:s15], $0x80  }
0x171: {  	[sflag:s15] =	ssyncset.done $0x0  }
0x172: {  	[sflag:s15] =	ssyncadd.s32 $0xFFFFFF80  }
0x173: {  	s13 =	simm.s32 @p0 $0x6;
	[bflag:$0x0] =	sbarrier.arrive @p0 $0xFFFF  }
0x174: {  	s1 =	simm.s32 @p0 $0x0;
	s5 =	simm.s32 @p0 $0xE000;
	s6 =	rddreg [dreg:$0x11]  }
0x175: {  	[tilespmem:s5], [sflag:$0x6] =	stream.linear.gather @p0 [hbm4b:s6+s1], $0x20, $0x38;
	[tilespmem:$0x10080] =	vst v63  }
0x176: {  	_ =	swait.ge @p0 [sflag:s13], $0x20  }
0x177: {  	[sflag:s13] =	ssyncset.done @p0 $0x0  }
0x178: {  	s19 =	simm.s32 @p0 $0xE080;
	s6 =	rddreg [dreg:$0x12];
	[sflag:s13] =	ssyncadd.s32 @p0 $0xFFFFFFE0  }
0x179: {  	[tilespmem:s19], [sflag:$0x6] =	stream.linear.gather @p0 [hbm4b:s6+s1], $0x1000, $0x38;
	[tilespmem:$0x10080] =	vst v63  }
0x17a: {  	_ =	swait.ge @p0 [sflag:s13], $0x1000  }
0x17b: {  	[sflag:s13] =	ssyncset.done @p0 $0x0  }
0x17c: {  	s1 =	simm.s32 @p0 $0x20;
	[sflag:s13] =	ssyncadd.s32 @p0 $0xFFFFF000  }
0x17d: {  	[spmem:s2] =	stream.indirect.scatter.add.f32 @p0 [tilespmem:s19], [sflag:$0x6], $0x80, s5, s1, $0xb8;
	[tilespmem:$0x10080] =	vst v63  }
0x17e: {  	_ =	swait.ge @p0 [sflag:s13], $0x1000  }
0x17f: {  	[sflag:s13] =	ssyncset.done @p0 $0x0  }
0x180: {  	s1 =	simm.s32 @!p0 $0x5;
	[sflag:s13] =	ssyncadd.s32 @p0 $0xFFFFF000  }
0x181: {  	_ =	swait.ge @!p0 [sflag:s1], $0x80  }
0x182: {  	[sflag:s1] =	ssyncset.done @!p0 $0x0  }
0x183: {  	[sflag:s1] =	ssyncadd.s32 @!p0 $0xFFFFFF80  }
0x184: {  	_ =	swait.ge @!p0 [sflag:s1], $0x80  }
0x185: {  	[sflag:s1] =	ssyncset.done @!p0 $0x0  }
0x186: {  	[sflag:s1] =	ssyncadd.s32 @!p0 $0xFFFFFF80  }
0x187: {  	_ =	swait.ge @!p0 [sflag:s1], $0x80  }
0x188: {  	[sflag:s1] =	ssyncset.done @!p0 $0x0  }
0x189: {  	[sflag:s1] =	ssyncadd.s32 @!p0 $0xFFFFFF80  }
0x18a: {  	_ =	swait.ge @!p0 [sflag:s1], $0x80  }
0x18b: {  	[sflag:s1] =	ssyncset.done @!p0 $0x0  }
0x18c: {  	[sflag:s1] =	ssyncadd.s32 @!p0 $0xFFFFFF80  }
0x18d: {  	_ =	swait.ge @!p0 [sflag:s1], $0x80  }
0x18e: {  	[sflag:s1] =	ssyncset.done @!p0 $0x0  }
0x18f: {  	[sflag:s1] =	ssyncadd.s32 @!p0 $0xFFFFFF80  }
0x190: {  	_ =	swait.ge @!p0 [sflag:s1], $0x80  }
0x191: {  	[sflag:s1] =	ssyncset.done @!p0 $0x0  }
0x192: {  	[sflag:s1] =	ssyncadd.s32 @!p0 $0xFFFFFF80  }
0x193: {  	_ =	swait.ge @!p0 [sflag:s1], $0x80  }
0x194: {  	[sflag:s1] =	ssyncset.done @!p0 $0x0  }
0x195: {  	[sflag:s1] =	ssyncadd.s32 @!p0 $0xFFFFFF80  }
0x196: {  	_ =	swait.ge @!p0 [sflag:s1], $0x80  }
0x197: {  	[sflag:s1] =	ssyncset.done @!p0 $0x0  }
0x198: {  	[sflag:s1] =	ssyncadd.s32 @!p0 $0xFFFFFF80  }
0x199: {  	_ =	swait.ge @!p0 [sflag:s1], $0x80  }
0x19a: {  	[sflag:s1] =	ssyncset.done @!p0 $0x0  }
0x19b: {  	[sflag:s1] =	ssyncadd.s32 @!p0 $0xFFFFFF80  }
0x19c: {  	_ =	swait.ge @!p0 [sflag:s1], $0x80  }
0x19d: {  	[sflag:s1] =	ssyncset.done @!p0 $0x0  }
0x19e: {  	[sflag:s1] =	ssyncadd.s32 @!p0 $0xFFFFFF80  }
0x19f: {  	_ =	swait.ge @!p0 [sflag:s1], $0x80  }
0x1a0: {  	[sflag:s1] =	ssyncset.done @!p0 $0x0  }
0x1a1: {  	[sflag:s1] =	ssyncadd.s32 @!p0 $0xFFFFFF80  }
0x1a2: {  	_ =	swait.ge @!p0 [sflag:s1], $0x80  }
0x1a3: {  	[sflag:s1] =	ssyncset.done @!p0 $0x0  }
0x1a4: {  	[sflag:s1] =	ssyncadd.s32 @!p0 $0xFFFFFF80  }
0x1a5: {  	_ =	swait.ge @!p0 [sflag:s1], $0x80  }
0x1a6: {  	[sflag:s1] =	ssyncset.done @!p0 $0x0  }
0x1a7: {  	[sflag:s1] =	ssyncadd.s32 @!p0 $0xFFFFFF80  }
0x1a8: {  	_ =	swait.ge @!p0 [sflag:s1], $0x80  }
0x1a9: {  	[sflag:s1] =	ssyncset.done @!p0 $0x0  }
0x1aa: {  	[sflag:s1] =	ssyncadd.s32 @!p0 $0xFFFFFF80  }
0x1ab: {  	_ =	swait.ge @!p0 [sflag:s1], $0x80  }
0x1ac: {  	[sflag:s1] =	ssyncset.done @!p0 $0x0  }
0x1ad: {  	[sflag:s1] =	ssyncadd.s32 @!p0 $0xFFFFFF80  }
0x1ae: {  	_ =	swait.ge @!p0 [sflag:s1], $0x80  }
0x1af: {  	[sflag:s1] =	ssyncset.done @!p0 $0x0  }
0x1b0: {  	[sflag:s1] =	ssyncadd.s32 @!p0 $0xFFFFFF80  }
0x1b1: {  	_ =	swait.ge @!p0 [sflag:s1], $0x80  }
0x1b2: {  	[sflag:s1] =	ssyncset.done @!p0 $0x0  }
0x1b3: {  	[sflag:s1] =	ssyncadd.s32 @!p0 $0xFFFFFF80  }
0x1b4: {  	_ =	swait.ge @!p0 [sflag:s1], $0x80  }
0x1b5: {  	[sflag:s1] =	ssyncset.done @!p0 $0x0  }
0x1b6: {  	[sflag:s1] =	ssyncadd.s32 @!p0 $0xFFFFFF80  }
0x1b7: {  	p1 =	sle.u32 s4, $0x2;
	_ =	swait.ge @!p0 [sflag:s1], $0x80  }
0x1b8: {  	p2 =	por @!p1 $0x1, $0x1;
	[sflag:s1] =	ssyncset.done @!p0 $0x0  }
0x1b9: {  	p2 =	por p2, p1;
	[sflag:s1] =	ssyncadd.s32 @!p0 $0xFFFFFF80  }
0x1ba: {  	s1 =	simm.s32 @!p2 $0x4;
	[bflag:$0x0] =	sbarrier.arrive @!p0 $0xFFFF  }
0x1bb: {  	_ =	swait.ge @!p2 [sflag:s1], $0x4000  }
0x1bc: {  	p3 =	sle.u32 s4, $0x0;
	s26 =	simm.s32 @!p1 $0xA000;
	[sflag:s1] =	ssyncset.done @!p2 $0x0  }
0x1bd: {  	s5 =	simm.s32 @!p1 $0x0;
	[sflag:s1] =	ssyncadd.s32 @!p2 $0xFFFFC000;
	s1 =	simm.s32 @!p3 $0x1  }
0x1be: {  	[tilespmem:s26], [sflag:$0x3] =	stream.linear.gather @!p1 [hbm4b:s25+s5], $0x4000, $0x38;
	[tilespmem:$0x10080] =	vst v63  }
0x1bf: {  	_ =	swait.ge @!p3 [sflag:s1], $0x4000  }
0x1c0: {  	s29 =	simm.s32 $0xA;
	p2 =	sle.u32 s4, $0x3;
	[sflag:s1] =	ssyncset.done @!p3 $0x0  }
0x1c1: {  	s5 =	simm.s32 @!p3 $0x2000;
	[sflag:s1] =	ssyncadd.s32 @!p3 $0xFFFFC000;
	s1 =	simm.s32 @!p3 $0x80  }
0x1c2: {  	[spmem:s2] =	stream.indirect.scatter.add.f32 @!p3 [tilespmem:s5], [sflag:$0x4], $0x80, s8, s1, $0xb8;
	[tilespmem:$0x10080] =	vst v63  }
0x1c3: {  	s28 =	sadd.s32 $0x1800, s25;
	p4 =	sle.u32 s4, $0x4;
	s1 =	simm.s32 @!p2 $0x4  }
0x1c4: {  	s30 =	simm.s32 @!p1 $0x3;
	s20 =	sadd.s32 $0x1800, s0;
	_ =	swait.ge @!p2 [sflag:s1], $0x4000  }
0x1c5: {  	s21 =	simm.s32 $0x1180;
	s5 =	simm.s32 @!p2 $0x2000;
	[sflag:s1] =	ssyncset.done @!p2 $0x0  }
0x1c6: {  	p3 =	sle.u32 s4, $0x1;
	[sflag:s1] =	ssyncadd.s32 @!p2 $0xFFFFC000;
	s1 =	simm.s32 @!p2 $0x0  }
0x1c7: {  	[tilespmem:s5], [sflag:$0x1] =	stream.linear.gather @!p2 [hbm4b:s24+s1], $0x4000, $0x38;
	[tilespmem:$0x10080] =	vst v63  }
0x1c8: {  	s22 =	sadd.s32 $0x1800, s24;
	s6 =	simm.s32 @!p4 $0x4;
	s1 =	simm.s32 @!p3 $0x2  }
0x1c9: {  	s19 =	simm.s32 $0x7;
	p1 =	por p1, p1;
	_ =	swait.ge @!p3 [sflag:s1], $0x4000  }
0x1ca: {  	s13 =	simm.s32 @!p3 $0x1080;
	s23 =	simm.s32 @!p3 $0x80;
	[sflag:s1] =	ssyncset.done @!p3 $0x0  }
0x1cb: {  	s5 =	simm.s32 @!p3 $0x6000;
	p2 =	sle.u32 s4, $0x5;
	[sflag:s1] =	ssyncadd.s32 @!p3 $0xFFFFC000  }
0x1cc: {  	[spmem:s2] =	stream.indirect.scatter.add.f32 @!p3 [tilespmem:s5], [sflag:$0x4], $0x80, s13, s23, $0xb8;
	[tilespmem:$0x10080] =	vst v63  }
0x1cd: {  	p5 =	por @!p2 $0x0, $0x0;
	s31 =	simm.s32 @!p2 $0x3;
	_ =	swait.ge @!p4 [sflag:s6], $0x4000  }
0x1ce: {  	s1 =	simm.s32 @!p4 $0x6000;
	s5 =	simm.s32 @!p4 $0x0;
	[sflag:s6] =	ssyncset.done @!p4 $0x0  }
0x1cf: {  	s23 =	smov.u32 s0;
	s13 =	simm.s32 $0x1000;
	[sflag:s6] =	ssyncadd.s32 @!p4 $0xFFFFC000  }
.LBB2_2:
0x1d0: {  	[tilespmem:s1], [sflag:$0x2] =	stream.linear.gather @!p4 [hbm4b:s23+s5], $0x4000, $0x38;
	[tilespmem:$0x10080] =	vst v63  }
0x1d1: {  	s1 =	smov.u32 s19;
	s19 =	smov.u32 s29;
	s23 =	smov.u32 s20  }
0x1d2: {  	p4 =	por p5, p2;
	s5 =	sadd.s32 @!p1 $0x100, s13;
	_ =	swait.ge @!p1 [sflag:s30], $0x4000  }
0x1d3: {  	s8 =	simm.s32 @!p1 $0x80;
	s6 =	simm.s32 @!p4 $0x4;
	[sflag:s30] =	ssyncset.done @!p1 $0x0  }
0x1d4: {  	s29 =	sadd.s32 $0x3, s29;
	s13 =	smov.u32 s21;
	[sflag:s30] =	ssyncadd.s32 @!p1 $0xFFFFC000  }
0x1d5: {  	[spmem:s2] =	stream.indirect.scatter.add.f32 @!p1 [tilespmem:s26], [sflag:$0x4], $0x80, s5, s8, $0xb8;
	[tilespmem:$0x10080] =	vst v63  }
0x1d6: {  	s5 =	sadd.s32 $0xFFFFFFFC, s1;
	s26 =	simm.s32 @!p2 $0xA000;
	_ =	swait.ge @!p4 [sflag:s6], $0x4000  }
0x1d7: {  	s8 =	simm.s32 @!p2 $0x0;
	p5 =	sge.u32 s5, s4;
	[sflag:s6] =	ssyncset.done @!p4 $0x0  }
0x1d8: {  	p3 =	sne.s32 s29, $0x1F;
	s5 =	simm.s32 @!p5 $0x1;
	[sflag:s6] =	ssyncadd.s32 @!p4 $0xFFFFC000  }
0x1d9: {  	[tilespmem:s26], [sflag:$0x3] =	stream.linear.gather @!p2 [hbm4b:s28+s8], $0x4000, $0x38;
	[tilespmem:$0x10080] =	vst v63  }
0x1da: {  	s30 =	smov.u32 s31;
	p1 =	por p2, p2;
	_ =	swait.ge @!p5 [sflag:s5], $0x4000  }
0x1db: {  	s6 =	simm.s32 @!p5 $0x2000;
	s8 =	sadd.s32 $0xFFFFFFFF, s1;
	[sflag:s5] =	ssyncset.done @!p5 $0x0  }
0x1dc: {  	p4 =	sge.u32 s8, s4;
	[sflag:s5] =	ssyncadd.s32 @!p5 $0xFFFFC000;
	s5 =	simm.s32 @!p5 $0x80  }
0x1dd: {  	[spmem:s2] =	stream.indirect.scatter.add.f32 @!p5 [tilespmem:s6], [sflag:$0x4], $0x80, s21, s5, $0xb8;
	[tilespmem:$0x10080] =	vst v63  }
0x1de: {  	s5 =	simm.s32 @!p4 $0x4  }
0x1df: {  	s20 =	sadd.s32 $0x1800, s20;
	s28 =	sadd.s32 $0x1800, s28;
	_ =	swait.ge @!p4 [sflag:s5], $0x4000  }
0x1e0: {  	s8 =	simm.s32 @!p4 $0x2000;
	s6 =	sadd.s32 $0xFFFFFFFD, s1;
	[sflag:s5] =	ssyncset.done @!p4 $0x0  }
0x1e1: {  	p2 =	sge.u32 s6, s4;
	[sflag:s5] =	ssyncadd.s32 @!p4 $0xFFFFC000;
	s5 =	simm.s32 @!p4 $0x0  }
0x1e2: {  	[tilespmem:s8], [sflag:$0x1] =	stream.linear.gather @!p4 [hbm4b:s22+s5], $0x4000, $0x38;
	[tilespmem:$0x10080] =	vst v63  }
0x1e3: {  	s6 =	simm.s32 @!p2 $0x6000;
	s5 =	simm.s32 @!p2 $0x2;
	s22 =	sadd.s32 $0x1800, s22  }
0x1e4: {  	p4 =	sge.u32 s1, s4;
	s1 =	sadd.s32 @!p2 $0x80, s21;
	_ =	swait.ge @!p2 [sflag:s5], $0x4000  }
0x1e5: {  	s8 =	simm.s32 @!p2 $0x80;
	s21 =	sadd.s32 $0x180, s21;
	[sflag:s5] =	ssyncset.done @!p2 $0x0  }
.Ltmp0:
0x1e6: {  	s9 =	simm.s32 @!p4 $0x4;
	[sflag:s5] =	ssyncadd.s32 @!p2 $0xFFFFC000;
	(pc) =	sbr.rel @p3 .LBB2_2-.Ltmp0, $4  }
0x1e7: {  	[spmem:s2] =	stream.indirect.scatter.add.f32 @!p2 [tilespmem:s6], [sflag:$0x4], $0x80, s1, s8, $0xb8;
	[tilespmem:$0x10080] =	vst v63  }
0x1e8: {  	s5 =	sadd.s32 $0xFFFFFFFE, s19;
	s1 =	simm.s32 @!p4 $0x6000;
	_ =	swait.ge @!p4 [sflag:s9], $0x4000  }
0x1e9: {  	p2 =	sge.u32 s5, s4;
	s5 =	simm.s32 @!p4 $0x0;
	[sflag:s9] =	ssyncset.done @!p4 $0x0  }
0x1ea: {  	p5 =	seq.s32 @!p2 s19, $0x4;
	s31 =	simm.s32 @!p2 $0x3;
	[sflag:s9] =	ssyncadd.s32 @!p4 $0xFFFFC000  }
0x1eb: {  	[tilespmem:s1], [sflag:$0x2] =	stream.linear.gather @!p4 [hbm4b:s23+s5], $0x4000, $0x38;
	[tilespmem:$0x10080] =	vst v63  }
0x1ec: {  	_ =	swait.ge @!p1 [sflag:s30], $0x4000  }
0x1ed: {  	p3 =	por p5, p2;
	s1 =	sadd.s32 @!p1 $0x100, s13;
	[sflag:s30] =	ssyncset.done @!p1 $0x0  }
0x1ee: {  	s6 =	simm.s32 @!p1 $0x80;
	s5 =	simm.s32 @!p3 $0x4;
	[sflag:s30] =	ssyncadd.s32 @!p1 $0xFFFFC000  }
0x1ef: {  	[spmem:s2] =	stream.indirect.scatter.add.f32 @!p1 [tilespmem:s26], [sflag:$0x4], $0x80, s1, s6, $0xb8;
	[tilespmem:$0x10080] =	vst v63  }
0x1f0: {  	s23 =	sadd.s32 $0xFFFFFFFC, s19;
	_ =	swait.ge @!p3 [sflag:s5], $0x4000  }
0x1f1: {  	s6 =	simm.s32 @!p2 $0xA000;
	p1 =	sge.u32 s23, s4;
	[sflag:s5] =	ssyncset.done @!p3 $0x0  }
0x1f2: {  	s1 =	simm.s32 @!p2 $0x0;
	[sflag:s5] =	ssyncadd.s32 @!p3 $0xFFFFC000;
	s5 =	simm.s32 @!p1 $0x1  }
0x1f3: {  	[tilespmem:s6], [sflag:$0x3] =	stream.linear.gather @!p2 [hbm4b:s28+s1], $0x4000, $0x38;
	[tilespmem:$0x10080] =	vst v63  }
0x1f4: {  	s8 =	sadd.s32 $0xFFFFFFFF, s19;
	_ =	swait.ge @!p1 [sflag:s5], $0x4000  }
0x1f5: {  	p3 =	sge.u32 s8, s4;
	[sflag:s5] =	ssyncset.done @!p1 $0x0  }
0x1f6: {  	s1 =	simm.s32 @!p1 $0x2000;
	[sflag:s5] =	ssyncadd.s32 @!p1 $0xFFFFC000;
	s5 =	simm.s32 @!p1 $0x80  }
0x1f7: {  	[spmem:s2] =	stream.indirect.scatter.add.f32 @!p1 [tilespmem:s1], [sflag:$0x4], $0x80, s21, s5, $0xb8;
	[tilespmem:$0x10080] =	vst v63  }
0x1f8: {  	s1 =	simm.s32 @!p3 $0x4  }
0x1f9: {  	_ =	swait.ge @!p3 [sflag:s1], $0x4000  }
0x1fa: {  	s26 =	sadd.s32 $0xFFFFFFFD, s19;
	s8 =	simm.s32 @!p3 $0x2000;
	[sflag:s1] =	ssyncset.done @!p3 $0x0  }
0x1fb: {  	p1 =	sge.u32 s26, s4;
	[sflag:s1] =	ssyncadd.s32 @!p3 $0xFFFFC000;
	s1 =	simm.s32 @!p3 $0x0  }
0x1fc: {  	[tilespmem:s8], [sflag:$0x1] =	stream.linear.gather @!p3 [hbm4b:s22+s1], $0x4000, $0x38;
	[tilespmem:$0x10080] =	vst v63  }
0x1fd: {  	s1 =	simm.s32 @!p1 $0x2  }
0x1fe: {  	s5 =	simm.s32 @!p1 $0x6000;
	_ =	swait.ge @!p1 [sflag:s1], $0x4000  }
0x1ff: {  	s9 =	simm.s32 @!p1 $0x80;
	p3 =	sge.u32 s19, s4;
	[sflag:s1] =	ssyncset.done @!p1 $0x0  }
0x200: {  	s8 =	sadd.s32 @!p1 $0x80, s21;
	[sflag:s1] =	ssyncadd.s32 @!p1 $0xFFFFC000;
	s1 =	simm.s32 @!p3 $0x4  }
0x201: {  	[spmem:s2] =	stream.indirect.scatter.add.f32 @!p1 [tilespmem:s5], [sflag:$0x4], $0x80, s8, s9, $0xb8;
	[tilespmem:$0x10080] =	vst v63  }
0x202: {  	_ =	swait.ge @!p3 [sflag:s1], $0x4000  }
0x203: {  	p1 =	por p2, p2;
	[sflag:s1] =	ssyncset.done @!p3 $0x0  }
0x204: {  	s5 =	simm.s32 @!p3 $0x6000;
	s8 =	simm.s32 @!p3 $0x0;
	[sflag:s1] =	ssyncadd.s32 @!p3 $0xFFFFC000  }
0x205: {  	[tilespmem:s5], [sflag:$0x2] =	stream.linear.gather @!p3 [hbm4b:s20+s8], $0x4000, $0x38;
	[tilespmem:$0x10080] =	vst v63  }
0x206: {  	_ =	swait.ge @!p1 [sflag:s31], $0x4000  }
0x207: {  	[sflag:s31] =	ssyncset.done @!p1 $0x0  }
0x208: {  	s1 =	sadd.s32 @!p1 $0x100, s21;
	s5 =	simm.s32 @!p1 $0x80;
	[sflag:s31] =	ssyncadd.s32 @!p1 $0xFFFFC000  }
0x209: {  	[spmem:s2] =	stream.indirect.scatter.add.f32 @!p1 [tilespmem:s6], [sflag:$0x4], $0x80, s1, s5, $0xb8;
	[tilespmem:$0x10080] =	vst v63  }
0x20a: {  	_ =	swait.ge [sflag:s16], $0x4000  }
0x20b: {  	[sflag:s16] =	ssyncset.done $0x0  }
0x20c: {  	[sflag:s16] =	ssyncadd.s32 $0xFFFFC000  }
0x20d: {  	_ =	swait.ge [sflag:s16], $0x4000  }
0x20e: {  	[sflag:s16] =	ssyncset.done $0x0  }
0x20f: {  	[sflag:s16] =	ssyncadd.s32 $0xFFFFC000  }
0x210: {  	_ =	swait.ge [sflag:s16], $0x4000  }
0x211: {  	[sflag:s16] =	ssyncset.done $0x0  }
0x212: {  	s28 =	stileid.u32;
	[sflag:s16] =	ssyncadd.s32 $0xFFFFC000  }
0x213: {  	s1 =	sshll.u32 s28, $0x6;
	[bflag:$0x0] =	sbarrier.arrive $0xFFFF  }
0x214: {  	s29 =	sshrl.u32 s18, $0x3;
	s1 =	sor.u32 $0x1C06, s1;
	s30 =	rddreg [dreg:$0x13]  }
0x215: {  	[hbm:s30], [sflag:s1] =	dma.local [spmem:s29], $0x200  }
0x216: {  	_ =	swait.ge [sflag:s14], $0x200  }
0x217: {  	s17 =	sadd.s32 $0x1, s17;
	s31 =	rddreg [dreg:$0x14]  }
0x218: {  	p1 =	sne.s32 s17, s31  }
.Ltmp1:
0x219: {  	_ = 	snop;
	(pc) =	sbr.rel @p1 .LBB2_1-.Ltmp1, $3  }
0x21a: {  	_ =	sdelay $0x1  }
0x21b: {  	[sflag:s14] =	ssyncset.done $0x0  }
0x21c: {  	[sflag:s14] =	ssyncadd.s32 $0xFFFFFE00  }
0x21d: {  	_ =	sfence.sel $0x180000  }
0x21e: {  	[bflag:$0x0] =	sbarrier.arrive $0xFFFF  }
0x21f: {  	_ =	strace $0x90000047  }
0x220: {  	s0 =	stileid.u32;
	[bflag:$0x2] =	sbarrier.arrive $0xFFFF  }
0x221: {  	p0 =	sne.s32 s0, $0x0;
	s0 =	rddreg [dreg:$0x4]  }
0x222: {  	s0 =	sadd.s32 @!p0 $0x100000, s0  }
0x223: {  	[sflag:s0] =	ssyncadd.tile.s32 @!p0 $0x1;
	_ =	shalt  }
.Lfunc_end2:
_tile_overlayer_lowered:
.L_overlay_start_2:
0x224: {  	(tag) =	ssettag $0x2  }
0x225: {  	s0 =	rddreg [dreg:$0x0];
	s2 =	stileid.u32  }
0x226: {  	s1 =	rddreg [dreg:$0x1];
	p0 =	sne.s32 s2, $0x0  }
0x227: {  	s3 =	rddreg [dreg:$0x2];
	[bflag:$0x3] =	sbarrier.arrive $0xFFFF;
	s2 =	simm.s32 @!p0 $0x1C06  }
0x228: {  	[timem:s3], [sflag:s2] =	dma.local @!p0 [hbm:s0], s1  }
0x229: {  	s0 =	simm.s32 @!p0 $0x6  }
0x22a: {  	_ =	swait.ge @!p0 [sflag:s0], s1  }
0x22b: {  	s1 =	ssub.s32 @!p0 $0x0, s1;
	[sflag:s0] =	ssyncset.done @!p0 $0x0  }
0x22c: {  	[sflag:s0] =	ssyncadd.s32 @!p0 s1  }
0x22d: {  	[bflag:$0x3] =	sbarrier.arrive $0xFFFF  }
0x22e: {  	_ =	shalt  }

</sc_bundles>
